<compile_context>
chip_gen: v7x
topology: tpu7x:2x2x1
jax: 0.10.2.dev20260603
libtpu: 0.0.44.dev20260713+nightly
codegen_flags: <defaults>
</compile_context>

<pallas_src>
import functools

import numpy as np
import jax
import jax.numpy as jnp
from jax import lax
from jax.experimental import pallas as pl
from jax.experimental.pallas import tpu as pltpu
from jax.experimental.pallas import tpu_sc as plsc

_NC = 2
_NS = 16
_NW = _NC * _NS
_LANES = 16
_CHUNK = 64
_NBUF = 10


def _pe_rows(seq_len: int, dim: int) -> np.ndarray:
    pe = np.zeros((seq_len, dim), dtype=np.float32)
    position = np.arange(0, seq_len, dtype=np.float32)[:, None]
    div_term = np.exp(
        np.arange(0, dim, 2, dtype=np.float32) * -(np.log(10000.0) / dim)
    )
    pe[:, 0::2] = np.sin(position * div_term)
    pe[:, 1::2] = np.cos(position * div_term)
    return pe


@functools.lru_cache(maxsize=None)
def _build(seq_len: int, batch: int, vocab: int, dim: int):
    n_rows = seq_len * batch
    assert n_rows % (_NW * _CHUNK) == 0
    assert batch % _CHUNK == 0 and dim % _LANES == 0
    rows_per_w = n_rows // _NW
    n_chunks = rows_per_w // _CHUNK
    assert n_chunks % _NBUF == 0
    lane_groups = dim // _LANES
    scale = float(np.sqrt(float(dim)))
    log2_batch = int(np.log2(batch))
    assert (1 << log2_batch) == batch
    pe_span = rows_per_w // batch + 2

    mesh = plsc.VectorSubcoreMesh(
        core_axis_name="c", subcore_axis_name="s",
        num_cores=_NC, num_subcores=_NS,
    )

    @functools.partial(
        pl.kernel,
        out_type=jax.ShapeDtypeStruct((n_rows, dim), jnp.float32),
        mesh=mesh,
        scratch_types=[
            pltpu.VMEM((rows_per_w,), jnp.int32),
            pltpu.VMEM((pe_span * dim,), jnp.float32),
            [pltpu.VMEM((_CHUNK, dim), jnp.float32) for _ in range(_NBUF)],
            [pltpu.SemaphoreType.DMA for _ in range(_NBUF)],
            [pltpu.SemaphoreType.DMA for _ in range(_NBUF)],
            pltpu.SemaphoreType.DMA,
        ],
    )
    def launch(words_hbm, pe_hbm, w_hbm, out_hbm, idx_v, pe_v,
               bufs, in_sems, out_sems, idx_sem):
        wid = lax.axis_index("s") * _NC + lax.axis_index("c")
        base = wid * rows_per_w
        seq0 = base >> log2_batch
        head = _NBUF * _CHUNK
        pltpu.sync_copy(
            words_hbm.at[pl.ds(base, head)], idx_v.at[pl.ds(0, head)]
        )
        idx_rest = pltpu.make_async_copy(
            words_hbm.at[pl.ds(base + head, rows_per_w - head)],
            idx_v.at[pl.ds(head, rows_per_w - head)],
            idx_sem,
        )
        idx_rest.start()
        pltpu.sync_copy(pe_hbm.at[pl.ds(seq0 * dim, pe_span * dim)], pe_v)

        def gather(k, buf, sem):
            return pltpu.make_async_copy(
                w_hbm.at[idx_v.at[pl.ds(k * _CHUNK, _CHUNK)]], buf, sem
            )

        def store(k, buf, sem):
            return pltpu.make_async_copy(
                buf, out_hbm.at[pl.ds(base + k * _CHUNK, _CHUNK)], sem
            )

        def compute(k, src, dst):
            local_seq = (base + k * _CHUNK) >> log2_batch
            pe_off = (local_seq - seq0) * dim
            pe_regs = [
                pe_v[pl.ds(pe_off + l * _LANES, _LANES)]
                for l in range(lane_groups)
            ]

            @plsc.parallel_loop(0, _CHUNK, unroll=4)
            def row_body(j):
                for l in range(lane_groups):
                    v = src[j, pl.ds(l * _LANES, _LANES)]
                    dst[j, pl.ds(l * _LANES, _LANES)] = v * scale + pe_regs[l]

        for b in range(_NBUF):
            gather(b, bufs[b], in_sems[b]).start()
        idx_rest.wait()

        @pl.loop(0, n_chunks, step=_NBUF)
        def pipelined(k):
            for b in range(_NBUF):
                kk = k + b
                bp = (b - 1) % _NBUF

                gather(kk, bufs[b], in_sems[b]).wait()
                compute(kk, bufs[b], bufs[b])
                store(kk, bufs[b], out_sems[b]).start()

                @pl.when(jnp.logical_and(kk >= 1, kk + _NBUF - 1 < n_chunks))
                def _():
                    store(kk - 1, bufs[bp], out_sems[bp]).wait()
                    gather(kk + _NBUF - 1, bufs[bp], in_sems[bp]).start()

        for i in range(_NBUF):
            c = n_chunks - _NBUF + i
            store(c, bufs[c % _NBUF], out_sems[c % _NBUF]).wait()

    return launch


def kernel(source, W):
    seq_len, batch, _ = source.shape
    vocab, dim = W.shape
    words = source.reshape(seq_len * batch)
    pe_span = seq_len * batch // _NW // batch + 2
    pe = np.zeros((seq_len + pe_span) * dim, dtype=np.float32)
    pe[: seq_len * dim] = _pe_rows(seq_len, dim).reshape(-1)
    launch = _build(seq_len, batch, vocab, dim)
    out = launch(words, jnp.asarray(pe), W)
    return out.reshape(seq_len, batch, dim)

# --- scband reference (transcript-rebuilt; emitter-appended) ---
"""Pipeline reference for scband-embeddings-41497974014342 (READ-ONLY COPY).

The authoritative reference and input builder live on the scoring server;
editing this copy changes nothing except your own understanding.
"""

import jax, jax.numpy as jnp
import numpy as np

VOCAB = 100000
DIM = 128
MAX_LEN = 5000
SEQ_LEN = 200
BATCH = 1024


def _make_pe(max_len, dim):
    pe = np.zeros((max_len, dim), dtype=np.float32)
    position = np.arange(0, max_len, dtype=np.float32)[:, None]
    div_term = np.exp(np.arange(0, dim, 2, dtype=np.float32) * -(np.log(10000.0) / dim))
    pe[:, 0::2] = np.sin(position * div_term)
    pe[:, 1::2] = np.cos(position * div_term)
    return jnp.asarray(pe[:, None, :])  # (max_len, 1, dim)


def setup_inputs(seed: int = 0) -> dict:
    key = jax.random.key(seed)
    k1, k2 = jax.random.split(key)
    source = jax.random.randint(k1, (SEQ_LEN, BATCH, 1), 0, VOCAB, dtype=jnp.int32)
    # word embedding table (padding_idx=0 row zeroed, as nn.Embedding does)
    W = jax.random.normal(k2, (VOCAB, DIM), dtype=jnp.float32)
    W = W.at[0].set(0.0)
    return {"source": source, "W": W}


def reference(source, W):
    # Elementwise emb_luts with a single word lookup table: take feature 0
    words = source[..., 0]  # (seq_len, batch)
    emb = jnp.take(W, words, axis=0)  # (seq_len, batch, dim)
    # PositionalEncoding.forward: scale by sqrt(dim), add pe[step:step+seq_len]
    emb = emb * jnp.sqrt(jnp.float32(DIM))
    pe = _make_pe(MAX_LEN, DIM)
    emb = emb + pe[:emb.shape[0]]
    # dropout p=0 -> identity
    return emb

if __name__ == "__main__":
    import jax
    _d = setup_inputs()
    print(jax.jit(kernel)(*tuple(_d.values())))

</pallas_src>

<mosaic_0001>
#map = affine_map<(d0, d1) -> (0)>
#map1 = affine_map<(d0, d1) -> (0, 0)>
module attributes {stable_mosaic.version = 14 : i64} {
  func.func @launch(%arg0: i32, %arg1: i32, %arg2: memref<204800xi32, #tpu.memory_space<hbm>>, %arg3: memref<26624xf32, #tpu.memory_space<hbm>>, %arg4: memref<100000x128xf32, #tpu.memory_space<hbm>>, %arg5: memref<204800x128xf32, #tpu.memory_space<hbm>>, %arg6: memref<6400xi32, #tpu.memory_space<vmem>>, %arg7: memref<1024xf32, #tpu.memory_space<vmem>>, %arg8: memref<64x128xf32, #tpu.memory_space<vmem>>, %arg9: memref<64x128xf32, #tpu.memory_space<vmem>>, %arg10: memref<64x128xf32, #tpu.memory_space<vmem>>, %arg11: memref<64x128xf32, #tpu.memory_space<vmem>>, %arg12: memref<64x128xf32, #tpu.memory_space<vmem>>, %arg13: memref<64x128xf32, #tpu.memory_space<vmem>>, %arg14: memref<64x128xf32, #tpu.memory_space<vmem>>, %arg15: memref<64x128xf32, #tpu.memory_space<vmem>>, %arg16: memref<64x128xf32, #tpu.memory_space<vmem>>, %arg17: memref<64x128xf32, #tpu.memory_space<vmem>>, %arg18: memref<!tpu.dma_semaphore, #tpu.memory_space<semaphore_mem>>, %arg19: memref<!tpu.dma_semaphore, #tpu.memory_space<semaphore_mem>>, %arg20: memref<!tpu.dma_semaphore, #tpu.memory_space<semaphore_mem>>, %arg21: memref<!tpu.dma_semaphore, #tpu.memory_space<semaphore_mem>>, %arg22: memref<!tpu.dma_semaphore, #tpu.memory_space<semaphore_mem>>, %arg23: memref<!tpu.dma_semaphore, #tpu.memory_space<semaphore_mem>>, %arg24: memref<!tpu.dma_semaphore, #tpu.memory_space<semaphore_mem>>, %arg25: memref<!tpu.dma_semaphore, #tpu.memory_space<semaphore_mem>>, %arg26: memref<!tpu.dma_semaphore, #tpu.memory_space<semaphore_mem>>, %arg27: memref<!tpu.dma_semaphore, #tpu.memory_space<semaphore_mem>>, %arg28: memref<!tpu.dma_semaphore, #tpu.memory_space<semaphore_mem>>, %arg29: memref<!tpu.dma_semaphore, #tpu.memory_space<semaphore_mem>>, %arg30: memref<!tpu.dma_semaphore, #tpu.memory_space<semaphore_mem>>, %arg31: memref<!tpu.dma_semaphore, #tpu.memory_space<semaphore_mem>>, %arg32: memref<!tpu.dma_semaphore, #tpu.memory_space<semaphore_mem>>, %arg33: memref<!tpu.dma_semaphore, #tpu.memory_space<semaphore_mem>>, %arg34: memref<!tpu.dma_semaphore, #tpu.memory_space<semaphore_mem>>, %arg35: memref<!tpu.dma_semaphore, #tpu.memory_space<semaphore_mem>>, %arg36: memref<!tpu.dma_semaphore, #tpu.memory_space<semaphore_mem>>, %arg37: memref<!tpu.dma_semaphore, #tpu.memory_space<semaphore_mem>>, %arg38: memref<!tpu.dma_semaphore, #tpu.memory_space<semaphore_mem>>) attributes {dimension_semantics = [#tpu.dimension_semantics<core_parallel>, #tpu.dimension_semantics<subcore_parallel>], iteration_bounds = array<i64: 2, 16>, scalar_prefetch = 0 : i64, scratch_operands = 33 : i64, tpu.core_type = #tpu.core_type<sc_vector_subcore>, window_params = [{transform_indices = #map}, {transform_indices = #map}, {transform_indices = #map1}, {transform_indices = #map1}]} {
    %mul3A = arith.constant 2 : i32
    %mul3A_0 = arith.muli %arg1, %mul3A : i32
    %add3A = arith.addi %mul3A_0, %arg0 : i32
    %mul3A_1 = arith.constant 6400 : i32
    %mul3A_2 = arith.muli %add3A, %mul3A_1 : i32
    %shift_right_arithmetic3A = arith.constant 10 : i32
    %shift_right_arithmetic3A_3 = arith.shrsi %mul3A_2, %shift_right_arithmetic3A : i32
    "tpu.region"() ({
      %run_scoped3A = tpu.sem_alloc : memref<!tpu.dma_semaphore, #tpu.memory_space<semaphore_mem>>
      %dma_start3A_132 = arith.constant 0 : i32
      %dma_start3A_133 = tpu.memref_slice %arg6[%dma_start3A_132] : memref<6400xi32, #tpu.memory_space<vmem>> -> memref<640xi32, #tpu.memory_space<vmem>>
      %dma_start3A_134 = tpu.memref_slice %arg2[%mul3A_2] : memref<204800xi32, #tpu.memory_space<hbm>> -> memref<640xi32, #tpu.memory_space<hbm>>
      %dma_start3A_135 = arith.constant 0 : i32
      %dma_start3A_136 = tpu.memref_slice %arg6[%dma_start3A_135] : memref<6400xi32, #tpu.memory_space<vmem>> -> memref<640xi32, #tpu.memory_space<vmem>>
      %dma_start3A_137 = tpu.memref_slice %arg2[%mul3A_2] : memref<204800xi32, #tpu.memory_space<hbm>> -> memref<640xi32, #tpu.memory_space<hbm>>
      tpu.enqueue_dma source(%dma_start3A_137 : memref<640xi32, #tpu.memory_space<hbm>>) target(%dma_start3A_136 : memref<640xi32, #tpu.memory_space<vmem>>) target_semaphore(%run_scoped3A : memref<!tpu.dma_semaphore, #tpu.memory_space<semaphore_mem>>)
      %dma_wait3A_138 = arith.constant 0 : i32
      %dma_wait3A_139 = tpu.memref_slice %arg6[%dma_wait3A_138] : memref<6400xi32, #tpu.memory_space<vmem>> -> memref<640xi32, #tpu.memory_space<vmem>>
      %dma_wait3A_140 = tpu.memref_slice %arg2[%mul3A_2] : memref<204800xi32, #tpu.memory_space<hbm>> -> memref<640xi32, #tpu.memory_space<hbm>>
      %dma_wait3A_141 = arith.constant 0 : i32
      %dma_wait3A_142 = tpu.memref_slice %arg6[%dma_wait3A_141] : memref<6400xi32, #tpu.memory_space<vmem>> -> memref<640xi32, #tpu.memory_space<vmem>>
      %dma_wait3A_143 = tpu.memref_slice %arg2[%mul3A_2] : memref<204800xi32, #tpu.memory_space<hbm>> -> memref<640xi32, #tpu.memory_space<hbm>>
      tpu.wait_dma2 semaphore(%run_scoped3A : memref<!tpu.dma_semaphore, #tpu.memory_space<semaphore_mem>>) src(%dma_wait3A_143 : memref<640xi32, #tpu.memory_space<hbm>>) dst(%dma_wait3A_142 : memref<640xi32, #tpu.memory_space<vmem>>)
      tpu.yield
    }) : () -> ()
    %add3A_4 = arith.constant 640 : i32
    %add3A_5 = arith.addi %mul3A_2, %add3A_4 : i32
    %dma_start3A = arith.constant 640 : i32
    %dma_start3A_6 = tpu.memref_slice %arg6[%dma_start3A] : memref<6400xi32, #tpu.memory_space<vmem>> -> memref<5760xi32, #tpu.memory_space<vmem>>
    %dma_start3A_7 = tpu.memref_slice %arg2[%add3A_5] : memref<204800xi32, #tpu.memory_space<hbm>> -> memref<5760xi32, #tpu.memory_space<hbm>>
    %dma_start3A_8 = arith.constant 640 : i32
    %dma_start3A_9 = tpu.memref_slice %arg6[%dma_start3A_8] : memref<6400xi32, #tpu.memory_space<vmem>> -> memref<5760xi32, #tpu.memory_space<vmem>>
    %dma_start3A_10 = tpu.memref_slice %arg2[%add3A_5] : memref<204800xi32, #tpu.memory_space<hbm>> -> memref<5760xi32, #tpu.memory_space<hbm>>
    tpu.enqueue_dma source(%dma_start3A_10 : memref<5760xi32, #tpu.memory_space<hbm>>) target(%dma_start3A_9 : memref<5760xi32, #tpu.memory_space<vmem>>) target_semaphore(%arg38 : memref<!tpu.dma_semaphore, #tpu.memory_space<semaphore_mem>>)
    %mul3A_11 = arith.constant 128 : i32
    %mul3A_12 = arith.muli %shift_right_arithmetic3A_3, %mul3A_11 : i32
    "tpu.region"() ({
      %run_scoped3A = tpu.sem_alloc : memref<!tpu.dma_semaphore, #tpu.memory_space<semaphore_mem>>
      %dma_start3A_132 = tpu.memref_slice %arg3[%mul3A_12] : memref<26624xf32, #tpu.memory_space<hbm>> -> memref<1024xf32, #tpu.memory_space<hbm>>
      %dma_start3A_133 = tpu.memref_slice %arg3[%mul3A_12] : memref<26624xf32, #tpu.memory_space<hbm>> -> memref<1024xf32, #tpu.memory_space<hbm>>
      tpu.enqueue_dma source(%dma_start3A_133 : memref<1024xf32, #tpu.memory_space<hbm>>) target(%arg7 : memref<1024xf32, #tpu.memory_space<vmem>>) target_semaphore(%run_scoped3A : memref<!tpu.dma_semaphore, #tpu.memory_space<semaphore_mem>>)
      %dma_wait3A_134 = tpu.memref_slice %arg3[%mul3A_12] : memref<26624xf32, #tpu.memory_space<hbm>> -> memref<1024xf32, #tpu.memory_space<hbm>>
      %dma_wait3A_135 = tpu.memref_slice %arg3[%mul3A_12] : memref<26624xf32, #tpu.memory_space<hbm>> -> memref<1024xf32, #tpu.memory_space<hbm>>
      tpu.wait_dma2 semaphore(%run_scoped3A : memref<!tpu.dma_semaphore, #tpu.memory_space<semaphore_mem>>) src(%dma_wait3A_135 : memref<1024xf32, #tpu.memory_space<hbm>>) dst(%arg7 : memref<1024xf32, #tpu.memory_space<vmem>>)
      tpu.yield
    }) : () -> ()
    %dma_start3A_13 = arith.constant 0 : i32
    %dma_start3A_14 = tpu.memref_slice %arg6[%dma_start3A_13] : memref<6400xi32, #tpu.memory_space<vmem>> -> memref<64xi32, #tpu.memory_space<vmem>>
    %dma_start3A_15 = arith.constant 0 : i32
    %dma_start3A_16 = arith.constant 0 : i32
    %dma_start3A_17 = tpu.memref_slice %arg4[%dma_start3A_15, %dma_start3A_16] : memref<100000x128xf32, #tpu.memory_space<hbm>> -> memref<100000x128xf32, #tpu.memory_space<hbm>>
    tpu.enqueue_indirect_dma source(%dma_start3A_17 : memref<100000x128xf32, #tpu.memory_space<hbm>>) target(%arg8 : memref<64x128xf32, #tpu.memory_space<vmem>>) offsets(%dma_start3A_14 : memref<64xi32, #tpu.memory_space<vmem>>) semaphore(%arg18 : memref<!tpu.dma_semaphore, #tpu.memory_space<semaphore_mem>>)
    %dma_start3A_18 = arith.constant 64 : i32
    %dma_start3A_19 = tpu.memref_slice %arg6[%dma_start3A_18] : memref<6400xi32, #tpu.memory_space<vmem>> -> memref<64xi32, #tpu.memory_space<vmem>>
    %dma_start3A_20 = arith.constant 0 : i32
    %dma_start3A_21 = arith.constant 0 : i32
    %dma_start3A_22 = tpu.memref_slice %arg4[%dma_start3A_20, %dma_start3A_21] : memref<100000x128xf32, #tpu.memory_space<hbm>> -> memref<100000x128xf32, #tpu.memory_space<hbm>>
    tpu.enqueue_indirect_dma source(%dma_start3A_22 : memref<100000x128xf32, #tpu.memory_space<hbm>>) target(%arg9 : memref<64x128xf32, #tpu.memory_space<vmem>>) offsets(%dma_start3A_19 : memref<64xi32, #tpu.memory_space<vmem>>) semaphore(%arg19 : memref<!tpu.dma_semaphore, #tpu.memory_space<semaphore_mem>>)
    %dma_start3A_23 = arith.constant 128 : i32
    %dma_start3A_24 = tpu.memref_slice %arg6[%dma_start3A_23] : memref<6400xi32, #tpu.memory_space<vmem>> -> memref<64xi32, #tpu.memory_space<vmem>>
    %dma_start3A_25 = arith.constant 0 : i32
    %dma_start3A_26 = arith.constant 0 : i32
    %dma_start3A_27 = tpu.memref_slice %arg4[%dma_start3A_25, %dma_start3A_26] : memref<100000x128xf32, #tpu.memory_space<hbm>> -> memref<100000x128xf32, #tpu.memory_space<hbm>>
    tpu.enqueue_indirect_dma source(%dma_start3A_27 : memref<100000x128xf32, #tpu.memory_space<hbm>>) target(%arg10 : memref<64x128xf32, #tpu.memory_space<vmem>>) offsets(%dma_start3A_24 : memref<64xi32, #tpu.memory_space<vmem>>) semaphore(%arg20 : memref<!tpu.dma_semaphore, #tpu.memory_space<semaphore_mem>>)
    %dma_start3A_28 = arith.constant 192 : i32
    %dma_start3A_29 = tpu.memref_slice %arg6[%dma_start3A_28] : memref<6400xi32, #tpu.memory_space<vmem>> -> memref<64xi32, #tpu.memory_space<vmem>>
    %dma_start3A_30 = arith.constant 0 : i32
    %dma_start3A_31 = arith.constant 0 : i32
    %dma_start3A_32 = tpu.memref_slice %arg4[%dma_start3A_30, %dma_start3A_31] : memref<100000x128xf32, #tpu.memory_space<hbm>> -> memref<100000x128xf32, #tpu.memory_space<hbm>>
    tpu.enqueue_indirect_dma source(%dma_start3A_32 : memref<100000x128xf32, #tpu.memory_space<hbm>>) target(%arg11 : memref<64x128xf32, #tpu.memory_space<vmem>>) offsets(%dma_start3A_29 : memref<64xi32, #tpu.memory_space<vmem>>) semaphore(%arg21 : memref<!tpu.dma_semaphore, #tpu.memory_space<semaphore_mem>>)
    %dma_start3A_33 = arith.constant 256 : i32
    %dma_start3A_34 = tpu.memref_slice %arg6[%dma_start3A_33] : memref<6400xi32, #tpu.memory_space<vmem>> -> memref<64xi32, #tpu.memory_space<vmem>>
    %dma_start3A_35 = arith.constant 0 : i32
    %dma_start3A_36 = arith.constant 0 : i32
    %dma_start3A_37 = tpu.memref_slice %arg4[%dma_start3A_35, %dma_start3A_36] : memref<100000x128xf32, #tpu.memory_space<hbm>> -> memref<100000x128xf32, #tpu.memory_space<hbm>>
    tpu.enqueue_indirect_dma source(%dma_start3A_37 : memref<100000x128xf32, #tpu.memory_space<hbm>>) target(%arg12 : memref<64x128xf32, #tpu.memory_space<vmem>>) offsets(%dma_start3A_34 : memref<64xi32, #tpu.memory_space<vmem>>) semaphore(%arg22 : memref<!tpu.dma_semaphore, #tpu.memory_space<semaphore_mem>>)
    %dma_start3A_38 = arith.constant 320 : i32
    %dma_start3A_39 = tpu.memref_slice %arg6[%dma_start3A_38] : memref<6400xi32, #tpu.memory_space<vmem>> -> memref<64xi32, #tpu.memory_space<vmem>>
    %dma_start3A_40 = arith.constant 0 : i32
    %dma_start3A_41 = arith.constant 0 : i32
    %dma_start3A_42 = tpu.memref_slice %arg4[%dma_start3A_40, %dma_start3A_41] : memref<100000x128xf32, #tpu.memory_space<hbm>> -> memref<100000x128xf32, #tpu.memory_space<hbm>>
    tpu.enqueue_indirect_dma source(%dma_start3A_42 : memref<100000x128xf32, #tpu.memory_space<hbm>>) target(%arg13 : memref<64x128xf32, #tpu.memory_space<vmem>>) offsets(%dma_start3A_39 : memref<64xi32, #tpu.memory_space<vmem>>) semaphore(%arg23 : memref<!tpu.dma_semaphore, #tpu.memory_space<semaphore_mem>>)
    %dma_start3A_43 = arith.constant 384 : i32
    %dma_start3A_44 = tpu.memref_slice %arg6[%dma_start3A_43] : memref<6400xi32, #tpu.memory_space<vmem>> -> memref<64xi32, #tpu.memory_space<vmem>>
    %dma_start3A_45 = arith.constant 0 : i32
    %dma_start3A_46 = arith.constant 0 : i32
    %dma_start3A_47 = tpu.memref_slice %arg4[%dma_start3A_45, %dma_start3A_46] : memref<100000x128xf32, #tpu.memory_space<hbm>> -> memref<100000x128xf32, #tpu.memory_space<hbm>>
    tpu.enqueue_indirect_dma source(%dma_start3A_47 : memref<100000x128xf32, #tpu.memory_space<hbm>>) target(%arg14 : memref<64x128xf32, #tpu.memory_space<vmem>>) offsets(%dma_start3A_44 : memref<64xi32, #tpu.memory_space<vmem>>) semaphore(%arg24 : memref<!tpu.dma_semaphore, #tpu.memory_space<semaphore_mem>>)
    %dma_start3A_48 = arith.constant 448 : i32
    %dma_start3A_49 = tpu.memref_slice %arg6[%dma_start3A_48] : memref<6400xi32, #tpu.memory_space<vmem>> -> memref<64xi32, #tpu.memory_space<vmem>>
    %dma_start3A_50 = arith.constant 0 : i32
    %dma_start3A_51 = arith.constant 0 : i32
    %dma_start3A_52 = tpu.memref_slice %arg4[%dma_start3A_50, %dma_start3A_51] : memref<100000x128xf32, #tpu.memory_space<hbm>> -> memref<100000x128xf32, #tpu.memory_space<hbm>>
    tpu.enqueue_indirect_dma source(%dma_start3A_52 : memref<100000x128xf32, #tpu.memory_space<hbm>>) target(%arg15 : memref<64x128xf32, #tpu.memory_space<vmem>>) offsets(%dma_start3A_49 : memref<64xi32, #tpu.memory_space<vmem>>) semaphore(%arg25 : memref<!tpu.dma_semaphore, #tpu.memory_space<semaphore_mem>>)
    %dma_start3A_53 = arith.constant 512 : i32
    %dma_start3A_54 = tpu.memref_slice %arg6[%dma_start3A_53] : memref<6400xi32, #tpu.memory_space<vmem>> -> memref<64xi32, #tpu.memory_space<vmem>>
    %dma_start3A_55 = arith.constant 0 : i32
    %dma_start3A_56 = arith.constant 0 : i32
    %dma_start3A_57 = tpu.memref_slice %arg4[%dma_start3A_55, %dma_start3A_56] : memref<100000x128xf32, #tpu.memory_space<hbm>> -> memref<100000x128xf32, #tpu.memory_space<hbm>>
    tpu.enqueue_indirect_dma source(%dma_start3A_57 : memref<100000x128xf32, #tpu.memory_space<hbm>>) target(%arg16 : memref<64x128xf32, #tpu.memory_space<vmem>>) offsets(%dma_start3A_54 : memref<64xi32, #tpu.memory_space<vmem>>) semaphore(%arg26 : memref<!tpu.dma_semaphore, #tpu.memory_space<semaphore_mem>>)
    %dma_start3A_58 = arith.constant 576 : i32
    %dma_start3A_59 = tpu.memref_slice %arg6[%dma_start3A_58] : memref<6400xi32, #tpu.memory_space<vmem>> -> memref<64xi32, #tpu.memory_space<vmem>>
    %dma_start3A_60 = arith.constant 0 : i32
    %dma_start3A_61 = arith.constant 0 : i32
    %dma_start3A_62 = tpu.memref_slice %arg4[%dma_start3A_60, %dma_start3A_61] : memref<100000x128xf32, #tpu.memory_space<hbm>> -> memref<100000x128xf32, #tpu.memory_space<hbm>>
    tpu.enqueue_indirect_dma source(%dma_start3A_62 : memref<100000x128xf32, #tpu.memory_space<hbm>>) target(%arg17 : memref<64x128xf32, #tpu.memory_space<vmem>>) offsets(%dma_start3A_59 : memref<64xi32, #tpu.memory_space<vmem>>) semaphore(%arg27 : memref<!tpu.dma_semaphore, #tpu.memory_space<semaphore_mem>>)
    %dma_wait3A = arith.constant 640 : i32
    %dma_wait3A_63 = tpu.memref_slice %arg6[%dma_wait3A] : memref<6400xi32, #tpu.memory_space<vmem>> -> memref<5760xi32, #tpu.memory_space<vmem>>
    %dma_wait3A_64 = tpu.memref_slice %arg2[%add3A_5] : memref<204800xi32, #tpu.memory_space<hbm>> -> memref<5760xi32, #tpu.memory_space<hbm>>
    %dma_wait3A_65 = arith.constant 640 : i32
    %dma_wait3A_66 = tpu.memref_slice %arg6[%dma_wait3A_65] : memref<6400xi32, #tpu.memory_space<vmem>> -> memref<5760xi32, #tpu.memory_space<vmem>>
    %dma_wait3A_67 = tpu.memref_slice %arg2[%add3A_5] : memref<204800xi32, #tpu.memory_space<hbm>> -> memref<5760xi32, #tpu.memory_space<hbm>>
    tpu.wait_dma2 semaphore(%arg38 : memref<!tpu.dma_semaphore, #tpu.memory_space<semaphore_mem>>) src(%dma_wait3A_67 : memref<5760xi32, #tpu.memory_space<hbm>>) dst(%dma_wait3A_66 : memref<5760xi32, #tpu.memory_space<vmem>>)
    %scan3A = arith.constant 0 : i32
    %scan3A_68 = arith.constant 10 : i32
    %scan3A_69 = arith.addi %scan3A, %scan3A_68 : i32
    %scan3A_70 = arith.constant 1 : i32
    scf.for %scan3A_132 = %scan3A to %scan3A_69 step %scan3A_70  : i32 {
      %mul3A_133 = arith.constant 10 : i32
      %mul3A_134 = arith.muli %scan3A_132, %mul3A_133 : i32
      %add3A_135 = arith.constant 0 : i32
      %add3A_136 = arith.addi %add3A_135, %mul3A_134 : i32
      %add3A_137 = arith.constant 0 : i32
      %add3A_138 = arith.addi %add3A_136, %add3A_137 : i32
      %mul3A_139 = arith.constant 64 : i32
      %mul3A_140 = arith.muli %add3A_138, %mul3A_139 : i32
      %dma_wait3A_141 = tpu.memref_slice %arg6[%mul3A_140] : memref<6400xi32, #tpu.memory_space<vmem>> -> memref<64xi32, #tpu.memory_space<vmem>>
      %dma_wait3A_142 = arith.constant 0 : i32
      %dma_wait3A_143 = arith.constant 0 : i32
      %dma_wait3A_144 = tpu.memref_slice %arg4[%dma_wait3A_142, %dma_wait3A_143] : memref<100000x128xf32, #tpu.memory_space<hbm>> -> memref<100000x128xf32, #tpu.memory_space<hbm>>
      tpu.wait_indirect_dma semaphore(%arg18 : memref<!tpu.dma_semaphore, #tpu.memory_space<semaphore_mem>>) src(%dma_wait3A_144 : memref<100000x128xf32, #tpu.memory_space<hbm>>) dst(%arg8 : memref<64x128xf32, #tpu.memory_space<vmem>>)
      %mul3A_145 = arith.constant 64 : i32
      %mul3A_146 = arith.muli %add3A_138, %mul3A_145 : i32
      %add3A_147 = arith.addi %mul3A_2, %mul3A_146 : i32
      %shift_right_arithmetic3A_148 = arith.constant 10 : i32
      %shift_right_arithmetic3A_149 = arith.shrsi %add3A_147, %shift_right_arithmetic3A_148 : i32
      %sub3A = arith.subi %shift_right_arithmetic3A_149, %shift_right_arithmetic3A_3 : i32
      %mul3A_150 = arith.constant 128 : i32
      %mul3A_151 = arith.muli %sub3A, %mul3A_150 : i32
      %add3A_152 = arith.constant 0 : i32
      %add3A_153 = arith.addi %mul3A_151, %add3A_152 : i32
      %get3A = arith.index_cast %add3A_153 : i32 to index
      %get3A_154 = tpu.vector_load %arg7[%get3A] {strides = array<i32>} : memref<1024xf32, #tpu.memory_space<vmem>>, vector<16xf32>,
      %get3A_155 = vector.shape_cast %get3A_154 : vector<16xf32> to vector<16xf32>
      %add3A_156 = arith.constant 16 : i32
      %add3A_157 = arith.addi %mul3A_151, %add3A_156 : i32
      %get3A_158 = arith.index_cast %add3A_157 : i32 to index
      %get3A_159 = tpu.vector_load %arg7[%get3A_158] {strides = array<i32>} : memref<1024xf32, #tpu.memory_space<vmem>>, vector<16xf32>,
      %get3A_160 = vector.shape_cast %get3A_159 : vector<16xf32> to vector<16xf32>
      %add3A_161 = arith.constant 32 : i32
      %add3A_162 = arith.addi %mul3A_151, %add3A_161 : i32
      %get3A_163 = arith.index_cast %add3A_162 : i32 to index
      %get3A_164 = tpu.vector_load %arg7[%get3A_163] {strides = array<i32>} : memref<1024xf32, #tpu.memory_space<vmem>>, vector<16xf32>,
      %get3A_165 = vector.shape_cast %get3A_164 : vector<16xf32> to vector<16xf32>
      %add3A_166 = arith.constant 48 : i32
      %add3A_167 = arith.addi %mul3A_151, %add3A_166 : i32
      %get3A_168 = arith.index_cast %add3A_167 : i32 to index
      %get3A_169 = tpu.vector_load %arg7[%get3A_168] {strides = array<i32>} : memref<1024xf32, #tpu.memory_space<vmem>>, vector<16xf32>,
      %get3A_170 = vector.shape_cast %get3A_169 : vector<16xf32> to vector<16xf32>
      %add3A_171 = arith.constant 64 : i32
      %add3A_172 = arith.addi %mul3A_151, %add3A_171 : i32
      %get3A_173 = arith.index_cast %add3A_172 : i32 to index
      %get3A_174 = tpu.vector_load %arg7[%get3A_173] {strides = array<i32>} : memref<1024xf32, #tpu.memory_space<vmem>>, vector<16xf32>,
      %get3A_175 = vector.shape_cast %get3A_174 : vector<16xf32> to vector<16xf32>
      %add3A_176 = arith.constant 80 : i32
      %add3A_177 = arith.addi %mul3A_151, %add3A_176 : i32
      %get3A_178 = arith.index_cast %add3A_177 : i32 to index
      %get3A_179 = tpu.vector_load %arg7[%get3A_178] {strides = array<i32>} : memref<1024xf32, #tpu.memory_space<vmem>>, vector<16xf32>,
      %get3A_180 = vector.shape_cast %get3A_179 : vector<16xf32> to vector<16xf32>
      %add3A_181 = arith.constant 96 : i32
      %add3A_182 = arith.addi %mul3A_151, %add3A_181 : i32
      %get3A_183 = arith.index_cast %add3A_182 : i32 to index
      %get3A_184 = tpu.vector_load %arg7[%get3A_183] {strides = array<i32>} : memref<1024xf32, #tpu.memory_space<vmem>>, vector<16xf32>,
      %get3A_185 = vector.shape_cast %get3A_184 : vector<16xf32> to vector<16xf32>
      %add3A_186 = arith.constant 112 : i32
      %add3A_187 = arith.addi %mul3A_151, %add3A_186 : i32
      %get3A_188 = arith.index_cast %add3A_187 : i32 to index
      %get3A_189 = tpu.vector_load %arg7[%get3A_188] {strides = array<i32>} : memref<1024xf32, #tpu.memory_space<vmem>>, vector<16xf32>,
      %get3A_190 = vector.shape_cast %get3A_189 : vector<16xf32> to vector<16xf32>
      %parallel_loop3A = arith.constant 0 : i32
      %parallel_loop3A_191 = arith.constant 64 : i32
      %parallel_loop3A_192 = arith.constant 1 : i32
      scf.for %parallel_loop3A_909 = %parallel_loop3A to %parallel_loop3A_191 step %parallel_loop3A_192  : i32 {
        %parallel_loop3A_910 = arith.index_cast %parallel_loop3A_909 : i32 to index
        %parallel_loop3A_911 = arith.constant 0 : index
        %parallel_loop3A_912 = tpu.vector_load %arg8[%parallel_loop3A_910, %parallel_loop3A_911] {strides = array<i32>} : memref<64x128xf32, #tpu.memory_space<vmem>>, vector<1x16xf32>,
        %parallel_loop3A_913 = vector.shape_cast %parallel_loop3A_912 : vector<1x16xf32> to vector<16xf32>
        %parallel_loop3A_914 = arith.constant 11.3137083 : f32
        %parallel_loop3A_915 = vector.broadcast %parallel_loop3A_914 : f32 to vector<16xf32>
        %parallel_loop3A_916 = arith.mulf %parallel_loop3A_913, %parallel_loop3A_915 : vector<16xf32>
        %parallel_loop3A_917 = arith.addf %parallel_loop3A_916, %get3A_155 : vector<16xf32>
        %parallel_loop3A_918 = arith.index_cast %parallel_loop3A_909 : i32 to index
        %parallel_loop3A_919 = arith.constant 0 : index
        %parallel_loop3A_920 = tpu.vector_load %arg8[%parallel_loop3A_918, %parallel_loop3A_919] {strides = array<i32>} : memref<64x128xf32, #tpu.memory_space<vmem>>, vector<1x16xf32>,
        %parallel_loop3A_921 = vector.shape_cast %parallel_loop3A_920 : vector<1x16xf32> to vector<16xf32>
        %parallel_loop3A_922 = vector.shape_cast %parallel_loop3A_917 : vector<16xf32> to vector<1x16xf32>
        tpu.vector_store %arg8[%parallel_loop3A_918, %parallel_loop3A_919], %parallel_loop3A_922 {strides = array<i32>} : memref<64x128xf32, #tpu.memory_space<vmem>>, vector<1x16xf32>,
        %parallel_loop3A_923 = arith.index_cast %parallel_loop3A_909 : i32 to index
        %parallel_loop3A_924 = arith.constant 16 : index
        %parallel_loop3A_925 = tpu.vector_load %arg8[%parallel_loop3A_923, %parallel_loop3A_924] {strides = array<i32>} : memref<64x128xf32, #tpu.memory_space<vmem>>, vector<1x16xf32>,
        %parallel_loop3A_926 = vector.shape_cast %parallel_loop3A_925 : vector<1x16xf32> to vector<16xf32>
        %parallel_loop3A_927 = arith.constant 11.3137083 : f32
        %parallel_loop3A_928 = vector.broadcast %parallel_loop3A_927 : f32 to vector<16xf32>
        %parallel_loop3A_929 = arith.mulf %parallel_loop3A_926, %parallel_loop3A_928 : vector<16xf32>
        %parallel_loop3A_930 = arith.addf %parallel_loop3A_929, %get3A_160 : vector<16xf32>
        %parallel_loop3A_931 = arith.index_cast %parallel_loop3A_909 : i32 to index
        %parallel_loop3A_932 = arith.constant 16 : index
        %parallel_loop3A_933 = tpu.vector_load %arg8[%parallel_loop3A_931, %parallel_loop3A_932] {strides = array<i32>} : memref<64x128xf32, #tpu.memory_space<vmem>>, vector<1x16xf32>,
        %parallel_loop3A_934 = vector.shape_cast %parallel_loop3A_933 : vector<1x16xf32> to vector<16xf32>
        %parallel_loop3A_935 = vector.shape_cast %parallel_loop3A_930 : vector<16xf32> to vector<1x16xf32>
        tpu.vector_store %arg8[%parallel_loop3A_931, %parallel_loop3A_932], %parallel_loop3A_935 {strides = array<i32>} : memref<64x128xf32, #tpu.memory_space<vmem>>, vector<1x16xf32>,
        %parallel_loop3A_936 = arith.index_cast %parallel_loop3A_909 : i32 to index
        %parallel_loop3A_937 = arith.constant 32 : index
        %parallel_loop3A_938 = tpu.vector_load %arg8[%parallel_loop3A_936, %parallel_loop3A_937] {strides = array<i32>} : memref<64x128xf32, #tpu.memory_space<vmem>>, vector<1x16xf32>,
        %parallel_loop3A_939 = vector.shape_cast %parallel_loop3A_938 : vector<1x16xf32> to vector<16xf32>
        %parallel_loop3A_940 = arith.constant 11.3137083 : f32
        %parallel_loop3A_941 = vector.broadcast %parallel_loop3A_940 : f32 to vector<16xf32>
        %parallel_loop3A_942 = arith.mulf %parallel_loop3A_939, %parallel_loop3A_941 : vector<16xf32>
        %parallel_loop3A_943 = arith.addf %parallel_loop3A_942, %get3A_165 : vector<16xf32>
        %parallel_loop3A_944 = arith.index_cast %parallel_loop3A_909 : i32 to index
        %parallel_loop3A_945 = arith.constant 32 : index
        %parallel_loop3A_946 = tpu.vector_load %arg8[%parallel_loop3A_944, %parallel_loop3A_945] {strides = array<i32>} : memref<64x128xf32, #tpu.memory_space<vmem>>, vector<1x16xf32>,
        %parallel_loop3A_947 = vector.shape_cast %parallel_loop3A_946 : vector<1x16xf32> to vector<16xf32>
        %parallel_loop3A_948 = vector.shape_cast %parallel_loop3A_943 : vector<16xf32> to vector<1x16xf32>
        tpu.vector_store %arg8[%parallel_loop3A_944, %parallel_loop3A_945], %parallel_loop3A_948 {strides = array<i32>} : memref<64x128xf32, #tpu.memory_space<vmem>>, vector<1x16xf32>,
        %parallel_loop3A_949 = arith.index_cast %parallel_loop3A_909 : i32 to index
        %parallel_loop3A_950 = arith.constant 48 : index
        %parallel_loop3A_951 = tpu.vector_load %arg8[%parallel_loop3A_949, %parallel_loop3A_950] {strides = array<i32>} : memref<64x128xf32, #tpu.memory_space<vmem>>, vector<1x16xf32>,
        %parallel_loop3A_952 = vector.shape_cast %parallel_loop3A_951 : vector<1x16xf32> to vector<16xf32>
        %parallel_loop3A_953 = arith.constant 11.3137083 : f32
        %parallel_loop3A_954 = vector.broadcast %parallel_loop3A_953 : f32 to vector<16xf32>
        %parallel_loop3A_955 = arith.mulf %parallel_loop3A_952, %parallel_loop3A_954 : vector<16xf32>
        %parallel_loop3A_956 = arith.addf %parallel_loop3A_955, %get3A_170 : vector<16xf32>
        %parallel_loop3A_957 = arith.index_cast %parallel_loop3A_909 : i32 to index
        %parallel_loop3A_958 = arith.constant 48 : index
        %parallel_loop3A_959 = tpu.vector_load %arg8[%parallel_loop3A_957, %parallel_loop3A_958] {strides = array<i32>} : memref<64x128xf32, #tpu.memory_space<vmem>>, vector<1x16xf32>,
        %parallel_loop3A_960 = vector.shape_cast %parallel_loop3A_959 : vector<1x16xf32> to vector<16xf32>
        %parallel_loop3A_961 = vector.shape_cast %parallel_loop3A_956 : vector<16xf32> to vector<1x16xf32>
        tpu.vector_store %arg8[%parallel_loop3A_957, %parallel_loop3A_958], %parallel_loop3A_961 {strides = array<i32>} : memref<64x128xf32, #tpu.memory_space<vmem>>, vector<1x16xf32>,
        %parallel_loop3A_962 = arith.index_cast %parallel_loop3A_909 : i32 to index
        %parallel_loop3A_963 = arith.constant 64 : index
        %parallel_loop3A_964 = tpu.vector_load %arg8[%parallel_loop3A_962, %parallel_loop3A_963] {strides = array<i32>} : memref<64x128xf32, #tpu.memory_space<vmem>>, vector<1x16xf32>,
        %parallel_loop3A_965 = vector.shape_cast %parallel_loop3A_964 : vector<1x16xf32> to vector<16xf32>
        %parallel_loop3A_966 = arith.constant 11.3137083 : f32
        %parallel_loop3A_967 = vector.broadcast %parallel_loop3A_966 : f32 to vector<16xf32>
        %parallel_loop3A_968 = arith.mulf %parallel_loop3A_965, %parallel_loop3A_967 : vector<16xf32>
        %parallel_loop3A_969 = arith.addf %parallel_loop3A_968, %get3A_175 : vector<16xf32>
        %parallel_loop3A_970 = arith.index_cast %parallel_loop3A_909 : i32 to index
        %parallel_loop3A_971 = arith.constant 64 : index
        %parallel_loop3A_972 = tpu.vector_load %arg8[%parallel_loop3A_970, %parallel_loop3A_971] {strides = array<i32>} : memref<64x128xf32, #tpu.memory_space<vmem>>, vector<1x16xf32>,
        %parallel_loop3A_973 = vector.shape_cast %parallel_loop3A_972 : vector<1x16xf32> to vector<16xf32>
        %parallel_loop3A_974 = vector.shape_cast %parallel_loop3A_969 : vector<16xf32> to vector<1x16xf32>
        tpu.vector_store %arg8[%parallel_loop3A_970, %parallel_loop3A_971], %parallel_loop3A_974 {strides = array<i32>} : memref<64x128xf32, #tpu.memory_space<vmem>>, vector<1x16xf32>,
        %parallel_loop3A_975 = arith.index_cast %parallel_loop3A_909 : i32 to index
        %parallel_loop3A_976 = arith.constant 80 : index
        %parallel_loop3A_977 = tpu.vector_load %arg8[%parallel_loop3A_975, %parallel_loop3A_976] {strides = array<i32>} : memref<64x128xf32, #tpu.memory_space<vmem>>, vector<1x16xf32>,
        %parallel_loop3A_978 = vector.shape_cast %parallel_loop3A_977 : vector<1x16xf32> to vector<16xf32>
        %parallel_loop3A_979 = arith.constant 11.3137083 : f32
        %parallel_loop3A_980 = vector.broadcast %parallel_loop3A_979 : f32 to vector<16xf32>
        %parallel_loop3A_981 = arith.mulf %parallel_loop3A_978, %parallel_loop3A_980 : vector<16xf32>
        %parallel_loop3A_982 = arith.addf %parallel_loop3A_981, %get3A_180 : vector<16xf32>
        %parallel_loop3A_983 = arith.index_cast %parallel_loop3A_909 : i32 to index
        %parallel_loop3A_984 = arith.constant 80 : index
        %parallel_loop3A_985 = tpu.vector_load %arg8[%parallel_loop3A_983, %parallel_loop3A_984] {strides = array<i32>} : memref<64x128xf32, #tpu.memory_space<vmem>>, vector<1x16xf32>,
        %parallel_loop3A_986 = vector.shape_cast %parallel_loop3A_985 : vector<1x16xf32> to vector<16xf32>
        %parallel_loop3A_987 = vector.shape_cast %parallel_loop3A_982 : vector<16xf32> to vector<1x16xf32>
        tpu.vector_store %arg8[%parallel_loop3A_983, %parallel_loop3A_984], %parallel_loop3A_987 {strides = array<i32>} : memref<64x128xf32, #tpu.memory_space<vmem>>, vector<1x16xf32>,
        %parallel_loop3A_988 = arith.index_cast %parallel_loop3A_909 : i32 to index
        %parallel_loop3A_989 = arith.constant 96 : index
        %parallel_loop3A_990 = tpu.vector_load %arg8[%parallel_loop3A_988, %parallel_loop3A_989] {strides = array<i32>} : memref<64x128xf32, #tpu.memory_space<vmem>>, vector<1x16xf32>,
        %parallel_loop3A_991 = vector.shape_cast %parallel_loop3A_990 : vector<1x16xf32> to vector<16xf32>
        %parallel_loop3A_992 = arith.constant 11.3137083 : f32
        %parallel_loop3A_993 = vector.broadcast %parallel_loop3A_992 : f32 to vector<16xf32>
        %parallel_loop3A_994 = arith.mulf %parallel_loop3A_991, %parallel_loop3A_993 : vector<16xf32>
        %parallel_loop3A_995 = arith.addf %parallel_loop3A_994, %get3A_185 : vector<16xf32>
        %parallel_loop3A_996 = arith.index_cast %parallel_loop3A_909 : i32 to index
        %parallel_loop3A_997 = arith.constant 96 : index
        %parallel_loop3A_998 = tpu.vector_load %arg8[%parallel_loop3A_996, %parallel_loop3A_997] {strides = array<i32>} : memref<64x128xf32, #tpu.memory_space<vmem>>, vector<1x16xf32>,
        %parallel_loop3A_999 = vector.shape_cast %parallel_loop3A_998 : vector<1x16xf32> to vector<16xf32>
        %parallel_loop3A_1000 = vector.shape_cast %parallel_loop3A_995 : vector<16xf32> to vector<1x16xf32>
        tpu.vector_store %arg8[%parallel_loop3A_996, %parallel_loop3A_997], %parallel_loop3A_1000 {strides = array<i32>} : memref<64x128xf32, #tpu.memory_space<vmem>>, vector<1x16xf32>,
        %parallel_loop3A_1001 = arith.index_cast %parallel_loop3A_909 : i32 to index
        %parallel_loop3A_1002 = arith.constant 112 : index
        %parallel_loop3A_1003 = tpu.vector_load %arg8[%parallel_loop3A_1001, %parallel_loop3A_1002] {strides = array<i32>} : memref<64x128xf32, #tpu.memory_space<vmem>>, vector<1x16xf32>,
        %parallel_loop3A_1004 = vector.shape_cast %parallel_loop3A_1003 : vector<1x16xf32> to vector<16xf32>
        %parallel_loop3A_1005 = arith.constant 11.3137083 : f32
        %parallel_loop3A_1006 = vector.broadcast %parallel_loop3A_1005 : f32 to vector<16xf32>
        %parallel_loop3A_1007 = arith.mulf %parallel_loop3A_1004, %parallel_loop3A_1006 : vector<16xf32>
        %parallel_loop3A_1008 = arith.addf %parallel_loop3A_1007, %get3A_190 : vector<16xf32>
        %parallel_loop3A_1009 = arith.index_cast %parallel_loop3A_909 : i32 to index
        %parallel_loop3A_1010 = arith.constant 112 : index
        %parallel_loop3A_1011 = tpu.vector_load %arg8[%parallel_loop3A_1009, %parallel_loop3A_1010] {strides = array<i32>} : memref<64x128xf32, #tpu.memory_space<vmem>>, vector<1x16xf32>,
        %parallel_loop3A_1012 = vector.shape_cast %parallel_loop3A_1011 : vector<1x16xf32> to vector<16xf32>
        %parallel_loop3A_1013 = vector.shape_cast %parallel_loop3A_1008 : vector<16xf32> to vector<1x16xf32>
        tpu.vector_store %arg8[%parallel_loop3A_1009, %parallel_loop3A_1010], %parallel_loop3A_1013 {strides = array<i32>} : memref<64x128xf32, #tpu.memory_space<vmem>>, vector<1x16xf32>,
      } {sc.loop_unroll_factor = 4 : i64, sc.parallel_access}
      %mul3A_193 = arith.constant 64 : i32
      %mul3A_194 = arith.muli %add3A_138, %mul3A_193 : i32
      %add3A_195 = arith.addi %mul3A_2, %mul3A_194 : i32
      %dma_start3A_196 = arith.constant 0 : i32
      %dma_start3A_197 = tpu.memref_slice %arg5[%add3A_195, %dma_start3A_196] : memref<204800x128xf32, #tpu.memory_space<hbm>> -> memref<64x128xf32, #tpu.memory_space<hbm>>
      %dma_start3A_198 = arith.constant 0 : i32
      %dma_start3A_199 = tpu.memref_slice %arg5[%add3A_195, %dma_start3A_198] : memref<204800x128xf32, #tpu.memory_space<hbm>> -> memref<64x128xf32, #tpu.memory_space<hbm>>
      tpu.enqueue_dma source(%arg8 : memref<64x128xf32, #tpu.memory_space<vmem>>) target(%dma_start3A_199 : memref<64x128xf32, #tpu.memory_space<hbm>>) target_semaphore(%arg28 : memref<!tpu.dma_semaphore, #tpu.memory_space<semaphore_mem>>)
      %ge3A = arith.constant 1 : i32
      %ge3A_200 = arith.cmpi sge, %add3A_138, %ge3A : i32
      %add3A_201 = arith.constant 10 : i32
      %add3A_202 = arith.addi %add3A_138, %add3A_201 : i32
      %sub3A_203 = arith.constant 1 : i32
      %sub3A_204 = arith.subi %add3A_202, %sub3A_203 : i32
      %lt3A = arith.constant 100 : i32
      %lt3A_205 = arith.cmpi slt, %sub3A_204, %lt3A : i32
      %and3A = arith.andi %ge3A_200, %lt3A_205 : i1
      %convert_element_type3A = arith.extui %and3A : i1 to i32
      %cond3A = arith.constant 0 : i32
      %cond3A_206 = arith.cmpi ne, %convert_element_type3A, %cond3A : i32
      scf.if %cond3A_206 {
        %sub3A_909 = arith.constant 1 : i32
        %sub3A_910 = arith.subi %add3A_138, %sub3A_909 : i32
        %mul3A_911 = arith.constant 64 : i32
        %mul3A_912 = arith.muli %sub3A_910, %mul3A_911 : i32
        %add3A_913 = arith.addi %mul3A_2, %mul3A_912 : i32
        %dma_wait3A_914 = arith.constant 0 : i32
        %dma_wait3A_915 = tpu.memref_slice %arg5[%add3A_913, %dma_wait3A_914] : memref<204800x128xf32, #tpu.memory_space<hbm>> -> memref<64x128xf32, #tpu.memory_space<hbm>>
        %dma_wait3A_916 = arith.constant 0 : i32
        %dma_wait3A_917 = tpu.memref_slice %arg5[%add3A_913, %dma_wait3A_916] : memref<204800x128xf32, #tpu.memory_space<hbm>> -> memref<64x128xf32, #tpu.memory_space<hbm>>
        tpu.wait_dma2 semaphore(%arg37 : memref<!tpu.dma_semaphore, #tpu.memory_space<semaphore_mem>>) src(%arg17 : memref<64x128xf32, #tpu.memory_space<vmem>>) dst(%dma_wait3A_917 : memref<64x128xf32, #tpu.memory_space<hbm>>)
        %add3A_918 = arith.constant 10 : i32
        %add3A_919 = arith.addi %add3A_138, %add3A_918 : i32
        %sub3A_920 = arith.constant 1 : i32
        %sub3A_921 = arith.subi %add3A_919, %sub3A_920 : i32
        %mul3A_922 = arith.constant 64 : i32
        %mul3A_923 = arith.muli %sub3A_921, %mul3A_922 : i32
        %dma_start3A_924 = tpu.memref_slice %arg6[%mul3A_923] : memref<6400xi32, #tpu.memory_space<vmem>> -> memref<64xi32, #tpu.memory_space<vmem>>
        %dma_start3A_925 = arith.constant 0 : i32
        %dma_start3A_926 = arith.constant 0 : i32
        %dma_start3A_927 = tpu.memref_slice %arg4[%dma_start3A_925, %dma_start3A_926] : memref<100000x128xf32, #tpu.memory_space<hbm>> -> memref<100000x128xf32, #tpu.memory_space<hbm>>
        tpu.enqueue_indirect_dma source(%dma_start3A_927 : memref<100000x128xf32, #tpu.memory_space<hbm>>) target(%arg17 : memref<64x128xf32, #tpu.memory_space<vmem>>) offsets(%dma_start3A_924 : memref<64xi32, #tpu.memory_space<vmem>>) semaphore(%arg27 : memref<!tpu.dma_semaphore, #tpu.memory_space<semaphore_mem>>)
      } else {
      }
      %add3A_207 = arith.constant 1 : i32
      %add3A_208 = arith.addi %add3A_136, %add3A_207 : i32
      %mul3A_209 = arith.constant 64 : i32
      %mul3A_210 = arith.muli %add3A_208, %mul3A_209 : i32
      %dma_wait3A_211 = tpu.memref_slice %arg6[%mul3A_210] : memref<6400xi32, #tpu.memory_space<vmem>> -> memref<64xi32, #tpu.memory_space<vmem>>
      %dma_wait3A_212 = arith.constant 0 : i32
      %dma_wait3A_213 = arith.constant 0 : i32
      %dma_wait3A_214 = tpu.memref_slice %arg4[%dma_wait3A_212, %dma_wait3A_213] : memref<100000x128xf32, #tpu.memory_space<hbm>> -> memref<100000x128xf32, #tpu.memory_space<hbm>>
      tpu.wait_indirect_dma semaphore(%arg19 : memref<!tpu.dma_semaphore, #tpu.memory_space<semaphore_mem>>) src(%dma_wait3A_214 : memref<100000x128xf32, #tpu.memory_space<hbm>>) dst(%arg9 : memref<64x128xf32, #tpu.memory_space<vmem>>)
      %mul3A_215 = arith.constant 64 : i32
      %mul3A_216 = arith.muli %add3A_208, %mul3A_215 : i32
      %add3A_217 = arith.addi %mul3A_2, %mul3A_216 : i32
      %shift_right_arithmetic3A_218 = arith.constant 10 : i32
      %shift_right_arithmetic3A_219 = arith.shrsi %add3A_217, %shift_right_arithmetic3A_218 : i32
      %sub3A_220 = arith.subi %shift_right_arithmetic3A_219, %shift_right_arithmetic3A_3 : i32
      %mul3A_221 = arith.constant 128 : i32
      %mul3A_222 = arith.muli %sub3A_220, %mul3A_221 : i32
      %add3A_223 = arith.constant 0 : i32
      %add3A_224 = arith.addi %mul3A_222, %add3A_223 : i32
      %get3A_225 = arith.index_cast %add3A_224 : i32 to index
      %get3A_226 = tpu.vector_load %arg7[%get3A_225] {strides = array<i32>} : memref<1024xf32, #tpu.memory_space<vmem>>, vector<16xf32>,
      %get3A_227 = vector.shape_cast %get3A_226 : vector<16xf32> to vector<16xf32>
      %add3A_228 = arith.constant 16 : i32
      %add3A_229 = arith.addi %mul3A_222, %add3A_228 : i32
      %get3A_230 = arith.index_cast %add3A_229 : i32 to index
      %get3A_231 = tpu.vector_load %arg7[%get3A_230] {strides = array<i32>} : memref<1024xf32, #tpu.memory_space<vmem>>, vector<16xf32>,
      %get3A_232 = vector.shape_cast %get3A_231 : vector<16xf32> to vector<16xf32>
      %add3A_233 = arith.constant 32 : i32
      %add3A_234 = arith.addi %mul3A_222, %add3A_233 : i32
      %get3A_235 = arith.index_cast %add3A_234 : i32 to index
      %get3A_236 = tpu.vector_load %arg7[%get3A_235] {strides = array<i32>} : memref<1024xf32, #tpu.memory_space<vmem>>, vector<16xf32>,
      %get3A_237 = vector.shape_cast %get3A_236 : vector<16xf32> to vector<16xf32>
      %add3A_238 = arith.constant 48 : i32
      %add3A_239 = arith.addi %mul3A_222, %add3A_238 : i32
      %get3A_240 = arith.index_cast %add3A_239 : i32 to index
      %get3A_241 = tpu.vector_load %arg7[%get3A_240] {strides = array<i32>} : memref<1024xf32, #tpu.memory_space<vmem>>, vector<16xf32>,
      %get3A_242 = vector.shape_cast %get3A_241 : vector<16xf32> to vector<16xf32>
      %add3A_243 = arith.constant 64 : i32
      %add3A_244 = arith.addi %mul3A_222, %add3A_243 : i32
      %get3A_245 = arith.index_cast %add3A_244 : i32 to index
      %get3A_246 = tpu.vector_load %arg7[%get3A_245] {strides = array<i32>} : memref<1024xf32, #tpu.memory_space<vmem>>, vector<16xf32>,
      %get3A_247 = vector.shape_cast %get3A_246 : vector<16xf32> to vector<16xf32>
      %add3A_248 = arith.constant 80 : i32
      %add3A_249 = arith.addi %mul3A_222, %add3A_248 : i32
      %get3A_250 = arith.index_cast %add3A_249 : i32 to index
      %get3A_251 = tpu.vector_load %arg7[%get3A_250] {strides = array<i32>} : memref<1024xf32, #tpu.memory_space<vmem>>, vector<16xf32>,
      %get3A_252 = vector.shape_cast %get3A_251 : vector<16xf32> to vector<16xf32>
      %add3A_253 = arith.constant 96 : i32
      %add3A_254 = arith.addi %mul3A_222, %add3A_253 : i32
      %get3A_255 = arith.index_cast %add3A_254 : i32 to index
      %get3A_256 = tpu.vector_load %arg7[%get3A_255] {strides = array<i32>} : memref<1024xf32, #tpu.memory_space<vmem>>, vector<16xf32>,
      %get3A_257 = vector.shape_cast %get3A_256 : vector<16xf32> to vector<16xf32>
      %add3A_258 = arith.constant 112 : i32
      %add3A_259 = arith.addi %mul3A_222, %add3A_258 : i32
      %get3A_260 = arith.index_cast %add3A_259 : i32 to index
      %get3A_261 = tpu.vector_load %arg7[%get3A_260] {strides = array<i32>} : memref<1024xf32, #tpu.memory_space<vmem>>, vector<16xf32>,
      %get3A_262 = vector.shape_cast %get3A_261 : vector<16xf32> to vector<16xf32>
      %parallel_loop3A_263 = arith.constant 0 : i32
      %parallel_loop3A_264 = arith.constant 64 : i32
      %parallel_loop3A_265 = arith.constant 1 : i32
      scf.for %parallel_loop3A_909 = %parallel_loop3A_263 to %parallel_loop3A_264 step %parallel_loop3A_265  : i32 {
        %parallel_loop3A_910 = arith.index_cast %parallel_loop3A_909 : i32 to index
        %parallel_loop3A_911 = arith.constant 0 : index
        %parallel_loop3A_912 = tpu.vector_load %arg9[%parallel_loop3A_910, %parallel_loop3A_911] {strides = array<i32>} : memref<64x128xf32, #tpu.memory_space<vmem>>, vector<1x16xf32>,
        %parallel_loop3A_913 = vector.shape_cast %parallel_loop3A_912 : vector<1x16xf32> to vector<16xf32>
        %parallel_loop3A_914 = arith.constant 11.3137083 : f32
        %parallel_loop3A_915 = vector.broadcast %parallel_loop3A_914 : f32 to vector<16xf32>
        %parallel_loop3A_916 = arith.mulf %parallel_loop3A_913, %parallel_loop3A_915 : vector<16xf32>
        %parallel_loop3A_917 = arith.addf %parallel_loop3A_916, %get3A_227 : vector<16xf32>
        %parallel_loop3A_918 = arith.index_cast %parallel_loop3A_909 : i32 to index
        %parallel_loop3A_919 = arith.constant 0 : index
        %parallel_loop3A_920 = tpu.vector_load %arg9[%parallel_loop3A_918, %parallel_loop3A_919] {strides = array<i32>} : memref<64x128xf32, #tpu.memory_space<vmem>>, vector<1x16xf32>,
        %parallel_loop3A_921 = vector.shape_cast %parallel_loop3A_920 : vector<1x16xf32> to vector<16xf32>
        %parallel_loop3A_922 = vector.shape_cast %parallel_loop3A_917 : vector<16xf32> to vector<1x16xf32>
        tpu.vector_store %arg9[%parallel_loop3A_918, %parallel_loop3A_919], %parallel_loop3A_922 {strides = array<i32>} : memref<64x128xf32, #tpu.memory_space<vmem>>, vector<1x16xf32>,
        %parallel_loop3A_923 = arith.index_cast %parallel_loop3A_909 : i32 to index
        %parallel_loop3A_924 = arith.constant 16 : index
        %parallel_loop3A_925 = tpu.vector_load %arg9[%parallel_loop3A_923, %parallel_loop3A_924] {strides = array<i32>} : memref<64x128xf32, #tpu.memory_space<vmem>>, vector<1x16xf32>,
        %parallel_loop3A_926 = vector.shape_cast %parallel_loop3A_925 : vector<1x16xf32> to vector<16xf32>
        %parallel_loop3A_927 = arith.constant 11.3137083 : f32
        %parallel_loop3A_928 = vector.broadcast %parallel_loop3A_927 : f32 to vector<16xf32>
        %parallel_loop3A_929 = arith.mulf %parallel_loop3A_926, %parallel_loop3A_928 : vector<16xf32>
        %parallel_loop3A_930 = arith.addf %parallel_loop3A_929, %get3A_232 : vector<16xf32>
        %parallel_loop3A_931 = arith.index_cast %parallel_loop3A_909 : i32 to index
        %parallel_loop3A_932 = arith.constant 16 : index
        %parallel_loop3A_933 = tpu.vector_load %arg9[%parallel_loop3A_931, %parallel_loop3A_932] {strides = array<i32>} : memref<64x128xf32, #tpu.memory_space<vmem>>, vector<1x16xf32>,
        %parallel_loop3A_934 = vector.shape_cast %parallel_loop3A_933 : vector<1x16xf32> to vector<16xf32>
        %parallel_loop3A_935 = vector.shape_cast %parallel_loop3A_930 : vector<16xf32> to vector<1x16xf32>
        tpu.vector_store %arg9[%parallel_loop3A_931, %parallel_loop3A_932], %parallel_loop3A_935 {strides = array<i32>} : memref<64x128xf32, #tpu.memory_space<vmem>>, vector<1x16xf32>,
        %parallel_loop3A_936 = arith.index_cast %parallel_loop3A_909 : i32 to index
        %parallel_loop3A_937 = arith.constant 32 : index
        %parallel_loop3A_938 = tpu.vector_load %arg9[%parallel_loop3A_936, %parallel_loop3A_937] {strides = array<i32>} : memref<64x128xf32, #tpu.memory_space<vmem>>, vector<1x16xf32>,
        %parallel_loop3A_939 = vector.shape_cast %parallel_loop3A_938 : vector<1x16xf32> to vector<16xf32>
        %parallel_loop3A_940 = arith.constant 11.3137083 : f32
        %parallel_loop3A_941 = vector.broadcast %parallel_loop3A_940 : f32 to vector<16xf32>
        %parallel_loop3A_942 = arith.mulf %parallel_loop3A_939, %parallel_loop3A_941 : vector<16xf32>
        %parallel_loop3A_943 = arith.addf %parallel_loop3A_942, %get3A_237 : vector<16xf32>
        %parallel_loop3A_944 = arith.index_cast %parallel_loop3A_909 : i32 to index
        %parallel_loop3A_945 = arith.constant 32 : index
        %parallel_loop3A_946 = tpu.vector_load %arg9[%parallel_loop3A_944, %parallel_loop3A_945] {strides = array<i32>} : memref<64x128xf32, #tpu.memory_space<vmem>>, vector<1x16xf32>,
        %parallel_loop3A_947 = vector.shape_cast %parallel_loop3A_946 : vector<1x16xf32> to vector<16xf32>
        %parallel_loop3A_948 = vector.shape_cast %parallel_loop3A_943 : vector<16xf32> to vector<1x16xf32>
        tpu.vector_store %arg9[%parallel_loop3A_944, %parallel_loop3A_945], %parallel_loop3A_948 {strides = array<i32>} : memref<64x128xf32, #tpu.memory_space<vmem>>, vector<1x16xf32>,
        %parallel_loop3A_949 = arith.index_cast %parallel_loop3A_909 : i32 to index
        %parallel_loop3A_950 = arith.constant 48 : index
        %parallel_loop3A_951 = tpu.vector_load %arg9[%parallel_loop3A_949, %parallel_loop3A_950] {strides = array<i32>} : memref<64x128xf32, #tpu.memory_space<vmem>>, vector<1x16xf32>,
        %parallel_loop3A_952 = vector.shape_cast %parallel_loop3A_951 : vector<1x16xf32> to vector<16xf32>
        %parallel_loop3A_953 = arith.constant 11.3137083 : f32
        %parallel_loop3A_954 = vector.broadcast %parallel_loop3A_953 : f32 to vector<16xf32>
        %parallel_loop3A_955 = arith.mulf %parallel_loop3A_952, %parallel_loop3A_954 : vector<16xf32>
        %parallel_loop3A_956 = arith.addf %parallel_loop3A_955, %get3A_242 : vector<16xf32>
        %parallel_loop3A_957 = arith.index_cast %parallel_loop3A_909 : i32 to index
        %parallel_loop3A_958 = arith.constant 48 : index
        %parallel_loop3A_959 = tpu.vector_load %arg9[%parallel_loop3A_957, %parallel_loop3A_958] {strides = array<i32>} : memref<64x128xf32, #tpu.memory_space<vmem>>, vector<1x16xf32>,
        %parallel_loop3A_960 = vector.shape_cast %parallel_loop3A_959 : vector<1x16xf32> to vector<16xf32>
        %parallel_loop3A_961 = vector.shape_cast %parallel_loop3A_956 : vector<16xf32> to vector<1x16xf32>
        tpu.vector_store %arg9[%parallel_loop3A_957, %parallel_loop3A_958], %parallel_loop3A_961 {strides = array<i32>} : memref<64x128xf32, #tpu.memory_space<vmem>>, vector<1x16xf32>,
        %parallel_loop3A_962 = arith.index_cast %parallel_loop3A_909 : i32 to index
        %parallel_loop3A_963 = arith.constant 64 : index
        %parallel_loop3A_964 = tpu.vector_load %arg9[%parallel_loop3A_962, %parallel_loop3A_963] {strides = array<i32>} : memref<64x128xf32, #tpu.memory_space<vmem>>, vector<1x16xf32>,
        %parallel_loop3A_965 = vector.shape_cast %parallel_loop3A_964 : vector<1x16xf32> to vector<16xf32>
        %parallel_loop3A_966 = arith.constant 11.3137083 : f32
        %parallel_loop3A_967 = vector.broadcast %parallel_loop3A_966 : f32 to vector<16xf32>
        %parallel_loop3A_968 = arith.mulf %parallel_loop3A_965, %parallel_loop3A_967 : vector<16xf32>
        %parallel_loop3A_969 = arith.addf %parallel_loop3A_968, %get3A_247 : vector<16xf32>
        %parallel_loop3A_970 = arith.index_cast %parallel_loop3A_909 : i32 to index
        %parallel_loop3A_971 = arith.constant 64 : index
        %parallel_loop3A_972 = tpu.vector_load %arg9[%parallel_loop3A_970, %parallel_loop3A_971] {strides = array<i32>} : memref<64x128xf32, #tpu.memory_space<vmem>>, vector<1x16xf32>,
        %parallel_loop3A_973 = vector.shape_cast %parallel_loop3A_972 : vector<1x16xf32> to vector<16xf32>
        %parallel_loop3A_974 = vector.shape_cast %parallel_loop3A_969 : vector<16xf32> to vector<1x16xf32>
        tpu.vector_store %arg9[%parallel_loop3A_970, %parallel_loop3A_971], %parallel_loop3A_974 {strides = array<i32>} : memref<64x128xf32, #tpu.memory_space<vmem>>, vector<1x16xf32>,
        %parallel_loop3A_975 = arith.index_cast %parallel_loop3A_909 : i32 to index
        %parallel_loop3A_976 = arith.constant 80 : index
        %parallel_loop3A_977 = tpu.vector_load %arg9[%parallel_loop3A_975, %parallel_loop3A_976] {strides = array<i32>} : memref<64x128xf32, #tpu.memory_space<vmem>>, vector<1x16xf32>,
        %parallel_loop3A_978 = vector.shape_cast %parallel_loop3A_977 : vector<1x16xf32> to vector<16xf32>
        %parallel_loop3A_979 = arith.constant 11.3137083 : f32
        %parallel_loop3A_980 = vector.broadcast %parallel_loop3A_979 : f32 to vector<16xf32>
        %parallel_loop3A_981 = arith.mulf %parallel_loop3A_978, %parallel_loop3A_980 : vector<16xf32>
        %parallel_loop3A_982 = arith.addf %parallel_loop3A_981, %get3A_252 : vector<16xf32>
        %parallel_loop3A_983 = arith.index_cast %parallel_loop3A_909 : i32 to index
        %parallel_loop3A_984 = arith.constant 80 : index
        %parallel_loop3A_985 = tpu.vector_load %arg9[%parallel_loop3A_983, %parallel_loop3A_984] {strides = array<i32>} : memref<64x128xf32, #tpu.memory_space<vmem>>, vector<1x16xf32>,
        %parallel_loop3A_986 = vector.shape_cast %parallel_loop3A_985 : vector<1x16xf32> to vector<16xf32>
        %parallel_loop3A_987 = vector.shape_cast %parallel_loop3A_982 : vector<16xf32> to vector<1x16xf32>
        tpu.vector_store %arg9[%parallel_loop3A_983, %parallel_loop3A_984], %parallel_loop3A_987 {strides = array<i32>} : memref<64x128xf32, #tpu.memory_space<vmem>>, vector<1x16xf32>,
        %parallel_loop3A_988 = arith.index_cast %parallel_loop3A_909 : i32 to index
        %parallel_loop3A_989 = arith.constant 96 : index
        %parallel_loop3A_990 = tpu.vector_load %arg9[%parallel_loop3A_988, %parallel_loop3A_989] {strides = array<i32>} : memref<64x128xf32, #tpu.memory_space<vmem>>, vector<1x16xf32>,
        %parallel_loop3A_991 = vector.shape_cast %parallel_loop3A_990 : vector<1x16xf32> to vector<16xf32>
        %parallel_loop3A_992 = arith.constant 11.3137083 : f32
        %parallel_loop3A_993 = vector.broadcast %parallel_loop3A_992 : f32 to vector<16xf32>
        %parallel_loop3A_994 = arith.mulf %parallel_loop3A_991, %parallel_loop3A_993 : vector<16xf32>
        %parallel_loop3A_995 = arith.addf %parallel_loop3A_994, %get3A_257 : vector<16xf32>
        %parallel_loop3A_996 = arith.index_cast %parallel_loop3A_909 : i32 to index
        %parallel_loop3A_997 = arith.constant 96 : index
        %parallel_loop3A_998 = tpu.vector_load %arg9[%parallel_loop3A_996, %parallel_loop3A_997] {strides = array<i32>} : memref<64x128xf32, #tpu.memory_space<vmem>>, vector<1x16xf32>,
        %parallel_loop3A_999 = vector.shape_cast %parallel_loop3A_998 : vector<1x16xf32> to vector<16xf32>
        %parallel_loop3A_1000 = vector.shape_cast %parallel_loop3A_995 : vector<16xf32> to vector<1x16xf32>
        tpu.vector_store %arg9[%parallel_loop3A_996, %parallel_loop3A_997], %parallel_loop3A_1000 {strides = array<i32>} : memref<64x128xf32, #tpu.memory_space<vmem>>, vector<1x16xf32>,
        %parallel_loop3A_1001 = arith.index_cast %parallel_loop3A_909 : i32 to index
        %parallel_loop3A_1002 = arith.constant 112 : index
        %parallel_loop3A_1003 = tpu.vector_load %arg9[%parallel_loop3A_1001, %parallel_loop3A_1002] {strides = array<i32>} : memref<64x128xf32, #tpu.memory_space<vmem>>, vector<1x16xf32>,
        %parallel_loop3A_1004 = vector.shape_cast %parallel_loop3A_1003 : vector<1x16xf32> to vector<16xf32>
        %parallel_loop3A_1005 = arith.constant 11.3137083 : f32
        %parallel_loop3A_1006 = vector.broadcast %parallel_loop3A_1005 : f32 to vector<16xf32>
        %parallel_loop3A_1007 = arith.mulf %parallel_loop3A_1004, %parallel_loop3A_1006 : vector<16xf32>
        %parallel_loop3A_1008 = arith.addf %parallel_loop3A_1007, %get3A_262 : vector<16xf32>
        %parallel_loop3A_1009 = arith.index_cast %parallel_loop3A_909 : i32 to index
        %parallel_loop3A_1010 = arith.constant 112 : index
        %parallel_loop3A_1011 = tpu.vector_load %arg9[%parallel_loop3A_1009, %parallel_loop3A_1010] {strides = array<i32>} : memref<64x128xf32, #tpu.memory_space<vmem>>, vector<1x16xf32>,
        %parallel_loop3A_1012 = vector.shape_cast %parallel_loop3A_1011 : vector<1x16xf32> to vector<16xf32>
        %parallel_loop3A_1013 = vector.shape_cast %parallel_loop3A_1008 : vector<16xf32> to vector<1x16xf32>
        tpu.vector_store %arg9[%parallel_loop3A_1009, %parallel_loop3A_1010], %parallel_loop3A_1013 {strides = array<i32>} : memref<64x128xf32, #tpu.memory_space<vmem>>, vector<1x16xf32>,
      } {sc.loop_unroll_factor = 4 : i64, sc.parallel_access}
      %mul3A_266 = arith.constant 64 : i32
      %mul3A_267 = arith.muli %add3A_208, %mul3A_266 : i32
      %add3A_268 = arith.addi %mul3A_2, %mul3A_267 : i32
      %dma_start3A_269 = arith.constant 0 : i32
      %dma_start3A_270 = tpu.memref_slice %arg5[%add3A_268, %dma_start3A_269] : memref<204800x128xf32, #tpu.memory_space<hbm>> -> memref<64x128xf32, #tpu.memory_space<hbm>>
      %dma_start3A_271 = arith.constant 0 : i32
      %dma_start3A_272 = tpu.memref_slice %arg5[%add3A_268, %dma_start3A_271] : memref<204800x128xf32, #tpu.memory_space<hbm>> -> memref<64x128xf32, #tpu.memory_space<hbm>>
      tpu.enqueue_dma source(%arg9 : memref<64x128xf32, #tpu.memory_space<vmem>>) target(%dma_start3A_272 : memref<64x128xf32, #tpu.memory_space<hbm>>) target_semaphore(%arg29 : memref<!tpu.dma_semaphore, #tpu.memory_space<semaphore_mem>>)
      %ge3A_273 = arith.constant 1 : i32
      %ge3A_274 = arith.cmpi sge, %add3A_208, %ge3A_273 : i32
      %add3A_275 = arith.constant 10 : i32
      %add3A_276 = arith.addi %add3A_208, %add3A_275 : i32
      %sub3A_277 = arith.constant 1 : i32
      %sub3A_278 = arith.subi %add3A_276, %sub3A_277 : i32
      %lt3A_279 = arith.constant 100 : i32
      %lt3A_280 = arith.cmpi slt, %sub3A_278, %lt3A_279 : i32
      %and3A_281 = arith.andi %ge3A_274, %lt3A_280 : i1
      %convert_element_type3A_282 = arith.extui %and3A_281 : i1 to i32
      %cond3A_283 = arith.constant 0 : i32
      %cond3A_284 = arith.cmpi ne, %convert_element_type3A_282, %cond3A_283 : i32
      scf.if %cond3A_284 {
        %sub3A_909 = arith.constant 1 : i32
        %sub3A_910 = arith.subi %add3A_208, %sub3A_909 : i32
        %mul3A_911 = arith.constant 64 : i32
        %mul3A_912 = arith.muli %sub3A_910, %mul3A_911 : i32
        %add3A_913 = arith.addi %mul3A_2, %mul3A_912 : i32
        %dma_wait3A_914 = arith.constant 0 : i32
        %dma_wait3A_915 = tpu.memref_slice %arg5[%add3A_913, %dma_wait3A_914] : memref<204800x128xf32, #tpu.memory_space<hbm>> -> memref<64x128xf32, #tpu.memory_space<hbm>>
        %dma_wait3A_916 = arith.constant 0 : i32
        %dma_wait3A_917 = tpu.memref_slice %arg5[%add3A_913, %dma_wait3A_916] : memref<204800x128xf32, #tpu.memory_space<hbm>> -> memref<64x128xf32, #tpu.memory_space<hbm>>
        tpu.wait_dma2 semaphore(%arg28 : memref<!tpu.dma_semaphore, #tpu.memory_space<semaphore_mem>>) src(%arg8 : memref<64x128xf32, #tpu.memory_space<vmem>>) dst(%dma_wait3A_917 : memref<64x128xf32, #tpu.memory_space<hbm>>)
        %add3A_918 = arith.constant 10 : i32
        %add3A_919 = arith.addi %add3A_208, %add3A_918 : i32
        %sub3A_920 = arith.constant 1 : i32
        %sub3A_921 = arith.subi %add3A_919, %sub3A_920 : i32
        %mul3A_922 = arith.constant 64 : i32
        %mul3A_923 = arith.muli %sub3A_921, %mul3A_922 : i32
        %dma_start3A_924 = tpu.memref_slice %arg6[%mul3A_923] : memref<6400xi32, #tpu.memory_space<vmem>> -> memref<64xi32, #tpu.memory_space<vmem>>
        %dma_start3A_925 = arith.constant 0 : i32
        %dma_start3A_926 = arith.constant 0 : i32
        %dma_start3A_927 = tpu.memref_slice %arg4[%dma_start3A_925, %dma_start3A_926] : memref<100000x128xf32, #tpu.memory_space<hbm>> -> memref<100000x128xf32, #tpu.memory_space<hbm>>
        tpu.enqueue_indirect_dma source(%dma_start3A_927 : memref<100000x128xf32, #tpu.memory_space<hbm>>) target(%arg8 : memref<64x128xf32, #tpu.memory_space<vmem>>) offsets(%dma_start3A_924 : memref<64xi32, #tpu.memory_space<vmem>>) semaphore(%arg18 : memref<!tpu.dma_semaphore, #tpu.memory_space<semaphore_mem>>)
      } else {
      }
      %add3A_285 = arith.constant 2 : i32
      %add3A_286 = arith.addi %add3A_136, %add3A_285 : i32
      %mul3A_287 = arith.constant 64 : i32
      %mul3A_288 = arith.muli %add3A_286, %mul3A_287 : i32
      %dma_wait3A_289 = tpu.memref_slice %arg6[%mul3A_288] : memref<6400xi32, #tpu.memory_space<vmem>> -> memref<64xi32, #tpu.memory_space<vmem>>
      %dma_wait3A_290 = arith.constant 0 : i32
      %dma_wait3A_291 = arith.constant 0 : i32
      %dma_wait3A_292 = tpu.memref_slice %arg4[%dma_wait3A_290, %dma_wait3A_291] : memref<100000x128xf32, #tpu.memory_space<hbm>> -> memref<100000x128xf32, #tpu.memory_space<hbm>>
      tpu.wait_indirect_dma semaphore(%arg20 : memref<!tpu.dma_semaphore, #tpu.memory_space<semaphore_mem>>) src(%dma_wait3A_292 : memref<100000x128xf32, #tpu.memory_space<hbm>>) dst(%arg10 : memref<64x128xf32, #tpu.memory_space<vmem>>)
      %mul3A_293 = arith.constant 64 : i32
      %mul3A_294 = arith.muli %add3A_286, %mul3A_293 : i32
      %add3A_295 = arith.addi %mul3A_2, %mul3A_294 : i32
      %shift_right_arithmetic3A_296 = arith.constant 10 : i32
      %shift_right_arithmetic3A_297 = arith.shrsi %add3A_295, %shift_right_arithmetic3A_296 : i32
      %sub3A_298 = arith.subi %shift_right_arithmetic3A_297, %shift_right_arithmetic3A_3 : i32
      %mul3A_299 = arith.constant 128 : i32
      %mul3A_300 = arith.muli %sub3A_298, %mul3A_299 : i32
      %add3A_301 = arith.constant 0 : i32
      %add3A_302 = arith.addi %mul3A_300, %add3A_301 : i32
      %get3A_303 = arith.index_cast %add3A_302 : i32 to index
      %get3A_304 = tpu.vector_load %arg7[%get3A_303] {strides = array<i32>} : memref<1024xf32, #tpu.memory_space<vmem>>, vector<16xf32>,
      %get3A_305 = vector.shape_cast %get3A_304 : vector<16xf32> to vector<16xf32>
      %add3A_306 = arith.constant 16 : i32
      %add3A_307 = arith.addi %mul3A_300, %add3A_306 : i32
      %get3A_308 = arith.index_cast %add3A_307 : i32 to index
      %get3A_309 = tpu.vector_load %arg7[%get3A_308] {strides = array<i32>} : memref<1024xf32, #tpu.memory_space<vmem>>, vector<16xf32>,
      %get3A_310 = vector.shape_cast %get3A_309 : vector<16xf32> to vector<16xf32>
      %add3A_311 = arith.constant 32 : i32
      %add3A_312 = arith.addi %mul3A_300, %add3A_311 : i32
      %get3A_313 = arith.index_cast %add3A_312 : i32 to index
      %get3A_314 = tpu.vector_load %arg7[%get3A_313] {strides = array<i32>} : memref<1024xf32, #tpu.memory_space<vmem>>, vector<16xf32>,
      %get3A_315 = vector.shape_cast %get3A_314 : vector<16xf32> to vector<16xf32>
      %add3A_316 = arith.constant 48 : i32
      %add3A_317 = arith.addi %mul3A_300, %add3A_316 : i32
      %get3A_318 = arith.index_cast %add3A_317 : i32 to index
      %get3A_319 = tpu.vector_load %arg7[%get3A_318] {strides = array<i32>} : memref<1024xf32, #tpu.memory_space<vmem>>, vector<16xf32>,
      %get3A_320 = vector.shape_cast %get3A_319 : vector<16xf32> to vector<16xf32>
      %add3A_321 = arith.constant 64 : i32
      %add3A_322 = arith.addi %mul3A_300, %add3A_321 : i32
      %get3A_323 = arith.index_cast %add3A_322 : i32 to index
      %get3A_324 = tpu.vector_load %arg7[%get3A_323] {strides = array<i32>} : memref<1024xf32, #tpu.memory_space<vmem>>, vector<16xf32>,
      %get3A_325 = vector.shape_cast %get3A_324 : vector<16xf32> to vector<16xf32>
      %add3A_326 = arith.constant 80 : i32
      %add3A_327 = arith.addi %mul3A_300, %add3A_326 : i32
      %get3A_328 = arith.index_cast %add3A_327 : i32 to index
      %get3A_329 = tpu.vector_load %arg7[%get3A_328] {strides = array<i32>} : memref<1024xf32, #tpu.memory_space<vmem>>, vector<16xf32>,
      %get3A_330 = vector.shape_cast %get3A_329 : vector<16xf32> to vector<16xf32>
      %add3A_331 = arith.constant 96 : i32
      %add3A_332 = arith.addi %mul3A_300, %add3A_331 : i32
      %get3A_333 = arith.index_cast %add3A_332 : i32 to index
      %get3A_334 = tpu.vector_load %arg7[%get3A_333] {strides = array<i32>} : memref<1024xf32, #tpu.memory_space<vmem>>, vector<16xf32>,
      %get3A_335 = vector.shape_cast %get3A_334 : vector<16xf32> to vector<16xf32>
      %add3A_336 = arith.constant 112 : i32
      %add3A_337 = arith.addi %mul3A_300, %add3A_336 : i32
      %get3A_338 = arith.index_cast %add3A_337 : i32 to index
      %get3A_339 = tpu.vector_load %arg7[%get3A_338] {strides = array<i32>} : memref<1024xf32, #tpu.memory_space<vmem>>, vector<16xf32>,
      %get3A_340 = vector.shape_cast %get3A_339 : vector<16xf32> to vector<16xf32>
      %parallel_loop3A_341 = arith.constant 0 : i32
      %parallel_loop3A_342 = arith.constant 64 : i32
      %parallel_loop3A_343 = arith.constant 1 : i32
      scf.for %parallel_loop3A_909 = %parallel_loop3A_341 to %parallel_loop3A_342 step %parallel_loop3A_343  : i32 {
        %parallel_loop3A_910 = arith.index_cast %parallel_loop3A_909 : i32 to index
        %parallel_loop3A_911 = arith.constant 0 : index
        %parallel_loop3A_912 = tpu.vector_load %arg10[%parallel_loop3A_910, %parallel_loop3A_911] {strides = array<i32>} : memref<64x128xf32, #tpu.memory_space<vmem>>, vector<1x16xf32>,
        %parallel_loop3A_913 = vector.shape_cast %parallel_loop3A_912 : vector<1x16xf32> to vector<16xf32>
        %parallel_loop3A_914 = arith.constant 11.3137083 : f32
        %parallel_loop3A_915 = vector.broadcast %parallel_loop3A_914 : f32 to vector<16xf32>
        %parallel_loop3A_916 = arith.mulf %parallel_loop3A_913, %parallel_loop3A_915 : vector<16xf32>
        %parallel_loop3A_917 = arith.addf %parallel_loop3A_916, %get3A_305 : vector<16xf32>
        %parallel_loop3A_918 = arith.index_cast %parallel_loop3A_909 : i32 to index
        %parallel_loop3A_919 = arith.constant 0 : index
        %parallel_loop3A_920 = tpu.vector_load %arg10[%parallel_loop3A_918, %parallel_loop3A_919] {strides = array<i32>} : memref<64x128xf32, #tpu.memory_space<vmem>>, vector<1x16xf32>,
        %parallel_loop3A_921 = vector.shape_cast %parallel_loop3A_920 : vector<1x16xf32> to vector<16xf32>
        %parallel_loop3A_922 = vector.shape_cast %parallel_loop3A_917 : vector<16xf32> to vector<1x16xf32>
        tpu.vector_store %arg10[%parallel_loop3A_918, %parallel_loop3A_919], %parallel_loop3A_922 {strides = array<i32>} : memref<64x128xf32, #tpu.memory_space<vmem>>, vector<1x16xf32>,
        %parallel_loop3A_923 = arith.index_cast %parallel_loop3A_909 : i32 to index
        %parallel_loop3A_924 = arith.constant 16 : index
        %parallel_loop3A_925 = tpu.vector_load %arg10[%parallel_loop3A_923, %parallel_loop3A_924] {strides = array<i32>} : memref<64x128xf32, #tpu.memory_space<vmem>>, vector<1x16xf32>,
        %parallel_loop3A_926 = vector.shape_cast %parallel_loop3A_925 : vector<1x16xf32> to vector<16xf32>
        %parallel_loop3A_927 = arith.constant 11.3137083 : f32
        %parallel_loop3A_928 = vector.broadcast %parallel_loop3A_927 : f32 to vector<16xf32>
        %parallel_loop3A_929 = arith.mulf %parallel_loop3A_926, %parallel_loop3A_928 : vector<16xf32>
        %parallel_loop3A_930 = arith.addf %parallel_loop3A_929, %get3A_310 : vector<16xf32>
        %parallel_loop3A_931 = arith.index_cast %parallel_loop3A_909 : i32 to index
        %parallel_loop3A_932 = arith.constant 16 : index
        %parallel_loop3A_933 = tpu.vector_load %arg10[%parallel_loop3A_931, %parallel_loop3A_932] {strides = array<i32>} : memref<64x128xf32, #tpu.memory_space<vmem>>, vector<1x16xf32>,
        %parallel_loop3A_934 = vector.shape_cast %parallel_loop3A_933 : vector<1x16xf32> to vector<16xf32>
        %parallel_loop3A_935 = vector.shape_cast %parallel_loop3A_930 : vector<16xf32> to vector<1x16xf32>
        tpu.vector_store %arg10[%parallel_loop3A_931, %parallel_loop3A_932], %parallel_loop3A_935 {strides = array<i32>} : memref<64x128xf32, #tpu.memory_space<vmem>>, vector<1x16xf32>,
        %parallel_loop3A_936 = arith.index_cast %parallel_loop3A_909 : i32 to index
        %parallel_loop3A_937 = arith.constant 32 : index
        %parallel_loop3A_938 = tpu.vector_load %arg10[%parallel_loop3A_936, %parallel_loop3A_937] {strides = array<i32>} : memref<64x128xf32, #tpu.memory_space<vmem>>, vector<1x16xf32>,
        %parallel_loop3A_939 = vector.shape_cast %parallel_loop3A_938 : vector<1x16xf32> to vector<16xf32>
        %parallel_loop3A_940 = arith.constant 11.3137083 : f32
        %parallel_loop3A_941 = vector.broadcast %parallel_loop3A_940 : f32 to vector<16xf32>
        %parallel_loop3A_942 = arith.mulf %parallel_loop3A_939, %parallel_loop3A_941 : vector<16xf32>
        %parallel_loop3A_943 = arith.addf %parallel_loop3A_942, %get3A_315 : vector<16xf32>
        %parallel_loop3A_944 = arith.index_cast %parallel_loop3A_909 : i32 to index
        %parallel_loop3A_945 = arith.constant 32 : index
        %parallel_loop3A_946 = tpu.vector_load %arg10[%parallel_loop3A_944, %parallel_loop3A_945] {strides = array<i32>} : memref<64x128xf32, #tpu.memory_space<vmem>>, vector<1x16xf32>,
        %parallel_loop3A_947 = vector.shape_cast %parallel_loop3A_946 : vector<1x16xf32> to vector<16xf32>
        %parallel_loop3A_948 = vector.shape_cast %parallel_loop3A_943 : vector<16xf32> to vector<1x16xf32>
        tpu.vector_store %arg10[%parallel_loop3A_944, %parallel_loop3A_945], %parallel_loop3A_948 {strides = array<i32>} : memref<64x128xf32, #tpu.memory_space<vmem>>, vector<1x16xf32>,
        %parallel_loop3A_949 = arith.index_cast %parallel_loop3A_909 : i32 to index
        %parallel_loop3A_950 = arith.constant 48 : index
        %parallel_loop3A_951 = tpu.vector_load %arg10[%parallel_loop3A_949, %parallel_loop3A_950] {strides = array<i32>} : memref<64x128xf32, #tpu.memory_space<vmem>>, vector<1x16xf32>,
        %parallel_loop3A_952 = vector.shape_cast %parallel_loop3A_951 : vector<1x16xf32> to vector<16xf32>
        %parallel_loop3A_953 = arith.constant 11.3137083 : f32
        %parallel_loop3A_954 = vector.broadcast %parallel_loop3A_953 : f32 to vector<16xf32>
        %parallel_loop3A_955 = arith.mulf %parallel_loop3A_952, %parallel_loop3A_954 : vector<16xf32>
        %parallel_loop3A_956 = arith.addf %parallel_loop3A_955, %get3A_320 : vector<16xf32>
        %parallel_loop3A_957 = arith.index_cast %parallel_loop3A_909 : i32 to index
        %parallel_loop3A_958 = arith.constant 48 : index
        %parallel_loop3A_959 = tpu.vector_load %arg10[%parallel_loop3A_957, %parallel_loop3A_958] {strides = array<i32>} : memref<64x128xf32, #tpu.memory_space<vmem>>, vector<1x16xf32>,
        %parallel_loop3A_960 = vector.shape_cast %parallel_loop3A_959 : vector<1x16xf32> to vector<16xf32>
        %parallel_loop3A_961 = vector.shape_cast %parallel_loop3A_956 : vector<16xf32> to vector<1x16xf32>
        tpu.vector_store %arg10[%parallel_loop3A_957, %parallel_loop3A_958], %parallel_loop3A_961 {strides = array<i32>} : memref<64x128xf32, #tpu.memory_space<vmem>>, vector<1x16xf32>,
        %parallel_loop3A_962 = arith.index_cast %parallel_loop3A_909 : i32 to index
        %parallel_loop3A_963 = arith.constant 64 : index
        %parallel_loop3A_964 = tpu.vector_load %arg10[%parallel_loop3A_962, %parallel_loop3A_963] {strides = array<i32>} : memref<64x128xf32, #tpu.memory_space<vmem>>, vector<1x16xf32>,
        %parallel_loop3A_965 = vector.shape_cast %parallel_loop3A_964 : vector<1x16xf32> to vector<16xf32>
        %parallel_loop3A_966 = arith.constant 11.3137083 : f32
        %parallel_loop3A_967 = vector.broadcast %parallel_loop3A_966 : f32 to vector<16xf32>
        %parallel_loop3A_968 = arith.mulf %parallel_loop3A_965, %parallel_loop3A_967 : vector<16xf32>
        %parallel_loop3A_969 = arith.addf %parallel_loop3A_968, %get3A_325 : vector<16xf32>
        %parallel_loop3A_970 = arith.index_cast %parallel_loop3A_909 : i32 to index
        %parallel_loop3A_971 = arith.constant 64 : index
        %parallel_loop3A_972 = tpu.vector_load %arg10[%parallel_loop3A_970, %parallel_loop3A_971] {strides = array<i32>} : memref<64x128xf32, #tpu.memory_space<vmem>>, vector<1x16xf32>,
        %parallel_loop3A_973 = vector.shape_cast %parallel_loop3A_972 : vector<1x16xf32> to vector<16xf32>
        %parallel_loop3A_974 = vector.shape_cast %parallel_loop3A_969 : vector<16xf32> to vector<1x16xf32>
        tpu.vector_store %arg10[%parallel_loop3A_970, %parallel_loop3A_971], %parallel_loop3A_974 {strides = array<i32>} : memref<64x128xf32, #tpu.memory_space<vmem>>, vector<1x16xf32>,
        %parallel_loop3A_975 = arith.index_cast %parallel_loop3A_909 : i32 to index
        %parallel_loop3A_976 = arith.constant 80 : index
        %parallel_loop3A_977 = tpu.vector_load %arg10[%parallel_loop3A_975, %parallel_loop3A_976] {strides = array<i32>} : memref<64x128xf32, #tpu.memory_space<vmem>>, vector<1x16xf32>,
        %parallel_loop3A_978 = vector.shape_cast %parallel_loop3A_977 : vector<1x16xf32> to vector<16xf32>
        %parallel_loop3A_979 = arith.constant 11.3137083 : f32
        %parallel_loop3A_980 = vector.broadcast %parallel_loop3A_979 : f32 to vector<16xf32>
        %parallel_loop3A_981 = arith.mulf %parallel_loop3A_978, %parallel_loop3A_980 : vector<16xf32>
        %parallel_loop3A_982 = arith.addf %parallel_loop3A_981, %get3A_330 : vector<16xf32>
        %parallel_loop3A_983 = arith.index_cast %parallel_loop3A_909 : i32 to index
        %parallel_loop3A_984 = arith.constant 80 : index
        %parallel_loop3A_985 = tpu.vector_load %arg10[%parallel_loop3A_983, %parallel_loop3A_984] {strides = array<i32>} : memref<64x128xf32, #tpu.memory_space<vmem>>, vector<1x16xf32>,
        %parallel_loop3A_986 = vector.shape_cast %parallel_loop3A_985 : vector<1x16xf32> to vector<16xf32>
        %parallel_loop3A_987 = vector.shape_cast %parallel_loop3A_982 : vector<16xf32> to vector<1x16xf32>
        tpu.vector_store %arg10[%parallel_loop3A_983, %parallel_loop3A_984], %parallel_loop3A_987 {strides = array<i32>} : memref<64x128xf32, #tpu.memory_space<vmem>>, vector<1x16xf32>,
        %parallel_loop3A_988 = arith.index_cast %parallel_loop3A_909 : i32 to index
        %parallel_loop3A_989 = arith.constant 96 : index
        %parallel_loop3A_990 = tpu.vector_load %arg10[%parallel_loop3A_988, %parallel_loop3A_989] {strides = array<i32>} : memref<64x128xf32, #tpu.memory_space<vmem>>, vector<1x16xf32>,
        %parallel_loop3A_991 = vector.shape_cast %parallel_loop3A_990 : vector<1x16xf32> to vector<16xf32>
        %parallel_loop3A_992 = arith.constant 11.3137083 : f32
        %parallel_loop3A_993 = vector.broadcast %parallel_loop3A_992 : f32 to vector<16xf32>
        %parallel_loop3A_994 = arith.mulf %parallel_loop3A_991, %parallel_loop3A_993 : vector<16xf32>
        %parallel_loop3A_995 = arith.addf %parallel_loop3A_994, %get3A_335 : vector<16xf32>
        %parallel_loop3A_996 = arith.index_cast %parallel_loop3A_909 : i32 to index
        %parallel_loop3A_997 = arith.constant 96 : index
        %parallel_loop3A_998 = tpu.vector_load %arg10[%parallel_loop3A_996, %parallel_loop3A_997] {strides = array<i32>} : memref<64x128xf32, #tpu.memory_space<vmem>>, vector<1x16xf32>,
        %parallel_loop3A_999 = vector.shape_cast %parallel_loop3A_998 : vector<1x16xf32> to vector<16xf32>
        %parallel_loop3A_1000 = vector.shape_cast %parallel_loop3A_995 : vector<16xf32> to vector<1x16xf32>
        tpu.vector_store %arg10[%parallel_loop3A_996, %parallel_loop3A_997], %parallel_loop3A_1000 {strides = array<i32>} : memref<64x128xf32, #tpu.memory_space<vmem>>, vector<1x16xf32>,
        %parallel_loop3A_1001 = arith.index_cast %parallel_loop3A_909 : i32 to index
        %parallel_loop3A_1002 = arith.constant 112 : index
        %parallel_loop3A_1003 = tpu.vector_load %arg10[%parallel_loop3A_1001, %parallel_loop3A_1002] {strides = array<i32>} : memref<64x128xf32, #tpu.memory_space<vmem>>, vector<1x16xf32>,
        %parallel_loop3A_1004 = vector.shape_cast %parallel_loop3A_1003 : vector<1x16xf32> to vector<16xf32>
        %parallel_loop3A_1005 = arith.constant 11.3137083 : f32
        %parallel_loop3A_1006 = vector.broadcast %parallel_loop3A_1005 : f32 to vector<16xf32>
        %parallel_loop3A_1007 = arith.mulf %parallel_loop3A_1004, %parallel_loop3A_1006 : vector<16xf32>
        %parallel_loop3A_1008 = arith.addf %parallel_loop3A_1007, %get3A_340 : vector<16xf32>
        %parallel_loop3A_1009 = arith.index_cast %parallel_loop3A_909 : i32 to index
        %parallel_loop3A_1010 = arith.constant 112 : index
        %parallel_loop3A_1011 = tpu.vector_load %arg10[%parallel_loop3A_1009, %parallel_loop3A_1010] {strides = array<i32>} : memref<64x128xf32, #tpu.memory_space<vmem>>, vector<1x16xf32>,
        %parallel_loop3A_1012 = vector.shape_cast %parallel_loop3A_1011 : vector<1x16xf32> to vector<16xf32>
        %parallel_loop3A_1013 = vector.shape_cast %parallel_loop3A_1008 : vector<16xf32> to vector<1x16xf32>
        tpu.vector_store %arg10[%parallel_loop3A_1009, %parallel_loop3A_1010], %parallel_loop3A_1013 {strides = array<i32>} : memref<64x128xf32, #tpu.memory_space<vmem>>, vector<1x16xf32>,
      } {sc.loop_unroll_factor = 4 : i64, sc.parallel_access}
      %mul3A_344 = arith.constant 64 : i32
      %mul3A_345 = arith.muli %add3A_286, %mul3A_344 : i32
      %add3A_346 = arith.addi %mul3A_2, %mul3A_345 : i32
      %dma_start3A_347 = arith.constant 0 : i32
      %dma_start3A_348 = tpu.memref_slice %arg5[%add3A_346, %dma_start3A_347] : memref<204800x128xf32, #tpu.memory_space<hbm>> -> memref<64x128xf32, #tpu.memory_space<hbm>>
      %dma_start3A_349 = arith.constant 0 : i32
      %dma_start3A_350 = tpu.memref_slice %arg5[%add3A_346, %dma_start3A_349] : memref<204800x128xf32, #tpu.memory_space<hbm>> -> memref<64x128xf32, #tpu.memory_space<hbm>>
      tpu.enqueue_dma source(%arg10 : memref<64x128xf32, #tpu.memory_space<vmem>>) target(%dma_start3A_350 : memref<64x128xf32, #tpu.memory_space<hbm>>) target_semaphore(%arg30 : memref<!tpu.dma_semaphore, #tpu.memory_space<semaphore_mem>>)
      %ge3A_351 = arith.constant 1 : i32
      %ge3A_352 = arith.cmpi sge, %add3A_286, %ge3A_351 : i32
      %add3A_353 = arith.constant 10 : i32
      %add3A_354 = arith.addi %add3A_286, %add3A_353 : i32
      %sub3A_355 = arith.constant 1 : i32
      %sub3A_356 = arith.subi %add3A_354, %sub3A_355 : i32
      %lt3A_357 = arith.constant 100 : i32
      %lt3A_358 = arith.cmpi slt, %sub3A_356, %lt3A_357 : i32
      %and3A_359 = arith.andi %ge3A_352, %lt3A_358 : i1
      %convert_element_type3A_360 = arith.extui %and3A_359 : i1 to i32
      %cond3A_361 = arith.constant 0 : i32
      %cond3A_362 = arith.cmpi ne, %convert_element_type3A_360, %cond3A_361 : i32
      scf.if %cond3A_362 {
        %sub3A_909 = arith.constant 1 : i32
        %sub3A_910 = arith.subi %add3A_286, %sub3A_909 : i32
        %mul3A_911 = arith.constant 64 : i32
        %mul3A_912 = arith.muli %sub3A_910, %mul3A_911 : i32
        %add3A_913 = arith.addi %mul3A_2, %mul3A_912 : i32
        %dma_wait3A_914 = arith.constant 0 : i32
        %dma_wait3A_915 = tpu.memref_slice %arg5[%add3A_913, %dma_wait3A_914] : memref<204800x128xf32, #tpu.memory_space<hbm>> -> memref<64x128xf32, #tpu.memory_space<hbm>>
        %dma_wait3A_916 = arith.constant 0 : i32
        %dma_wait3A_917 = tpu.memref_slice %arg5[%add3A_913, %dma_wait3A_916] : memref<204800x128xf32, #tpu.memory_space<hbm>> -> memref<64x128xf32, #tpu.memory_space<hbm>>
        tpu.wait_dma2 semaphore(%arg29 : memref<!tpu.dma_semaphore, #tpu.memory_space<semaphore_mem>>) src(%arg9 : memref<64x128xf32, #tpu.memory_space<vmem>>) dst(%dma_wait3A_917 : memref<64x128xf32, #tpu.memory_space<hbm>>)
        %add3A_918 = arith.constant 10 : i32
        %add3A_919 = arith.addi %add3A_286, %add3A_918 : i32
        %sub3A_920 = arith.constant 1 : i32
        %sub3A_921 = arith.subi %add3A_919, %sub3A_920 : i32
        %mul3A_922 = arith.constant 64 : i32
        %mul3A_923 = arith.muli %sub3A_921, %mul3A_922 : i32
        %dma_start3A_924 = tpu.memref_slice %arg6[%mul3A_923] : memref<6400xi32, #tpu.memory_space<vmem>> -> memref<64xi32, #tpu.memory_space<vmem>>
        %dma_start3A_925 = arith.constant 0 : i32
        %dma_start3A_926 = arith.constant 0 : i32
        %dma_start3A_927 = tpu.memref_slice %arg4[%dma_start3A_925, %dma_start3A_926] : memref<100000x128xf32, #tpu.memory_space<hbm>> -> memref<100000x128xf32, #tpu.memory_space<hbm>>
        tpu.enqueue_indirect_dma source(%dma_start3A_927 : memref<100000x128xf32, #tpu.memory_space<hbm>>) target(%arg9 : memref<64x128xf32, #tpu.memory_space<vmem>>) offsets(%dma_start3A_924 : memref<64xi32, #tpu.memory_space<vmem>>) semaphore(%arg19 : memref<!tpu.dma_semaphore, #tpu.memory_space<semaphore_mem>>)
      } else {
      }
      %add3A_363 = arith.constant 3 : i32
      %add3A_364 = arith.addi %add3A_136, %add3A_363 : i32
      %mul3A_365 = arith.constant 64 : i32
      %mul3A_366 = arith.muli %add3A_364, %mul3A_365 : i32
      %dma_wait3A_367 = tpu.memref_slice %arg6[%mul3A_366] : memref<6400xi32, #tpu.memory_space<vmem>> -> memref<64xi32, #tpu.memory_space<vmem>>
      %dma_wait3A_368 = arith.constant 0 : i32
      %dma_wait3A_369 = arith.constant 0 : i32
      %dma_wait3A_370 = tpu.memref_slice %arg4[%dma_wait3A_368, %dma_wait3A_369] : memref<100000x128xf32, #tpu.memory_space<hbm>> -> memref<100000x128xf32, #tpu.memory_space<hbm>>
      tpu.wait_indirect_dma semaphore(%arg21 : memref<!tpu.dma_semaphore, #tpu.memory_space<semaphore_mem>>) src(%dma_wait3A_370 : memref<100000x128xf32, #tpu.memory_space<hbm>>) dst(%arg11 : memref<64x128xf32, #tpu.memory_space<vmem>>)
      %mul3A_371 = arith.constant 64 : i32
      %mul3A_372 = arith.muli %add3A_364, %mul3A_371 : i32
      %add3A_373 = arith.addi %mul3A_2, %mul3A_372 : i32
      %shift_right_arithmetic3A_374 = arith.constant 10 : i32
      %shift_right_arithmetic3A_375 = arith.shrsi %add3A_373, %shift_right_arithmetic3A_374 : i32
      %sub3A_376 = arith.subi %shift_right_arithmetic3A_375, %shift_right_arithmetic3A_3 : i32
      %mul3A_377 = arith.constant 128 : i32
      %mul3A_378 = arith.muli %sub3A_376, %mul3A_377 : i32
      %add3A_379 = arith.constant 0 : i32
      %add3A_380 = arith.addi %mul3A_378, %add3A_379 : i32
      %get3A_381 = arith.index_cast %add3A_380 : i32 to index
      %get3A_382 = tpu.vector_load %arg7[%get3A_381] {strides = array<i32>} : memref<1024xf32, #tpu.memory_space<vmem>>, vector<16xf32>,
      %get3A_383 = vector.shape_cast %get3A_382 : vector<16xf32> to vector<16xf32>
      %add3A_384 = arith.constant 16 : i32
      %add3A_385 = arith.addi %mul3A_378, %add3A_384 : i32
      %get3A_386 = arith.index_cast %add3A_385 : i32 to index
      %get3A_387 = tpu.vector_load %arg7[%get3A_386] {strides = array<i32>} : memref<1024xf32, #tpu.memory_space<vmem>>, vector<16xf32>,
      %get3A_388 = vector.shape_cast %get3A_387 : vector<16xf32> to vector<16xf32>
      %add3A_389 = arith.constant 32 : i32
      %add3A_390 = arith.addi %mul3A_378, %add3A_389 : i32
      %get3A_391 = arith.index_cast %add3A_390 : i32 to index
      %get3A_392 = tpu.vector_load %arg7[%get3A_391] {strides = array<i32>} : memref<1024xf32, #tpu.memory_space<vmem>>, vector<16xf32>,
      %get3A_393 = vector.shape_cast %get3A_392 : vector<16xf32> to vector<16xf32>
      %add3A_394 = arith.constant 48 : i32
      %add3A_395 = arith.addi %mul3A_378, %add3A_394 : i32
      %get3A_396 = arith.index_cast %add3A_395 : i32 to index
      %get3A_397 = tpu.vector_load %arg7[%get3A_396] {strides = array<i32>} : memref<1024xf32, #tpu.memory_space<vmem>>, vector<16xf32>,
      %get3A_398 = vector.shape_cast %get3A_397 : vector<16xf32> to vector<16xf32>
      %add3A_399 = arith.constant 64 : i32
      %add3A_400 = arith.addi %mul3A_378, %add3A_399 : i32
      %get3A_401 = arith.index_cast %add3A_400 : i32 to index
      %get3A_402 = tpu.vector_load %arg7[%get3A_401] {strides = array<i32>} : memref<1024xf32, #tpu.memory_space<vmem>>, vector<16xf32>,
      %get3A_403 = vector.shape_cast %get3A_402 : vector<16xf32> to vector<16xf32>
      %add3A_404 = arith.constant 80 : i32
      %add3A_405 = arith.addi %mul3A_378, %add3A_404 : i32
      %get3A_406 = arith.index_cast %add3A_405 : i32 to index
      %get3A_407 = tpu.vector_load %arg7[%get3A_406] {strides = array<i32>} : memref<1024xf32, #tpu.memory_space<vmem>>, vector<16xf32>,
      %get3A_408 = vector.shape_cast %get3A_407 : vector<16xf32> to vector<16xf32>
      %add3A_409 = arith.constant 96 : i32
      %add3A_410 = arith.addi %mul3A_378, %add3A_409 : i32
      %get3A_411 = arith.index_cast %add3A_410 : i32 to index
      %get3A_412 = tpu.vector_load %arg7[%get3A_411] {strides = array<i32>} : memref<1024xf32, #tpu.memory_space<vmem>>, vector<16xf32>,
      %get3A_413 = vector.shape_cast %get3A_412 : vector<16xf32> to vector<16xf32>
      %add3A_414 = arith.constant 112 : i32
      %add3A_415 = arith.addi %mul3A_378, %add3A_414 : i32
      %get3A_416 = arith.index_cast %add3A_415 : i32 to index
      %get3A_417 = tpu.vector_load %arg7[%get3A_416] {strides = array<i32>} : memref<1024xf32, #tpu.memory_space<vmem>>, vector<16xf32>,
      %get3A_418 = vector.shape_cast %get3A_417 : vector<16xf32> to vector<16xf32>
      %parallel_loop3A_419 = arith.constant 0 : i32
      %parallel_loop3A_420 = arith.constant 64 : i32
      %parallel_loop3A_421 = arith.constant 1 : i32
      scf.for %parallel_loop3A_909 = %parallel_loop3A_419 to %parallel_loop3A_420 step %parallel_loop3A_421  : i32 {
        %parallel_loop3A_910 = arith.index_cast %parallel_loop3A_909 : i32 to index
        %parallel_loop3A_911 = arith.constant 0 : index
        %parallel_loop3A_912 = tpu.vector_load %arg11[%parallel_loop3A_910, %parallel_loop3A_911] {strides = array<i32>} : memref<64x128xf32, #tpu.memory_space<vmem>>, vector<1x16xf32>,
        %parallel_loop3A_913 = vector.shape_cast %parallel_loop3A_912 : vector<1x16xf32> to vector<16xf32>
        %parallel_loop3A_914 = arith.constant 11.3137083 : f32
        %parallel_loop3A_915 = vector.broadcast %parallel_loop3A_914 : f32 to vector<16xf32>
        %parallel_loop3A_916 = arith.mulf %parallel_loop3A_913, %parallel_loop3A_915 : vector<16xf32>
        %parallel_loop3A_917 = arith.addf %parallel_loop3A_916, %get3A_383 : vector<16xf32>
        %parallel_loop3A_918 = arith.index_cast %parallel_loop3A_909 : i32 to index
        %parallel_loop3A_919 = arith.constant 0 : index
        %parallel_loop3A_920 = tpu.vector_load %arg11[%parallel_loop3A_918, %parallel_loop3A_919] {strides = array<i32>} : memref<64x128xf32, #tpu.memory_space<vmem>>, vector<1x16xf32>,
        %parallel_loop3A_921 = vector.shape_cast %parallel_loop3A_920 : vector<1x16xf32> to vector<16xf32>
        %parallel_loop3A_922 = vector.shape_cast %parallel_loop3A_917 : vector<16xf32> to vector<1x16xf32>
        tpu.vector_store %arg11[%parallel_loop3A_918, %parallel_loop3A_919], %parallel_loop3A_922 {strides = array<i32>} : memref<64x128xf32, #tpu.memory_space<vmem>>, vector<1x16xf32>,
        %parallel_loop3A_923 = arith.index_cast %parallel_loop3A_909 : i32 to index
        %parallel_loop3A_924 = arith.constant 16 : index
        %parallel_loop3A_925 = tpu.vector_load %arg11[%parallel_loop3A_923, %parallel_loop3A_924] {strides = array<i32>} : memref<64x128xf32, #tpu.memory_space<vmem>>, vector<1x16xf32>,
        %parallel_loop3A_926 = vector.shape_cast %parallel_loop3A_925 : vector<1x16xf32> to vector<16xf32>
        %parallel_loop3A_927 = arith.constant 11.3137083 : f32
        %parallel_loop3A_928 = vector.broadcast %parallel_loop3A_927 : f32 to vector<16xf32>
        %parallel_loop3A_929 = arith.mulf %parallel_loop3A_926, %parallel_loop3A_928 : vector<16xf32>
        %parallel_loop3A_930 = arith.addf %parallel_loop3A_929, %get3A_388 : vector<16xf32>
        %parallel_loop3A_931 = arith.index_cast %parallel_loop3A_909 : i32 to index
        %parallel_loop3A_932 = arith.constant 16 : index
        %parallel_loop3A_933 = tpu.vector_load %arg11[%parallel_loop3A_931, %parallel_loop3A_932] {strides = array<i32>} : memref<64x128xf32, #tpu.memory_space<vmem>>, vector<1x16xf32>,
        %parallel_loop3A_934 = vector.shape_cast %parallel_loop3A_933 : vector<1x16xf32> to vector<16xf32>
        %parallel_loop3A_935 = vector.shape_cast %parallel_loop3A_930 : vector<16xf32> to vector<1x16xf32>
        tpu.vector_store %arg11[%parallel_loop3A_931, %parallel_loop3A_932], %parallel_loop3A_935 {strides = array<i32>} : memref<64x128xf32, #tpu.memory_space<vmem>>, vector<1x16xf32>,
        %parallel_loop3A_936 = arith.index_cast %parallel_loop3A_909 : i32 to index
        %parallel_loop3A_937 = arith.constant 32 : index
        %parallel_loop3A_938 = tpu.vector_load %arg11[%parallel_loop3A_936, %parallel_loop3A_937] {strides = array<i32>} : memref<64x128xf32, #tpu.memory_space<vmem>>, vector<1x16xf32>,
        %parallel_loop3A_939 = vector.shape_cast %parallel_loop3A_938 : vector<1x16xf32> to vector<16xf32>
        %parallel_loop3A_940 = arith.constant 11.3137083 : f32
        %parallel_loop3A_941 = vector.broadcast %parallel_loop3A_940 : f32 to vector<16xf32>
        %parallel_loop3A_942 = arith.mulf %parallel_loop3A_939, %parallel_loop3A_941 : vector<16xf32>
        %parallel_loop3A_943 = arith.addf %parallel_loop3A_942, %get3A_393 : vector<16xf32>
        %parallel_loop3A_944 = arith.index_cast %parallel_loop3A_909 : i32 to index
        %parallel_loop3A_945 = arith.constant 32 : index
        %parallel_loop3A_946 = tpu.vector_load %arg11[%parallel_loop3A_944, %parallel_loop3A_945] {strides = array<i32>} : memref<64x128xf32, #tpu.memory_space<vmem>>, vector<1x16xf32>,
        %parallel_loop3A_947 = vector.shape_cast %parallel_loop3A_946 : vector<1x16xf32> to vector<16xf32>
        %parallel_loop3A_948 = vector.shape_cast %parallel_loop3A_943 : vector<16xf32> to vector<1x16xf32>
        tpu.vector_store %arg11[%parallel_loop3A_944, %parallel_loop3A_945], %parallel_loop3A_948 {strides = array<i32>} : memref<64x128xf32, #tpu.memory_space<vmem>>, vector<1x16xf32>,
        %parallel_loop3A_949 = arith.index_cast %parallel_loop3A_909 : i32 to index
        %parallel_loop3A_950 = arith.constant 48 : index
        %parallel_loop3A_951 = tpu.vector_load %arg11[%parallel_loop3A_949, %parallel_loop3A_950] {strides = array<i32>} : memref<64x128xf32, #tpu.memory_space<vmem>>, vector<1x16xf32>,
        %parallel_loop3A_952 = vector.shape_cast %parallel_loop3A_951 : vector<1x16xf32> to vector<16xf32>
        %parallel_loop3A_953 = arith.constant 11.3137083 : f32
        %parallel_loop3A_954 = vector.broadcast %parallel_loop3A_953 : f32 to vector<16xf32>
        %parallel_loop3A_955 = arith.mulf %parallel_loop3A_952, %parallel_loop3A_954 : vector<16xf32>
        %parallel_loop3A_956 = arith.addf %parallel_loop3A_955, %get3A_398 : vector<16xf32>
        %parallel_loop3A_957 = arith.index_cast %parallel_loop3A_909 : i32 to index
        %parallel_loop3A_958 = arith.constant 48 : index
        %parallel_loop3A_959 = tpu.vector_load %arg11[%parallel_loop3A_957, %parallel_loop3A_958] {strides = array<i32>} : memref<64x128xf32, #tpu.memory_space<vmem>>, vector<1x16xf32>,
        %parallel_loop3A_960 = vector.shape_cast %parallel_loop3A_959 : vector<1x16xf32> to vector<16xf32>
        %parallel_loop3A_961 = vector.shape_cast %parallel_loop3A_956 : vector<16xf32> to vector<1x16xf32>
        tpu.vector_store %arg11[%parallel_loop3A_957, %parallel_loop3A_958], %parallel_loop3A_961 {strides = array<i32>} : memref<64x128xf32, #tpu.memory_space<vmem>>, vector<1x16xf32>,
        %parallel_loop3A_962 = arith.index_cast %parallel_loop3A_909 : i32 to index
        %parallel_loop3A_963 = arith.constant 64 : index
        %parallel_loop3A_964 = tpu.vector_load %arg11[%parallel_loop3A_962, %parallel_loop3A_963] {strides = array<i32>} : memref<64x128xf32, #tpu.memory_space<vmem>>, vector<1x16xf32>,
        %parallel_loop3A_965 = vector.shape_cast %parallel_loop3A_964 : vector<1x16xf32> to vector<16xf32>
        %parallel_loop3A_966 = arith.constant 11.3137083 : f32
        %parallel_loop3A_967 = vector.broadcast %parallel_loop3A_966 : f32 to vector<16xf32>
        %parallel_loop3A_968 = arith.mulf %parallel_loop3A_965, %parallel_loop3A_967 : vector<16xf32>
        %parallel_loop3A_969 = arith.addf %parallel_loop3A_968, %get3A_403 : vector<16xf32>
        %parallel_loop3A_970 = arith.index_cast %parallel_loop3A_909 : i32 to index
        %parallel_loop3A_971 = arith.constant 64 : index
        %parallel_loop3A_972 = tpu.vector_load %arg11[%parallel_loop3A_970, %parallel_loop3A_971] {strides = array<i32>} : memref<64x128xf32, #tpu.memory_space<vmem>>, vector<1x16xf32>,
        %parallel_loop3A_973 = vector.shape_cast %parallel_loop3A_972 : vector<1x16xf32> to vector<16xf32>
        %parallel_loop3A_974 = vector.shape_cast %parallel_loop3A_969 : vector<16xf32> to vector<1x16xf32>
        tpu.vector_store %arg11[%parallel_loop3A_970, %parallel_loop3A_971], %parallel_loop3A_974 {strides = array<i32>} : memref<64x128xf32, #tpu.memory_space<vmem>>, vector<1x16xf32>,
        %parallel_loop3A_975 = arith.index_cast %parallel_loop3A_909 : i32 to index
        %parallel_loop3A_976 = arith.constant 80 : index
        %parallel_loop3A_977 = tpu.vector_load %arg11[%parallel_loop3A_975, %parallel_loop3A_976] {strides = array<i32>} : memref<64x128xf32, #tpu.memory_space<vmem>>, vector<1x16xf32>,
        %parallel_loop3A_978 = vector.shape_cast %parallel_loop3A_977 : vector<1x16xf32> to vector<16xf32>
        %parallel_loop3A_979 = arith.constant 11.3137083 : f32
        %parallel_loop3A_980 = vector.broadcast %parallel_loop3A_979 : f32 to vector<16xf32>
        %parallel_loop3A_981 = arith.mulf %parallel_loop3A_978, %parallel_loop3A_980 : vector<16xf32>
        %parallel_loop3A_982 = arith.addf %parallel_loop3A_981, %get3A_408 : vector<16xf32>
        %parallel_loop3A_983 = arith.index_cast %parallel_loop3A_909 : i32 to index
        %parallel_loop3A_984 = arith.constant 80 : index
        %parallel_loop3A_985 = tpu.vector_load %arg11[%parallel_loop3A_983, %parallel_loop3A_984] {strides = array<i32>} : memref<64x128xf32, #tpu.memory_space<vmem>>, vector<1x16xf32>,
        %parallel_loop3A_986 = vector.shape_cast %parallel_loop3A_985 : vector<1x16xf32> to vector<16xf32>
        %parallel_loop3A_987 = vector.shape_cast %parallel_loop3A_982 : vector<16xf32> to vector<1x16xf32>
        tpu.vector_store %arg11[%parallel_loop3A_983, %parallel_loop3A_984], %parallel_loop3A_987 {strides = array<i32>} : memref<64x128xf32, #tpu.memory_space<vmem>>, vector<1x16xf32>,
        %parallel_loop3A_988 = arith.index_cast %parallel_loop3A_909 : i32 to index
        %parallel_loop3A_989 = arith.constant 96 : index
        %parallel_loop3A_990 = tpu.vector_load %arg11[%parallel_loop3A_988, %parallel_loop3A_989] {strides = array<i32>} : memref<64x128xf32, #tpu.memory_space<vmem>>, vector<1x16xf32>,
        %parallel_loop3A_991 = vector.shape_cast %parallel_loop3A_990 : vector<1x16xf32> to vector<16xf32>
        %parallel_loop3A_992 = arith.constant 11.3137083 : f32
        %parallel_loop3A_993 = vector.broadcast %parallel_loop3A_992 : f32 to vector<16xf32>
        %parallel_loop3A_994 = arith.mulf %parallel_loop3A_991, %parallel_loop3A_993 : vector<16xf32>
        %parallel_loop3A_995 = arith.addf %parallel_loop3A_994, %get3A_413 : vector<16xf32>
        %parallel_loop3A_996 = arith.index_cast %parallel_loop3A_909 : i32 to index
        %parallel_loop3A_997 = arith.constant 96 : index
        %parallel_loop3A_998 = tpu.vector_load %arg11[%parallel_loop3A_996, %parallel_loop3A_997] {strides = array<i32>} : memref<64x128xf32, #tpu.memory_space<vmem>>, vector<1x16xf32>,
        %parallel_loop3A_999 = vector.shape_cast %parallel_loop3A_998 : vector<1x16xf32> to vector<16xf32>
        %parallel_loop3A_1000 = vector.shape_cast %parallel_loop3A_995 : vector<16xf32> to vector<1x16xf32>
        tpu.vector_store %arg11[%parallel_loop3A_996, %parallel_loop3A_997], %parallel_loop3A_1000 {strides = array<i32>} : memref<64x128xf32, #tpu.memory_space<vmem>>, vector<1x16xf32>,
        %parallel_loop3A_1001 = arith.index_cast %parallel_loop3A_909 : i32 to index
        %parallel_loop3A_1002 = arith.constant 112 : index
        %parallel_loop3A_1003 = tpu.vector_load %arg11[%parallel_loop3A_1001, %parallel_loop3A_1002] {strides = array<i32>} : memref<64x128xf32, #tpu.memory_space<vmem>>, vector<1x16xf32>,
        %parallel_loop3A_1004 = vector.shape_cast %parallel_loop3A_1003 : vector<1x16xf32> to vector<16xf32>
        %parallel_loop3A_1005 = arith.constant 11.3137083 : f32
        %parallel_loop3A_1006 = vector.broadcast %parallel_loop3A_1005 : f32 to vector<16xf32>
        %parallel_loop3A_1007 = arith.mulf %parallel_loop3A_1004, %parallel_loop3A_1006 : vector<16xf32>
        %parallel_loop3A_1008 = arith.addf %parallel_loop3A_1007, %get3A_418 : vector<16xf32>
        %parallel_loop3A_1009 = arith.index_cast %parallel_loop3A_909 : i32 to index
        %parallel_loop3A_1010 = arith.constant 112 : index
        %parallel_loop3A_1011 = tpu.vector_load %arg11[%parallel_loop3A_1009, %parallel_loop3A_1010] {strides = array<i32>} : memref<64x128xf32, #tpu.memory_space<vmem>>, vector<1x16xf32>,
        %parallel_loop3A_1012 = vector.shape_cast %parallel_loop3A_1011 : vector<1x16xf32> to vector<16xf32>
        %parallel_loop3A_1013 = vector.shape_cast %parallel_loop3A_1008 : vector<16xf32> to vector<1x16xf32>
        tpu.vector_store %arg11[%parallel_loop3A_1009, %parallel_loop3A_1010], %parallel_loop3A_1013 {strides = array<i32>} : memref<64x128xf32, #tpu.memory_space<vmem>>, vector<1x16xf32>,
      } {sc.loop_unroll_factor = 4 : i64, sc.parallel_access}
      %mul3A_422 = arith.constant 64 : i32
      %mul3A_423 = arith.muli %add3A_364, %mul3A_422 : i32
      %add3A_424 = arith.addi %mul3A_2, %mul3A_423 : i32
      %dma_start3A_425 = arith.constant 0 : i32
      %dma_start3A_426 = tpu.memref_slice %arg5[%add3A_424, %dma_start3A_425] : memref<204800x128xf32, #tpu.memory_space<hbm>> -> memref<64x128xf32, #tpu.memory_space<hbm>>
      %dma_start3A_427 = arith.constant 0 : i32
      %dma_start3A_428 = tpu.memref_slice %arg5[%add3A_424, %dma_start3A_427] : memref<204800x128xf32, #tpu.memory_space<hbm>> -> memref<64x128xf32, #tpu.memory_space<hbm>>
      tpu.enqueue_dma source(%arg11 : memref<64x128xf32, #tpu.memory_space<vmem>>) target(%dma_start3A_428 : memref<64x128xf32, #tpu.memory_space<hbm>>) target_semaphore(%arg31 : memref<!tpu.dma_semaphore, #tpu.memory_space<semaphore_mem>>)
      %ge3A_429 = arith.constant 1 : i32
      %ge3A_430 = arith.cmpi sge, %add3A_364, %ge3A_429 : i32
      %add3A_431 = arith.constant 10 : i32
      %add3A_432 = arith.addi %add3A_364, %add3A_431 : i32
      %sub3A_433 = arith.constant 1 : i32
      %sub3A_434 = arith.subi %add3A_432, %sub3A_433 : i32
      %lt3A_435 = arith.constant 100 : i32
      %lt3A_436 = arith.cmpi slt, %sub3A_434, %lt3A_435 : i32
      %and3A_437 = arith.andi %ge3A_430, %lt3A_436 : i1
      %convert_element_type3A_438 = arith.extui %and3A_437 : i1 to i32
      %cond3A_439 = arith.constant 0 : i32
      %cond3A_440 = arith.cmpi ne, %convert_element_type3A_438, %cond3A_439 : i32
      scf.if %cond3A_440 {
        %sub3A_909 = arith.constant 1 : i32
        %sub3A_910 = arith.subi %add3A_364, %sub3A_909 : i32
        %mul3A_911 = arith.constant 64 : i32
        %mul3A_912 = arith.muli %sub3A_910, %mul3A_911 : i32
        %add3A_913 = arith.addi %mul3A_2, %mul3A_912 : i32
        %dma_wait3A_914 = arith.constant 0 : i32
        %dma_wait3A_915 = tpu.memref_slice %arg5[%add3A_913, %dma_wait3A_914] : memref<204800x128xf32, #tpu.memory_space<hbm>> -> memref<64x128xf32, #tpu.memory_space<hbm>>
        %dma_wait3A_916 = arith.constant 0 : i32
        %dma_wait3A_917 = tpu.memref_slice %arg5[%add3A_913, %dma_wait3A_916] : memref<204800x128xf32, #tpu.memory_space<hbm>> -> memref<64x128xf32, #tpu.memory_space<hbm>>
        tpu.wait_dma2 semaphore(%arg30 : memref<!tpu.dma_semaphore, #tpu.memory_space<semaphore_mem>>) src(%arg10 : memref<64x128xf32, #tpu.memory_space<vmem>>) dst(%dma_wait3A_917 : memref<64x128xf32, #tpu.memory_space<hbm>>)
        %add3A_918 = arith.constant 10 : i32
        %add3A_919 = arith.addi %add3A_364, %add3A_918 : i32
        %sub3A_920 = arith.constant 1 : i32
        %sub3A_921 = arith.subi %add3A_919, %sub3A_920 : i32
        %mul3A_922 = arith.constant 64 : i32
        %mul3A_923 = arith.muli %sub3A_921, %mul3A_922 : i32
        %dma_start3A_924 = tpu.memref_slice %arg6[%mul3A_923] : memref<6400xi32, #tpu.memory_space<vmem>> -> memref<64xi32, #tpu.memory_space<vmem>>
        %dma_start3A_925 = arith.constant 0 : i32
        %dma_start3A_926 = arith.constant 0 : i32
        %dma_start3A_927 = tpu.memref_slice %arg4[%dma_start3A_925, %dma_start3A_926] : memref<100000x128xf32, #tpu.memory_space<hbm>> -> memref<100000x128xf32, #tpu.memory_space<hbm>>
        tpu.enqueue_indirect_dma source(%dma_start3A_927 : memref<100000x128xf32, #tpu.memory_space<hbm>>) target(%arg10 : memref<64x128xf32, #tpu.memory_space<vmem>>) offsets(%dma_start3A_924 : memref<64xi32, #tpu.memory_space<vmem>>) semaphore(%arg20 : memref<!tpu.dma_semaphore, #tpu.memory_space<semaphore_mem>>)
      } else {
      }
      %add3A_441 = arith.constant 4 : i32
      %add3A_442 = arith.addi %add3A_136, %add3A_441 : i32
      %mul3A_443 = arith.constant 64 : i32
      %mul3A_444 = arith.muli %add3A_442, %mul3A_443 : i32
      %dma_wait3A_445 = tpu.memref_slice %arg6[%mul3A_444] : memref<6400xi32, #tpu.memory_space<vmem>> -> memref<64xi32, #tpu.memory_space<vmem>>
      %dma_wait3A_446 = arith.constant 0 : i32
      %dma_wait3A_447 = arith.constant 0 : i32
      %dma_wait3A_448 = tpu.memref_slice %arg4[%dma_wait3A_446, %dma_wait3A_447] : memref<100000x128xf32, #tpu.memory_space<hbm>> -> memref<100000x128xf32, #tpu.memory_space<hbm>>
      tpu.wait_indirect_dma semaphore(%arg22 : memref<!tpu.dma_semaphore, #tpu.memory_space<semaphore_mem>>) src(%dma_wait3A_448 : memref<100000x128xf32, #tpu.memory_space<hbm>>) dst(%arg12 : memref<64x128xf32, #tpu.memory_space<vmem>>)
      %mul3A_449 = arith.constant 64 : i32
      %mul3A_450 = arith.muli %add3A_442, %mul3A_449 : i32
      %add3A_451 = arith.addi %mul3A_2, %mul3A_450 : i32
      %shift_right_arithmetic3A_452 = arith.constant 10 : i32
      %shift_right_arithmetic3A_453 = arith.shrsi %add3A_451, %shift_right_arithmetic3A_452 : i32
      %sub3A_454 = arith.subi %shift_right_arithmetic3A_453, %shift_right_arithmetic3A_3 : i32
      %mul3A_455 = arith.constant 128 : i32
      %mul3A_456 = arith.muli %sub3A_454, %mul3A_455 : i32
      %add3A_457 = arith.constant 0 : i32
      %add3A_458 = arith.addi %mul3A_456, %add3A_457 : i32
      %get3A_459 = arith.index_cast %add3A_458 : i32 to index
      %get3A_460 = tpu.vector_load %arg7[%get3A_459] {strides = array<i32>} : memref<1024xf32, #tpu.memory_space<vmem>>, vector<16xf32>,
      %get3A_461 = vector.shape_cast %get3A_460 : vector<16xf32> to vector<16xf32>
      %add3A_462 = arith.constant 16 : i32
      %add3A_463 = arith.addi %mul3A_456, %add3A_462 : i32
      %get3A_464 = arith.index_cast %add3A_463 : i32 to index
      %get3A_465 = tpu.vector_load %arg7[%get3A_464] {strides = array<i32>} : memref<1024xf32, #tpu.memory_space<vmem>>, vector<16xf32>,
      %get3A_466 = vector.shape_cast %get3A_465 : vector<16xf32> to vector<16xf32>
      %add3A_467 = arith.constant 32 : i32
      %add3A_468 = arith.addi %mul3A_456, %add3A_467 : i32
      %get3A_469 = arith.index_cast %add3A_468 : i32 to index
      %get3A_470 = tpu.vector_load %arg7[%get3A_469] {strides = array<i32>} : memref<1024xf32, #tpu.memory_space<vmem>>, vector<16xf32>,
      %get3A_471 = vector.shape_cast %get3A_470 : vector<16xf32> to vector<16xf32>
      %add3A_472 = arith.constant 48 : i32
      %add3A_473 = arith.addi %mul3A_456, %add3A_472 : i32
      %get3A_474 = arith.index_cast %add3A_473 : i32 to index
      %get3A_475 = tpu.vector_load %arg7[%get3A_474] {strides = array<i32>} : memref<1024xf32, #tpu.memory_space<vmem>>, vector<16xf32>,
      %get3A_476 = vector.shape_cast %get3A_475 : vector<16xf32> to vector<16xf32>
      %add3A_477 = arith.constant 64 : i32
      %add3A_478 = arith.addi %mul3A_456, %add3A_477 : i32
      %get3A_479 = arith.index_cast %add3A_478 : i32 to index
      %get3A_480 = tpu.vector_load %arg7[%get3A_479] {strides = array<i32>} : memref<1024xf32, #tpu.memory_space<vmem>>, vector<16xf32>,
      %get3A_481 = vector.shape_cast %get3A_480 : vector<16xf32> to vector<16xf32>
      %add3A_482 = arith.constant 80 : i32
      %add3A_483 = arith.addi %mul3A_456, %add3A_482 : i32
      %get3A_484 = arith.index_cast %add3A_483 : i32 to index
      %get3A_485 = tpu.vector_load %arg7[%get3A_484] {strides = array<i32>} : memref<1024xf32, #tpu.memory_space<vmem>>, vector<16xf32>,
      %get3A_486 = vector.shape_cast %get3A_485 : vector<16xf32> to vector<16xf32>
      %add3A_487 = arith.constant 96 : i32
      %add3A_488 = arith.addi %mul3A_456, %add3A_487 : i32
      %get3A_489 = arith.index_cast %add3A_488 : i32 to index
      %get3A_490 = tpu.vector_load %arg7[%get3A_489] {strides = array<i32>} : memref<1024xf32, #tpu.memory_space<vmem>>, vector<16xf32>,
      %get3A_491 = vector.shape_cast %get3A_490 : vector<16xf32> to vector<16xf32>
      %add3A_492 = arith.constant 112 : i32
      %add3A_493 = arith.addi %mul3A_456, %add3A_492 : i32
      %get3A_494 = arith.index_cast %add3A_493 : i32 to index
      %get3A_495 = tpu.vector_load %arg7[%get3A_494] {strides = array<i32>} : memref<1024xf32, #tpu.memory_space<vmem>>, vector<16xf32>,
      %get3A_496 = vector.shape_cast %get3A_495 : vector<16xf32> to vector<16xf32>
      %parallel_loop3A_497 = arith.constant 0 : i32
      %parallel_loop3A_498 = arith.constant 64 : i32
      %parallel_loop3A_499 = arith.constant 1 : i32
      scf.for %parallel_loop3A_909 = %parallel_loop3A_497 to %parallel_loop3A_498 step %parallel_loop3A_499  : i32 {
        %parallel_loop3A_910 = arith.index_cast %parallel_loop3A_909 : i32 to index
        %parallel_loop3A_911 = arith.constant 0 : index
        %parallel_loop3A_912 = tpu.vector_load %arg12[%parallel_loop3A_910, %parallel_loop3A_911] {strides = array<i32>} : memref<64x128xf32, #tpu.memory_space<vmem>>, vector<1x16xf32>,
        %parallel_loop3A_913 = vector.shape_cast %parallel_loop3A_912 : vector<1x16xf32> to vector<16xf32>
        %parallel_loop3A_914 = arith.constant 11.3137083 : f32
        %parallel_loop3A_915 = vector.broadcast %parallel_loop3A_914 : f32 to vector<16xf32>
        %parallel_loop3A_916 = arith.mulf %parallel_loop3A_913, %parallel_loop3A_915 : vector<16xf32>
        %parallel_loop3A_917 = arith.addf %parallel_loop3A_916, %get3A_461 : vector<16xf32>
        %parallel_loop3A_918 = arith.index_cast %parallel_loop3A_909 : i32 to index
        %parallel_loop3A_919 = arith.constant 0 : index
        %parallel_loop3A_920 = tpu.vector_load %arg12[%parallel_loop3A_918, %parallel_loop3A_919] {strides = array<i32>} : memref<64x128xf32, #tpu.memory_space<vmem>>, vector<1x16xf32>,
        %parallel_loop3A_921 = vector.shape_cast %parallel_loop3A_920 : vector<1x16xf32> to vector<16xf32>
        %parallel_loop3A_922 = vector.shape_cast %parallel_loop3A_917 : vector<16xf32> to vector<1x16xf32>
        tpu.vector_store %arg12[%parallel_loop3A_918, %parallel_loop3A_919], %parallel_loop3A_922 {strides = array<i32>} : memref<64x128xf32, #tpu.memory_space<vmem>>, vector<1x16xf32>,
        %parallel_loop3A_923 = arith.index_cast %parallel_loop3A_909 : i32 to index
        %parallel_loop3A_924 = arith.constant 16 : index
        %parallel_loop3A_925 = tpu.vector_load %arg12[%parallel_loop3A_923, %parallel_loop3A_924] {strides = array<i32>} : memref<64x128xf32, #tpu.memory_space<vmem>>, vector<1x16xf32>,
        %parallel_loop3A_926 = vector.shape_cast %parallel_loop3A_925 : vector<1x16xf32> to vector<16xf32>
        %parallel_loop3A_927 = arith.constant 11.3137083 : f32
        %parallel_loop3A_928 = vector.broadcast %parallel_loop3A_927 : f32 to vector<16xf32>
        %parallel_loop3A_929 = arith.mulf %parallel_loop3A_926, %parallel_loop3A_928 : vector<16xf32>
        %parallel_loop3A_930 = arith.addf %parallel_loop3A_929, %get3A_466 : vector<16xf32>
        %parallel_loop3A_931 = arith.index_cast %parallel_loop3A_909 : i32 to index
        %parallel_loop3A_932 = arith.constant 16 : index
        %parallel_loop3A_933 = tpu.vector_load %arg12[%parallel_loop3A_931, %parallel_loop3A_932] {strides = array<i32>} : memref<64x128xf32, #tpu.memory_space<vmem>>, vector<1x16xf32>,
        %parallel_loop3A_934 = vector.shape_cast %parallel_loop3A_933 : vector<1x16xf32> to vector<16xf32>
        %parallel_loop3A_935 = vector.shape_cast %parallel_loop3A_930 : vector<16xf32> to vector<1x16xf32>
        tpu.vector_store %arg12[%parallel_loop3A_931, %parallel_loop3A_932], %parallel_loop3A_935 {strides = array<i32>} : memref<64x128xf32, #tpu.memory_space<vmem>>, vector<1x16xf32>,
        %parallel_loop3A_936 = arith.index_cast %parallel_loop3A_909 : i32 to index
        %parallel_loop3A_937 = arith.constant 32 : index
        %parallel_loop3A_938 = tpu.vector_load %arg12[%parallel_loop3A_936, %parallel_loop3A_937] {strides = array<i32>} : memref<64x128xf32, #tpu.memory_space<vmem>>, vector<1x16xf32>,
        %parallel_loop3A_939 = vector.shape_cast %parallel_loop3A_938 : vector<1x16xf32> to vector<16xf32>
        %parallel_loop3A_940 = arith.constant 11.3137083 : f32
        %parallel_loop3A_941 = vector.broadcast %parallel_loop3A_940 : f32 to vector<16xf32>
        %parallel_loop3A_942 = arith.mulf %parallel_loop3A_939, %parallel_loop3A_941 : vector<16xf32>
        %parallel_loop3A_943 = arith.addf %parallel_loop3A_942, %get3A_471 : vector<16xf32>
        %parallel_loop3A_944 = arith.index_cast %parallel_loop3A_909 : i32 to index
        %parallel_loop3A_945 = arith.constant 32 : index
        %parallel_loop3A_946 = tpu.vector_load %arg12[%parallel_loop3A_944, %parallel_loop3A_945] {strides = array<i32>} : memref<64x128xf32, #tpu.memory_space<vmem>>, vector<1x16xf32>,
        %parallel_loop3A_947 = vector.shape_cast %parallel_loop3A_946 : vector<1x16xf32> to vector<16xf32>
        %parallel_loop3A_948 = vector.shape_cast %parallel_loop3A_943 : vector<16xf32> to vector<1x16xf32>
        tpu.vector_store %arg12[%parallel_loop3A_944, %parallel_loop3A_945], %parallel_loop3A_948 {strides = array<i32>} : memref<64x128xf32, #tpu.memory_space<vmem>>, vector<1x16xf32>,
        %parallel_loop3A_949 = arith.index_cast %parallel_loop3A_909 : i32 to index
        %parallel_loop3A_950 = arith.constant 48 : index
        %parallel_loop3A_951 = tpu.vector_load %arg12[%parallel_loop3A_949, %parallel_loop3A_950] {strides = array<i32>} : memref<64x128xf32, #tpu.memory_space<vmem>>, vector<1x16xf32>,
        %parallel_loop3A_952 = vector.shape_cast %parallel_loop3A_951 : vector<1x16xf32> to vector<16xf32>
        %parallel_loop3A_953 = arith.constant 11.3137083 : f32
        %parallel_loop3A_954 = vector.broadcast %parallel_loop3A_953 : f32 to vector<16xf32>
        %parallel_loop3A_955 = arith.mulf %parallel_loop3A_952, %parallel_loop3A_954 : vector<16xf32>
        %parallel_loop3A_956 = arith.addf %parallel_loop3A_955, %get3A_476 : vector<16xf32>
        %parallel_loop3A_957 = arith.index_cast %parallel_loop3A_909 : i32 to index
        %parallel_loop3A_958 = arith.constant 48 : index
        %parallel_loop3A_959 = tpu.vector_load %arg12[%parallel_loop3A_957, %parallel_loop3A_958] {strides = array<i32>} : memref<64x128xf32, #tpu.memory_space<vmem>>, vector<1x16xf32>,
        %parallel_loop3A_960 = vector.shape_cast %parallel_loop3A_959 : vector<1x16xf32> to vector<16xf32>
        %parallel_loop3A_961 = vector.shape_cast %parallel_loop3A_956 : vector<16xf32> to vector<1x16xf32>
        tpu.vector_store %arg12[%parallel_loop3A_957, %parallel_loop3A_958], %parallel_loop3A_961 {strides = array<i32>} : memref<64x128xf32, #tpu.memory_space<vmem>>, vector<1x16xf32>,
        %parallel_loop3A_962 = arith.index_cast %parallel_loop3A_909 : i32 to index
        %parallel_loop3A_963 = arith.constant 64 : index
        %parallel_loop3A_964 = tpu.vector_load %arg12[%parallel_loop3A_962, %parallel_loop3A_963] {strides = array<i32>} : memref<64x128xf32, #tpu.memory_space<vmem>>, vector<1x16xf32>,
        %parallel_loop3A_965 = vector.shape_cast %parallel_loop3A_964 : vector<1x16xf32> to vector<16xf32>
        %parallel_loop3A_966 = arith.constant 11.3137083 : f32
        %parallel_loop3A_967 = vector.broadcast %parallel_loop3A_966 : f32 to vector<16xf32>
        %parallel_loop3A_968 = arith.mulf %parallel_loop3A_965, %parallel_loop3A_967 : vector<16xf32>
        %parallel_loop3A_969 = arith.addf %parallel_loop3A_968, %get3A_481 : vector<16xf32>
        %parallel_loop3A_970 = arith.index_cast %parallel_loop3A_909 : i32 to index
        %parallel_loop3A_971 = arith.constant 64 : index
        %parallel_loop3A_972 = tpu.vector_load %arg12[%parallel_loop3A_970, %parallel_loop3A_971] {strides = array<i32>} : memref<64x128xf32, #tpu.memory_space<vmem>>, vector<1x16xf32>,
        %parallel_loop3A_973 = vector.shape_cast %parallel_loop3A_972 : vector<1x16xf32> to vector<16xf32>
        %parallel_loop3A_974 = vector.shape_cast %parallel_loop3A_969 : vector<16xf32> to vector<1x16xf32>
        tpu.vector_store %arg12[%parallel_loop3A_970, %parallel_loop3A_971], %parallel_loop3A_974 {strides = array<i32>} : memref<64x128xf32, #tpu.memory_space<vmem>>, vector<1x16xf32>,
        %parallel_loop3A_975 = arith.index_cast %parallel_loop3A_909 : i32 to index
        %parallel_loop3A_976 = arith.constant 80 : index
        %parallel_loop3A_977 = tpu.vector_load %arg12[%parallel_loop3A_975, %parallel_loop3A_976] {strides = array<i32>} : memref<64x128xf32, #tpu.memory_space<vmem>>, vector<1x16xf32>,
        %parallel_loop3A_978 = vector.shape_cast %parallel_loop3A_977 : vector<1x16xf32> to vector<16xf32>
        %parallel_loop3A_979 = arith.constant 11.3137083 : f32
        %parallel_loop3A_980 = vector.broadcast %parallel_loop3A_979 : f32 to vector<16xf32>
        %parallel_loop3A_981 = arith.mulf %parallel_loop3A_978, %parallel_loop3A_980 : vector<16xf32>
        %parallel_loop3A_982 = arith.addf %parallel_loop3A_981, %get3A_486 : vector<16xf32>
        %parallel_loop3A_983 = arith.index_cast %parallel_loop3A_909 : i32 to index
        %parallel_loop3A_984 = arith.constant 80 : index
        %parallel_loop3A_985 = tpu.vector_load %arg12[%parallel_loop3A_983, %parallel_loop3A_984] {strides = array<i32>} : memref<64x128xf32, #tpu.memory_space<vmem>>, vector<1x16xf32>,
        %parallel_loop3A_986 = vector.shape_cast %parallel_loop3A_985 : vector<1x16xf32> to vector<16xf32>
        %parallel_loop3A_987 = vector.shape_cast %parallel_loop3A_982 : vector<16xf32> to vector<1x16xf32>
        tpu.vector_store %arg12[%parallel_loop3A_983, %parallel_loop3A_984], %parallel_loop3A_987 {strides = array<i32>} : memref<64x128xf32, #tpu.memory_space<vmem>>, vector<1x16xf32>,
        %parallel_loop3A_988 = arith.index_cast %parallel_loop3A_909 : i32 to index
        %parallel_loop3A_989 = arith.constant 96 : index
        %parallel_loop3A_990 = tpu.vector_load %arg12[%parallel_loop3A_988, %parallel_loop3A_989] {strides = array<i32>} : memref<64x128xf32, #tpu.memory_space<vmem>>, vector<1x16xf32>,
        %parallel_loop3A_991 = vector.shape_cast %parallel_loop3A_990 : vector<1x16xf32> to vector<16xf32>
        %parallel_loop3A_992 = arith.constant 11.3137083 : f32
        %parallel_loop3A_993 = vector.broadcast %parallel_loop3A_992 : f32 to vector<16xf32>
        %parallel_loop3A_994 = arith.mulf %parallel_loop3A_991, %parallel_loop3A_993 : vector<16xf32>
        %parallel_loop3A_995 = arith.addf %parallel_loop3A_994, %get3A_491 : vector<16xf32>
        %parallel_loop3A_996 = arith.index_cast %parallel_loop3A_909 : i32 to index
        %parallel_loop3A_997 = arith.constant 96 : index
        %parallel_loop3A_998 = tpu.vector_load %arg12[%parallel_loop3A_996, %parallel_loop3A_997] {strides = array<i32>} : memref<64x128xf32, #tpu.memory_space<vmem>>, vector<1x16xf32>,
        %parallel_loop3A_999 = vector.shape_cast %parallel_loop3A_998 : vector<1x16xf32> to vector<16xf32>
        %parallel_loop3A_1000 = vector.shape_cast %parallel_loop3A_995 : vector<16xf32> to vector<1x16xf32>
        tpu.vector_store %arg12[%parallel_loop3A_996, %parallel_loop3A_997], %parallel_loop3A_1000 {strides = array<i32>} : memref<64x128xf32, #tpu.memory_space<vmem>>, vector<1x16xf32>,
        %parallel_loop3A_1001 = arith.index_cast %parallel_loop3A_909 : i32 to index
        %parallel_loop3A_1002 = arith.constant 112 : index
        %parallel_loop3A_1003 = tpu.vector_load %arg12[%parallel_loop3A_1001, %parallel_loop3A_1002] {strides = array<i32>} : memref<64x128xf32, #tpu.memory_space<vmem>>, vector<1x16xf32>,
        %parallel_loop3A_1004 = vector.shape_cast %parallel_loop3A_1003 : vector<1x16xf32> to vector<16xf32>
        %parallel_loop3A_1005 = arith.constant 11.3137083 : f32
        %parallel_loop3A_1006 = vector.broadcast %parallel_loop3A_1005 : f32 to vector<16xf32>
        %parallel_loop3A_1007 = arith.mulf %parallel_loop3A_1004, %parallel_loop3A_1006 : vector<16xf32>
        %parallel_loop3A_1008 = arith.addf %parallel_loop3A_1007, %get3A_496 : vector<16xf32>
        %parallel_loop3A_1009 = arith.index_cast %parallel_loop3A_909 : i32 to index
        %parallel_loop3A_1010 = arith.constant 112 : index
        %parallel_loop3A_1011 = tpu.vector_load %arg12[%parallel_loop3A_1009, %parallel_loop3A_1010] {strides = array<i32>} : memref<64x128xf32, #tpu.memory_space<vmem>>, vector<1x16xf32>,
        %parallel_loop3A_1012 = vector.shape_cast %parallel_loop3A_1011 : vector<1x16xf32> to vector<16xf32>
        %parallel_loop3A_1013 = vector.shape_cast %parallel_loop3A_1008 : vector<16xf32> to vector<1x16xf32>
        tpu.vector_store %arg12[%parallel_loop3A_1009, %parallel_loop3A_1010], %parallel_loop3A_1013 {strides = array<i32>} : memref<64x128xf32, #tpu.memory_space<vmem>>, vector<1x16xf32>,
      } {sc.loop_unroll_factor = 4 : i64, sc.parallel_access}
      %mul3A_500 = arith.constant 64 : i32
      %mul3A_501 = arith.muli %add3A_442, %mul3A_500 : i32
      %add3A_502 = arith.addi %mul3A_2, %mul3A_501 : i32
      %dma_start3A_503 = arith.constant 0 : i32
      %dma_start3A_504 = tpu.memref_slice %arg5[%add3A_502, %dma_start3A_503] : memref<204800x128xf32, #tpu.memory_space<hbm>> -> memref<64x128xf32, #tpu.memory_space<hbm>>
      %dma_start3A_505 = arith.constant 0 : i32
      %dma_start3A_506 = tpu.memref_slice %arg5[%add3A_502, %dma_start3A_505] : memref<204800x128xf32, #tpu.memory_space<hbm>> -> memref<64x128xf32, #tpu.memory_space<hbm>>
      tpu.enqueue_dma source(%arg12 : memref<64x128xf32, #tpu.memory_space<vmem>>) target(%dma_start3A_506 : memref<64x128xf32, #tpu.memory_space<hbm>>) target_semaphore(%arg32 : memref<!tpu.dma_semaphore, #tpu.memory_space<semaphore_mem>>)
      %ge3A_507 = arith.constant 1 : i32
      %ge3A_508 = arith.cmpi sge, %add3A_442, %ge3A_507 : i32
      %add3A_509 = arith.constant 10 : i32
      %add3A_510 = arith.addi %add3A_442, %add3A_509 : i32
      %sub3A_511 = arith.constant 1 : i32
      %sub3A_512 = arith.subi %add3A_510, %sub3A_511 : i32
      %lt3A_513 = arith.constant 100 : i32
      %lt3A_514 = arith.cmpi slt, %sub3A_512, %lt3A_513 : i32
      %and3A_515 = arith.andi %ge3A_508, %lt3A_514 : i1
      %convert_element_type3A_516 = arith.extui %and3A_515 : i1 to i32
      %cond3A_517 = arith.constant 0 : i32
      %cond3A_518 = arith.cmpi ne, %convert_element_type3A_516, %cond3A_517 : i32
      scf.if %cond3A_518 {
        %sub3A_909 = arith.constant 1 : i32
        %sub3A_910 = arith.subi %add3A_442, %sub3A_909 : i32
        %mul3A_911 = arith.constant 64 : i32
        %mul3A_912 = arith.muli %sub3A_910, %mul3A_911 : i32
        %add3A_913 = arith.addi %mul3A_2, %mul3A_912 : i32
        %dma_wait3A_914 = arith.constant 0 : i32
        %dma_wait3A_915 = tpu.memref_slice %arg5[%add3A_913, %dma_wait3A_914] : memref<204800x128xf32, #tpu.memory_space<hbm>> -> memref<64x128xf32, #tpu.memory_space<hbm>>
        %dma_wait3A_916 = arith.constant 0 : i32
        %dma_wait3A_917 = tpu.memref_slice %arg5[%add3A_913, %dma_wait3A_916] : memref<204800x128xf32, #tpu.memory_space<hbm>> -> memref<64x128xf32, #tpu.memory_space<hbm>>
        tpu.wait_dma2 semaphore(%arg31 : memref<!tpu.dma_semaphore, #tpu.memory_space<semaphore_mem>>) src(%arg11 : memref<64x128xf32, #tpu.memory_space<vmem>>) dst(%dma_wait3A_917 : memref<64x128xf32, #tpu.memory_space<hbm>>)
        %add3A_918 = arith.constant 10 : i32
        %add3A_919 = arith.addi %add3A_442, %add3A_918 : i32
        %sub3A_920 = arith.constant 1 : i32
        %sub3A_921 = arith.subi %add3A_919, %sub3A_920 : i32
        %mul3A_922 = arith.constant 64 : i32
        %mul3A_923 = arith.muli %sub3A_921, %mul3A_922 : i32
        %dma_start3A_924 = tpu.memref_slice %arg6[%mul3A_923] : memref<6400xi32, #tpu.memory_space<vmem>> -> memref<64xi32, #tpu.memory_space<vmem>>
        %dma_start3A_925 = arith.constant 0 : i32
        %dma_start3A_926 = arith.constant 0 : i32
        %dma_start3A_927 = tpu.memref_slice %arg4[%dma_start3A_925, %dma_start3A_926] : memref<100000x128xf32, #tpu.memory_space<hbm>> -> memref<100000x128xf32, #tpu.memory_space<hbm>>
        tpu.enqueue_indirect_dma source(%dma_start3A_927 : memref<100000x128xf32, #tpu.memory_space<hbm>>) target(%arg11 : memref<64x128xf32, #tpu.memory_space<vmem>>) offsets(%dma_start3A_924 : memref<64xi32, #tpu.memory_space<vmem>>) semaphore(%arg21 : memref<!tpu.dma_semaphore, #tpu.memory_space<semaphore_mem>>)
      } else {
      }
      %add3A_519 = arith.constant 5 : i32
      %add3A_520 = arith.addi %add3A_136, %add3A_519 : i32
      %mul3A_521 = arith.constant 64 : i32
      %mul3A_522 = arith.muli %add3A_520, %mul3A_521 : i32
      %dma_wait3A_523 = tpu.memref_slice %arg6[%mul3A_522] : memref<6400xi32, #tpu.memory_space<vmem>> -> memref<64xi32, #tpu.memory_space<vmem>>
      %dma_wait3A_524 = arith.constant 0 : i32
      %dma_wait3A_525 = arith.constant 0 : i32
      %dma_wait3A_526 = tpu.memref_slice %arg4[%dma_wait3A_524, %dma_wait3A_525] : memref<100000x128xf32, #tpu.memory_space<hbm>> -> memref<100000x128xf32, #tpu.memory_space<hbm>>
      tpu.wait_indirect_dma semaphore(%arg23 : memref<!tpu.dma_semaphore, #tpu.memory_space<semaphore_mem>>) src(%dma_wait3A_526 : memref<100000x128xf32, #tpu.memory_space<hbm>>) dst(%arg13 : memref<64x128xf32, #tpu.memory_space<vmem>>)
      %mul3A_527 = arith.constant 64 : i32
      %mul3A_528 = arith.muli %add3A_520, %mul3A_527 : i32
      %add3A_529 = arith.addi %mul3A_2, %mul3A_528 : i32
      %shift_right_arithmetic3A_530 = arith.constant 10 : i32
      %shift_right_arithmetic3A_531 = arith.shrsi %add3A_529, %shift_right_arithmetic3A_530 : i32
      %sub3A_532 = arith.subi %shift_right_arithmetic3A_531, %shift_right_arithmetic3A_3 : i32
      %mul3A_533 = arith.constant 128 : i32
      %mul3A_534 = arith.muli %sub3A_532, %mul3A_533 : i32
      %add3A_535 = arith.constant 0 : i32
      %add3A_536 = arith.addi %mul3A_534, %add3A_535 : i32
      %get3A_537 = arith.index_cast %add3A_536 : i32 to index
      %get3A_538 = tpu.vector_load %arg7[%get3A_537] {strides = array<i32>} : memref<1024xf32, #tpu.memory_space<vmem>>, vector<16xf32>,
      %get3A_539 = vector.shape_cast %get3A_538 : vector<16xf32> to vector<16xf32>
      %add3A_540 = arith.constant 16 : i32
      %add3A_541 = arith.addi %mul3A_534, %add3A_540 : i32
      %get3A_542 = arith.index_cast %add3A_541 : i32 to index
      %get3A_543 = tpu.vector_load %arg7[%get3A_542] {strides = array<i32>} : memref<1024xf32, #tpu.memory_space<vmem>>, vector<16xf32>,
      %get3A_544 = vector.shape_cast %get3A_543 : vector<16xf32> to vector<16xf32>
      %add3A_545 = arith.constant 32 : i32
      %add3A_546 = arith.addi %mul3A_534, %add3A_545 : i32
      %get3A_547 = arith.index_cast %add3A_546 : i32 to index
      %get3A_548 = tpu.vector_load %arg7[%get3A_547] {strides = array<i32>} : memref<1024xf32, #tpu.memory_space<vmem>>, vector<16xf32>,
      %get3A_549 = vector.shape_cast %get3A_548 : vector<16xf32> to vector<16xf32>
      %add3A_550 = arith.constant 48 : i32
      %add3A_551 = arith.addi %mul3A_534, %add3A_550 : i32
      %get3A_552 = arith.index_cast %add3A_551 : i32 to index
      %get3A_553 = tpu.vector_load %arg7[%get3A_552] {strides = array<i32>} : memref<1024xf32, #tpu.memory_space<vmem>>, vector<16xf32>,
      %get3A_554 = vector.shape_cast %get3A_553 : vector<16xf32> to vector<16xf32>
      %add3A_555 = arith.constant 64 : i32
      %add3A_556 = arith.addi %mul3A_534, %add3A_555 : i32
      %get3A_557 = arith.index_cast %add3A_556 : i32 to index
      %get3A_558 = tpu.vector_load %arg7[%get3A_557] {strides = array<i32>} : memref<1024xf32, #tpu.memory_space<vmem>>, vector<16xf32>,
      %get3A_559 = vector.shape_cast %get3A_558 : vector<16xf32> to vector<16xf32>
      %add3A_560 = arith.constant 80 : i32
      %add3A_561 = arith.addi %mul3A_534, %add3A_560 : i32
      %get3A_562 = arith.index_cast %add3A_561 : i32 to index
      %get3A_563 = tpu.vector_load %arg7[%get3A_562] {strides = array<i32>} : memref<1024xf32, #tpu.memory_space<vmem>>, vector<16xf32>,
      %get3A_564 = vector.shape_cast %get3A_563 : vector<16xf32> to vector<16xf32>
      %add3A_565 = arith.constant 96 : i32
      %add3A_566 = arith.addi %mul3A_534, %add3A_565 : i32
      %get3A_567 = arith.index_cast %add3A_566 : i32 to index
      %get3A_568 = tpu.vector_load %arg7[%get3A_567] {strides = array<i32>} : memref<1024xf32, #tpu.memory_space<vmem>>, vector<16xf32>,
      %get3A_569 = vector.shape_cast %get3A_568 : vector<16xf32> to vector<16xf32>
      %add3A_570 = arith.constant 112 : i32
      %add3A_571 = arith.addi %mul3A_534, %add3A_570 : i32
      %get3A_572 = arith.index_cast %add3A_571 : i32 to index
      %get3A_573 = tpu.vector_load %arg7[%get3A_572] {strides = array<i32>} : memref<1024xf32, #tpu.memory_space<vmem>>, vector<16xf32>,
      %get3A_574 = vector.shape_cast %get3A_573 : vector<16xf32> to vector<16xf32>
      %parallel_loop3A_575 = arith.constant 0 : i32
      %parallel_loop3A_576 = arith.constant 64 : i32
      %parallel_loop3A_577 = arith.constant 1 : i32
      scf.for %parallel_loop3A_909 = %parallel_loop3A_575 to %parallel_loop3A_576 step %parallel_loop3A_577  : i32 {
        %parallel_loop3A_910 = arith.index_cast %parallel_loop3A_909 : i32 to index
        %parallel_loop3A_911 = arith.constant 0 : index
        %parallel_loop3A_912 = tpu.vector_load %arg13[%parallel_loop3A_910, %parallel_loop3A_911] {strides = array<i32>} : memref<64x128xf32, #tpu.memory_space<vmem>>, vector<1x16xf32>,
        %parallel_loop3A_913 = vector.shape_cast %parallel_loop3A_912 : vector<1x16xf32> to vector<16xf32>
        %parallel_loop3A_914 = arith.constant 11.3137083 : f32
        %parallel_loop3A_915 = vector.broadcast %parallel_loop3A_914 : f32 to vector<16xf32>
        %parallel_loop3A_916 = arith.mulf %parallel_loop3A_913, %parallel_loop3A_915 : vector<16xf32>
        %parallel_loop3A_917 = arith.addf %parallel_loop3A_916, %get3A_539 : vector<16xf32>
        %parallel_loop3A_918 = arith.index_cast %parallel_loop3A_909 : i32 to index
        %parallel_loop3A_919 = arith.constant 0 : index
        %parallel_loop3A_920 = tpu.vector_load %arg13[%parallel_loop3A_918, %parallel_loop3A_919] {strides = array<i32>} : memref<64x128xf32, #tpu.memory_space<vmem>>, vector<1x16xf32>,
        %parallel_loop3A_921 = vector.shape_cast %parallel_loop3A_920 : vector<1x16xf32> to vector<16xf32>
        %parallel_loop3A_922 = vector.shape_cast %parallel_loop3A_917 : vector<16xf32> to vector<1x16xf32>
        tpu.vector_store %arg13[%parallel_loop3A_918, %parallel_loop3A_919], %parallel_loop3A_922 {strides = array<i32>} : memref<64x128xf32, #tpu.memory_space<vmem>>, vector<1x16xf32>,
        %parallel_loop3A_923 = arith.index_cast %parallel_loop3A_909 : i32 to index
        %parallel_loop3A_924 = arith.constant 16 : index
        %parallel_loop3A_925 = tpu.vector_load %arg13[%parallel_loop3A_923, %parallel_loop3A_924] {strides = array<i32>} : memref<64x128xf32, #tpu.memory_space<vmem>>, vector<1x16xf32>,
        %parallel_loop3A_926 = vector.shape_cast %parallel_loop3A_925 : vector<1x16xf32> to vector<16xf32>
        %parallel_loop3A_927 = arith.constant 11.3137083 : f32
        %parallel_loop3A_928 = vector.broadcast %parallel_loop3A_927 : f32 to vector<16xf32>
        %parallel_loop3A_929 = arith.mulf %parallel_loop3A_926, %parallel_loop3A_928 : vector<16xf32>
        %parallel_loop3A_930 = arith.addf %parallel_loop3A_929, %get3A_544 : vector<16xf32>
        %parallel_loop3A_931 = arith.index_cast %parallel_loop3A_909 : i32 to index
        %parallel_loop3A_932 = arith.constant 16 : index
        %parallel_loop3A_933 = tpu.vector_load %arg13[%parallel_loop3A_931, %parallel_loop3A_932] {strides = array<i32>} : memref<64x128xf32, #tpu.memory_space<vmem>>, vector<1x16xf32>,
        %parallel_loop3A_934 = vector.shape_cast %parallel_loop3A_933 : vector<1x16xf32> to vector<16xf32>
        %parallel_loop3A_935 = vector.shape_cast %parallel_loop3A_930 : vector<16xf32> to vector<1x16xf32>
        tpu.vector_store %arg13[%parallel_loop3A_931, %parallel_loop3A_932], %parallel_loop3A_935 {strides = array<i32>} : memref<64x128xf32, #tpu.memory_space<vmem>>, vector<1x16xf32>,
        %parallel_loop3A_936 = arith.index_cast %parallel_loop3A_909 : i32 to index
        %parallel_loop3A_937 = arith.constant 32 : index
        %parallel_loop3A_938 = tpu.vector_load %arg13[%parallel_loop3A_936, %parallel_loop3A_937] {strides = array<i32>} : memref<64x128xf32, #tpu.memory_space<vmem>>, vector<1x16xf32>,
        %parallel_loop3A_939 = vector.shape_cast %parallel_loop3A_938 : vector<1x16xf32> to vector<16xf32>
        %parallel_loop3A_940 = arith.constant 11.3137083 : f32
        %parallel_loop3A_941 = vector.broadcast %parallel_loop3A_940 : f32 to vector<16xf32>
        %parallel_loop3A_942 = arith.mulf %parallel_loop3A_939, %parallel_loop3A_941 : vector<16xf32>
        %parallel_loop3A_943 = arith.addf %parallel_loop3A_942, %get3A_549 : vector<16xf32>
        %parallel_loop3A_944 = arith.index_cast %parallel_loop3A_909 : i32 to index
        %parallel_loop3A_945 = arith.constant 32 : index
        %parallel_loop3A_946 = tpu.vector_load %arg13[%parallel_loop3A_944, %parallel_loop3A_945] {strides = array<i32>} : memref<64x128xf32, #tpu.memory_space<vmem>>, vector<1x16xf32>,
        %parallel_loop3A_947 = vector.shape_cast %parallel_loop3A_946 : vector<1x16xf32> to vector<16xf32>
        %parallel_loop3A_948 = vector.shape_cast %parallel_loop3A_943 : vector<16xf32> to vector<1x16xf32>
        tpu.vector_store %arg13[%parallel_loop3A_944, %parallel_loop3A_945], %parallel_loop3A_948 {strides = array<i32>} : memref<64x128xf32, #tpu.memory_space<vmem>>, vector<1x16xf32>,
        %parallel_loop3A_949 = arith.index_cast %parallel_loop3A_909 : i32 to index
        %parallel_loop3A_950 = arith.constant 48 : index
        %parallel_loop3A_951 = tpu.vector_load %arg13[%parallel_loop3A_949, %parallel_loop3A_950] {strides = array<i32>} : memref<64x128xf32, #tpu.memory_space<vmem>>, vector<1x16xf32>,
        %parallel_loop3A_952 = vector.shape_cast %parallel_loop3A_951 : vector<1x16xf32> to vector<16xf32>
        %parallel_loop3A_953 = arith.constant 11.3137083 : f32
        %parallel_loop3A_954 = vector.broadcast %parallel_loop3A_953 : f32 to vector<16xf32>
        %parallel_loop3A_955 = arith.mulf %parallel_loop3A_952, %parallel_loop3A_954 : vector<16xf32>
        %parallel_loop3A_956 = arith.addf %parallel_loop3A_955, %get3A_554 : vector<16xf32>
        %parallel_loop3A_957 = arith.index_cast %parallel_loop3A_909 : i32 to index
        %parallel_loop3A_958 = arith.constant 48 : index
        %parallel_loop3A_959 = tpu.vector_load %arg13[%parallel_loop3A_957, %parallel_loop3A_958] {strides = array<i32>} : memref<64x128xf32, #tpu.memory_space<vmem>>, vector<1x16xf32>,
        %parallel_loop3A_960 = vector.shape_cast %parallel_loop3A_959 : vector<1x16xf32> to vector<16xf32>
        %parallel_loop3A_961 = vector.shape_cast %parallel_loop3A_956 : vector<16xf32> to vector<1x16xf32>
        tpu.vector_store %arg13[%parallel_loop3A_957, %parallel_loop3A_958], %parallel_loop3A_961 {strides = array<i32>} : memref<64x128xf32, #tpu.memory_space<vmem>>, vector<1x16xf32>,
        %parallel_loop3A_962 = arith.index_cast %parallel_loop3A_909 : i32 to index
        %parallel_loop3A_963 = arith.constant 64 : index
        %parallel_loop3A_964 = tpu.vector_load %arg13[%parallel_loop3A_962, %parallel_loop3A_963] {strides = array<i32>} : memref<64x128xf32, #tpu.memory_space<vmem>>, vector<1x16xf32>,
        %parallel_loop3A_965 = vector.shape_cast %parallel_loop3A_964 : vector<1x16xf32> to vector<16xf32>
        %parallel_loop3A_966 = arith.constant 11.3137083 : f32
        %parallel_loop3A_967 = vector.broadcast %parallel_loop3A_966 : f32 to vector<16xf32>
        %parallel_loop3A_968 = arith.mulf %parallel_loop3A_965, %parallel_loop3A_967 : vector<16xf32>
        %parallel_loop3A_969 = arith.addf %parallel_loop3A_968, %get3A_559 : vector<16xf32>
        %parallel_loop3A_970 = arith.index_cast %parallel_loop3A_909 : i32 to index
        %parallel_loop3A_971 = arith.constant 64 : index
        %parallel_loop3A_972 = tpu.vector_load %arg13[%parallel_loop3A_970, %parallel_loop3A_971] {strides = array<i32>} : memref<64x128xf32, #tpu.memory_space<vmem>>, vector<1x16xf32>,
        %parallel_loop3A_973 = vector.shape_cast %parallel_loop3A_972 : vector<1x16xf32> to vector<16xf32>
        %parallel_loop3A_974 = vector.shape_cast %parallel_loop3A_969 : vector<16xf32> to vector<1x16xf32>
        tpu.vector_store %arg13[%parallel_loop3A_970, %parallel_loop3A_971], %parallel_loop3A_974 {strides = array<i32>} : memref<64x128xf32, #tpu.memory_space<vmem>>, vector<1x16xf32>,
        %parallel_loop3A_975 = arith.index_cast %parallel_loop3A_909 : i32 to index
        %parallel_loop3A_976 = arith.constant 80 : index
        %parallel_loop3A_977 = tpu.vector_load %arg13[%parallel_loop3A_975, %parallel_loop3A_976] {strides = array<i32>} : memref<64x128xf32, #tpu.memory_space<vmem>>, vector<1x16xf32>,
        %parallel_loop3A_978 = vector.shape_cast %parallel_loop3A_977 : vector<1x16xf32> to vector<16xf32>
        %parallel_loop3A_979 = arith.constant 11.3137083 : f32
        %parallel_loop3A_980 = vector.broadcast %parallel_loop3A_979 : f32 to vector<16xf32>
        %parallel_loop3A_981 = arith.mulf %parallel_loop3A_978, %parallel_loop3A_980 : vector<16xf32>
        %parallel_loop3A_982 = arith.addf %parallel_loop3A_981, %get3A_564 : vector<16xf32>
        %parallel_loop3A_983 = arith.index_cast %parallel_loop3A_909 : i32 to index
        %parallel_loop3A_984 = arith.constant 80 : index
        %parallel_loop3A_985 = tpu.vector_load %arg13[%parallel_loop3A_983, %parallel_loop3A_984] {strides = array<i32>} : memref<64x128xf32, #tpu.memory_space<vmem>>, vector<1x16xf32>,
        %parallel_loop3A_986 = vector.shape_cast %parallel_loop3A_985 : vector<1x16xf32> to vector<16xf32>
        %parallel_loop3A_987 = vector.shape_cast %parallel_loop3A_982 : vector<16xf32> to vector<1x16xf32>
        tpu.vector_store %arg13[%parallel_loop3A_983, %parallel_loop3A_984], %parallel_loop3A_987 {strides = array<i32>} : memref<64x128xf32, #tpu.memory_space<vmem>>, vector<1x16xf32>,
        %parallel_loop3A_988 = arith.index_cast %parallel_loop3A_909 : i32 to index
        %parallel_loop3A_989 = arith.constant 96 : index
        %parallel_loop3A_990 = tpu.vector_load %arg13[%parallel_loop3A_988, %parallel_loop3A_989] {strides = array<i32>} : memref<64x128xf32, #tpu.memory_space<vmem>>, vector<1x16xf32>,
        %parallel_loop3A_991 = vector.shape_cast %parallel_loop3A_990 : vector<1x16xf32> to vector<16xf32>
        %parallel_loop3A_992 = arith.constant 11.3137083 : f32
        %parallel_loop3A_993 = vector.broadcast %parallel_loop3A_992 : f32 to vector<16xf32>
        %parallel_loop3A_994 = arith.mulf %parallel_loop3A_991, %parallel_loop3A_993 : vector<16xf32>
        %parallel_loop3A_995 = arith.addf %parallel_loop3A_994, %get3A_569 : vector<16xf32>
        %parallel_loop3A_996 = arith.index_cast %parallel_loop3A_909 : i32 to index
        %parallel_loop3A_997 = arith.constant 96 : index
        %parallel_loop3A_998 = tpu.vector_load %arg13[%parallel_loop3A_996, %parallel_loop3A_997] {strides = array<i32>} : memref<64x128xf32, #tpu.memory_space<vmem>>, vector<1x16xf32>,
        %parallel_loop3A_999 = vector.shape_cast %parallel_loop3A_998 : vector<1x16xf32> to vector<16xf32>
        %parallel_loop3A_1000 = vector.shape_cast %parallel_loop3A_995 : vector<16xf32> to vector<1x16xf32>
        tpu.vector_store %arg13[%parallel_loop3A_996, %parallel_loop3A_997], %parallel_loop3A_1000 {strides = array<i32>} : memref<64x128xf32, #tpu.memory_space<vmem>>, vector<1x16xf32>,
        %parallel_loop3A_1001 = arith.index_cast %parallel_loop3A_909 : i32 to index
        %parallel_loop3A_1002 = arith.constant 112 : index
        %parallel_loop3A_1003 = tpu.vector_load %arg13[%parallel_loop3A_1001, %parallel_loop3A_1002] {strides = array<i32>} : memref<64x128xf32, #tpu.memory_space<vmem>>, vector<1x16xf32>,
        %parallel_loop3A_1004 = vector.shape_cast %parallel_loop3A_1003 : vector<1x16xf32> to vector<16xf32>
        %parallel_loop3A_1005 = arith.constant 11.3137083 : f32
        %parallel_loop3A_1006 = vector.broadcast %parallel_loop3A_1005 : f32 to vector<16xf32>
        %parallel_loop3A_1007 = arith.mulf %parallel_loop3A_1004, %parallel_loop3A_1006 : vector<16xf32>
        %parallel_loop3A_1008 = arith.addf %parallel_loop3A_1007, %get3A_574 : vector<16xf32>
        %parallel_loop3A_1009 = arith.index_cast %parallel_loop3A_909 : i32 to index
        %parallel_loop3A_1010 = arith.constant 112 : index
        %parallel_loop3A_1011 = tpu.vector_load %arg13[%parallel_loop3A_1009, %parallel_loop3A_1010] {strides = array<i32>} : memref<64x128xf32, #tpu.memory_space<vmem>>, vector<1x16xf32>,
        %parallel_loop3A_1012 = vector.shape_cast %parallel_loop3A_1011 : vector<1x16xf32> to vector<16xf32>
        %parallel_loop3A_1013 = vector.shape_cast %parallel_loop3A_1008 : vector<16xf32> to vector<1x16xf32>
        tpu.vector_store %arg13[%parallel_loop3A_1009, %parallel_loop3A_1010], %parallel_loop3A_1013 {strides = array<i32>} : memref<64x128xf32, #tpu.memory_space<vmem>>, vector<1x16xf32>,
      } {sc.loop_unroll_factor = 4 : i64, sc.parallel_access}
      %mul3A_578 = arith.constant 64 : i32
      %mul3A_579 = arith.muli %add3A_520, %mul3A_578 : i32
      %add3A_580 = arith.addi %mul3A_2, %mul3A_579 : i32
      %dma_start3A_581 = arith.constant 0 : i32
      %dma_start3A_582 = tpu.memref_slice %arg5[%add3A_580, %dma_start3A_581] : memref<204800x128xf32, #tpu.memory_space<hbm>> -> memref<64x128xf32, #tpu.memory_space<hbm>>
      %dma_start3A_583 = arith.constant 0 : i32
      %dma_start3A_584 = tpu.memref_slice %arg5[%add3A_580, %dma_start3A_583] : memref<204800x128xf32, #tpu.memory_space<hbm>> -> memref<64x128xf32, #tpu.memory_space<hbm>>
      tpu.enqueue_dma source(%arg13 : memref<64x128xf32, #tpu.memory_space<vmem>>) target(%dma_start3A_584 : memref<64x128xf32, #tpu.memory_space<hbm>>) target_semaphore(%arg33 : memref<!tpu.dma_semaphore, #tpu.memory_space<semaphore_mem>>)
      %ge3A_585 = arith.constant 1 : i32
      %ge3A_586 = arith.cmpi sge, %add3A_520, %ge3A_585 : i32
      %add3A_587 = arith.constant 10 : i32
      %add3A_588 = arith.addi %add3A_520, %add3A_587 : i32
      %sub3A_589 = arith.constant 1 : i32
      %sub3A_590 = arith.subi %add3A_588, %sub3A_589 : i32
      %lt3A_591 = arith.constant 100 : i32
      %lt3A_592 = arith.cmpi slt, %sub3A_590, %lt3A_591 : i32
      %and3A_593 = arith.andi %ge3A_586, %lt3A_592 : i1
      %convert_element_type3A_594 = arith.extui %and3A_593 : i1 to i32
      %cond3A_595 = arith.constant 0 : i32
      %cond3A_596 = arith.cmpi ne, %convert_element_type3A_594, %cond3A_595 : i32
      scf.if %cond3A_596 {
        %sub3A_909 = arith.constant 1 : i32
        %sub3A_910 = arith.subi %add3A_520, %sub3A_909 : i32
        %mul3A_911 = arith.constant 64 : i32
        %mul3A_912 = arith.muli %sub3A_910, %mul3A_911 : i32
        %add3A_913 = arith.addi %mul3A_2, %mul3A_912 : i32
        %dma_wait3A_914 = arith.constant 0 : i32
        %dma_wait3A_915 = tpu.memref_slice %arg5[%add3A_913, %dma_wait3A_914] : memref<204800x128xf32, #tpu.memory_space<hbm>> -> memref<64x128xf32, #tpu.memory_space<hbm>>
        %dma_wait3A_916 = arith.constant 0 : i32
        %dma_wait3A_917 = tpu.memref_slice %arg5[%add3A_913, %dma_wait3A_916] : memref<204800x128xf32, #tpu.memory_space<hbm>> -> memref<64x128xf32, #tpu.memory_space<hbm>>
        tpu.wait_dma2 semaphore(%arg32 : memref<!tpu.dma_semaphore, #tpu.memory_space<semaphore_mem>>) src(%arg12 : memref<64x128xf32, #tpu.memory_space<vmem>>) dst(%dma_wait3A_917 : memref<64x128xf32, #tpu.memory_space<hbm>>)
        %add3A_918 = arith.constant 10 : i32
        %add3A_919 = arith.addi %add3A_520, %add3A_918 : i32
        %sub3A_920 = arith.constant 1 : i32
        %sub3A_921 = arith.subi %add3A_919, %sub3A_920 : i32
        %mul3A_922 = arith.constant 64 : i32
        %mul3A_923 = arith.muli %sub3A_921, %mul3A_922 : i32
        %dma_start3A_924 = tpu.memref_slice %arg6[%mul3A_923] : memref<6400xi32, #tpu.memory_space<vmem>> -> memref<64xi32, #tpu.memory_space<vmem>>
        %dma_start3A_925 = arith.constant 0 : i32
        %dma_start3A_926 = arith.constant 0 : i32
        %dma_start3A_927 = tpu.memref_slice %arg4[%dma_start3A_925, %dma_start3A_926] : memref<100000x128xf32, #tpu.memory_space<hbm>> -> memref<100000x128xf32, #tpu.memory_space<hbm>>
        tpu.enqueue_indirect_dma source(%dma_start3A_927 : memref<100000x128xf32, #tpu.memory_space<hbm>>) target(%arg12 : memref<64x128xf32, #tpu.memory_space<vmem>>) offsets(%dma_start3A_924 : memref<64xi32, #tpu.memory_space<vmem>>) semaphore(%arg22 : memref<!tpu.dma_semaphore, #tpu.memory_space<semaphore_mem>>)
      } else {
      }
      %add3A_597 = arith.constant 6 : i32
      %add3A_598 = arith.addi %add3A_136, %add3A_597 : i32
      %mul3A_599 = arith.constant 64 : i32
      %mul3A_600 = arith.muli %add3A_598, %mul3A_599 : i32
      %dma_wait3A_601 = tpu.memref_slice %arg6[%mul3A_600] : memref<6400xi32, #tpu.memory_space<vmem>> -> memref<64xi32, #tpu.memory_space<vmem>>
      %dma_wait3A_602 = arith.constant 0 : i32
      %dma_wait3A_603 = arith.constant 0 : i32
      %dma_wait3A_604 = tpu.memref_slice %arg4[%dma_wait3A_602, %dma_wait3A_603] : memref<100000x128xf32, #tpu.memory_space<hbm>> -> memref<100000x128xf32, #tpu.memory_space<hbm>>
      tpu.wait_indirect_dma semaphore(%arg24 : memref<!tpu.dma_semaphore, #tpu.memory_space<semaphore_mem>>) src(%dma_wait3A_604 : memref<100000x128xf32, #tpu.memory_space<hbm>>) dst(%arg14 : memref<64x128xf32, #tpu.memory_space<vmem>>)
      %mul3A_605 = arith.constant 64 : i32
      %mul3A_606 = arith.muli %add3A_598, %mul3A_605 : i32
      %add3A_607 = arith.addi %mul3A_2, %mul3A_606 : i32
      %shift_right_arithmetic3A_608 = arith.constant 10 : i32
      %shift_right_arithmetic3A_609 = arith.shrsi %add3A_607, %shift_right_arithmetic3A_608 : i32
      %sub3A_610 = arith.subi %shift_right_arithmetic3A_609, %shift_right_arithmetic3A_3 : i32
      %mul3A_611 = arith.constant 128 : i32
      %mul3A_612 = arith.muli %sub3A_610, %mul3A_611 : i32
      %add3A_613 = arith.constant 0 : i32
      %add3A_614 = arith.addi %mul3A_612, %add3A_613 : i32
      %get3A_615 = arith.index_cast %add3A_614 : i32 to index
      %get3A_616 = tpu.vector_load %arg7[%get3A_615] {strides = array<i32>} : memref<1024xf32, #tpu.memory_space<vmem>>, vector<16xf32>,
      %get3A_617 = vector.shape_cast %get3A_616 : vector<16xf32> to vector<16xf32>
      %add3A_618 = arith.constant 16 : i32
      %add3A_619 = arith.addi %mul3A_612, %add3A_618 : i32
      %get3A_620 = arith.index_cast %add3A_619 : i32 to index
      %get3A_621 = tpu.vector_load %arg7[%get3A_620] {strides = array<i32>} : memref<1024xf32, #tpu.memory_space<vmem>>, vector<16xf32>,
      %get3A_622 = vector.shape_cast %get3A_621 : vector<16xf32> to vector<16xf32>
      %add3A_623 = arith.constant 32 : i32
      %add3A_624 = arith.addi %mul3A_612, %add3A_623 : i32
      %get3A_625 = arith.index_cast %add3A_624 : i32 to index
      %get3A_626 = tpu.vector_load %arg7[%get3A_625] {strides = array<i32>} : memref<1024xf32, #tpu.memory_space<vmem>>, vector<16xf32>,
      %get3A_627 = vector.shape_cast %get3A_626 : vector<16xf32> to vector<16xf32>
      %add3A_628 = arith.constant 48 : i32
      %add3A_629 = arith.addi %mul3A_612, %add3A_628 : i32
      %get3A_630 = arith.index_cast %add3A_629 : i32 to index
      %get3A_631 = tpu.vector_load %arg7[%get3A_630] {strides = array<i32>} : memref<1024xf32, #tpu.memory_space<vmem>>, vector<16xf32>,
      %get3A_632 = vector.shape_cast %get3A_631 : vector<16xf32> to vector<16xf32>
      %add3A_633 = arith.constant 64 : i32
      %add3A_634 = arith.addi %mul3A_612, %add3A_633 : i32
      %get3A_635 = arith.index_cast %add3A_634 : i32 to index
      %get3A_636 = tpu.vector_load %arg7[%get3A_635] {strides = array<i32>} : memref<1024xf32, #tpu.memory_space<vmem>>, vector<16xf32>,
      %get3A_637 = vector.shape_cast %get3A_636 : vector<16xf32> to vector<16xf32>
      %add3A_638 = arith.constant 80 : i32
      %add3A_639 = arith.addi %mul3A_612, %add3A_638 : i32
      %get3A_640 = arith.index_cast %add3A_639 : i32 to index
      %get3A_641 = tpu.vector_load %arg7[%get3A_640] {strides = array<i32>} : memref<1024xf32, #tpu.memory_space<vmem>>, vector<16xf32>,
      %get3A_642 = vector.shape_cast %get3A_641 : vector<16xf32> to vector<16xf32>
      %add3A_643 = arith.constant 96 : i32
      %add3A_644 = arith.addi %mul3A_612, %add3A_643 : i32
      %get3A_645 = arith.index_cast %add3A_644 : i32 to index
      %get3A_646 = tpu.vector_load %arg7[%get3A_645] {strides = array<i32>} : memref<1024xf32, #tpu.memory_space<vmem>>, vector<16xf32>,
      %get3A_647 = vector.shape_cast %get3A_646 : vector<16xf32> to vector<16xf32>
      %add3A_648 = arith.constant 112 : i32
      %add3A_649 = arith.addi %mul3A_612, %add3A_648 : i32
      %get3A_650 = arith.index_cast %add3A_649 : i32 to index
      %get3A_651 = tpu.vector_load %arg7[%get3A_650] {strides = array<i32>} : memref<1024xf32, #tpu.memory_space<vmem>>, vector<16xf32>,
      %get3A_652 = vector.shape_cast %get3A_651 : vector<16xf32> to vector<16xf32>
      %parallel_loop3A_653 = arith.constant 0 : i32
      %parallel_loop3A_654 = arith.constant 64 : i32
      %parallel_loop3A_655 = arith.constant 1 : i32
      scf.for %parallel_loop3A_909 = %parallel_loop3A_653 to %parallel_loop3A_654 step %parallel_loop3A_655  : i32 {
        %parallel_loop3A_910 = arith.index_cast %parallel_loop3A_909 : i32 to index
        %parallel_loop3A_911 = arith.constant 0 : index
        %parallel_loop3A_912 = tpu.vector_load %arg14[%parallel_loop3A_910, %parallel_loop3A_911] {strides = array<i32>} : memref<64x128xf32, #tpu.memory_space<vmem>>, vector<1x16xf32>,
        %parallel_loop3A_913 = vector.shape_cast %parallel_loop3A_912 : vector<1x16xf32> to vector<16xf32>
        %parallel_loop3A_914 = arith.constant 11.3137083 : f32
        %parallel_loop3A_915 = vector.broadcast %parallel_loop3A_914 : f32 to vector<16xf32>
        %parallel_loop3A_916 = arith.mulf %parallel_loop3A_913, %parallel_loop3A_915 : vector<16xf32>
        %parallel_loop3A_917 = arith.addf %parallel_loop3A_916, %get3A_617 : vector<16xf32>
        %parallel_loop3A_918 = arith.index_cast %parallel_loop3A_909 : i32 to index
        %parallel_loop3A_919 = arith.constant 0 : index
        %parallel_loop3A_920 = tpu.vector_load %arg14[%parallel_loop3A_918, %parallel_loop3A_919] {strides = array<i32>} : memref<64x128xf32, #tpu.memory_space<vmem>>, vector<1x16xf32>,
        %parallel_loop3A_921 = vector.shape_cast %parallel_loop3A_920 : vector<1x16xf32> to vector<16xf32>
        %parallel_loop3A_922 = vector.shape_cast %parallel_loop3A_917 : vector<16xf32> to vector<1x16xf32>
        tpu.vector_store %arg14[%parallel_loop3A_918, %parallel_loop3A_919], %parallel_loop3A_922 {strides = array<i32>} : memref<64x128xf32, #tpu.memory_space<vmem>>, vector<1x16xf32>,
        %parallel_loop3A_923 = arith.index_cast %parallel_loop3A_909 : i32 to index
        %parallel_loop3A_924 = arith.constant 16 : index
        %parallel_loop3A_925 = tpu.vector_load %arg14[%parallel_loop3A_923, %parallel_loop3A_924] {strides = array<i32>} : memref<64x128xf32, #tpu.memory_space<vmem>>, vector<1x16xf32>,
        %parallel_loop3A_926 = vector.shape_cast %parallel_loop3A_925 : vector<1x16xf32> to vector<16xf32>
        %parallel_loop3A_927 = arith.constant 11.3137083 : f32
        %parallel_loop3A_928 = vector.broadcast %parallel_loop3A_927 : f32 to vector<16xf32>
        %parallel_loop3A_929 = arith.mulf %parallel_loop3A_926, %parallel_loop3A_928 : vector<16xf32>
        %parallel_loop3A_930 = arith.addf %parallel_loop3A_929, %get3A_622 : vector<16xf32>
        %parallel_loop3A_931 = arith.index_cast %parallel_loop3A_909 : i32 to index
        %parallel_loop3A_932 = arith.constant 16 : index
        %parallel_loop3A_933 = tpu.vector_load %arg14[%parallel_loop3A_931, %parallel_loop3A_932] {strides = array<i32>} : memref<64x128xf32, #tpu.memory_space<vmem>>, vector<1x16xf32>,
        %parallel_loop3A_934 = vector.shape_cast %parallel_loop3A_933 : vector<1x16xf32> to vector<16xf32>
        %parallel_loop3A_935 = vector.shape_cast %parallel_loop3A_930 : vector<16xf32> to vector<1x16xf32>
        tpu.vector_store %arg14[%parallel_loop3A_931, %parallel_loop3A_932], %parallel_loop3A_935 {strides = array<i32>} : memref<64x128xf32, #tpu.memory_space<vmem>>, vector<1x16xf32>,
        %parallel_loop3A_936 = arith.index_cast %parallel_loop3A_909 : i32 to index
        %parallel_loop3A_937 = arith.constant 32 : index
        %parallel_loop3A_938 = tpu.vector_load %arg14[%parallel_loop3A_936, %parallel_loop3A_937] {strides = array<i32>} : memref<64x128xf32, #tpu.memory_space<vmem>>, vector<1x16xf32>,
        %parallel_loop3A_939 = vector.shape_cast %parallel_loop3A_938 : vector<1x16xf32> to vector<16xf32>
        %parallel_loop3A_940 = arith.constant 11.3137083 : f32
        %parallel_loop3A_941 = vector.broadcast %parallel_loop3A_940 : f32 to vector<16xf32>
        %parallel_loop3A_942 = arith.mulf %parallel_loop3A_939, %parallel_loop3A_941 : vector<16xf32>
        %parallel_loop3A_943 = arith.addf %parallel_loop3A_942, %get3A_627 : vector<16xf32>
        %parallel_loop3A_944 = arith.index_cast %parallel_loop3A_909 : i32 to index
        %parallel_loop3A_945 = arith.constant 32 : index
        %parallel_loop3A_946 = tpu.vector_load %arg14[%parallel_loop3A_944, %parallel_loop3A_945] {strides = array<i32>} : memref<64x128xf32, #tpu.memory_space<vmem>>, vector<1x16xf32>,
        %parallel_loop3A_947 = vector.shape_cast %parallel_loop3A_946 : vector<1x16xf32> to vector<16xf32>
        %parallel_loop3A_948 = vector.shape_cast %parallel_loop3A_943 : vector<16xf32> to vector<1x16xf32>
        tpu.vector_store %arg14[%parallel_loop3A_944, %parallel_loop3A_945], %parallel_loop3A_948 {strides = array<i32>} : memref<64x128xf32, #tpu.memory_space<vmem>>, vector<1x16xf32>,
        %parallel_loop3A_949 = arith.index_cast %parallel_loop3A_909 : i32 to index
        %parallel_loop3A_950 = arith.constant 48 : index
        %parallel_loop3A_951 = tpu.vector_load %arg14[%parallel_loop3A_949, %parallel_loop3A_950] {strides = array<i32>} : memref<64x128xf32, #tpu.memory_space<vmem>>, vector<1x16xf32>,
        %parallel_loop3A_952 = vector.shape_cast %parallel_loop3A_951 : vector<1x16xf32> to vector<16xf32>
        %parallel_loop3A_953 = arith.constant 11.3137083 : f32
        %parallel_loop3A_954 = vector.broadcast %parallel_loop3A_953 : f32 to vector<16xf32>
        %parallel_loop3A_955 = arith.mulf %parallel_loop3A_952, %parallel_loop3A_954 : vector<16xf32>
        %parallel_loop3A_956 = arith.addf %parallel_loop3A_955, %get3A_632 : vector<16xf32>
        %parallel_loop3A_957 = arith.index_cast %parallel_loop3A_909 : i32 to index
        %parallel_loop3A_958 = arith.constant 48 : index
        %parallel_loop3A_959 = tpu.vector_load %arg14[%parallel_loop3A_957, %parallel_loop3A_958] {strides = array<i32>} : memref<64x128xf32, #tpu.memory_space<vmem>>, vector<1x16xf32>,
        %parallel_loop3A_960 = vector.shape_cast %parallel_loop3A_959 : vector<1x16xf32> to vector<16xf32>
        %parallel_loop3A_961 = vector.shape_cast %parallel_loop3A_956 : vector<16xf32> to vector<1x16xf32>
        tpu.vector_store %arg14[%parallel_loop3A_957, %parallel_loop3A_958], %parallel_loop3A_961 {strides = array<i32>} : memref<64x128xf32, #tpu.memory_space<vmem>>, vector<1x16xf32>,
        %parallel_loop3A_962 = arith.index_cast %parallel_loop3A_909 : i32 to index
        %parallel_loop3A_963 = arith.constant 64 : index
        %parallel_loop3A_964 = tpu.vector_load %arg14[%parallel_loop3A_962, %parallel_loop3A_963] {strides = array<i32>} : memref<64x128xf32, #tpu.memory_space<vmem>>, vector<1x16xf32>,
        %parallel_loop3A_965 = vector.shape_cast %parallel_loop3A_964 : vector<1x16xf32> to vector<16xf32>
        %parallel_loop3A_966 = arith.constant 11.3137083 : f32
        %parallel_loop3A_967 = vector.broadcast %parallel_loop3A_966 : f32 to vector<16xf32>
        %parallel_loop3A_968 = arith.mulf %parallel_loop3A_965, %parallel_loop3A_967 : vector<16xf32>
        %parallel_loop3A_969 = arith.addf %parallel_loop3A_968, %get3A_637 : vector<16xf32>
        %parallel_loop3A_970 = arith.index_cast %parallel_loop3A_909 : i32 to index
        %parallel_loop3A_971 = arith.constant 64 : index
        %parallel_loop3A_972 = tpu.vector_load %arg14[%parallel_loop3A_970, %parallel_loop3A_971] {strides = array<i32>} : memref<64x128xf32, #tpu.memory_space<vmem>>, vector<1x16xf32>,
        %parallel_loop3A_973 = vector.shape_cast %parallel_loop3A_972 : vector<1x16xf32> to vector<16xf32>
        %parallel_loop3A_974 = vector.shape_cast %parallel_loop3A_969 : vector<16xf32> to vector<1x16xf32>
        tpu.vector_store %arg14[%parallel_loop3A_970, %parallel_loop3A_971], %parallel_loop3A_974 {strides = array<i32>} : memref<64x128xf32, #tpu.memory_space<vmem>>, vector<1x16xf32>,
        %parallel_loop3A_975 = arith.index_cast %parallel_loop3A_909 : i32 to index
        %parallel_loop3A_976 = arith.constant 80 : index
        %parallel_loop3A_977 = tpu.vector_load %arg14[%parallel_loop3A_975, %parallel_loop3A_976] {strides = array<i32>} : memref<64x128xf32, #tpu.memory_space<vmem>>, vector<1x16xf32>,
        %parallel_loop3A_978 = vector.shape_cast %parallel_loop3A_977 : vector<1x16xf32> to vector<16xf32>
        %parallel_loop3A_979 = arith.constant 11.3137083 : f32
        %parallel_loop3A_980 = vector.broadcast %parallel_loop3A_979 : f32 to vector<16xf32>
        %parallel_loop3A_981 = arith.mulf %parallel_loop3A_978, %parallel_loop3A_980 : vector<16xf32>
        %parallel_loop3A_982 = arith.addf %parallel_loop3A_981, %get3A_642 : vector<16xf32>
        %parallel_loop3A_983 = arith.index_cast %parallel_loop3A_909 : i32 to index
        %parallel_loop3A_984 = arith.constant 80 : index
        %parallel_loop3A_985 = tpu.vector_load %arg14[%parallel_loop3A_983, %parallel_loop3A_984] {strides = array<i32>} : memref<64x128xf32, #tpu.memory_space<vmem>>, vector<1x16xf32>,
        %parallel_loop3A_986 = vector.shape_cast %parallel_loop3A_985 : vector<1x16xf32> to vector<16xf32>
        %parallel_loop3A_987 = vector.shape_cast %parallel_loop3A_982 : vector<16xf32> to vector<1x16xf32>
        tpu.vector_store %arg14[%parallel_loop3A_983, %parallel_loop3A_984], %parallel_loop3A_987 {strides = array<i32>} : memref<64x128xf32, #tpu.memory_space<vmem>>, vector<1x16xf32>,
        %parallel_loop3A_988 = arith.index_cast %parallel_loop3A_909 : i32 to index
        %parallel_loop3A_989 = arith.constant 96 : index
        %parallel_loop3A_990 = tpu.vector_load %arg14[%parallel_loop3A_988, %parallel_loop3A_989] {strides = array<i32>} : memref<64x128xf32, #tpu.memory_space<vmem>>, vector<1x16xf32>,
        %parallel_loop3A_991 = vector.shape_cast %parallel_loop3A_990 : vector<1x16xf32> to vector<16xf32>
        %parallel_loop3A_992 = arith.constant 11.3137083 : f32
        %parallel_loop3A_993 = vector.broadcast %parallel_loop3A_992 : f32 to vector<16xf32>
        %parallel_loop3A_994 = arith.mulf %parallel_loop3A_991, %parallel_loop3A_993 : vector<16xf32>
        %parallel_loop3A_995 = arith.addf %parallel_loop3A_994, %get3A_647 : vector<16xf32>
        %parallel_loop3A_996 = arith.index_cast %parallel_loop3A_909 : i32 to index
        %parallel_loop3A_997 = arith.constant 96 : index
        %parallel_loop3A_998 = tpu.vector_load %arg14[%parallel_loop3A_996, %parallel_loop3A_997] {strides = array<i32>} : memref<64x128xf32, #tpu.memory_space<vmem>>, vector<1x16xf32>,
        %parallel_loop3A_999 = vector.shape_cast %parallel_loop3A_998 : vector<1x16xf32> to vector<16xf32>
        %parallel_loop3A_1000 = vector.shape_cast %parallel_loop3A_995 : vector<16xf32> to vector<1x16xf32>
        tpu.vector_store %arg14[%parallel_loop3A_996, %parallel_loop3A_997], %parallel_loop3A_1000 {strides = array<i32>} : memref<64x128xf32, #tpu.memory_space<vmem>>, vector<1x16xf32>,
        %parallel_loop3A_1001 = arith.index_cast %parallel_loop3A_909 : i32 to index
        %parallel_loop3A_1002 = arith.constant 112 : index
        %parallel_loop3A_1003 = tpu.vector_load %arg14[%parallel_loop3A_1001, %parallel_loop3A_1002] {strides = array<i32>} : memref<64x128xf32, #tpu.memory_space<vmem>>, vector<1x16xf32>,
        %parallel_loop3A_1004 = vector.shape_cast %parallel_loop3A_1003 : vector<1x16xf32> to vector<16xf32>
        %parallel_loop3A_1005 = arith.constant 11.3137083 : f32
        %parallel_loop3A_1006 = vector.broadcast %parallel_loop3A_1005 : f32 to vector<16xf32>
        %parallel_loop3A_1007 = arith.mulf %parallel_loop3A_1004, %parallel_loop3A_1006 : vector<16xf32>
        %parallel_loop3A_1008 = arith.addf %parallel_loop3A_1007, %get3A_652 : vector<16xf32>
        %parallel_loop3A_1009 = arith.index_cast %parallel_loop3A_909 : i32 to index
        %parallel_loop3A_1010 = arith.constant 112 : index
        %parallel_loop3A_1011 = tpu.vector_load %arg14[%parallel_loop3A_1009, %parallel_loop3A_1010] {strides = array<i32>} : memref<64x128xf32, #tpu.memory_space<vmem>>, vector<1x16xf32>,
        %parallel_loop3A_1012 = vector.shape_cast %parallel_loop3A_1011 : vector<1x16xf32> to vector<16xf32>
        %parallel_loop3A_1013 = vector.shape_cast %parallel_loop3A_1008 : vector<16xf32> to vector<1x16xf32>
        tpu.vector_store %arg14[%parallel_loop3A_1009, %parallel_loop3A_1010], %parallel_loop3A_1013 {strides = array<i32>} : memref<64x128xf32, #tpu.memory_space<vmem>>, vector<1x16xf32>,
      } {sc.loop_unroll_factor = 4 : i64, sc.parallel_access}
      %mul3A_656 = arith.constant 64 : i32
      %mul3A_657 = arith.muli %add3A_598, %mul3A_656 : i32
      %add3A_658 = arith.addi %mul3A_2, %mul3A_657 : i32
      %dma_start3A_659 = arith.constant 0 : i32
      %dma_start3A_660 = tpu.memref_slice %arg5[%add3A_658, %dma_start3A_659] : memref<204800x128xf32, #tpu.memory_space<hbm>> -> memref<64x128xf32, #tpu.memory_space<hbm>>
      %dma_start3A_661 = arith.constant 0 : i32
      %dma_start3A_662 = tpu.memref_slice %arg5[%add3A_658, %dma_start3A_661] : memref<204800x128xf32, #tpu.memory_space<hbm>> -> memref<64x128xf32, #tpu.memory_space<hbm>>
      tpu.enqueue_dma source(%arg14 : memref<64x128xf32, #tpu.memory_space<vmem>>) target(%dma_start3A_662 : memref<64x128xf32, #tpu.memory_space<hbm>>) target_semaphore(%arg34 : memref<!tpu.dma_semaphore, #tpu.memory_space<semaphore_mem>>)
      %ge3A_663 = arith.constant 1 : i32
      %ge3A_664 = arith.cmpi sge, %add3A_598, %ge3A_663 : i32
      %add3A_665 = arith.constant 10 : i32
      %add3A_666 = arith.addi %add3A_598, %add3A_665 : i32
      %sub3A_667 = arith.constant 1 : i32
      %sub3A_668 = arith.subi %add3A_666, %sub3A_667 : i32
      %lt3A_669 = arith.constant 100 : i32
      %lt3A_670 = arith.cmpi slt, %sub3A_668, %lt3A_669 : i32
      %and3A_671 = arith.andi %ge3A_664, %lt3A_670 : i1
      %convert_element_type3A_672 = arith.extui %and3A_671 : i1 to i32
      %cond3A_673 = arith.constant 0 : i32
      %cond3A_674 = arith.cmpi ne, %convert_element_type3A_672, %cond3A_673 : i32
      scf.if %cond3A_674 {
        %sub3A_909 = arith.constant 1 : i32
        %sub3A_910 = arith.subi %add3A_598, %sub3A_909 : i32
        %mul3A_911 = arith.constant 64 : i32
        %mul3A_912 = arith.muli %sub3A_910, %mul3A_911 : i32
        %add3A_913 = arith.addi %mul3A_2, %mul3A_912 : i32
        %dma_wait3A_914 = arith.constant 0 : i32
        %dma_wait3A_915 = tpu.memref_slice %arg5[%add3A_913, %dma_wait3A_914] : memref<204800x128xf32, #tpu.memory_space<hbm>> -> memref<64x128xf32, #tpu.memory_space<hbm>>
        %dma_wait3A_916 = arith.constant 0 : i32
        %dma_wait3A_917 = tpu.memref_slice %arg5[%add3A_913, %dma_wait3A_916] : memref<204800x128xf32, #tpu.memory_space<hbm>> -> memref<64x128xf32, #tpu.memory_space<hbm>>
        tpu.wait_dma2 semaphore(%arg33 : memref<!tpu.dma_semaphore, #tpu.memory_space<semaphore_mem>>) src(%arg13 : memref<64x128xf32, #tpu.memory_space<vmem>>) dst(%dma_wait3A_917 : memref<64x128xf32, #tpu.memory_space<hbm>>)
        %add3A_918 = arith.constant 10 : i32
        %add3A_919 = arith.addi %add3A_598, %add3A_918 : i32
        %sub3A_920 = arith.constant 1 : i32
        %sub3A_921 = arith.subi %add3A_919, %sub3A_920 : i32
        %mul3A_922 = arith.constant 64 : i32
        %mul3A_923 = arith.muli %sub3A_921, %mul3A_922 : i32
        %dma_start3A_924 = tpu.memref_slice %arg6[%mul3A_923] : memref<6400xi32, #tpu.memory_space<vmem>> -> memref<64xi32, #tpu.memory_space<vmem>>
        %dma_start3A_925 = arith.constant 0 : i32
        %dma_start3A_926 = arith.constant 0 : i32
        %dma_start3A_927 = tpu.memref_slice %arg4[%dma_start3A_925, %dma_start3A_926] : memref<100000x128xf32, #tpu.memory_space<hbm>> -> memref<100000x128xf32, #tpu.memory_space<hbm>>
        tpu.enqueue_indirect_dma source(%dma_start3A_927 : memref<100000x128xf32, #tpu.memory_space<hbm>>) target(%arg13 : memref<64x128xf32, #tpu.memory_space<vmem>>) offsets(%dma_start3A_924 : memref<64xi32, #tpu.memory_space<vmem>>) semaphore(%arg23 : memref<!tpu.dma_semaphore, #tpu.memory_space<semaphore_mem>>)
      } else {
      }
      %add3A_675 = arith.constant 7 : i32
      %add3A_676 = arith.addi %add3A_136, %add3A_675 : i32
      %mul3A_677 = arith.constant 64 : i32
      %mul3A_678 = arith.muli %add3A_676, %mul3A_677 : i32
      %dma_wait3A_679 = tpu.memref_slice %arg6[%mul3A_678] : memref<6400xi32, #tpu.memory_space<vmem>> -> memref<64xi32, #tpu.memory_space<vmem>>
      %dma_wait3A_680 = arith.constant 0 : i32
      %dma_wait3A_681 = arith.constant 0 : i32
      %dma_wait3A_682 = tpu.memref_slice %arg4[%dma_wait3A_680, %dma_wait3A_681] : memref<100000x128xf32, #tpu.memory_space<hbm>> -> memref<100000x128xf32, #tpu.memory_space<hbm>>
      tpu.wait_indirect_dma semaphore(%arg25 : memref<!tpu.dma_semaphore, #tpu.memory_space<semaphore_mem>>) src(%dma_wait3A_682 : memref<100000x128xf32, #tpu.memory_space<hbm>>) dst(%arg15 : memref<64x128xf32, #tpu.memory_space<vmem>>)
      %mul3A_683 = arith.constant 64 : i32
      %mul3A_684 = arith.muli %add3A_676, %mul3A_683 : i32
      %add3A_685 = arith.addi %mul3A_2, %mul3A_684 : i32
      %shift_right_arithmetic3A_686 = arith.constant 10 : i32
      %shift_right_arithmetic3A_687 = arith.shrsi %add3A_685, %shift_right_arithmetic3A_686 : i32
      %sub3A_688 = arith.subi %shift_right_arithmetic3A_687, %shift_right_arithmetic3A_3 : i32
      %mul3A_689 = arith.constant 128 : i32
      %mul3A_690 = arith.muli %sub3A_688, %mul3A_689 : i32
      %add3A_691 = arith.constant 0 : i32
      %add3A_692 = arith.addi %mul3A_690, %add3A_691 : i32
      %get3A_693 = arith.index_cast %add3A_692 : i32 to index
      %get3A_694 = tpu.vector_load %arg7[%get3A_693] {strides = array<i32>} : memref<1024xf32, #tpu.memory_space<vmem>>, vector<16xf32>,
      %get3A_695 = vector.shape_cast %get3A_694 : vector<16xf32> to vector<16xf32>
      %add3A_696 = arith.constant 16 : i32
      %add3A_697 = arith.addi %mul3A_690, %add3A_696 : i32
      %get3A_698 = arith.index_cast %add3A_697 : i32 to index
      %get3A_699 = tpu.vector_load %arg7[%get3A_698] {strides = array<i32>} : memref<1024xf32, #tpu.memory_space<vmem>>, vector<16xf32>,
      %get3A_700 = vector.shape_cast %get3A_699 : vector<16xf32> to vector<16xf32>
      %add3A_701 = arith.constant 32 : i32
      %add3A_702 = arith.addi %mul3A_690, %add3A_701 : i32
      %get3A_703 = arith.index_cast %add3A_702 : i32 to index
      %get3A_704 = tpu.vector_load %arg7[%get3A_703] {strides = array<i32>} : memref<1024xf32, #tpu.memory_space<vmem>>, vector<16xf32>,
      %get3A_705 = vector.shape_cast %get3A_704 : vector<16xf32> to vector<16xf32>
      %add3A_706 = arith.constant 48 : i32
      %add3A_707 = arith.addi %mul3A_690, %add3A_706 : i32
      %get3A_708 = arith.index_cast %add3A_707 : i32 to index
      %get3A_709 = tpu.vector_load %arg7[%get3A_708] {strides = array<i32>} : memref<1024xf32, #tpu.memory_space<vmem>>, vector<16xf32>,
      %get3A_710 = vector.shape_cast %get3A_709 : vector<16xf32> to vector<16xf32>
      %add3A_711 = arith.constant 64 : i32
      %add3A_712 = arith.addi %mul3A_690, %add3A_711 : i32
      %get3A_713 = arith.index_cast %add3A_712 : i32 to index
      %get3A_714 = tpu.vector_load %arg7[%get3A_713] {strides = array<i32>} : memref<1024xf32, #tpu.memory_space<vmem>>, vector<16xf32>,
      %get3A_715 = vector.shape_cast %get3A_714 : vector<16xf32> to vector<16xf32>
      %add3A_716 = arith.constant 80 : i32
      %add3A_717 = arith.addi %mul3A_690, %add3A_716 : i32
      %get3A_718 = arith.index_cast %add3A_717 : i32 to index
      %get3A_719 = tpu.vector_load %arg7[%get3A_718] {strides = array<i32>} : memref<1024xf32, #tpu.memory_space<vmem>>, vector<16xf32>,
      %get3A_720 = vector.shape_cast %get3A_719 : vector<16xf32> to vector<16xf32>
      %add3A_721 = arith.constant 96 : i32
      %add3A_722 = arith.addi %mul3A_690, %add3A_721 : i32
      %get3A_723 = arith.index_cast %add3A_722 : i32 to index
      %get3A_724 = tpu.vector_load %arg7[%get3A_723] {strides = array<i32>} : memref<1024xf32, #tpu.memory_space<vmem>>, vector<16xf32>,
      %get3A_725 = vector.shape_cast %get3A_724 : vector<16xf32> to vector<16xf32>
      %add3A_726 = arith.constant 112 : i32
      %add3A_727 = arith.addi %mul3A_690, %add3A_726 : i32
      %get3A_728 = arith.index_cast %add3A_727 : i32 to index
      %get3A_729 = tpu.vector_load %arg7[%get3A_728] {strides = array<i32>} : memref<1024xf32, #tpu.memory_space<vmem>>, vector<16xf32>,
      %get3A_730 = vector.shape_cast %get3A_729 : vector<16xf32> to vector<16xf32>
      %parallel_loop3A_731 = arith.constant 0 : i32
      %parallel_loop3A_732 = arith.constant 64 : i32
      %parallel_loop3A_733 = arith.constant 1 : i32
      scf.for %parallel_loop3A_909 = %parallel_loop3A_731 to %parallel_loop3A_732 step %parallel_loop3A_733  : i32 {
        %parallel_loop3A_910 = arith.index_cast %parallel_loop3A_909 : i32 to index
        %parallel_loop3A_911 = arith.constant 0 : index
        %parallel_loop3A_912 = tpu.vector_load %arg15[%parallel_loop3A_910, %parallel_loop3A_911] {strides = array<i32>} : memref<64x128xf32, #tpu.memory_space<vmem>>, vector<1x16xf32>,
        %parallel_loop3A_913 = vector.shape_cast %parallel_loop3A_912 : vector<1x16xf32> to vector<16xf32>
        %parallel_loop3A_914 = arith.constant 11.3137083 : f32
        %parallel_loop3A_915 = vector.broadcast %parallel_loop3A_914 : f32 to vector<16xf32>
        %parallel_loop3A_916 = arith.mulf %parallel_loop3A_913, %parallel_loop3A_915 : vector<16xf32>
        %parallel_loop3A_917 = arith.addf %parallel_loop3A_916, %get3A_695 : vector<16xf32>
        %parallel_loop3A_918 = arith.index_cast %parallel_loop3A_909 : i32 to index
        %parallel_loop3A_919 = arith.constant 0 : index
        %parallel_loop3A_920 = tpu.vector_load %arg15[%parallel_loop3A_918, %parallel_loop3A_919] {strides = array<i32>} : memref<64x128xf32, #tpu.memory_space<vmem>>, vector<1x16xf32>,
        %parallel_loop3A_921 = vector.shape_cast %parallel_loop3A_920 : vector<1x16xf32> to vector<16xf32>
        %parallel_loop3A_922 = vector.shape_cast %parallel_loop3A_917 : vector<16xf32> to vector<1x16xf32>
        tpu.vector_store %arg15[%parallel_loop3A_918, %parallel_loop3A_919], %parallel_loop3A_922 {strides = array<i32>} : memref<64x128xf32, #tpu.memory_space<vmem>>, vector<1x16xf32>,
        %parallel_loop3A_923 = arith.index_cast %parallel_loop3A_909 : i32 to index
        %parallel_loop3A_924 = arith.constant 16 : index
        %parallel_loop3A_925 = tpu.vector_load %arg15[%parallel_loop3A_923, %parallel_loop3A_924] {strides = array<i32>} : memref<64x128xf32, #tpu.memory_space<vmem>>, vector<1x16xf32>,
        %parallel_loop3A_926 = vector.shape_cast %parallel_loop3A_925 : vector<1x16xf32> to vector<16xf32>
        %parallel_loop3A_927 = arith.constant 11.3137083 : f32
        %parallel_loop3A_928 = vector.broadcast %parallel_loop3A_927 : f32 to vector<16xf32>
        %parallel_loop3A_929 = arith.mulf %parallel_loop3A_926, %parallel_loop3A_928 : vector<16xf32>
        %parallel_loop3A_930 = arith.addf %parallel_loop3A_929, %get3A_700 : vector<16xf32>
        %parallel_loop3A_931 = arith.index_cast %parallel_loop3A_909 : i32 to index
        %parallel_loop3A_932 = arith.constant 16 : index
        %parallel_loop3A_933 = tpu.vector_load %arg15[%parallel_loop3A_931, %parallel_loop3A_932] {strides = array<i32>} : memref<64x128xf32, #tpu.memory_space<vmem>>, vector<1x16xf32>,
        %parallel_loop3A_934 = vector.shape_cast %parallel_loop3A_933 : vector<1x16xf32> to vector<16xf32>
        %parallel_loop3A_935 = vector.shape_cast %parallel_loop3A_930 : vector<16xf32> to vector<1x16xf32>
        tpu.vector_store %arg15[%parallel_loop3A_931, %parallel_loop3A_932], %parallel_loop3A_935 {strides = array<i32>} : memref<64x128xf32, #tpu.memory_space<vmem>>, vector<1x16xf32>,
        %parallel_loop3A_936 = arith.index_cast %parallel_loop3A_909 : i32 to index
        %parallel_loop3A_937 = arith.constant 32 : index
        %parallel_loop3A_938 = tpu.vector_load %arg15[%parallel_loop3A_936, %parallel_loop3A_937] {strides = array<i32>} : memref<64x128xf32, #tpu.memory_space<vmem>>, vector<1x16xf32>,
        %parallel_loop3A_939 = vector.shape_cast %parallel_loop3A_938 : vector<1x16xf32> to vector<16xf32>
        %parallel_loop3A_940 = arith.constant 11.3137083 : f32
        %parallel_loop3A_941 = vector.broadcast %parallel_loop3A_940 : f32 to vector<16xf32>
        %parallel_loop3A_942 = arith.mulf %parallel_loop3A_939, %parallel_loop3A_941 : vector<16xf32>
        %parallel_loop3A_943 = arith.addf %parallel_loop3A_942, %get3A_705 : vector<16xf32>
        %parallel_loop3A_944 = arith.index_cast %parallel_loop3A_909 : i32 to index
        %parallel_loop3A_945 = arith.constant 32 : index
        %parallel_loop3A_946 = tpu.vector_load %arg15[%parallel_loop3A_944, %parallel_loop3A_945] {strides = array<i32>} : memref<64x128xf32, #tpu.memory_space<vmem>>, vector<1x16xf32>,
        %parallel_loop3A_947 = vector.shape_cast %parallel_loop3A_946 : vector<1x16xf32> to vector<16xf32>
        %parallel_loop3A_948 = vector.shape_cast %parallel_loop3A_943 : vector<16xf32> to vector<1x16xf32>
        tpu.vector_store %arg15[%parallel_loop3A_944, %parallel_loop3A_945], %parallel_loop3A_948 {strides = array<i32>} : memref<64x128xf32, #tpu.memory_space<vmem>>, vector<1x16xf32>,
        %parallel_loop3A_949 = arith.index_cast %parallel_loop3A_909 : i32 to index
        %parallel_loop3A_950 = arith.constant 48 : index
        %parallel_loop3A_951 = tpu.vector_load %arg15[%parallel_loop3A_949, %parallel_loop3A_950] {strides = array<i32>} : memref<64x128xf32, #tpu.memory_space<vmem>>, vector<1x16xf32>,
        %parallel_loop3A_952 = vector.shape_cast %parallel_loop3A_951 : vector<1x16xf32> to vector<16xf32>
        %parallel_loop3A_953 = arith.constant 11.3137083 : f32
        %parallel_loop3A_954 = vector.broadcast %parallel_loop3A_953 : f32 to vector<16xf32>
        %parallel_loop3A_955 = arith.mulf %parallel_loop3A_952, %parallel_loop3A_954 : vector<16xf32>
        %parallel_loop3A_956 = arith.addf %parallel_loop3A_955, %get3A_710 : vector<16xf32>
        %parallel_loop3A_957 = arith.index_cast %parallel_loop3A_909 : i32 to index
        %parallel_loop3A_958 = arith.constant 48 : index
        %parallel_loop3A_959 = tpu.vector_load %arg15[%parallel_loop3A_957, %parallel_loop3A_958] {strides = array<i32>} : memref<64x128xf32, #tpu.memory_space<vmem>>, vector<1x16xf32>,
        %parallel_loop3A_960 = vector.shape_cast %parallel_loop3A_959 : vector<1x16xf32> to vector<16xf32>
        %parallel_loop3A_961 = vector.shape_cast %parallel_loop3A_956 : vector<16xf32> to vector<1x16xf32>
        tpu.vector_store %arg15[%parallel_loop3A_957, %parallel_loop3A_958], %parallel_loop3A_961 {strides = array<i32>} : memref<64x128xf32, #tpu.memory_space<vmem>>, vector<1x16xf32>,
        %parallel_loop3A_962 = arith.index_cast %parallel_loop3A_909 : i32 to index
        %parallel_loop3A_963 = arith.constant 64 : index
        %parallel_loop3A_964 = tpu.vector_load %arg15[%parallel_loop3A_962, %parallel_loop3A_963] {strides = array<i32>} : memref<64x128xf32, #tpu.memory_space<vmem>>, vector<1x16xf32>,
        %parallel_loop3A_965 = vector.shape_cast %parallel_loop3A_964 : vector<1x16xf32> to vector<16xf32>
        %parallel_loop3A_966 = arith.constant 11.3137083 : f32
        %parallel_loop3A_967 = vector.broadcast %parallel_loop3A_966 : f32 to vector<16xf32>
        %parallel_loop3A_968 = arith.mulf %parallel_loop3A_965, %parallel_loop3A_967 : vector<16xf32>
        %parallel_loop3A_969 = arith.addf %parallel_loop3A_968, %get3A_715 : vector<16xf32>
        %parallel_loop3A_970 = arith.index_cast %parallel_loop3A_909 : i32 to index
        %parallel_loop3A_971 = arith.constant 64 : index
        %parallel_loop3A_972 = tpu.vector_load %arg15[%parallel_loop3A_970, %parallel_loop3A_971] {strides = array<i32>} : memref<64x128xf32, #tpu.memory_space<vmem>>, vector<1x16xf32>,
        %parallel_loop3A_973 = vector.shape_cast %parallel_loop3A_972 : vector<1x16xf32> to vector<16xf32>
        %parallel_loop3A_974 = vector.shape_cast %parallel_loop3A_969 : vector<16xf32> to vector<1x16xf32>
        tpu.vector_store %arg15[%parallel_loop3A_970, %parallel_loop3A_971], %parallel_loop3A_974 {strides = array<i32>} : memref<64x128xf32, #tpu.memory_space<vmem>>, vector<1x16xf32>,
        %parallel_loop3A_975 = arith.index_cast %parallel_loop3A_909 : i32 to index
        %parallel_loop3A_976 = arith.constant 80 : index
        %parallel_loop3A_977 = tpu.vector_load %arg15[%parallel_loop3A_975, %parallel_loop3A_976] {strides = array<i32>} : memref<64x128xf32, #tpu.memory_space<vmem>>, vector<1x16xf32>,
        %parallel_loop3A_978 = vector.shape_cast %parallel_loop3A_977 : vector<1x16xf32> to vector<16xf32>
        %parallel_loop3A_979 = arith.constant 11.3137083 : f32
        %parallel_loop3A_980 = vector.broadcast %parallel_loop3A_979 : f32 to vector<16xf32>
        %parallel_loop3A_981 = arith.mulf %parallel_loop3A_978, %parallel_loop3A_980 : vector<16xf32>
        %parallel_loop3A_982 = arith.addf %parallel_loop3A_981, %get3A_720 : vector<16xf32>
        %parallel_loop3A_983 = arith.index_cast %parallel_loop3A_909 : i32 to index
        %parallel_loop3A_984 = arith.constant 80 : index
        %parallel_loop3A_985 = tpu.vector_load %arg15[%parallel_loop3A_983, %parallel_loop3A_984] {strides = array<i32>} : memref<64x128xf32, #tpu.memory_space<vmem>>, vector<1x16xf32>,
        %parallel_loop3A_986 = vector.shape_cast %parallel_loop3A_985 : vector<1x16xf32> to vector<16xf32>
        %parallel_loop3A_987 = vector.shape_cast %parallel_loop3A_982 : vector<16xf32> to vector<1x16xf32>
        tpu.vector_store %arg15[%parallel_loop3A_983, %parallel_loop3A_984], %parallel_loop3A_987 {strides = array<i32>} : memref<64x128xf32, #tpu.memory_space<vmem>>, vector<1x16xf32>,
        %parallel_loop3A_988 = arith.index_cast %parallel_loop3A_909 : i32 to index
        %parallel_loop3A_989 = arith.constant 96 : index
        %parallel_loop3A_990 = tpu.vector_load %arg15[%parallel_loop3A_988, %parallel_loop3A_989] {strides = array<i32>} : memref<64x128xf32, #tpu.memory_space<vmem>>, vector<1x16xf32>,
        %parallel_loop3A_991 = vector.shape_cast %parallel_loop3A_990 : vector<1x16xf32> to vector<16xf32>
        %parallel_loop3A_992 = arith.constant 11.3137083 : f32
        %parallel_loop3A_993 = vector.broadcast %parallel_loop3A_992 : f32 to vector<16xf32>
        %parallel_loop3A_994 = arith.mulf %parallel_loop3A_991, %parallel_loop3A_993 : vector<16xf32>
        %parallel_loop3A_995 = arith.addf %parallel_loop3A_994, %get3A_725 : vector<16xf32>
        %parallel_loop3A_996 = arith.index_cast %parallel_loop3A_909 : i32 to index
        %parallel_loop3A_997 = arith.constant 96 : index
        %parallel_loop3A_998 = tpu.vector_load %arg15[%parallel_loop3A_996, %parallel_loop3A_997] {strides = array<i32>} : memref<64x128xf32, #tpu.memory_space<vmem>>, vector<1x16xf32>,
        %parallel_loop3A_999 = vector.shape_cast %parallel_loop3A_998 : vector<1x16xf32> to vector<16xf32>
        %parallel_loop3A_1000 = vector.shape_cast %parallel_loop3A_995 : vector<16xf32> to vector<1x16xf32>
        tpu.vector_store %arg15[%parallel_loop3A_996, %parallel_loop3A_997], %parallel_loop3A_1000 {strides = array<i32>} : memref<64x128xf32, #tpu.memory_space<vmem>>, vector<1x16xf32>,
        %parallel_loop3A_1001 = arith.index_cast %parallel_loop3A_909 : i32 to index
        %parallel_loop3A_1002 = arith.constant 112 : index
        %parallel_loop3A_1003 = tpu.vector_load %arg15[%parallel_loop3A_1001, %parallel_loop3A_1002] {strides = array<i32>} : memref<64x128xf32, #tpu.memory_space<vmem>>, vector<1x16xf32>,
        %parallel_loop3A_1004 = vector.shape_cast %parallel_loop3A_1003 : vector<1x16xf32> to vector<16xf32>
        %parallel_loop3A_1005 = arith.constant 11.3137083 : f32
        %parallel_loop3A_1006 = vector.broadcast %parallel_loop3A_1005 : f32 to vector<16xf32>
        %parallel_loop3A_1007 = arith.mulf %parallel_loop3A_1004, %parallel_loop3A_1006 : vector<16xf32>
        %parallel_loop3A_1008 = arith.addf %parallel_loop3A_1007, %get3A_730 : vector<16xf32>
        %parallel_loop3A_1009 = arith.index_cast %parallel_loop3A_909 : i32 to index
        %parallel_loop3A_1010 = arith.constant 112 : index
        %parallel_loop3A_1011 = tpu.vector_load %arg15[%parallel_loop3A_1009, %parallel_loop3A_1010] {strides = array<i32>} : memref<64x128xf32, #tpu.memory_space<vmem>>, vector<1x16xf32>,
        %parallel_loop3A_1012 = vector.shape_cast %parallel_loop3A_1011 : vector<1x16xf32> to vector<16xf32>
        %parallel_loop3A_1013 = vector.shape_cast %parallel_loop3A_1008 : vector<16xf32> to vector<1x16xf32>
        tpu.vector_store %arg15[%parallel_loop3A_1009, %parallel_loop3A_1010], %parallel_loop3A_1013 {strides = array<i32>} : memref<64x128xf32, #tpu.memory_space<vmem>>, vector<1x16xf32>,
      } {sc.loop_unroll_factor = 4 : i64, sc.parallel_access}
      %mul3A_734 = arith.constant 64 : i32
      %mul3A_735 = arith.muli %add3A_676, %mul3A_734 : i32
      %add3A_736 = arith.addi %mul3A_2, %mul3A_735 : i32
      %dma_start3A_737 = arith.constant 0 : i32
      %dma_start3A_738 = tpu.memref_slice %arg5[%add3A_736, %dma_start3A_737] : memref<204800x128xf32, #tpu.memory_space<hbm>> -> memref<64x128xf32, #tpu.memory_space<hbm>>
      %dma_start3A_739 = arith.constant 0 : i32
      %dma_start3A_740 = tpu.memref_slice %arg5[%add3A_736, %dma_start3A_739] : memref<204800x128xf32, #tpu.memory_space<hbm>> -> memref<64x128xf32, #tpu.memory_space<hbm>>
      tpu.enqueue_dma source(%arg15 : memref<64x128xf32, #tpu.memory_space<vmem>>) target(%dma_start3A_740 : memref<64x128xf32, #tpu.memory_space<hbm>>) target_semaphore(%arg35 : memref<!tpu.dma_semaphore, #tpu.memory_space<semaphore_mem>>)
      %ge3A_741 = arith.constant 1 : i32
      %ge3A_742 = arith.cmpi sge, %add3A_676, %ge3A_741 : i32
      %add3A_743 = arith.constant 10 : i32
      %add3A_744 = arith.addi %add3A_676, %add3A_743 : i32
      %sub3A_745 = arith.constant 1 : i32
      %sub3A_746 = arith.subi %add3A_744, %sub3A_745 : i32
      %lt3A_747 = arith.constant 100 : i32
      %lt3A_748 = arith.cmpi slt, %sub3A_746, %lt3A_747 : i32
      %and3A_749 = arith.andi %ge3A_742, %lt3A_748 : i1
      %convert_element_type3A_750 = arith.extui %and3A_749 : i1 to i32
      %cond3A_751 = arith.constant 0 : i32
      %cond3A_752 = arith.cmpi ne, %convert_element_type3A_750, %cond3A_751 : i32
      scf.if %cond3A_752 {
        %sub3A_909 = arith.constant 1 : i32
        %sub3A_910 = arith.subi %add3A_676, %sub3A_909 : i32
        %mul3A_911 = arith.constant 64 : i32
        %mul3A_912 = arith.muli %sub3A_910, %mul3A_911 : i32
        %add3A_913 = arith.addi %mul3A_2, %mul3A_912 : i32
        %dma_wait3A_914 = arith.constant 0 : i32
        %dma_wait3A_915 = tpu.memref_slice %arg5[%add3A_913, %dma_wait3A_914] : memref<204800x128xf32, #tpu.memory_space<hbm>> -> memref<64x128xf32, #tpu.memory_space<hbm>>
        %dma_wait3A_916 = arith.constant 0 : i32
        %dma_wait3A_917 = tpu.memref_slice %arg5[%add3A_913, %dma_wait3A_916] : memref<204800x128xf32, #tpu.memory_space<hbm>> -> memref<64x128xf32, #tpu.memory_space<hbm>>
        tpu.wait_dma2 semaphore(%arg34 : memref<!tpu.dma_semaphore, #tpu.memory_space<semaphore_mem>>) src(%arg14 : memref<64x128xf32, #tpu.memory_space<vmem>>) dst(%dma_wait3A_917 : memref<64x128xf32, #tpu.memory_space<hbm>>)
        %add3A_918 = arith.constant 10 : i32
        %add3A_919 = arith.addi %add3A_676, %add3A_918 : i32
        %sub3A_920 = arith.constant 1 : i32
        %sub3A_921 = arith.subi %add3A_919, %sub3A_920 : i32
        %mul3A_922 = arith.constant 64 : i32
        %mul3A_923 = arith.muli %sub3A_921, %mul3A_922 : i32
        %dma_start3A_924 = tpu.memref_slice %arg6[%mul3A_923] : memref<6400xi32, #tpu.memory_space<vmem>> -> memref<64xi32, #tpu.memory_space<vmem>>
        %dma_start3A_925 = arith.constant 0 : i32
        %dma_start3A_926 = arith.constant 0 : i32
        %dma_start3A_927 = tpu.memref_slice %arg4[%dma_start3A_925, %dma_start3A_926] : memref<100000x128xf32, #tpu.memory_space<hbm>> -> memref<100000x128xf32, #tpu.memory_space<hbm>>
        tpu.enqueue_indirect_dma source(%dma_start3A_927 : memref<100000x128xf32, #tpu.memory_space<hbm>>) target(%arg14 : memref<64x128xf32, #tpu.memory_space<vmem>>) offsets(%dma_start3A_924 : memref<64xi32, #tpu.memory_space<vmem>>) semaphore(%arg24 : memref<!tpu.dma_semaphore, #tpu.memory_space<semaphore_mem>>)
      } else {
      }
      %add3A_753 = arith.constant 8 : i32
      %add3A_754 = arith.addi %add3A_136, %add3A_753 : i32
      %mul3A_755 = arith.constant 64 : i32
      %mul3A_756 = arith.muli %add3A_754, %mul3A_755 : i32
      %dma_wait3A_757 = tpu.memref_slice %arg6[%mul3A_756] : memref<6400xi32, #tpu.memory_space<vmem>> -> memref<64xi32, #tpu.memory_space<vmem>>
      %dma_wait3A_758 = arith.constant 0 : i32
      %dma_wait3A_759 = arith.constant 0 : i32
      %dma_wait3A_760 = tpu.memref_slice %arg4[%dma_wait3A_758, %dma_wait3A_759] : memref<100000x128xf32, #tpu.memory_space<hbm>> -> memref<100000x128xf32, #tpu.memory_space<hbm>>
      tpu.wait_indirect_dma semaphore(%arg26 : memref<!tpu.dma_semaphore, #tpu.memory_space<semaphore_mem>>) src(%dma_wait3A_760 : memref<100000x128xf32, #tpu.memory_space<hbm>>) dst(%arg16 : memref<64x128xf32, #tpu.memory_space<vmem>>)
      %mul3A_761 = arith.constant 64 : i32
      %mul3A_762 = arith.muli %add3A_754, %mul3A_761 : i32
      %add3A_763 = arith.addi %mul3A_2, %mul3A_762 : i32
      %shift_right_arithmetic3A_764 = arith.constant 10 : i32
      %shift_right_arithmetic3A_765 = arith.shrsi %add3A_763, %shift_right_arithmetic3A_764 : i32
      %sub3A_766 = arith.subi %shift_right_arithmetic3A_765, %shift_right_arithmetic3A_3 : i32
      %mul3A_767 = arith.constant 128 : i32
      %mul3A_768 = arith.muli %sub3A_766, %mul3A_767 : i32
      %add3A_769 = arith.constant 0 : i32
      %add3A_770 = arith.addi %mul3A_768, %add3A_769 : i32
      %get3A_771 = arith.index_cast %add3A_770 : i32 to index
      %get3A_772 = tpu.vector_load %arg7[%get3A_771] {strides = array<i32>} : memref<1024xf32, #tpu.memory_space<vmem>>, vector<16xf32>,
      %get3A_773 = vector.shape_cast %get3A_772 : vector<16xf32> to vector<16xf32>
      %add3A_774 = arith.constant 16 : i32
      %add3A_775 = arith.addi %mul3A_768, %add3A_774 : i32
      %get3A_776 = arith.index_cast %add3A_775 : i32 to index
      %get3A_777 = tpu.vector_load %arg7[%get3A_776] {strides = array<i32>} : memref<1024xf32, #tpu.memory_space<vmem>>, vector<16xf32>,
      %get3A_778 = vector.shape_cast %get3A_777 : vector<16xf32> to vector<16xf32>
      %add3A_779 = arith.constant 32 : i32
      %add3A_780 = arith.addi %mul3A_768, %add3A_779 : i32
      %get3A_781 = arith.index_cast %add3A_780 : i32 to index
      %get3A_782 = tpu.vector_load %arg7[%get3A_781] {strides = array<i32>} : memref<1024xf32, #tpu.memory_space<vmem>>, vector<16xf32>,
      %get3A_783 = vector.shape_cast %get3A_782 : vector<16xf32> to vector<16xf32>
      %add3A_784 = arith.constant 48 : i32
      %add3A_785 = arith.addi %mul3A_768, %add3A_784 : i32
      %get3A_786 = arith.index_cast %add3A_785 : i32 to index
      %get3A_787 = tpu.vector_load %arg7[%get3A_786] {strides = array<i32>} : memref<1024xf32, #tpu.memory_space<vmem>>, vector<16xf32>,
      %get3A_788 = vector.shape_cast %get3A_787 : vector<16xf32> to vector<16xf32>
      %add3A_789 = arith.constant 64 : i32
      %add3A_790 = arith.addi %mul3A_768, %add3A_789 : i32
      %get3A_791 = arith.index_cast %add3A_790 : i32 to index
      %get3A_792 = tpu.vector_load %arg7[%get3A_791] {strides = array<i32>} : memref<1024xf32, #tpu.memory_space<vmem>>, vector<16xf32>,
      %get3A_793 = vector.shape_cast %get3A_792 : vector<16xf32> to vector<16xf32>
      %add3A_794 = arith.constant 80 : i32
      %add3A_795 = arith.addi %mul3A_768, %add3A_794 : i32
      %get3A_796 = arith.index_cast %add3A_795 : i32 to index
      %get3A_797 = tpu.vector_load %arg7[%get3A_796] {strides = array<i32>} : memref<1024xf32, #tpu.memory_space<vmem>>, vector<16xf32>,
      %get3A_798 = vector.shape_cast %get3A_797 : vector<16xf32> to vector<16xf32>
      %add3A_799 = arith.constant 96 : i32
      %add3A_800 = arith.addi %mul3A_768, %add3A_799 : i32
      %get3A_801 = arith.index_cast %add3A_800 : i32 to index
      %get3A_802 = tpu.vector_load %arg7[%get3A_801] {strides = array<i32>} : memref<1024xf32, #tpu.memory_space<vmem>>, vector<16xf32>,
      %get3A_803 = vector.shape_cast %get3A_802 : vector<16xf32> to vector<16xf32>
      %add3A_804 = arith.constant 112 : i32
      %add3A_805 = arith.addi %mul3A_768, %add3A_804 : i32
      %get3A_806 = arith.index_cast %add3A_805 : i32 to index
      %get3A_807 = tpu.vector_load %arg7[%get3A_806] {strides = array<i32>} : memref<1024xf32, #tpu.memory_space<vmem>>, vector<16xf32>,
      %get3A_808 = vector.shape_cast %get3A_807 : vector<16xf32> to vector<16xf32>
      %parallel_loop3A_809 = arith.constant 0 : i32
      %parallel_loop3A_810 = arith.constant 64 : i32
      %parallel_loop3A_811 = arith.constant 1 : i32
      scf.for %parallel_loop3A_909 = %parallel_loop3A_809 to %parallel_loop3A_810 step %parallel_loop3A_811  : i32 {
        %parallel_loop3A_910 = arith.index_cast %parallel_loop3A_909 : i32 to index
        %parallel_loop3A_911 = arith.constant 0 : index
        %parallel_loop3A_912 = tpu.vector_load %arg16[%parallel_loop3A_910, %parallel_loop3A_911] {strides = array<i32>} : memref<64x128xf32, #tpu.memory_space<vmem>>, vector<1x16xf32>,
        %parallel_loop3A_913 = vector.shape_cast %parallel_loop3A_912 : vector<1x16xf32> to vector<16xf32>
        %parallel_loop3A_914 = arith.constant 11.3137083 : f32
        %parallel_loop3A_915 = vector.broadcast %parallel_loop3A_914 : f32 to vector<16xf32>
        %parallel_loop3A_916 = arith.mulf %parallel_loop3A_913, %parallel_loop3A_915 : vector<16xf32>
        %parallel_loop3A_917 = arith.addf %parallel_loop3A_916, %get3A_773 : vector<16xf32>
        %parallel_loop3A_918 = arith.index_cast %parallel_loop3A_909 : i32 to index
        %parallel_loop3A_919 = arith.constant 0 : index
        %parallel_loop3A_920 = tpu.vector_load %arg16[%parallel_loop3A_918, %parallel_loop3A_919] {strides = array<i32>} : memref<64x128xf32, #tpu.memory_space<vmem>>, vector<1x16xf32>,
        %parallel_loop3A_921 = vector.shape_cast %parallel_loop3A_920 : vector<1x16xf32> to vector<16xf32>
        %parallel_loop3A_922 = vector.shape_cast %parallel_loop3A_917 : vector<16xf32> to vector<1x16xf32>
        tpu.vector_store %arg16[%parallel_loop3A_918, %parallel_loop3A_919], %parallel_loop3A_922 {strides = array<i32>} : memref<64x128xf32, #tpu.memory_space<vmem>>, vector<1x16xf32>,
        %parallel_loop3A_923 = arith.index_cast %parallel_loop3A_909 : i32 to index
        %parallel_loop3A_924 = arith.constant 16 : index
        %parallel_loop3A_925 = tpu.vector_load %arg16[%parallel_loop3A_923, %parallel_loop3A_924] {strides = array<i32>} : memref<64x128xf32, #tpu.memory_space<vmem>>, vector<1x16xf32>,
        %parallel_loop3A_926 = vector.shape_cast %parallel_loop3A_925 : vector<1x16xf32> to vector<16xf32>
        %parallel_loop3A_927 = arith.constant 11.3137083 : f32
        %parallel_loop3A_928 = vector.broadcast %parallel_loop3A_927 : f32 to vector<16xf32>
        %parallel_loop3A_929 = arith.mulf %parallel_loop3A_926, %parallel_loop3A_928 : vector<16xf32>
        %parallel_loop3A_930 = arith.addf %parallel_loop3A_929, %get3A_778 : vector<16xf32>
        %parallel_loop3A_931 = arith.index_cast %parallel_loop3A_909 : i32 to index
        %parallel_loop3A_932 = arith.constant 16 : index
        %parallel_loop3A_933 = tpu.vector_load %arg16[%parallel_loop3A_931, %parallel_loop3A_932] {strides = array<i32>} : memref<64x128xf32, #tpu.memory_space<vmem>>, vector<1x16xf32>,
        %parallel_loop3A_934 = vector.shape_cast %parallel_loop3A_933 : vector<1x16xf32> to vector<16xf32>
        %parallel_loop3A_935 = vector.shape_cast %parallel_loop3A_930 : vector<16xf32> to vector<1x16xf32>
        tpu.vector_store %arg16[%parallel_loop3A_931, %parallel_loop3A_932], %parallel_loop3A_935 {strides = array<i32>} : memref<64x128xf32, #tpu.memory_space<vmem>>, vector<1x16xf32>,
        %parallel_loop3A_936 = arith.index_cast %parallel_loop3A_909 : i32 to index
        %parallel_loop3A_937 = arith.constant 32 : index
        %parallel_loop3A_938 = tpu.vector_load %arg16[%parallel_loop3A_936, %parallel_loop3A_937] {strides = array<i32>} : memref<64x128xf32, #tpu.memory_space<vmem>>, vector<1x16xf32>,
        %parallel_loop3A_939 = vector.shape_cast %parallel_loop3A_938 : vector<1x16xf32> to vector<16xf32>
        %parallel_loop3A_940 = arith.constant 11.3137083 : f32
        %parallel_loop3A_941 = vector.broadcast %parallel_loop3A_940 : f32 to vector<16xf32>
        %parallel_loop3A_942 = arith.mulf %parallel_loop3A_939, %parallel_loop3A_941 : vector<16xf32>
        %parallel_loop3A_943 = arith.addf %parallel_loop3A_942, %get3A_783 : vector<16xf32>
        %parallel_loop3A_944 = arith.index_cast %parallel_loop3A_909 : i32 to index
        %parallel_loop3A_945 = arith.constant 32 : index
        %parallel_loop3A_946 = tpu.vector_load %arg16[%parallel_loop3A_944, %parallel_loop3A_945] {strides = array<i32>} : memref<64x128xf32, #tpu.memory_space<vmem>>, vector<1x16xf32>,
        %parallel_loop3A_947 = vector.shape_cast %parallel_loop3A_946 : vector<1x16xf32> to vector<16xf32>
        %parallel_loop3A_948 = vector.shape_cast %parallel_loop3A_943 : vector<16xf32> to vector<1x16xf32>
        tpu.vector_store %arg16[%parallel_loop3A_944, %parallel_loop3A_945], %parallel_loop3A_948 {strides = array<i32>} : memref<64x128xf32, #tpu.memory_space<vmem>>, vector<1x16xf32>,
        %parallel_loop3A_949 = arith.index_cast %parallel_loop3A_909 : i32 to index
        %parallel_loop3A_950 = arith.constant 48 : index
        %parallel_loop3A_951 = tpu.vector_load %arg16[%parallel_loop3A_949, %parallel_loop3A_950] {strides = array<i32>} : memref<64x128xf32, #tpu.memory_space<vmem>>, vector<1x16xf32>,
        %parallel_loop3A_952 = vector.shape_cast %parallel_loop3A_951 : vector<1x16xf32> to vector<16xf32>
        %parallel_loop3A_953 = arith.constant 11.3137083 : f32
        %parallel_loop3A_954 = vector.broadcast %parallel_loop3A_953 : f32 to vector<16xf32>
        %parallel_loop3A_955 = arith.mulf %parallel_loop3A_952, %parallel_loop3A_954 : vector<16xf32>
        %parallel_loop3A_956 = arith.addf %parallel_loop3A_955, %get3A_788 : vector<16xf32>
        %parallel_loop3A_957 = arith.index_cast %parallel_loop3A_909 : i32 to index
        %parallel_loop3A_958 = arith.constant 48 : index
        %parallel_loop3A_959 = tpu.vector_load %arg16[%parallel_loop3A_957, %parallel_loop3A_958] {strides = array<i32>} : memref<64x128xf32, #tpu.memory_space<vmem>>, vector<1x16xf32>,
        %parallel_loop3A_960 = vector.shape_cast %parallel_loop3A_959 : vector<1x16xf32> to vector<16xf32>
        %parallel_loop3A_961 = vector.shape_cast %parallel_loop3A_956 : vector<16xf32> to vector<1x16xf32>
        tpu.vector_store %arg16[%parallel_loop3A_957, %parallel_loop3A_958], %parallel_loop3A_961 {strides = array<i32>} : memref<64x128xf32, #tpu.memory_space<vmem>>, vector<1x16xf32>,
        %parallel_loop3A_962 = arith.index_cast %parallel_loop3A_909 : i32 to index
        %parallel_loop3A_963 = arith.constant 64 : index
        %parallel_loop3A_964 = tpu.vector_load %arg16[%parallel_loop3A_962, %parallel_loop3A_963] {strides = array<i32>} : memref<64x128xf32, #tpu.memory_space<vmem>>, vector<1x16xf32>,
        %parallel_loop3A_965 = vector.shape_cast %parallel_loop3A_964 : vector<1x16xf32> to vector<16xf32>
        %parallel_loop3A_966 = arith.constant 11.3137083 : f32
        %parallel_loop3A_967 = vector.broadcast %parallel_loop3A_966 : f32 to vector<16xf32>
        %parallel_loop3A_968 = arith.mulf %parallel_loop3A_965, %parallel_loop3A_967 : vector<16xf32>
        %parallel_loop3A_969 = arith.addf %parallel_loop3A_968, %get3A_793 : vector<16xf32>
        %parallel_loop3A_970 = arith.index_cast %parallel_loop3A_909 : i32 to index
        %parallel_loop3A_971 = arith.constant 64 : index
        %parallel_loop3A_972 = tpu.vector_load %arg16[%parallel_loop3A_970, %parallel_loop3A_971] {strides = array<i32>} : memref<64x128xf32, #tpu.memory_space<vmem>>, vector<1x16xf32>,
        %parallel_loop3A_973 = vector.shape_cast %parallel_loop3A_972 : vector<1x16xf32> to vector<16xf32>
        %parallel_loop3A_974 = vector.shape_cast %parallel_loop3A_969 : vector<16xf32> to vector<1x16xf32>
        tpu.vector_store %arg16[%parallel_loop3A_970, %parallel_loop3A_971], %parallel_loop3A_974 {strides = array<i32>} : memref<64x128xf32, #tpu.memory_space<vmem>>, vector<1x16xf32>,
        %parallel_loop3A_975 = arith.index_cast %parallel_loop3A_909 : i32 to index
        %parallel_loop3A_976 = arith.constant 80 : index
        %parallel_loop3A_977 = tpu.vector_load %arg16[%parallel_loop3A_975, %parallel_loop3A_976] {strides = array<i32>} : memref<64x128xf32, #tpu.memory_space<vmem>>, vector<1x16xf32>,
        %parallel_loop3A_978 = vector.shape_cast %parallel_loop3A_977 : vector<1x16xf32> to vector<16xf32>
        %parallel_loop3A_979 = arith.constant 11.3137083 : f32
        %parallel_loop3A_980 = vector.broadcast %parallel_loop3A_979 : f32 to vector<16xf32>
        %parallel_loop3A_981 = arith.mulf %parallel_loop3A_978, %parallel_loop3A_980 : vector<16xf32>
        %parallel_loop3A_982 = arith.addf %parallel_loop3A_981, %get3A_798 : vector<16xf32>
        %parallel_loop3A_983 = arith.index_cast %parallel_loop3A_909 : i32 to index
        %parallel_loop3A_984 = arith.constant 80 : index
        %parallel_loop3A_985 = tpu.vector_load %arg16[%parallel_loop3A_983, %parallel_loop3A_984] {strides = array<i32>} : memref<64x128xf32, #tpu.memory_space<vmem>>, vector<1x16xf32>,
        %parallel_loop3A_986 = vector.shape_cast %parallel_loop3A_985 : vector<1x16xf32> to vector<16xf32>
        %parallel_loop3A_987 = vector.shape_cast %parallel_loop3A_982 : vector<16xf32> to vector<1x16xf32>
        tpu.vector_store %arg16[%parallel_loop3A_983, %parallel_loop3A_984], %parallel_loop3A_987 {strides = array<i32>} : memref<64x128xf32, #tpu.memory_space<vmem>>, vector<1x16xf32>,
        %parallel_loop3A_988 = arith.index_cast %parallel_loop3A_909 : i32 to index
        %parallel_loop3A_989 = arith.constant 96 : index
        %parallel_loop3A_990 = tpu.vector_load %arg16[%parallel_loop3A_988, %parallel_loop3A_989] {strides = array<i32>} : memref<64x128xf32, #tpu.memory_space<vmem>>, vector<1x16xf32>,
        %parallel_loop3A_991 = vector.shape_cast %parallel_loop3A_990 : vector<1x16xf32> to vector<16xf32>
        %parallel_loop3A_992 = arith.constant 11.3137083 : f32
        %parallel_loop3A_993 = vector.broadcast %parallel_loop3A_992 : f32 to vector<16xf32>
        %parallel_loop3A_994 = arith.mulf %parallel_loop3A_991, %parallel_loop3A_993 : vector<16xf32>
        %parallel_loop3A_995 = arith.addf %parallel_loop3A_994, %get3A_803 : vector<16xf32>
        %parallel_loop3A_996 = arith.index_cast %parallel_loop3A_909 : i32 to index
        %parallel_loop3A_997 = arith.constant 96 : index
        %parallel_loop3A_998 = tpu.vector_load %arg16[%parallel_loop3A_996, %parallel_loop3A_997] {strides = array<i32>} : memref<64x128xf32, #tpu.memory_space<vmem>>, vector<1x16xf32>,
        %parallel_loop3A_999 = vector.shape_cast %parallel_loop3A_998 : vector<1x16xf32> to vector<16xf32>
        %parallel_loop3A_1000 = vector.shape_cast %parallel_loop3A_995 : vector<16xf32> to vector<1x16xf32>
        tpu.vector_store %arg16[%parallel_loop3A_996, %parallel_loop3A_997], %parallel_loop3A_1000 {strides = array<i32>} : memref<64x128xf32, #tpu.memory_space<vmem>>, vector<1x16xf32>,
        %parallel_loop3A_1001 = arith.index_cast %parallel_loop3A_909 : i32 to index
        %parallel_loop3A_1002 = arith.constant 112 : index
        %parallel_loop3A_1003 = tpu.vector_load %arg16[%parallel_loop3A_1001, %parallel_loop3A_1002] {strides = array<i32>} : memref<64x128xf32, #tpu.memory_space<vmem>>, vector<1x16xf32>,
        %parallel_loop3A_1004 = vector.shape_cast %parallel_loop3A_1003 : vector<1x16xf32> to vector<16xf32>
        %parallel_loop3A_1005 = arith.constant 11.3137083 : f32
        %parallel_loop3A_1006 = vector.broadcast %parallel_loop3A_1005 : f32 to vector<16xf32>
        %parallel_loop3A_1007 = arith.mulf %parallel_loop3A_1004, %parallel_loop3A_1006 : vector<16xf32>
        %parallel_loop3A_1008 = arith.addf %parallel_loop3A_1007, %get3A_808 : vector<16xf32>
        %parallel_loop3A_1009 = arith.index_cast %parallel_loop3A_909 : i32 to index
        %parallel_loop3A_1010 = arith.constant 112 : index
        %parallel_loop3A_1011 = tpu.vector_load %arg16[%parallel_loop3A_1009, %parallel_loop3A_1010] {strides = array<i32>} : memref<64x128xf32, #tpu.memory_space<vmem>>, vector<1x16xf32>,
        %parallel_loop3A_1012 = vector.shape_cast %parallel_loop3A_1011 : vector<1x16xf32> to vector<16xf32>
        %parallel_loop3A_1013 = vector.shape_cast %parallel_loop3A_1008 : vector<16xf32> to vector<1x16xf32>
        tpu.vector_store %arg16[%parallel_loop3A_1009, %parallel_loop3A_1010], %parallel_loop3A_1013 {strides = array<i32>} : memref<64x128xf32, #tpu.memory_space<vmem>>, vector<1x16xf32>,
      } {sc.loop_unroll_factor = 4 : i64, sc.parallel_access}
      %mul3A_812 = arith.constant 64 : i32
      %mul3A_813 = arith.muli %add3A_754, %mul3A_812 : i32
      %add3A_814 = arith.addi %mul3A_2, %mul3A_813 : i32
      %dma_start3A_815 = arith.constant 0 : i32
      %dma_start3A_816 = tpu.memref_slice %arg5[%add3A_814, %dma_start3A_815] : memref<204800x128xf32, #tpu.memory_space<hbm>> -> memref<64x128xf32, #tpu.memory_space<hbm>>
      %dma_start3A_817 = arith.constant 0 : i32
      %dma_start3A_818 = tpu.memref_slice %arg5[%add3A_814, %dma_start3A_817] : memref<204800x128xf32, #tpu.memory_space<hbm>> -> memref<64x128xf32, #tpu.memory_space<hbm>>
      tpu.enqueue_dma source(%arg16 : memref<64x128xf32, #tpu.memory_space<vmem>>) target(%dma_start3A_818 : memref<64x128xf32, #tpu.memory_space<hbm>>) target_semaphore(%arg36 : memref<!tpu.dma_semaphore, #tpu.memory_space<semaphore_mem>>)
      %ge3A_819 = arith.constant 1 : i32
      %ge3A_820 = arith.cmpi sge, %add3A_754, %ge3A_819 : i32
      %add3A_821 = arith.constant 10 : i32
      %add3A_822 = arith.addi %add3A_754, %add3A_821 : i32
      %sub3A_823 = arith.constant 1 : i32
      %sub3A_824 = arith.subi %add3A_822, %sub3A_823 : i32
      %lt3A_825 = arith.constant 100 : i32
      %lt3A_826 = arith.cmpi slt, %sub3A_824, %lt3A_825 : i32
      %and3A_827 = arith.andi %ge3A_820, %lt3A_826 : i1
      %convert_element_type3A_828 = arith.extui %and3A_827 : i1 to i32
      %cond3A_829 = arith.constant 0 : i32
      %cond3A_830 = arith.cmpi ne, %convert_element_type3A_828, %cond3A_829 : i32
      scf.if %cond3A_830 {
        %sub3A_909 = arith.constant 1 : i32
        %sub3A_910 = arith.subi %add3A_754, %sub3A_909 : i32
        %mul3A_911 = arith.constant 64 : i32
        %mul3A_912 = arith.muli %sub3A_910, %mul3A_911 : i32
        %add3A_913 = arith.addi %mul3A_2, %mul3A_912 : i32
        %dma_wait3A_914 = arith.constant 0 : i32
        %dma_wait3A_915 = tpu.memref_slice %arg5[%add3A_913, %dma_wait3A_914] : memref<204800x128xf32, #tpu.memory_space<hbm>> -> memref<64x128xf32, #tpu.memory_space<hbm>>
        %dma_wait3A_916 = arith.constant 0 : i32
        %dma_wait3A_917 = tpu.memref_slice %arg5[%add3A_913, %dma_wait3A_916] : memref<204800x128xf32, #tpu.memory_space<hbm>> -> memref<64x128xf32, #tpu.memory_space<hbm>>
        tpu.wait_dma2 semaphore(%arg35 : memref<!tpu.dma_semaphore, #tpu.memory_space<semaphore_mem>>) src(%arg15 : memref<64x128xf32, #tpu.memory_space<vmem>>) dst(%dma_wait3A_917 : memref<64x128xf32, #tpu.memory_space<hbm>>)
        %add3A_918 = arith.constant 10 : i32
        %add3A_919 = arith.addi %add3A_754, %add3A_918 : i32
        %sub3A_920 = arith.constant 1 : i32
        %sub3A_921 = arith.subi %add3A_919, %sub3A_920 : i32
        %mul3A_922 = arith.constant 64 : i32
        %mul3A_923 = arith.muli %sub3A_921, %mul3A_922 : i32
        %dma_start3A_924 = tpu.memref_slice %arg6[%mul3A_923] : memref<6400xi32, #tpu.memory_space<vmem>> -> memref<64xi32, #tpu.memory_space<vmem>>
        %dma_start3A_925 = arith.constant 0 : i32
        %dma_start3A_926 = arith.constant 0 : i32
        %dma_start3A_927 = tpu.memref_slice %arg4[%dma_start3A_925, %dma_start3A_926] : memref<100000x128xf32, #tpu.memory_space<hbm>> -> memref<100000x128xf32, #tpu.memory_space<hbm>>
        tpu.enqueue_indirect_dma source(%dma_start3A_927 : memref<100000x128xf32, #tpu.memory_space<hbm>>) target(%arg15 : memref<64x128xf32, #tpu.memory_space<vmem>>) offsets(%dma_start3A_924 : memref<64xi32, #tpu.memory_space<vmem>>) semaphore(%arg25 : memref<!tpu.dma_semaphore, #tpu.memory_space<semaphore_mem>>)
      } else {
      }
      %add3A_831 = arith.constant 9 : i32
      %add3A_832 = arith.addi %add3A_136, %add3A_831 : i32
      %mul3A_833 = arith.constant 64 : i32
      %mul3A_834 = arith.muli %add3A_832, %mul3A_833 : i32
      %dma_wait3A_835 = tpu.memref_slice %arg6[%mul3A_834] : memref<6400xi32, #tpu.memory_space<vmem>> -> memref<64xi32, #tpu.memory_space<vmem>>
      %dma_wait3A_836 = arith.constant 0 : i32
      %dma_wait3A_837 = arith.constant 0 : i32
      %dma_wait3A_838 = tpu.memref_slice %arg4[%dma_wait3A_836, %dma_wait3A_837] : memref<100000x128xf32, #tpu.memory_space<hbm>> -> memref<100000x128xf32, #tpu.memory_space<hbm>>
      tpu.wait_indirect_dma semaphore(%arg27 : memref<!tpu.dma_semaphore, #tpu.memory_space<semaphore_mem>>) src(%dma_wait3A_838 : memref<100000x128xf32, #tpu.memory_space<hbm>>) dst(%arg17 : memref<64x128xf32, #tpu.memory_space<vmem>>)
      %mul3A_839 = arith.constant 64 : i32
      %mul3A_840 = arith.muli %add3A_832, %mul3A_839 : i32
      %add3A_841 = arith.addi %mul3A_2, %mul3A_840 : i32
      %shift_right_arithmetic3A_842 = arith.constant 10 : i32
      %shift_right_arithmetic3A_843 = arith.shrsi %add3A_841, %shift_right_arithmetic3A_842 : i32
      %sub3A_844 = arith.subi %shift_right_arithmetic3A_843, %shift_right_arithmetic3A_3 : i32
      %mul3A_845 = arith.constant 128 : i32
      %mul3A_846 = arith.muli %sub3A_844, %mul3A_845 : i32
      %add3A_847 = arith.constant 0 : i32
      %add3A_848 = arith.addi %mul3A_846, %add3A_847 : i32
      %get3A_849 = arith.index_cast %add3A_848 : i32 to index
      %get3A_850 = tpu.vector_load %arg7[%get3A_849] {strides = array<i32>} : memref<1024xf32, #tpu.memory_space<vmem>>, vector<16xf32>,
      %get3A_851 = vector.shape_cast %get3A_850 : vector<16xf32> to vector<16xf32>
      %add3A_852 = arith.constant 16 : i32
      %add3A_853 = arith.addi %mul3A_846, %add3A_852 : i32
      %get3A_854 = arith.index_cast %add3A_853 : i32 to index
      %get3A_855 = tpu.vector_load %arg7[%get3A_854] {strides = array<i32>} : memref<1024xf32, #tpu.memory_space<vmem>>, vector<16xf32>,
      %get3A_856 = vector.shape_cast %get3A_855 : vector<16xf32> to vector<16xf32>
      %add3A_857 = arith.constant 32 : i32
      %add3A_858 = arith.addi %mul3A_846, %add3A_857 : i32
      %get3A_859 = arith.index_cast %add3A_858 : i32 to index
      %get3A_860 = tpu.vector_load %arg7[%get3A_859] {strides = array<i32>} : memref<1024xf32, #tpu.memory_space<vmem>>, vector<16xf32>,
      %get3A_861 = vector.shape_cast %get3A_860 : vector<16xf32> to vector<16xf32>
      %add3A_862 = arith.constant 48 : i32
      %add3A_863 = arith.addi %mul3A_846, %add3A_862 : i32
      %get3A_864 = arith.index_cast %add3A_863 : i32 to index
      %get3A_865 = tpu.vector_load %arg7[%get3A_864] {strides = array<i32>} : memref<1024xf32, #tpu.memory_space<vmem>>, vector<16xf32>,
      %get3A_866 = vector.shape_cast %get3A_865 : vector<16xf32> to vector<16xf32>
      %add3A_867 = arith.constant 64 : i32
      %add3A_868 = arith.addi %mul3A_846, %add3A_867 : i32
      %get3A_869 = arith.index_cast %add3A_868 : i32 to index
      %get3A_870 = tpu.vector_load %arg7[%get3A_869] {strides = array<i32>} : memref<1024xf32, #tpu.memory_space<vmem>>, vector<16xf32>,
      %get3A_871 = vector.shape_cast %get3A_870 : vector<16xf32> to vector<16xf32>
      %add3A_872 = arith.constant 80 : i32
      %add3A_873 = arith.addi %mul3A_846, %add3A_872 : i32
      %get3A_874 = arith.index_cast %add3A_873 : i32 to index
      %get3A_875 = tpu.vector_load %arg7[%get3A_874] {strides = array<i32>} : memref<1024xf32, #tpu.memory_space<vmem>>, vector<16xf32>,
      %get3A_876 = vector.shape_cast %get3A_875 : vector<16xf32> to vector<16xf32>
      %add3A_877 = arith.constant 96 : i32
      %add3A_878 = arith.addi %mul3A_846, %add3A_877 : i32
      %get3A_879 = arith.index_cast %add3A_878 : i32 to index
      %get3A_880 = tpu.vector_load %arg7[%get3A_879] {strides = array<i32>} : memref<1024xf32, #tpu.memory_space<vmem>>, vector<16xf32>,
      %get3A_881 = vector.shape_cast %get3A_880 : vector<16xf32> to vector<16xf32>
      %add3A_882 = arith.constant 112 : i32
      %add3A_883 = arith.addi %mul3A_846, %add3A_882 : i32
      %get3A_884 = arith.index_cast %add3A_883 : i32 to index
      %get3A_885 = tpu.vector_load %arg7[%get3A_884] {strides = array<i32>} : memref<1024xf32, #tpu.memory_space<vmem>>, vector<16xf32>,
      %get3A_886 = vector.shape_cast %get3A_885 : vector<16xf32> to vector<16xf32>
      %parallel_loop3A_887 = arith.constant 0 : i32
      %parallel_loop3A_888 = arith.constant 64 : i32
      %parallel_loop3A_889 = arith.constant 1 : i32
      scf.for %parallel_loop3A_909 = %parallel_loop3A_887 to %parallel_loop3A_888 step %parallel_loop3A_889  : i32 {
        %parallel_loop3A_910 = arith.index_cast %parallel_loop3A_909 : i32 to index
        %parallel_loop3A_911 = arith.constant 0 : index
        %parallel_loop3A_912 = tpu.vector_load %arg17[%parallel_loop3A_910, %parallel_loop3A_911] {strides = array<i32>} : memref<64x128xf32, #tpu.memory_space<vmem>>, vector<1x16xf32>,
        %parallel_loop3A_913 = vector.shape_cast %parallel_loop3A_912 : vector<1x16xf32> to vector<16xf32>
        %parallel_loop3A_914 = arith.constant 11.3137083 : f32
        %parallel_loop3A_915 = vector.broadcast %parallel_loop3A_914 : f32 to vector<16xf32>
        %parallel_loop3A_916 = arith.mulf %parallel_loop3A_913, %parallel_loop3A_915 : vector<16xf32>
        %parallel_loop3A_917 = arith.addf %parallel_loop3A_916, %get3A_851 : vector<16xf32>
        %parallel_loop3A_918 = arith.index_cast %parallel_loop3A_909 : i32 to index
        %parallel_loop3A_919 = arith.constant 0 : index
        %parallel_loop3A_920 = tpu.vector_load %arg17[%parallel_loop3A_918, %parallel_loop3A_919] {strides = array<i32>} : memref<64x128xf32, #tpu.memory_space<vmem>>, vector<1x16xf32>,
        %parallel_loop3A_921 = vector.shape_cast %parallel_loop3A_920 : vector<1x16xf32> to vector<16xf32>
        %parallel_loop3A_922 = vector.shape_cast %parallel_loop3A_917 : vector<16xf32> to vector<1x16xf32>
        tpu.vector_store %arg17[%parallel_loop3A_918, %parallel_loop3A_919], %parallel_loop3A_922 {strides = array<i32>} : memref<64x128xf32, #tpu.memory_space<vmem>>, vector<1x16xf32>,
        %parallel_loop3A_923 = arith.index_cast %parallel_loop3A_909 : i32 to index
        %parallel_loop3A_924 = arith.constant 16 : index
        %parallel_loop3A_925 = tpu.vector_load %arg17[%parallel_loop3A_923, %parallel_loop3A_924] {strides = array<i32>} : memref<64x128xf32, #tpu.memory_space<vmem>>, vector<1x16xf32>,
        %parallel_loop3A_926 = vector.shape_cast %parallel_loop3A_925 : vector<1x16xf32> to vector<16xf32>
        %parallel_loop3A_927 = arith.constant 11.3137083 : f32
        %parallel_loop3A_928 = vector.broadcast %parallel_loop3A_927 : f32 to vector<16xf32>
        %parallel_loop3A_929 = arith.mulf %parallel_loop3A_926, %parallel_loop3A_928 : vector<16xf32>
        %parallel_loop3A_930 = arith.addf %parallel_loop3A_929, %get3A_856 : vector<16xf32>
        %parallel_loop3A_931 = arith.index_cast %parallel_loop3A_909 : i32 to index
        %parallel_loop3A_932 = arith.constant 16 : index
        %parallel_loop3A_933 = tpu.vector_load %arg17[%parallel_loop3A_931, %parallel_loop3A_932] {strides = array<i32>} : memref<64x128xf32, #tpu.memory_space<vmem>>, vector<1x16xf32>,
        %parallel_loop3A_934 = vector.shape_cast %parallel_loop3A_933 : vector<1x16xf32> to vector<16xf32>
        %parallel_loop3A_935 = vector.shape_cast %parallel_loop3A_930 : vector<16xf32> to vector<1x16xf32>
        tpu.vector_store %arg17[%parallel_loop3A_931, %parallel_loop3A_932], %parallel_loop3A_935 {strides = array<i32>} : memref<64x128xf32, #tpu.memory_space<vmem>>, vector<1x16xf32>,
        %parallel_loop3A_936 = arith.index_cast %parallel_loop3A_909 : i32 to index
        %parallel_loop3A_937 = arith.constant 32 : index
        %parallel_loop3A_938 = tpu.vector_load %arg17[%parallel_loop3A_936, %parallel_loop3A_937] {strides = array<i32>} : memref<64x128xf32, #tpu.memory_space<vmem>>, vector<1x16xf32>,
        %parallel_loop3A_939 = vector.shape_cast %parallel_loop3A_938 : vector<1x16xf32> to vector<16xf32>
        %parallel_loop3A_940 = arith.constant 11.3137083 : f32
        %parallel_loop3A_941 = vector.broadcast %parallel_loop3A_940 : f32 to vector<16xf32>
        %parallel_loop3A_942 = arith.mulf %parallel_loop3A_939, %parallel_loop3A_941 : vector<16xf32>
        %parallel_loop3A_943 = arith.addf %parallel_loop3A_942, %get3A_861 : vector<16xf32>
        %parallel_loop3A_944 = arith.index_cast %parallel_loop3A_909 : i32 to index
        %parallel_loop3A_945 = arith.constant 32 : index
        %parallel_loop3A_946 = tpu.vector_load %arg17[%parallel_loop3A_944, %parallel_loop3A_945] {strides = array<i32>} : memref<64x128xf32, #tpu.memory_space<vmem>>, vector<1x16xf32>,
        %parallel_loop3A_947 = vector.shape_cast %parallel_loop3A_946 : vector<1x16xf32> to vector<16xf32>
        %parallel_loop3A_948 = vector.shape_cast %parallel_loop3A_943 : vector<16xf32> to vector<1x16xf32>
        tpu.vector_store %arg17[%parallel_loop3A_944, %parallel_loop3A_945], %parallel_loop3A_948 {strides = array<i32>} : memref<64x128xf32, #tpu.memory_space<vmem>>, vector<1x16xf32>,
        %parallel_loop3A_949 = arith.index_cast %parallel_loop3A_909 : i32 to index
        %parallel_loop3A_950 = arith.constant 48 : index
        %parallel_loop3A_951 = tpu.vector_load %arg17[%parallel_loop3A_949, %parallel_loop3A_950] {strides = array<i32>} : memref<64x128xf32, #tpu.memory_space<vmem>>, vector<1x16xf32>,
        %parallel_loop3A_952 = vector.shape_cast %parallel_loop3A_951 : vector<1x16xf32> to vector<16xf32>
        %parallel_loop3A_953 = arith.constant 11.3137083 : f32
        %parallel_loop3A_954 = vector.broadcast %parallel_loop3A_953 : f32 to vector<16xf32>
        %parallel_loop3A_955 = arith.mulf %parallel_loop3A_952, %parallel_loop3A_954 : vector<16xf32>
        %parallel_loop3A_956 = arith.addf %parallel_loop3A_955, %get3A_866 : vector<16xf32>
        %parallel_loop3A_957 = arith.index_cast %parallel_loop3A_909 : i32 to index
        %parallel_loop3A_958 = arith.constant 48 : index
        %parallel_loop3A_959 = tpu.vector_load %arg17[%parallel_loop3A_957, %parallel_loop3A_958] {strides = array<i32>} : memref<64x128xf32, #tpu.memory_space<vmem>>, vector<1x16xf32>,
        %parallel_loop3A_960 = vector.shape_cast %parallel_loop3A_959 : vector<1x16xf32> to vector<16xf32>
        %parallel_loop3A_961 = vector.shape_cast %parallel_loop3A_956 : vector<16xf32> to vector<1x16xf32>
        tpu.vector_store %arg17[%parallel_loop3A_957, %parallel_loop3A_958], %parallel_loop3A_961 {strides = array<i32>} : memref<64x128xf32, #tpu.memory_space<vmem>>, vector<1x16xf32>,
        %parallel_loop3A_962 = arith.index_cast %parallel_loop3A_909 : i32 to index
        %parallel_loop3A_963 = arith.constant 64 : index
        %parallel_loop3A_964 = tpu.vector_load %arg17[%parallel_loop3A_962, %parallel_loop3A_963] {strides = array<i32>} : memref<64x128xf32, #tpu.memory_space<vmem>>, vector<1x16xf32>,
        %parallel_loop3A_965 = vector.shape_cast %parallel_loop3A_964 : vector<1x16xf32> to vector<16xf32>
        %parallel_loop3A_966 = arith.constant 11.3137083 : f32
        %parallel_loop3A_967 = vector.broadcast %parallel_loop3A_966 : f32 to vector<16xf32>
        %parallel_loop3A_968 = arith.mulf %parallel_loop3A_965, %parallel_loop3A_967 : vector<16xf32>
        %parallel_loop3A_969 = arith.addf %parallel_loop3A_968, %get3A_871 : vector<16xf32>
        %parallel_loop3A_970 = arith.index_cast %parallel_loop3A_909 : i32 to index
        %parallel_loop3A_971 = arith.constant 64 : index
        %parallel_loop3A_972 = tpu.vector_load %arg17[%parallel_loop3A_970, %parallel_loop3A_971] {strides = array<i32>} : memref<64x128xf32, #tpu.memory_space<vmem>>, vector<1x16xf32>,
        %parallel_loop3A_973 = vector.shape_cast %parallel_loop3A_972 : vector<1x16xf32> to vector<16xf32>
        %parallel_loop3A_974 = vector.shape_cast %parallel_loop3A_969 : vector<16xf32> to vector<1x16xf32>
        tpu.vector_store %arg17[%parallel_loop3A_970, %parallel_loop3A_971], %parallel_loop3A_974 {strides = array<i32>} : memref<64x128xf32, #tpu.memory_space<vmem>>, vector<1x16xf32>,
        %parallel_loop3A_975 = arith.index_cast %parallel_loop3A_909 : i32 to index
        %parallel_loop3A_976 = arith.constant 80 : index
        %parallel_loop3A_977 = tpu.vector_load %arg17[%parallel_loop3A_975, %parallel_loop3A_976] {strides = array<i32>} : memref<64x128xf32, #tpu.memory_space<vmem>>, vector<1x16xf32>,
        %parallel_loop3A_978 = vector.shape_cast %parallel_loop3A_977 : vector<1x16xf32> to vector<16xf32>
        %parallel_loop3A_979 = arith.constant 11.3137083 : f32
        %parallel_loop3A_980 = vector.broadcast %parallel_loop3A_979 : f32 to vector<16xf32>
        %parallel_loop3A_981 = arith.mulf %parallel_loop3A_978, %parallel_loop3A_980 : vector<16xf32>
        %parallel_loop3A_982 = arith.addf %parallel_loop3A_981, %get3A_876 : vector<16xf32>
        %parallel_loop3A_983 = arith.index_cast %parallel_loop3A_909 : i32 to index
        %parallel_loop3A_984 = arith.constant 80 : index
        %parallel_loop3A_985 = tpu.vector_load %arg17[%parallel_loop3A_983, %parallel_loop3A_984] {strides = array<i32>} : memref<64x128xf32, #tpu.memory_space<vmem>>, vector<1x16xf32>,
        %parallel_loop3A_986 = vector.shape_cast %parallel_loop3A_985 : vector<1x16xf32> to vector<16xf32>
        %parallel_loop3A_987 = vector.shape_cast %parallel_loop3A_982 : vector<16xf32> to vector<1x16xf32>
        tpu.vector_store %arg17[%parallel_loop3A_983, %parallel_loop3A_984], %parallel_loop3A_987 {strides = array<i32>} : memref<64x128xf32, #tpu.memory_space<vmem>>, vector<1x16xf32>,
        %parallel_loop3A_988 = arith.index_cast %parallel_loop3A_909 : i32 to index
        %parallel_loop3A_989 = arith.constant 96 : index
        %parallel_loop3A_990 = tpu.vector_load %arg17[%parallel_loop3A_988, %parallel_loop3A_989] {strides = array<i32>} : memref<64x128xf32, #tpu.memory_space<vmem>>, vector<1x16xf32>,
        %parallel_loop3A_991 = vector.shape_cast %parallel_loop3A_990 : vector<1x16xf32> to vector<16xf32>
        %parallel_loop3A_992 = arith.constant 11.3137083 : f32
        %parallel_loop3A_993 = vector.broadcast %parallel_loop3A_992 : f32 to vector<16xf32>
        %parallel_loop3A_994 = arith.mulf %parallel_loop3A_991, %parallel_loop3A_993 : vector<16xf32>
        %parallel_loop3A_995 = arith.addf %parallel_loop3A_994, %get3A_881 : vector<16xf32>
        %parallel_loop3A_996 = arith.index_cast %parallel_loop3A_909 : i32 to index
        %parallel_loop3A_997 = arith.constant 96 : index
        %parallel_loop3A_998 = tpu.vector_load %arg17[%parallel_loop3A_996, %parallel_loop3A_997] {strides = array<i32>} : memref<64x128xf32, #tpu.memory_space<vmem>>, vector<1x16xf32>,
        %parallel_loop3A_999 = vector.shape_cast %parallel_loop3A_998 : vector<1x16xf32> to vector<16xf32>
        %parallel_loop3A_1000 = vector.shape_cast %parallel_loop3A_995 : vector<16xf32> to vector<1x16xf32>
        tpu.vector_store %arg17[%parallel_loop3A_996, %parallel_loop3A_997], %parallel_loop3A_1000 {strides = array<i32>} : memref<64x128xf32, #tpu.memory_space<vmem>>, vector<1x16xf32>,
        %parallel_loop3A_1001 = arith.index_cast %parallel_loop3A_909 : i32 to index
        %parallel_loop3A_1002 = arith.constant 112 : index
        %parallel_loop3A_1003 = tpu.vector_load %arg17[%parallel_loop3A_1001, %parallel_loop3A_1002] {strides = array<i32>} : memref<64x128xf32, #tpu.memory_space<vmem>>, vector<1x16xf32>,
        %parallel_loop3A_1004 = vector.shape_cast %parallel_loop3A_1003 : vector<1x16xf32> to vector<16xf32>
        %parallel_loop3A_1005 = arith.constant 11.3137083 : f32
        %parallel_loop3A_1006 = vector.broadcast %parallel_loop3A_1005 : f32 to vector<16xf32>
        %parallel_loop3A_1007 = arith.mulf %parallel_loop3A_1004, %parallel_loop3A_1006 : vector<16xf32>
        %parallel_loop3A_1008 = arith.addf %parallel_loop3A_1007, %get3A_886 : vector<16xf32>
        %parallel_loop3A_1009 = arith.index_cast %parallel_loop3A_909 : i32 to index
        %parallel_loop3A_1010 = arith.constant 112 : index
        %parallel_loop3A_1011 = tpu.vector_load %arg17[%parallel_loop3A_1009, %parallel_loop3A_1010] {strides = array<i32>} : memref<64x128xf32, #tpu.memory_space<vmem>>, vector<1x16xf32>,
        %parallel_loop3A_1012 = vector.shape_cast %parallel_loop3A_1011 : vector<1x16xf32> to vector<16xf32>
        %parallel_loop3A_1013 = vector.shape_cast %parallel_loop3A_1008 : vector<16xf32> to vector<1x16xf32>
        tpu.vector_store %arg17[%parallel_loop3A_1009, %parallel_loop3A_1010], %parallel_loop3A_1013 {strides = array<i32>} : memref<64x128xf32, #tpu.memory_space<vmem>>, vector<1x16xf32>,
      } {sc.loop_unroll_factor = 4 : i64, sc.parallel_access}
      %mul3A_890 = arith.constant 64 : i32
      %mul3A_891 = arith.muli %add3A_832, %mul3A_890 : i32
      %add3A_892 = arith.addi %mul3A_2, %mul3A_891 : i32
      %dma_start3A_893 = arith.constant 0 : i32
      %dma_start3A_894 = tpu.memref_slice %arg5[%add3A_892, %dma_start3A_893] : memref<204800x128xf32, #tpu.memory_space<hbm>> -> memref<64x128xf32, #tpu.memory_space<hbm>>
      %dma_start3A_895 = arith.constant 0 : i32
      %dma_start3A_896 = tpu.memref_slice %arg5[%add3A_892, %dma_start3A_895] : memref<204800x128xf32, #tpu.memory_space<hbm>> -> memref<64x128xf32, #tpu.memory_space<hbm>>
      tpu.enqueue_dma source(%arg17 : memref<64x128xf32, #tpu.memory_space<vmem>>) target(%dma_start3A_896 : memref<64x128xf32, #tpu.memory_space<hbm>>) target_semaphore(%arg37 : memref<!tpu.dma_semaphore, #tpu.memory_space<semaphore_mem>>)
      %ge3A_897 = arith.constant 1 : i32
      %ge3A_898 = arith.cmpi sge, %add3A_832, %ge3A_897 : i32
      %add3A_899 = arith.constant 10 : i32
      %add3A_900 = arith.addi %add3A_832, %add3A_899 : i32
      %sub3A_901 = arith.constant 1 : i32
      %sub3A_902 = arith.subi %add3A_900, %sub3A_901 : i32
      %lt3A_903 = arith.constant 100 : i32
      %lt3A_904 = arith.cmpi slt, %sub3A_902, %lt3A_903 : i32
      %and3A_905 = arith.andi %ge3A_898, %lt3A_904 : i1
      %convert_element_type3A_906 = arith.extui %and3A_905 : i1 to i32
      %cond3A_907 = arith.constant 0 : i32
      %cond3A_908 = arith.cmpi ne, %convert_element_type3A_906, %cond3A_907 : i32
      scf.if %cond3A_908 {
        %sub3A_909 = arith.constant 1 : i32
        %sub3A_910 = arith.subi %add3A_832, %sub3A_909 : i32
        %mul3A_911 = arith.constant 64 : i32
        %mul3A_912 = arith.muli %sub3A_910, %mul3A_911 : i32
        %add3A_913 = arith.addi %mul3A_2, %mul3A_912 : i32
        %dma_wait3A_914 = arith.constant 0 : i32
        %dma_wait3A_915 = tpu.memref_slice %arg5[%add3A_913, %dma_wait3A_914] : memref<204800x128xf32, #tpu.memory_space<hbm>> -> memref<64x128xf32, #tpu.memory_space<hbm>>
        %dma_wait3A_916 = arith.constant 0 : i32
        %dma_wait3A_917 = tpu.memref_slice %arg5[%add3A_913, %dma_wait3A_916] : memref<204800x128xf32, #tpu.memory_space<hbm>> -> memref<64x128xf32, #tpu.memory_space<hbm>>
        tpu.wait_dma2 semaphore(%arg36 : memref<!tpu.dma_semaphore, #tpu.memory_space<semaphore_mem>>) src(%arg16 : memref<64x128xf32, #tpu.memory_space<vmem>>) dst(%dma_wait3A_917 : memref<64x128xf32, #tpu.memory_space<hbm>>)
        %add3A_918 = arith.constant 10 : i32
        %add3A_919 = arith.addi %add3A_832, %add3A_918 : i32
        %sub3A_920 = arith.constant 1 : i32
        %sub3A_921 = arith.subi %add3A_919, %sub3A_920 : i32
        %mul3A_922 = arith.constant 64 : i32
        %mul3A_923 = arith.muli %sub3A_921, %mul3A_922 : i32
        %dma_start3A_924 = tpu.memref_slice %arg6[%mul3A_923] : memref<6400xi32, #tpu.memory_space<vmem>> -> memref<64xi32, #tpu.memory_space<vmem>>
        %dma_start3A_925 = arith.constant 0 : i32
        %dma_start3A_926 = arith.constant 0 : i32
        %dma_start3A_927 = tpu.memref_slice %arg4[%dma_start3A_925, %dma_start3A_926] : memref<100000x128xf32, #tpu.memory_space<hbm>> -> memref<100000x128xf32, #tpu.memory_space<hbm>>
        tpu.enqueue_indirect_dma source(%dma_start3A_927 : memref<100000x128xf32, #tpu.memory_space<hbm>>) target(%arg16 : memref<64x128xf32, #tpu.memory_space<vmem>>) offsets(%dma_start3A_924 : memref<64xi32, #tpu.memory_space<vmem>>) semaphore(%arg26 : memref<!tpu.dma_semaphore, #tpu.memory_space<semaphore_mem>>)
      } else {
      }
    }
    %scan3A_71 = arith.constant 10 : i32
    %add3A_72 = arith.constant 5760 : i32
    %add3A_73 = arith.addi %mul3A_2, %add3A_72 : i32
    %dma_wait3A_74 = arith.constant 0 : i32
    %dma_wait3A_75 = tpu.memref_slice %arg5[%add3A_73, %dma_wait3A_74] : memref<204800x128xf32, #tpu.memory_space<hbm>> -> memref<64x128xf32, #tpu.memory_space<hbm>>
    %dma_wait3A_76 = arith.constant 0 : i32
    %dma_wait3A_77 = tpu.memref_slice %arg5[%add3A_73, %dma_wait3A_76] : memref<204800x128xf32, #tpu.memory_space<hbm>> -> memref<64x128xf32, #tpu.memory_space<hbm>>
    tpu.wait_dma2 semaphore(%arg28 : memref<!tpu.dma_semaphore, #tpu.memory_space<semaphore_mem>>) src(%arg8 : memref<64x128xf32, #tpu.memory_space<vmem>>) dst(%dma_wait3A_77 : memref<64x128xf32, #tpu.memory_space<hbm>>)
    %add3A_78 = arith.constant 5824 : i32
    %add3A_79 = arith.addi %mul3A_2, %add3A_78 : i32
    %dma_wait3A_80 = arith.constant 0 : i32
    %dma_wait3A_81 = tpu.memref_slice %arg5[%add3A_79, %dma_wait3A_80] : memref<204800x128xf32, #tpu.memory_space<hbm>> -> memref<64x128xf32, #tpu.memory_space<hbm>>
    %dma_wait3A_82 = arith.constant 0 : i32
    %dma_wait3A_83 = tpu.memref_slice %arg5[%add3A_79, %dma_wait3A_82] : memref<204800x128xf32, #tpu.memory_space<hbm>> -> memref<64x128xf32, #tpu.memory_space<hbm>>
    tpu.wait_dma2 semaphore(%arg29 : memref<!tpu.dma_semaphore, #tpu.memory_space<semaphore_mem>>) src(%arg9 : memref<64x128xf32, #tpu.memory_space<vmem>>) dst(%dma_wait3A_83 : memref<64x128xf32, #tpu.memory_space<hbm>>)
    %add3A_84 = arith.constant 5888 : i32
    %add3A_85 = arith.addi %mul3A_2, %add3A_84 : i32
    %dma_wait3A_86 = arith.constant 0 : i32
    %dma_wait3A_87 = tpu.memref_slice %arg5[%add3A_85, %dma_wait3A_86] : memref<204800x128xf32, #tpu.memory_space<hbm>> -> memref<64x128xf32, #tpu.memory_space<hbm>>
    %dma_wait3A_88 = arith.constant 0 : i32
    %dma_wait3A_89 = tpu.memref_slice %arg5[%add3A_85, %dma_wait3A_88] : memref<204800x128xf32, #tpu.memory_space<hbm>> -> memref<64x128xf32, #tpu.memory_space<hbm>>
    tpu.wait_dma2 semaphore(%arg30 : memref<!tpu.dma_semaphore, #tpu.memory_space<semaphore_mem>>) src(%arg10 : memref<64x128xf32, #tpu.memory_space<vmem>>) dst(%dma_wait3A_89 : memref<64x128xf32, #tpu.memory_space<hbm>>)
    %add3A_90 = arith.constant 5952 : i32
    %add3A_91 = arith.addi %mul3A_2, %add3A_90 : i32
    %dma_wait3A_92 = arith.constant 0 : i32
    %dma_wait3A_93 = tpu.memref_slice %arg5[%add3A_91, %dma_wait3A_92] : memref<204800x128xf32, #tpu.memory_space<hbm>> -> memref<64x128xf32, #tpu.memory_space<hbm>>
    %dma_wait3A_94 = arith.constant 0 : i32
    %dma_wait3A_95 = tpu.memref_slice %arg5[%add3A_91, %dma_wait3A_94] : memref<204800x128xf32, #tpu.memory_space<hbm>> -> memref<64x128xf32, #tpu.memory_space<hbm>>
    tpu.wait_dma2 semaphore(%arg31 : memref<!tpu.dma_semaphore, #tpu.memory_space<semaphore_mem>>) src(%arg11 : memref<64x128xf32, #tpu.memory_space<vmem>>) dst(%dma_wait3A_95 : memref<64x128xf32, #tpu.memory_space<hbm>>)
    %add3A_96 = arith.constant 6016 : i32
    %add3A_97 = arith.addi %mul3A_2, %add3A_96 : i32
    %dma_wait3A_98 = arith.constant 0 : i32
    %dma_wait3A_99 = tpu.memref_slice %arg5[%add3A_97, %dma_wait3A_98] : memref<204800x128xf32, #tpu.memory_space<hbm>> -> memref<64x128xf32, #tpu.memory_space<hbm>>
    %dma_wait3A_100 = arith.constant 0 : i32
    %dma_wait3A_101 = tpu.memref_slice %arg5[%add3A_97, %dma_wait3A_100] : memref<204800x128xf32, #tpu.memory_space<hbm>> -> memref<64x128xf32, #tpu.memory_space<hbm>>
    tpu.wait_dma2 semaphore(%arg32 : memref<!tpu.dma_semaphore, #tpu.memory_space<semaphore_mem>>) src(%arg12 : memref<64x128xf32, #tpu.memory_space<vmem>>) dst(%dma_wait3A_101 : memref<64x128xf32, #tpu.memory_space<hbm>>)
    %add3A_102 = arith.constant 6080 : i32
    %add3A_103 = arith.addi %mul3A_2, %add3A_102 : i32
    %dma_wait3A_104 = arith.constant 0 : i32
    %dma_wait3A_105 = tpu.memref_slice %arg5[%add3A_103, %dma_wait3A_104] : memref<204800x128xf32, #tpu.memory_space<hbm>> -> memref<64x128xf32, #tpu.memory_space<hbm>>
    %dma_wait3A_106 = arith.constant 0 : i32
    %dma_wait3A_107 = tpu.memref_slice %arg5[%add3A_103, %dma_wait3A_106] : memref<204800x128xf32, #tpu.memory_space<hbm>> -> memref<64x128xf32, #tpu.memory_space<hbm>>
    tpu.wait_dma2 semaphore(%arg33 : memref<!tpu.dma_semaphore, #tpu.memory_space<semaphore_mem>>) src(%arg13 : memref<64x128xf32, #tpu.memory_space<vmem>>) dst(%dma_wait3A_107 : memref<64x128xf32, #tpu.memory_space<hbm>>)
    %add3A_108 = arith.constant 6144 : i32
    %add3A_109 = arith.addi %mul3A_2, %add3A_108 : i32
    %dma_wait3A_110 = arith.constant 0 : i32
    %dma_wait3A_111 = tpu.memref_slice %arg5[%add3A_109, %dma_wait3A_110] : memref<204800x128xf32, #tpu.memory_space<hbm>> -> memref<64x128xf32, #tpu.memory_space<hbm>>
    %dma_wait3A_112 = arith.constant 0 : i32
    %dma_wait3A_113 = tpu.memref_slice %arg5[%add3A_109, %dma_wait3A_112] : memref<204800x128xf32, #tpu.memory_space<hbm>> -> memref<64x128xf32, #tpu.memory_space<hbm>>
    tpu.wait_dma2 semaphore(%arg34 : memref<!tpu.dma_semaphore, #tpu.memory_space<semaphore_mem>>) src(%arg14 : memref<64x128xf32, #tpu.memory_space<vmem>>) dst(%dma_wait3A_113 : memref<64x128xf32, #tpu.memory_space<hbm>>)
    %add3A_114 = arith.constant 6208 : i32
    %add3A_115 = arith.addi %mul3A_2, %add3A_114 : i32
    %dma_wait3A_116 = arith.constant 0 : i32
    %dma_wait3A_117 = tpu.memref_slice %arg5[%add3A_115, %dma_wait3A_116] : memref<204800x128xf32, #tpu.memory_space<hbm>> -> memref<64x128xf32, #tpu.memory_space<hbm>>
    %dma_wait3A_118 = arith.constant 0 : i32
    %dma_wait3A_119 = tpu.memref_slice %arg5[%add3A_115, %dma_wait3A_118] : memref<204800x128xf32, #tpu.memory_space<hbm>> -> memref<64x128xf32, #tpu.memory_space<hbm>>
    tpu.wait_dma2 semaphore(%arg35 : memref<!tpu.dma_semaphore, #tpu.memory_space<semaphore_mem>>) src(%arg15 : memref<64x128xf32, #tpu.memory_space<vmem>>) dst(%dma_wait3A_119 : memref<64x128xf32, #tpu.memory_space<hbm>>)
    %add3A_120 = arith.constant 6272 : i32
    %add3A_121 = arith.addi %mul3A_2, %add3A_120 : i32
    %dma_wait3A_122 = arith.constant 0 : i32
    %dma_wait3A_123 = tpu.memref_slice %arg5[%add3A_121, %dma_wait3A_122] : memref<204800x128xf32, #tpu.memory_space<hbm>> -> memref<64x128xf32, #tpu.memory_space<hbm>>
    %dma_wait3A_124 = arith.constant 0 : i32
    %dma_wait3A_125 = tpu.memref_slice %arg5[%add3A_121, %dma_wait3A_124] : memref<204800x128xf32, #tpu.memory_space<hbm>> -> memref<64x128xf32, #tpu.memory_space<hbm>>
    tpu.wait_dma2 semaphore(%arg36 : memref<!tpu.dma_semaphore, #tpu.memory_space<semaphore_mem>>) src(%arg16 : memref<64x128xf32, #tpu.memory_space<vmem>>) dst(%dma_wait3A_125 : memref<64x128xf32, #tpu.memory_space<hbm>>)
    %add3A_126 = arith.constant 6336 : i32
    %add3A_127 = arith.addi %mul3A_2, %add3A_126 : i32
    %dma_wait3A_128 = arith.constant 0 : i32
    %dma_wait3A_129 = tpu.memref_slice %arg5[%add3A_127, %dma_wait3A_128] : memref<204800x128xf32, #tpu.memory_space<hbm>> -> memref<64x128xf32, #tpu.memory_space<hbm>>
    %dma_wait3A_130 = arith.constant 0 : i32
    %dma_wait3A_131 = tpu.memref_slice %arg5[%add3A_127, %dma_wait3A_130] : memref<204800x128xf32, #tpu.memory_space<hbm>> -> memref<64x128xf32, #tpu.memory_space<hbm>>
    tpu.wait_dma2 semaphore(%arg37 : memref<!tpu.dma_semaphore, #tpu.memory_space<semaphore_mem>>) src(%arg17 : memref<64x128xf32, #tpu.memory_space<vmem>>) dst(%dma_wait3A_131 : memref<64x128xf32, #tpu.memory_space<hbm>>)
    return
  }
}

</mosaic_0001>

<sc_bundles>
// kernel: kernel.3.cloned.1.call-start
scs
__scs_entry_jumppad:
0x0: {  	(pc) =	sbr.rel $0x88, $3  }
0x1: {  	(tag) =	ssettag $0x0;
	lr =	simm.s32 $0x1  }
0x2: {  	[smem:$0x3F9F] =	sst lr;
	_ =	strace $0xD0000000  }
0x3: {  	_ = 	snop  }
0x4: {  	_ = 	snop  }
0x5: {  	_ = 	snop  }
0x6: {  	_ = 	snop  }
0x7: {  	_ = 	snop  }
__scs_overlays_trampoline_lowered:
0x8: {  	[smem:$0x3FAE] =	sst s0  }
0x9: {  	[smem:$0x3FAF] =	sst s1  }
0xa: {  	[smem:$0x3FB0] =	sst s2  }
0xb: {  	[smem:$0x3FB1] =	sst s3  }
0xc: {  	[smem:$0x3FB2] =	sst s4  }
0xd: {  	[smem:$0x3FB3] =	sst s5  }
0xe: {  	[smem:$0x3FB4] =	sst s6  }
0xf: {  	[smem:$0x3FB5] =	sst s7  }
0x10: {  	[smem:$0x3FB6] =	sst s8  }
0x11: {  	[smem:$0x3FB7] =	sst s9;
	s0 =	simm.s32 @!p0 $0x0  }
0x12: {  	s1 =	sld [smem:$0x3F9D];
	s0 =	simm.s32 @p0 $0x1  }
0x13: {  	[smem:$0x3FB8] =	sst s0;
	s0 =	simm.s32 @!p1 $0x0  }
0x14: {  	s2 =	sld [smem:$0x3F9C];
	s0 =	simm.s32 @p1 $0x1  }
0x15: {  	[smem:$0x3FB9] =	sst s0;
	s0 =	simm.s32 @!p2 $0x0  }
0x16: {  	s3 =	sld [smem:$0x3FDB];
	s0 =	simm.s32 @p2 $0x1  }
0x17: {  	s4 =	simm.s32 $0x1BF5;
	[smem:$0x3FBB] =	sst s0  }
0x18: {  	s0 =	sld [smem:$0x3F9E];
	_ =	swait.ge [sflag:s4], $0x0  }
0x19: {  	s7 =	sld [smem:$0x3F9F]  }
0x1a: {  	s8 =	sadd.s32 $0xFFFFE003, lr  }
0x1b: {  	s9 =	sadd.s32 $0xFFFFFEF7, lr;
	s5 =	simm.s32 $0xFFFFFFFF;
	p2 =	slt.u32 s8, $0xFFFFF086  }
0x1c: {  	p1 =	slt.u32 s9, $0xF7A;
	s5 =	simm.s32 @!p2 $0x0  }
0x1d: {  	s5 =	simm.s32 @p1 $0x1;
	p0 =	seq.s32 s7, s2  }
0x1e: {  	s7 =	smul.u32 @!p0 $0xF7A, s2;
	p2 =	seq.s32 @!p0 s5, $0x0  }
0x1f: {  	s9 =	smul.u32 $0xF7A, s1;
	s8 =	simm.s32 @!p0 $0x1BF5;
	p2 =	por !p2, p0  }
0x20: {  	[sflag:s8] =	ssyncset.s32 @!p0 $0xFFFFF086;
	s6 =	sadd.s32 @!p0 s3, s7;
	s7 =	simm.s32 @!p0 $0x108  }
0x21: {  	s3 =	sadd.s32 s3, s9;
	s6 =	sadd.s32 @!p0 $0x88, s6;
	s7 =	simm.s32 @p2 $0x1082  }
0x22: {  	[simem:s7], [sflag:s8] =	dma.local @!p0 [hbm:s6], $0xF7A  }
0x23: {  	s9 =	sor.u32 $0xD0000000, s2;
	s6 =	simm.s32 $0x108;
	_ =	swait.ge @!p0 [sflag:s8], $0x0  }
0x24: {  	s3 =	sadd.s32 $0x88, s3;
	s6 =	simm.s32 @!p1 $0x1082;
	[sflag:s4] =	ssyncset.s32 $0xFFFFF086  }
0x25: {  	[simem:s6], [sflag:s4] =	dma.local [hbm:s3], $0xF7A  }
0x26: {  	[smem:$0x3F9F] =	sst s1;
	(tag) =	ssettag s2;
	_ =	strace s9  }
0x27: {  	s1 =	sld [smem:$0x3FAF]  }
0x28: {  	s2 =	sld [smem:$0x3FB0]  }
0x29: {  	s4 =	sld [smem:$0x3FB2]  }
0x2a: {  	p0 =	seq.s32 s5, $0x0;
	s5 =	sld [smem:$0x3FB3]  }
0x2b: {  	s6 =	sld [smem:$0x3FB4]  }
0x2c: {  	s7 =	sld [smem:$0x3FB5]  }
0x2d: {  	s3 =	simm.s32 $0x108;
	s8 =	sld [smem:$0x3FB6]  }
0x2e: {  	s3 =	simm.s32 @!p0 $0x1082;
	s9 =	sld [smem:$0x3FB7]  }
0x2f: {  	lr =	sadd.s32 s0, s3;
	s0 =	sld [smem:$0x3FAE]  }
0x30: {  	s3 =	sld [smem:$0x3FB1]  }
0x31: {  	[smem:$0x3FBA] =	sst s10  }
0x32: {  	s10 =	sld [smem:$0x3FB8];
	_ =	sdelay $0x3  }
0x33: {  	p0 =	seq.s32 s10, $0x1;
	s10 =	sld [smem:$0x3FBA];
	_ =	sdelay $0x3  }
0x34: {  	[smem:$0x3FBA] =	sst s10  }
0x35: {  	s10 =	sld [smem:$0x3FB9];
	_ =	sdelay $0x3  }
0x36: {  	p1 =	seq.s32 s10, $0x1;
	s10 =	sld [smem:$0x3FBA];
	_ =	sdelay $0x3  }
0x37: {  	[smem:$0x3FBA] =	sst s10  }
0x38: {  	s10 =	sld [smem:$0x3FBB]  }
0x39: {  	_ = 	snop;
	(pc) =	sbr.ind lr, $3  }
0x3a: {  	_ = 	snop  }
0x3b: {  	_ = 	snop  }
0x3c: {  	p2 =	seq.s32 s10, $0x1;
	s10 =	sld [smem:$0x3FBA]  }
0x3d: {  	_ =	shalt  }
0x3e: {  	_ =	shalt  }
0x3f: {  	_ =	shalt  }
0x40: {  	_ =	shalt  }
0x41: {  	_ =	shalt  }
0x42: {  	_ =	shalt  }
0x43: {  	_ =	shalt  }
0x44: {  	_ =	shalt  }
0x45: {  	_ =	shalt  }
0x46: {  	_ =	shalt  }
0x47: {  	_ =	shalt  }
0x48: {  	_ =	shalt  }
0x49: {  	_ =	shalt  }
0x4a: {  	_ =	shalt  }
0x4b: {  	_ =	shalt  }
0x4c: {  	_ =	shalt  }
0x4d: {  	_ =	shalt  }
0x4e: {  	_ =	shalt  }
0x4f: {  	_ =	shalt  }
0x50: {  	_ =	shalt  }
0x51: {  	_ =	shalt  }
0x52: {  	_ =	shalt  }
0x53: {  	_ =	shalt  }
0x54: {  	_ =	shalt  }
0x55: {  	_ =	shalt  }
0x56: {  	_ =	shalt  }
0x57: {  	_ =	shalt  }
0x58: {  	_ =	shalt  }
0x59: {  	_ =	shalt  }
0x5a: {  	_ =	shalt  }
0x5b: {  	_ =	shalt  }
0x5c: {  	_ =	shalt  }
0x5d: {  	_ =	shalt  }
0x5e: {  	_ =	shalt  }
0x5f: {  	_ =	shalt  }
0x60: {  	_ =	shalt  }
0x61: {  	_ =	shalt  }
0x62: {  	_ =	shalt  }
0x63: {  	_ =	shalt  }
0x64: {  	_ =	shalt  }
0x65: {  	_ =	shalt  }
0x66: {  	_ =	shalt  }
0x67: {  	_ =	shalt  }
0x68: {  	_ =	shalt  }
0x69: {  	_ =	shalt  }
0x6a: {  	_ =	shalt  }
0x6b: {  	_ =	shalt  }
0x6c: {  	_ =	shalt  }
0x6d: {  	_ =	shalt  }
0x6e: {  	_ =	shalt  }
0x6f: {  	_ =	shalt  }
0x70: {  	_ =	shalt  }
0x71: {  	_ =	shalt  }
0x72: {  	_ =	shalt  }
0x73: {  	_ =	shalt  }
0x74: {  	_ =	shalt  }
0x75: {  	_ =	shalt  }
0x76: {  	_ =	shalt  }
0x77: {  	_ =	shalt  }
0x78: {  	_ =	shalt  }
0x79: {  	_ =	shalt  }
0x7a: {  	_ =	shalt  }
0x7b: {  	_ =	shalt  }
0x7c: {  	_ =	shalt  }
0x7d: {  	_ =	shalt  }
0x7e: {  	_ =	shalt  }
0x7f: {  	_ =	shalt  }
0x80: {  	_ =	shalt  }
0x81: {  	_ =	shalt  }
0x82: {  	_ =	shalt  }
0x83: {  	_ =	shalt  }
0x84: {  	_ =	shalt  }
0x85: {  	_ =	shalt  }
0x86: {  	_ =	shalt  }
0x87: {  	_ =	shalt  }
.Lfunc_end0:
.L_simem_size_0:
called_computation_lowered:
.L_overlay_start_0:
0x88: {  	s2 =	sld [smem:$0x3FD9]  }
0x89: {  	s3 =	sld [smem:$0x3FFE];
	_ =	sdelay $0x1  }
0x8a: {  	s1 =	srdreg.scid  }
0x8b: {  	s0 =	sand.u32 $0x1, s1  }
0x8c: {  	s17 =	sshll.u32 s0, $0xA;
	s2 =	sadd.s32 s3, s2  }
0x8d: {  	s2 =	sadd.s32 s2, s17  }
0x8e: {  	[smem:$0x3FC6] =	sst s2  }
0x8f: {  	_ = 	snop  }
0x90: {  	s2 =	sld [smem:$0x3FC9]  }
0x91: {  	s18 =	sld [smem:$0x3FC8]  }
0x92: {  	s4 =	sld [smem:$0x3FD0];
	(tm) =	ssettm $0x1  }
0x93: {  	s5 =	sld [smem:$0x3FFB];
	_ =	sdelay $0x3  }
0x94: {  	_ =	strace s5  }
0x95: {  	s5 =	sld [smem:$0x3FFC];
	_ =	sdelay $0x3  }
0x96: {  	_ =	strace s5  }
0x97: {  	s5 =	sld [smem:$0x3FFD];
	_ =	sdelay $0x3  }
0x98: {  	_ =	strace s5  }
0x99: {  	_ =	strace $0x8FFFFFFF  }
0x9a: {  	s19 =	sld [smem:$0x3FDB];
	_ =	sdelay $0x1  }
0x9b: {  	s6 =	simm.s32 $_scs_section_size  }
0x9c: {  	s7 =	simm.s32 $_size__tile_overlayer_lowered;
	s8 =	simm.s32 $_tile_overlayer_lowered  }
0x9d: {  	s22 =	simm.s32 $0x1BFF;
	s21 =	sshll.u32 s8, $0x1;
	s5 =	sadd.s32 s6, s19  }
0x9e: {  	s9 =	simm.s32 $0x0;
	s20 =	sshll.u32 s7, $0x1;
	s7 =	sadd.s32 s21, s5  }
0x9f: {  	[timem:s9], [sflag:s22] =	dma.local [hbm:s7], s20  }
0xa0: {  	_ =	swait.ge [sflag:s22], s20  }
0xa1: {  	s6 =	ssub.s32 $0x0, s20;
	[sflag:s22] =	ssyncset.done $0x0  }
0xa2: {  	[sflag:s22] =	ssyncadd.s32 s6;
	_ =	sdelay $0x1  }
0xa3: {  	s23 =	simm.s32 $0x1B8B  }
0xa4: {  	_ =	swait.ge [sflag:s23], $0x1  }
0xa5: {  	[sflag:s23] =	ssyncset.done $0x0  }
0xa6: {  	s25 =	simm.s32 $0x1B8E;
	s24 =	sld [smem:$0x3FFE];
	[sflag:s23] =	ssyncadd.s32 $0xFFFFFFFF  }
0xa7: {  	s26 =	simm.s32 $execute0_lowered;
	[smem:$0x3FD2] =	sst s25  }
0xa8: {  	s7 =	sshll.u32 s26, $0x1;
	_ =	strace $0x80000046;
	[dreg:$0x1] =	wrdreg $0xFFFFFFFF  }
0xa9: {  	s28 =	simm.s32 $_size_execute0_lowered;
	s5 =	sadd.s32 s5, s7;
	[dreg:$0x0] =	wrdreg $0x0  }
0xaa: {  	s7 =	sshll.u32 s28, $0x1;
	[dreg:$0x2] =	wrdreg s5  }
0xab: {  	[dreg:$0x3] =	wrdreg s7  }
0xac: {  	[dreg:$0x4] =	wrdreg $0xC0  }
0xad: {  	_ =	task [dreg:s9], $0x5FFFF  }
0xae: {  	[dreg:$0x1] =	wrdreg $0xFFFFFFFF  }
0xaf: {  	[dreg:$0x0] =	wrdreg $0x60  }
0xb0: {  	[dreg:$0x2] =	wrdreg s2  }
0xb1: {  	[dreg:$0x3] =	wrdreg s24  }
0xb2: {  	[dreg:$0x4] =	wrdreg s18  }
0xb3: {  	[dreg:$0x5] =	wrdreg s4  }
0xb4: {  	[dreg:$0x6] =	wrdreg $0x9  }
0xb5: {  	_ =	task.clear_ibuf [dreg:s9], $0x7FFFF;
	_ =	strace $0x90000046  }
0xb6: {  	s29 =	simm.s32 $0x9;
	_ =	strace $0x80000048  }
0xb7: {  	_ =	swait.ge [sflag:s29], $0x1  }
0xb8: {  	[sflag:s29] =	ssyncadd.s32 $0xFFFFFFFF  }
0xb9: {  	_ =	strace $0x90000048  }
0xba: {  	_ =	sfence  }
0xbb: {  	s30 =	sld [smem:$0x0];
	_ =	sdelay $0x2  }
0xbc: {  	s31 =	sshll.u32 s1, $0xD;
	s1 =	sshrl.u32 s1, $0x2  }
0xbd: {  	s3 =	sand.u32 $0x4000, s31;
	s1 =	sadd.s32 s1, s30  }
0xbe: {  	s0 =	sor.u32 s3, s0;
	s1 =	sshll.u32 s1, $0x11  }
0xbf: {  	s0 =	sor.u32 s1, s0  }
0xc0: {  	s0 =	sadd.s32 $0x8F2B, s0  }
0xc1: {  	[sflag:s0] =	ssyncadd.remote.s32 $0x1  }
0xc2: {  	_ =	sfence.sel $0xFFFF  }
0xc3: {  	[dreg:$0x0] =	wrdreg $0xFFFFFFFF;
	(pc) =	sbr.abs _section_cstart, $3  }
0xc4: {  	[dreg:$0x1] =	wrdreg $0xFFFFFFFF  }
0xc5: {  	_ =	task.clear_ibuf [dreg:s9], $0x2FFFF;
	_ =	strace $0x9FFFFFFF  }
0xc6: {  	(tm) =	ssettm $0x7FFFFFFF  }
0xc7: {  	_ =	shalt  }
tec
execute0_lowered:
.L_overlay_start_1:
0x0: {  	(tag) =	ssettag $0x1  }
0x1: {  	s0 =	rddreg [dreg:$0x0]  }
0x2: {  	s1 =	rddreg [dreg:$0x1];
	s3 =	srdreg.scid  }
0x3: {  	s4 =	stileid.u32;
	s2 =	rddreg [dreg:$0x2]  }
0x4: {  	s29 =	simm.s32 $0x11D00;
	s31 =	simm.s32 $0x2;
	s17 =	simm.s32 $0x5  }
0x5: {  	s20 =	simm.s32 $0x7;
	s18 =	simm.s32 $0x8;
	s22 =	simm.s32 $0x9  }
0x6: {  	s23 =	simm.s32 $0xA;
	s7 =	sand.u32 $0x1, s3;
	s4 =	sshll.u32 s4, $0x1  }
0x7: {  	s25 =	simm.s32 $0x13;
	s5 =	sor.u32 s7, s4;
	s4 =	simm.s32 $0x0  }
0x8: {  	s7 =	ssub.s32 $0x2, s7;
	s5 =	smul.u32 $0x1900, s5;
	[smem:$0x7FF] =	sst s4  }
0x9: {  	s3 =	rddreg [dreg:$0x3];
	s9 =	sshrl.u32 s7, $0x1;
	_ =	strace $0x80000047  }
0xa: {  	s7 =	ssub.s32 s7, s9;
	s9 =	simm.s32 $0x4;
	s6 =	sshrl.u32 s5, $0xA  }
0xb: {  	s10 =	sshrl.u32 s5, $0x3;
	s28 =	sor.u32 $0x80, s5;
	s11 =	sor.u32 $0xC0, s5  }
0xc: {  	s12 =	sadd.s32 $0x100, s5;
	s13 =	sadd.s32 $0x140, s5;
	s14 =	sadd.s32 $0x180, s5  }
0xd: {  	s15 =	sadd.s32 $0x1C0, s5;
	s16 =	sadd.s32 $0x200, s5;
	s30 =	smax.u32 s7, $0x1  }
.Ltmp0:
0xe: {  	s7 =	simm.s32 $0x6;
	[dreg:$0x8] =	wrdreg s28;
	(pc) =	sbr.rel .LBB2_1-.Ltmp0, $4  }
0xf: {  	s8 =	sshll.u32 s6, $0x4;
	s0 =	sadd.s32 s0, s10;
	[dreg:$0x9] =	wrdreg s30  }
0x10: {  	s1 =	sadd.s32 s8, s1;
	[dreg:$0x5] =	wrdreg s0;
	s0 =	sadd.s32 $0x50, s0  }
0x11: {  	s10 =	simm.s32 $0x0;
	[dreg:$0x6] =	wrdreg s0;
	s26 =	sadd.s32 $0x400, s1  }
0x12: {  	s8 =	simm.s32 $0x3;
	[dreg:$0x7] =	wrdreg s26;
	s26 =	simm.s32 $0x1  }
.LBB2_24:
0x13: {  	s0 =	simm.s32 $0xB  }
0x14: {  	_ =	swait.ge [sflag:s0], $0x2000  }
0x15: {  	[sflag:s0] =	ssyncset.done $0x0  }
0x16: {  	s30 =	simm.s32 $0xC;
	[sflag:s0] =	ssyncadd.s32 $0xFFFFE000  }
0x17: {  	_ =	swait.ge [sflag:s30], $0x2000  }
0x18: {  	[sflag:s30] =	ssyncset.done $0x0  }
0x19: {  	s1 =	simm.s32 $0xD;
	[sflag:s30] =	ssyncadd.s32 $0xFFFFE000  }
0x1a: {  	_ =	swait.ge [sflag:s1], $0x2000  }
0x1b: {  	[sflag:s1] =	ssyncset.done $0x0  }
0x1c: {  	s10 =	simm.s32 $0xE;
	[sflag:s1] =	ssyncadd.s32 $0xFFFFE000  }
0x1d: {  	_ =	swait.ge [sflag:s10], $0x2000  }
0x1e: {  	[sflag:s10] =	ssyncset.done $0x0  }
0x1f: {  	s19 =	simm.s32 $0xF;
	[sflag:s10] =	ssyncadd.s32 $0xFFFFE000  }
0x20: {  	_ =	swait.ge [sflag:s19], $0x2000  }
0x21: {  	[sflag:s19] =	ssyncset.done $0x0  }
0x22: {  	s21 =	simm.s32 $0x10;
	[sflag:s19] =	ssyncadd.s32 $0xFFFFE000  }
0x23: {  	_ =	swait.ge [sflag:s21], $0x2000  }
0x24: {  	[sflag:s21] =	ssyncset.done $0x0  }
0x25: {  	s24 =	simm.s32 $0x11;
	[sflag:s21] =	ssyncadd.s32 $0xFFFFE000  }
0x26: {  	_ =	swait.ge [sflag:s24], $0x2000  }
0x27: {  	[sflag:s24] =	ssyncset.done $0x0  }
0x28: {  	s28 =	simm.s32 $0x12;
	[sflag:s24] =	ssyncadd.s32 $0xFFFFE000  }
0x29: {  	_ =	swait.ge [sflag:s28], $0x2000  }
0x2a: {  	[sflag:s28] =	ssyncset.done $0x0  }
0x2b: {  	[sflag:s28] =	ssyncadd.s32 $0xFFFFE000  }
0x2c: {  	_ =	swait.ge [sflag:s25], $0x2000  }
0x2d: {  	[sflag:s25] =	ssyncset.done $0x0  }
0x2e: {  	s1 =	simm.s32 $0x14;
	[sflag:s25] =	ssyncadd.s32 $0xFFFFE000  }
0x2f: {  	_ =	swait.ge [sflag:s1], $0x2000  }
0x30: {  	s10 =	rddreg [dreg:$0xa]  }
0x31: {  	s30 =	rddreg [dreg:$0x9];
	s10 =	sadd.s32 $0x1, s10  }
0x32: {  	p0 =	sne.s32 s10, s30  }
.Ltmp1:
0x33: {  	_ = 	snop;
	(pc) =	sbr.rel @!p0 .LBB2_25-.Ltmp1, $3  }
0x34: {  	_ =	sdelay $0x1  }
0x35: {  	[sflag:s1] =	ssyncset.done $0x0  }
0x36: {  	[sflag:s1] =	ssyncadd.s32 $0xFFFFE000  }
.LBB2_1:
0x37: {  	[dreg:$0xa] =	wrdreg s10  }
0x38: {  	s0 =	rddreg [dreg:$0x5];
	s1 =	simm.s32 $0x16  }
0x39: {  	[tilespmem:s4], [sflag:$0x16] =	stream.linear.gather [hbm4b:s0+s4], $0x280, $0x38;
	[tilespmem:$0x15D00] =	vst v63  }
0x3a: {  	_ =	swait.ge [sflag:s1], $0x280  }
0x3b: {  	[sflag:s1] =	ssyncset.done $0x0  }
0x3c: {  	s19 =	simm.s32 $0x280;
	s10 =	rddreg [dreg:$0x6];
	[sflag:s1] =	ssyncadd.s32 $0xFFFFFD80  }
0x3d: {  	[tilespmem:s19], [sflag:$0x15] =	stream.linear.gather [hbm4b:s10+s4], $0x1680, $0x38;
	[tilespmem:$0x15D00] =	vst v63  }
0x3e: {  	s24 =	simm.s32 $0x1900;
	s21 =	rddreg [dreg:$0x7]  }
0x3f: {  	[tilespmem:s24], [sflag:$0x16] =	stream.linear.gather [hbm4b:s21+s4], $0x400, $0x38;
	[tilespmem:$0x15D00] =	vst v63  }
0x40: {  	_ =	swait.ge [sflag:s1], $0x400  }
0x41: {  	[sflag:s1] =	ssyncset.done $0x0  }
0x42: {  	s30 =	simm.s32 $0x1D00;
	s0 =	simm.s32 $0x40;
	[sflag:s1] =	ssyncadd.s32 $0xFFFFFC00  }
0x43: {  	[tilespmem:s30], [sflag:$0x1] =	stream.indirect.gather [hbm4b:s2+s0], $0x80, s4, s0, $0xb8;
	[tilespmem:$0x15D00] =	vst v63  }
0x44: {  	s10 =	simm.s32 $0x3D00  }
0x45: {  	[tilespmem:s10], [sflag:$0x2] =	stream.indirect.gather [hbm4b:s2+s0], $0x80, s0, s0, $0xb8;
	[tilespmem:$0x15D00] =	vst v63  }
0x46: {  	s19 =	simm.s32 $0x80;
	s21 =	simm.s32 $0x5D00  }
0x47: {  	[tilespmem:s21], [sflag:$0x3] =	stream.indirect.gather [hbm4b:s2+s0], $0x80, s19, s0, $0xb8;
	[tilespmem:$0x15D00] =	vst v63  }
0x48: {  	s24 =	simm.s32 $0xC0;
	s30 =	simm.s32 $0x7D00  }
0x49: {  	[tilespmem:s30], [sflag:$0x4] =	stream.indirect.gather [hbm4b:s2+s0], $0x80, s24, s0, $0xb8;
	[tilespmem:$0x15D00] =	vst v63  }
0x4a: {  	s19 =	simm.s32 $0x100;
	s21 =	simm.s32 $0x9D00  }
0x4b: {  	[tilespmem:s21], [sflag:$0x5] =	stream.indirect.gather [hbm4b:s2+s0], $0x80, s19, s0, $0xb8;
	[tilespmem:$0x15D00] =	vst v63  }
0x4c: {  	s24 =	simm.s32 $0x140;
	s30 =	simm.s32 $0xBD00  }
0x4d: {  	[tilespmem:s30], [sflag:$0x6] =	stream.indirect.gather [hbm4b:s2+s0], $0x80, s24, s0, $0xb8;
	[tilespmem:$0x15D00] =	vst v63  }
0x4e: {  	s19 =	simm.s32 $0x180;
	s21 =	simm.s32 $0xDD00  }
0x4f: {  	[tilespmem:s21], [sflag:$0x7] =	stream.indirect.gather [hbm4b:s2+s0], $0x80, s19, s0, $0xb8;
	[tilespmem:$0x15D00] =	vst v63  }
0x50: {  	s24 =	simm.s32 $0x1C0;
	s30 =	simm.s32 $0xFD00  }
0x51: {  	[tilespmem:s30], [sflag:$0x8] =	stream.indirect.gather [hbm4b:s2+s0], $0x80, s24, s0, $0xb8;
	[tilespmem:$0x15D00] =	vst v63  }
0x52: {  	s19 =	simm.s32 $0x200  }
0x53: {  	[tilespmem:s29], [sflag:$0x9] =	stream.indirect.gather [hbm4b:s2+s0], $0x80, s19, s0, $0xb8;
	[tilespmem:$0x15D00] =	vst v63  }
0x54: {  	s21 =	simm.s32 $0x240;
	s24 =	simm.s32 $0x13D00;
	s30 =	simm.s32 $0x15  }
0x55: {  	[tilespmem:s24], [sflag:$0xA] =	stream.indirect.gather [hbm4b:s2+s0], $0x80, s21, s0, $0xb8;
	[tilespmem:$0x15D00] =	vst v63  }
0x56: {  	_ =	swait.ge [sflag:s30], $0x1680  }
0x57: {  	[sflag:s30] =	ssyncset.done $0x0  }
0x58: {  	s28 =	simm.s32 $0x0;
	[sflag:s30] =	ssyncadd.s32 $0xFFFFE980  }
.LBB2_2:
0x59: {  	_ =	swait.ge [sflag:s26], $0x2000  }
0x5a: {  	[sflag:s26] =	ssyncset.done $0x0  }
0x5b: {  	s24 =	simm.s32 $0x1E00;
	[sflag:s26] =	ssyncadd.s32 $0xFFFFE000  }
0x5c: {  	v8 =	vld [tilespmem:s24+$0xF0]  }
0x5d: {  	v9 =	vld [tilespmem:s24+$0xFFFFFF10]  }
0x5e: {  	v10 =	vld [tilespmem:s24+$0xFFFFFF20]  }
0x5f: {  	s1 =	smul.u32 $0x280, s28;
	v11 =	vld [tilespmem:s24+$0xFFFFFF30]  }
0x60: {  	v12 =	vld [tilespmem:s24+$0xFFFFFF40]  }
0x61: {  	s19 =	sadd.s32 s5, s1;
	v13 =	vld [tilespmem:s24+$0xFFFFFF50]  }
0x62: {  	s0 =	sshrl.u32 s19, $0xA;
	v14 =	vld [tilespmem:s24+$0xFFFFFF60]  }
0x63: {  	v15 =	vld [tilespmem:s24+$0xFFFFFF70];
	s0 =	ssub.s32 s0, s6  }
0x64: {  	v16 =	vld [tilespmem:s24+$0xFFFFFF80];
	s0 =	sshll.u32 s0, $0x9  }
0x65: {  	v17 =	vld [tilespmem:s24+$0xFFFFFF90];
	s0 =	sshra.s32 s0, $0x2  }
0x66: {  	v7 =	vld [tilespmem:s0+$0x1970]  }
0x67: {  	v6 =	vld [tilespmem:s0+$0x1910]  }
0x68: {  	v5 =	vld [tilespmem:s0+$0x1920]  }
0x69: {  	v4 =	vld [tilespmem:s0+$0x1930];
	v8 =	vmul.f32 $1.131370830e+01, v8  }
0x6a: {  	v3 =	vld [tilespmem:s0+$0x1940];
	v9 =	vmul.f32 $1.131370830e+01, v9  }
0x6b: {  	v2 =	vld [tilespmem:s0+$0x1950];
	v10 =	vmul.f32 $1.131370830e+01, v10;
	v8 =	vadd.f32 v8, v7  }
0x6c: {  	v1 =	vld [tilespmem:s0+$0x1960];
	v11 =	vmul.f32 $1.131370830e+01, v11;
	v9 =	vadd.f32 v9, v6  }
0x6d: {  	v0 =	vld [tilespmem:s0+$0x1900];
	v12 =	vmul.f32 $1.131370830e+01, v12;
	v10 =	vadd.f32 v10, v5;
	[tilespmem:s24+$0xF0] =	vst v8  }
0x6e: {  	[tilespmem:s24+$0xFFFFFF10] =	vst v9;
	v8 =	vadd.f32 v11, v4;
	v9 =	vmul.f32 $1.131370830e+01, v13;
	v11 =	vld [tilespmem:s24+$0xFFFFFFA0]  }
0x6f: {  	[tilespmem:s24+$0xFFFFFF20] =	vst v10;
	v10 =	vadd.f32 v12, v3;
	v12 =	vmul.f32 $1.131370830e+01, v14;
	v13 =	vld [tilespmem:s24+$0xFFFFFFB0]  }
0x70: {  	v14 =	vld [tilespmem:s24+$0xFFFFFFC0];
	[tilespmem:s24+$0xFFFFFF30] =	vst v8;
	v8 =	vadd.f32 v9, v2;
	v9 =	vmul.f32 $1.131370830e+01, v15  }
0x71: {  	[tilespmem:s24+$0xFFFFFF40] =	vst v10;
	v10 =	vadd.f32 v12, v1;
	v12 =	vmul.f32 $1.131370830e+01, v16;
	v15 =	vld [tilespmem:s24+$0xFFFFFFD0]  }
0x72: {  	v16 =	vld [tilespmem:s24+$0xFFFFFFE0];
	[tilespmem:s24+$0xFFFFFF50] =	vst v8;
	v8 =	vadd.f32 v9, v7;
	v9 =	vmul.f32 $1.131370830e+01, v17  }
0x73: {  	[tilespmem:s24+$0xFFFFFF60] =	vst v10;
	v10 =	vadd.f32 v12, v0;
	v12 =	vld [tilespmem:s24+$0xFFFFFFF0];
	v11 =	vmul.f32 $1.131370830e+01, v11  }
0x74: {  	[tilespmem:s24+$0xFFFFFF70] =	vst v8;
	v8 =	vadd.f32 v9, v6;
	v9 =	vmul.f32 $1.131370830e+01, v13;
	v13 =	vld [tilespmem:s24+$0x0]  }
0x75: {  	[tilespmem:s24+$0xFFFFFF80] =	vst v10;
	v10 =	vadd.f32 v11, v5;
	v11 =	vmul.f32 $1.131370830e+01, v14;
	v14 =	vld [tilespmem:s24+$0x10]  }
0x76: {  	[tilespmem:s24+$0xFFFFFF90] =	vst v8;
	v8 =	vadd.f32 v9, v4;
	v9 =	vmul.f32 $1.131370830e+01, v15;
	v15 =	vld [tilespmem:s24+$0x20]  }
0x77: {  	[tilespmem:s24+$0xFFFFFFA0] =	vst v10;
	v10 =	vadd.f32 v11, v3;
	v11 =	vmul.f32 $1.131370830e+01, v16;
	v16 =	vld [tilespmem:s24+$0x30]  }
0x78: {  	[tilespmem:s24+$0xFFFFFFB0] =	vst v8;
	v8 =	vadd.f32 v9, v2;
	v9 =	vmul.f32 $1.131370830e+01, v12;
	v12 =	vld [tilespmem:s24+$0x40]  }
0x79: {  	[tilespmem:s24+$0xFFFFFFC0] =	vst v10;
	v10 =	vadd.f32 v11, v1;
	v11 =	vmul.f32 $1.131370830e+01, v13;
	v13 =	vld [tilespmem:s24+$0x50]  }
0x7a: {  	[tilespmem:s24+$0xFFFFFFD0] =	vst v8;
	v8 =	vadd.f32 v9, v7;
	v9 =	vmul.f32 $1.131370830e+01, v14;
	v14 =	vld [tilespmem:s24+$0x60]  }
0x7b: {  	[tilespmem:s24+$0xFFFFFFE0] =	vst v10;
	v10 =	vadd.f32 v11, v0;
	v11 =	vmul.f32 $1.131370830e+01, v15;
	v15 =	vld [tilespmem:s24+$0x70]  }
0x7c: {  	[tilespmem:s24+$0xFFFFFFF0] =	vst v8;
	v8 =	vadd.f32 v9, v6;
	v9 =	vmul.f32 $1.131370830e+01, v16;
	v16 =	vld [tilespmem:s24+$0x80]  }
0x7d: {  	[tilespmem:s24+$0x0] =	vst v10;
	v10 =	vadd.f32 v11, v5;
	v11 =	vmul.f32 $1.131370830e+01, v12;
	v12 =	vld [tilespmem:s24+$0x90]  }
0x7e: {  	v17 =	vld [tilespmem:s24+$0xA0];
	[tilespmem:s24+$0x10] =	vst v8;
	v9 =	vadd.f32 v9, v4;
	v13 =	vmul.f32 $1.131370830e+01, v13  }
0x7f: {  	v8 =	vld [tilespmem:s24+$0xB0];
	[tilespmem:s24+$0x20] =	vst v10;
	v10 =	vadd.f32 v11, v3;
	v11 =	vmul.f32 $1.131370830e+01, v14  }
0x80: {  	[tilespmem:s24+$0x30] =	vst v9;
	v13 =	vadd.f32 v13, v2;
	v14 =	vmul.f32 $1.131370830e+01, v15;
	v9 =	vld [tilespmem:s24+$0xC0]  }
0x81: {  	[tilespmem:s24+$0x40] =	vst v10;
	v15 =	vadd.f32 v11, v1;
	v16 =	vmul.f32 $1.131370830e+01, v16;
	v10 =	vld [tilespmem:s24+$0xD0]  }
0x82: {  	v11 =	vld [tilespmem:s24+$0xE0];
	[tilespmem:s24+$0x50] =	vst v13;
	v13 =	vadd.f32 v14, v7;
	v14 =	vmul.f32 $1.131370830e+01, v12  }
0x83: {  	s21 =	simm.s32 $0x2000;
	s0 =	simm.s32 $0x0;
	v12 =	vld [tilespmem:s24+$0xFFFFFF00];
	[tilespmem:s24+$0x60] =	vst v15;
	v15 =	vadd.f32 v16, v0;
	v16 =	vmul.f32 $1.131370830e+01, v17  }
.LBB2_3:
0x84: {  	v17 =	vld [tilespmem:s21+$0xF0];
	s0 =	sadd.s32 $0x4, s0;
	[tilespmem:s24+$0x70] =	vst v13;
	v13 =	vadd.f32 v14, v6;
	v8 =	vmul.f32 $1.131370830e+01, v8  }
0x85: {  	v14 =	vld [tilespmem:s21+$0xFFFFFF10];
	p0 =	slt.u32 s0, $0x3C;
	[tilespmem:s24+$0x80] =	vst v15;
	v15 =	vadd.f32 v16, v5;
	v9 =	vmul.f32 $1.131370830e+01, v9  }
0x86: {  	v16 =	vld [tilespmem:s21+$0xFFFFFF20];
	[tilespmem:s24+$0x90] =	vst v13;
	v8 =	vadd.f32 v8, v4;
	v10 =	vmul.f32 $1.131370830e+01, v10  }
0x87: {  	v13 =	vld [tilespmem:s21+$0xFFFFFF30];
	[tilespmem:s24+$0xA0] =	vst v15;
	v9 =	vadd.f32 v9, v3;
	v11 =	vmul.f32 $1.131370830e+01, v11  }
0x88: {  	v15 =	vld [tilespmem:s21+$0xFFFFFF40];
	v12 =	vmul.f32 $1.131370830e+01, v12;
	[tilespmem:s24+$0xB0] =	vst v8;
	v8 =	vadd.f32 v10, v2  }
0x89: {  	v10 =	vld [tilespmem:s21+$0xFFFFFF50];
	v17 =	vmul.f32 $1.131370830e+01, v17;
	[tilespmem:s24+$0xC0] =	vst v9;
	v9 =	vadd.f32 v11, v1  }
0x8a: {  	v11 =	vmul.f32 $1.131370830e+01, v14;
	v14 =	vld [tilespmem:s21+$0xFFFFFF60];
	v12 =	vadd.f32 v12, v0;
	[tilespmem:s24+$0xD0] =	vst v8  }
0x8b: {  	v8 =	vmul.f32 $1.131370830e+01, v16;
	v16 =	vld [tilespmem:s21+$0xFFFFFF70];
	v17 =	vadd.f32 v17, v7;
	[tilespmem:s24+$0xE0] =	vst v9  }
0x8c: {  	v9 =	vadd.f32 v11, v6;
	v11 =	vmul.f32 $1.131370830e+01, v13;
	v13 =	vld [tilespmem:s21+$0xFFFFFF80];
	[tilespmem:s24+$0xFFFFFF00] =	vst v12;
	s24 =	smov.u32 s21  }
0x8d: {  	v8 =	vadd.f32 v8, v5;
	v12 =	vmul.f32 $1.131370830e+01, v15;
	v15 =	vld [tilespmem:s21+$0xFFFFFF90];
	[tilespmem:s21+$0xF0] =	vst v17  }
0x8e: {  	[tilespmem:s21+$0xFFFFFF10] =	vst v9;
	v9 =	vadd.f32 v11, v4;
	v10 =	vmul.f32 $1.131370830e+01, v10;
	v11 =	vld [tilespmem:s21+$0xFFFFFFA0]  }
0x8f: {  	[tilespmem:s21+$0xFFFFFF20] =	vst v8;
	v8 =	vadd.f32 v12, v3;
	v12 =	vmul.f32 $1.131370830e+01, v14;
	v14 =	vld [tilespmem:s21+$0xFFFFFFB0]  }
0x90: {  	[tilespmem:s21+$0xFFFFFF30] =	vst v9;
	v9 =	vadd.f32 v10, v2;
	v10 =	vmul.f32 $1.131370830e+01, v16;
	v16 =	vld [tilespmem:s21+$0xFFFFFFC0]  }
0x91: {  	[tilespmem:s21+$0xFFFFFF40] =	vst v8;
	v8 =	vadd.f32 v12, v1;
	v12 =	vmul.f32 $1.131370830e+01, v13;
	v13 =	vld [tilespmem:s21+$0xFFFFFFD0]  }
0x92: {  	[tilespmem:s21+$0xFFFFFF50] =	vst v9;
	v9 =	vadd.f32 v10, v7;
	v10 =	vmul.f32 $1.131370830e+01, v15;
	v15 =	vld [tilespmem:s21+$0xFFFFFFE0]  }
0x93: {  	[tilespmem:s21+$0xFFFFFF60] =	vst v8;
	v8 =	vadd.f32 v12, v0;
	v11 =	vmul.f32 $1.131370830e+01, v11;
	v12 =	vld [tilespmem:s21+$0xFFFFFFF0]  }
0x94: {  	[tilespmem:s21+$0xFFFFFF70] =	vst v9;
	v9 =	vadd.f32 v10, v6;
	v10 =	vmul.f32 $1.131370830e+01, v14;
	v14 =	vld [tilespmem:s21+$0x0]  }
0x95: {  	[tilespmem:s21+$0xFFFFFF80] =	vst v8;
	v8 =	vadd.f32 v11, v5;
	v11 =	vmul.f32 $1.131370830e+01, v16;
	v16 =	vld [tilespmem:s21+$0x10]  }
0x96: {  	[tilespmem:s21+$0xFFFFFF90] =	vst v9;
	v9 =	vadd.f32 v10, v4;
	v10 =	vmul.f32 $1.131370830e+01, v13;
	v13 =	vld [tilespmem:s21+$0x20]  }
0x97: {  	[tilespmem:s21+$0xFFFFFFA0] =	vst v8;
	v8 =	vadd.f32 v11, v3;
	v11 =	vmul.f32 $1.131370830e+01, v15;
	v15 =	vld [tilespmem:s21+$0x30]  }
0x98: {  	[tilespmem:s21+$0xFFFFFFB0] =	vst v9;
	v9 =	vadd.f32 v10, v2;
	v10 =	vmul.f32 $1.131370830e+01, v12;
	v12 =	vld [tilespmem:s21+$0x40]  }
0x99: {  	[tilespmem:s21+$0xFFFFFFC0] =	vst v8;
	v8 =	vadd.f32 v11, v1;
	v11 =	vmul.f32 $1.131370830e+01, v14;
	v14 =	vld [tilespmem:s21+$0x50]  }
0x9a: {  	[tilespmem:s21+$0xFFFFFFD0] =	vst v9;
	v9 =	vadd.f32 v10, v7;
	v10 =	vmul.f32 $1.131370830e+01, v16;
	v16 =	vld [tilespmem:s21+$0x60]  }
0x9b: {  	[tilespmem:s21+$0xFFFFFFE0] =	vst v8;
	v8 =	vadd.f32 v11, v0;
	v11 =	vmul.f32 $1.131370830e+01, v13;
	v13 =	vld [tilespmem:s21+$0x70]  }
0x9c: {  	[tilespmem:s21+$0xFFFFFFF0] =	vst v9;
	v9 =	vadd.f32 v10, v6;
	v10 =	vmul.f32 $1.131370830e+01, v15;
	v15 =	vld [tilespmem:s21+$0x80]  }
0x9d: {  	[tilespmem:s21+$0x0] =	vst v8;
	v8 =	vadd.f32 v11, v5;
	v11 =	vmul.f32 $1.131370830e+01, v12;
	v12 =	vld [tilespmem:s21+$0x90]  }
0x9e: {  	[tilespmem:s21+$0x10] =	vst v9;
	v9 =	vadd.f32 v10, v4;
	v10 =	vmul.f32 $1.131370830e+01, v14;
	v17 =	vld [tilespmem:s21+$0xA0]  }
.Ltmp2:
0x9f: {  	[tilespmem:s21+$0x20] =	vst v8;
	v11 =	vadd.f32 v11, v3;
	v14 =	vmul.f32 $1.131370830e+01, v16;
	v8 =	vld [tilespmem:s21+$0xB0];
	(pc) =	sbr.rel @p0 .LBB2_3-.Ltmp2, $4  }
0xa0: {  	[tilespmem:s21+$0x30] =	vst v9;
	v16 =	vadd.f32 v10, v2;
	v13 =	vmul.f32 $1.131370830e+01, v13;
	v9 =	vld [tilespmem:s21+$0xC0]  }
0xa1: {  	[tilespmem:s21+$0x40] =	vst v11;
	v18 =	vadd.f32 v14, v1;
	v15 =	vmul.f32 $1.131370830e+01, v15;
	v10 =	vld [tilespmem:s21+$0xD0]  }
0xa2: {  	[tilespmem:s21+$0x50] =	vst v16;
	v13 =	vadd.f32 v13, v7;
	v14 =	vmul.f32 $1.131370830e+01, v12;
	v11 =	vld [tilespmem:s21+$0xE0]  }
0xa3: {  	s21 =	sadd.s32 $0x200, s21;
	v12 =	vld [tilespmem:s24+$0xFFFFFF00];
	[tilespmem:s24+$0x60] =	vst v18;
	v15 =	vadd.f32 v15, v0;
	v16 =	vmul.f32 $1.131370830e+01, v17  }
0xa4: {  	[tilespmem:s24+$0x70] =	vst v13;
	v6 =	vadd.f32 v14, v6;
	v7 =	vmul.f32 $1.131370830e+01, v8  }
0xa5: {  	[tilespmem:s24+$0x80] =	vst v15;
	v5 =	vadd.f32 v16, v5;
	v8 =	vmul.f32 $1.131370830e+01, v9  }
0xa6: {  	[tilespmem:s24+$0x90] =	vst v6;
	v4 =	vadd.f32 v7, v4;
	v6 =	vmul.f32 $1.131370830e+01, v10  }
0xa7: {  	[tilespmem:s24+$0xA0] =	vst v5;
	v3 =	vadd.f32 v8, v3;
	v5 =	vmul.f32 $1.131370830e+01, v11  }
0xa8: {  	v7 =	vmul.f32 $1.131370830e+01, v12;
	[tilespmem:s24+$0xB0] =	vst v4;
	v2 =	vadd.f32 v6, v2  }
0xa9: {  	[tilespmem:s24+$0xC0] =	vst v3;
	v1 =	vadd.f32 v5, v1  }
0xaa: {  	v0 =	vadd.f32 v7, v0;
	[tilespmem:s24+$0xD0] =	vst v2  }
0xab: {  	s0 =	sshll.u32 s19, $0x4;
	s10 =	simm.s32 $0x1D00;
	[tilespmem:s24+$0xE0] =	vst v1  }
0xac: {  	p0 =	seq.s32 s28, $0x0;
	s21 =	smul.u32 $0xA, s28;
	s0 =	sadd.s32 s3, s0;
	[tilespmem:s24+$0xFFFFFF00] =	vst v0  }
0xad: {  	[hbm4b:s0+s4] =	stream.linear.scatter [tilespmem:s10], [sflag:$0xB], $0x2000, $0x38;
	[tilespmem:$0x15D00] =	vst v63  }
0xae: {  	s10 =	simm.s32 @!p0 $0x14  }
0xaf: {  	s30 =	sadd.s32 $0x9, s21;
	_ =	swait.ge @!p0 [sflag:s10], $0x2000  }
0xb0: {  	s19 =	simm.s32 @!p0 $0x13D00;
	s0 =	sshll.u32 @!p0 s30, $0x6;
	[sflag:s10] =	ssyncset.done @!p0 $0x0  }
0xb1: {  	s0 =	sand.u32 @!p0 $0x3FFFFFC0, s0;
	[sflag:s10] =	ssyncadd.s32 @!p0 $0xFFFFE000;
	s10 =	simm.s32 @!p0 $0x40  }
0xb2: {  	[tilespmem:s19], [sflag:$0xA] =	stream.indirect.gather @!p0 [hbm4b:s2+s10], $0x80, s0, s10, $0xb8;
	[tilespmem:$0x15D00] =	vst v63  }
0xb3: {  	_ =	swait.ge [sflag:s31], $0x2000  }
0xb4: {  	s24 =	sadd.s32 s1, s5;
	[sflag:s31] =	ssyncset.done $0x0  }
0xb5: {  	s19 =	sadd.s32 $0x40, s24;
	s24 =	simm.s32 $0x3E00;
	[sflag:s31] =	ssyncadd.s32 $0xFFFFE000  }
0xb6: {  	v8 =	vld [tilespmem:s24+$0xF0]  }
0xb7: {  	v9 =	vld [tilespmem:s24+$0xFFFFFF10]  }
0xb8: {  	v10 =	vld [tilespmem:s24+$0xFFFFFF20]  }
0xb9: {  	v11 =	vld [tilespmem:s24+$0xFFFFFF30]  }
0xba: {  	v12 =	vld [tilespmem:s24+$0xFFFFFF40]  }
0xbb: {  	v13 =	vld [tilespmem:s24+$0xFFFFFF50]  }
0xbc: {  	s0 =	sshrl.u32 s19, $0xA;
	v14 =	vld [tilespmem:s24+$0xFFFFFF60]  }
0xbd: {  	s0 =	ssub.s32 s0, s6;
	v15 =	vld [tilespmem:s24+$0xFFFFFF70]  }
0xbe: {  	s0 =	sshll.u32 s0, $0x9;
	v16 =	vld [tilespmem:s24+$0xFFFFFF80]  }
0xbf: {  	s0 =	sshra.s32 s0, $0x2;
	v17 =	vld [tilespmem:s24+$0xFFFFFF90]  }
0xc0: {  	v7 =	vld [tilespmem:s0+$0x1970]  }
0xc1: {  	v6 =	vld [tilespmem:s0+$0x1910]  }
0xc2: {  	v5 =	vld [tilespmem:s0+$0x1920]  }
0xc3: {  	v4 =	vld [tilespmem:s0+$0x1930];
	v8 =	vmul.f32 $1.131370830e+01, v8  }
0xc4: {  	v3 =	vld [tilespmem:s0+$0x1940];
	v9 =	vmul.f32 $1.131370830e+01, v9  }
0xc5: {  	v2 =	vld [tilespmem:s0+$0x1950];
	v10 =	vmul.f32 $1.131370830e+01, v10;
	v8 =	vadd.f32 v8, v7  }
0xc6: {  	v1 =	vld [tilespmem:s0+$0x1960];
	v11 =	vmul.f32 $1.131370830e+01, v11;
	v9 =	vadd.f32 v9, v6  }
0xc7: {  	v0 =	vld [tilespmem:s0+$0x1900];
	v12 =	vmul.f32 $1.131370830e+01, v12;
	v10 =	vadd.f32 v10, v5;
	[tilespmem:s24+$0xF0] =	vst v8  }
0xc8: {  	[tilespmem:s24+$0xFFFFFF10] =	vst v9;
	v8 =	vadd.f32 v11, v4;
	v9 =	vmul.f32 $1.131370830e+01, v13;
	v11 =	vld [tilespmem:s24+$0xFFFFFFA0]  }
0xc9: {  	[tilespmem:s24+$0xFFFFFF20] =	vst v10;
	v10 =	vadd.f32 v12, v3;
	v12 =	vmul.f32 $1.131370830e+01, v14;
	v13 =	vld [tilespmem:s24+$0xFFFFFFB0]  }
0xca: {  	v14 =	vld [tilespmem:s24+$0xFFFFFFC0];
	[tilespmem:s24+$0xFFFFFF30] =	vst v8;
	v8 =	vadd.f32 v9, v2;
	v9 =	vmul.f32 $1.131370830e+01, v15  }
0xcb: {  	[tilespmem:s24+$0xFFFFFF40] =	vst v10;
	v10 =	vadd.f32 v12, v1;
	v12 =	vmul.f32 $1.131370830e+01, v16;
	v15 =	vld [tilespmem:s24+$0xFFFFFFD0]  }
0xcc: {  	v16 =	vld [tilespmem:s24+$0xFFFFFFE0];
	[tilespmem:s24+$0xFFFFFF50] =	vst v8;
	v8 =	vadd.f32 v9, v7;
	v9 =	vmul.f32 $1.131370830e+01, v17  }
0xcd: {  	[tilespmem:s24+$0xFFFFFF60] =	vst v10;
	v10 =	vadd.f32 v12, v0;
	v12 =	vld [tilespmem:s24+$0xFFFFFFF0];
	v11 =	vmul.f32 $1.131370830e+01, v11  }
0xce: {  	[tilespmem:s24+$0xFFFFFF70] =	vst v8;
	v8 =	vadd.f32 v9, v6;
	v9 =	vmul.f32 $1.131370830e+01, v13;
	v13 =	vld [tilespmem:s24+$0x0]  }
0xcf: {  	[tilespmem:s24+$0xFFFFFF80] =	vst v10;
	v10 =	vadd.f32 v11, v5;
	v11 =	vmul.f32 $1.131370830e+01, v14;
	v14 =	vld [tilespmem:s24+$0x10]  }
0xd0: {  	[tilespmem:s24+$0xFFFFFF90] =	vst v8;
	v8 =	vadd.f32 v9, v4;
	v9 =	vmul.f32 $1.131370830e+01, v15;
	v15 =	vld [tilespmem:s24+$0x20]  }
0xd1: {  	[tilespmem:s24+$0xFFFFFFA0] =	vst v10;
	v10 =	vadd.f32 v11, v3;
	v11 =	vmul.f32 $1.131370830e+01, v16;
	v16 =	vld [tilespmem:s24+$0x30]  }
0xd2: {  	[tilespmem:s24+$0xFFFFFFB0] =	vst v8;
	v8 =	vadd.f32 v9, v2;
	v9 =	vmul.f32 $1.131370830e+01, v12;
	v12 =	vld [tilespmem:s24+$0x40]  }
0xd3: {  	[tilespmem:s24+$0xFFFFFFC0] =	vst v10;
	v10 =	vadd.f32 v11, v1;
	v11 =	vmul.f32 $1.131370830e+01, v13;
	v13 =	vld [tilespmem:s24+$0x50]  }
0xd4: {  	[tilespmem:s24+$0xFFFFFFD0] =	vst v8;
	v8 =	vadd.f32 v9, v7;
	v9 =	vmul.f32 $1.131370830e+01, v14;
	v14 =	vld [tilespmem:s24+$0x60]  }
0xd5: {  	[tilespmem:s24+$0xFFFFFFE0] =	vst v10;
	v10 =	vadd.f32 v11, v0;
	v11 =	vmul.f32 $1.131370830e+01, v15;
	v15 =	vld [tilespmem:s24+$0x70]  }
0xd6: {  	[tilespmem:s24+$0xFFFFFFF0] =	vst v8;
	v8 =	vadd.f32 v9, v6;
	v9 =	vmul.f32 $1.131370830e+01, v16;
	v16 =	vld [tilespmem:s24+$0x80]  }
0xd7: {  	[tilespmem:s24+$0x0] =	vst v10;
	v10 =	vadd.f32 v11, v5;
	v11 =	vmul.f32 $1.131370830e+01, v12;
	v12 =	vld [tilespmem:s24+$0x90]  }
0xd8: {  	v17 =	vld [tilespmem:s24+$0xA0];
	[tilespmem:s24+$0x10] =	vst v8;
	v9 =	vadd.f32 v9, v4;
	v13 =	vmul.f32 $1.131370830e+01, v13  }
0xd9: {  	v8 =	vld [tilespmem:s24+$0xB0];
	[tilespmem:s24+$0x20] =	vst v10;
	v10 =	vadd.f32 v11, v3;
	v11 =	vmul.f32 $1.131370830e+01, v14  }
0xda: {  	[tilespmem:s24+$0x30] =	vst v9;
	v13 =	vadd.f32 v13, v2;
	v14 =	vmul.f32 $1.131370830e+01, v15;
	v9 =	vld [tilespmem:s24+$0xC0]  }
0xdb: {  	[tilespmem:s24+$0x40] =	vst v10;
	v15 =	vadd.f32 v11, v1;
	v16 =	vmul.f32 $1.131370830e+01, v16;
	v10 =	vld [tilespmem:s24+$0xD0]  }
0xdc: {  	v11 =	vld [tilespmem:s24+$0xE0];
	[tilespmem:s24+$0x50] =	vst v13;
	v13 =	vadd.f32 v14, v7;
	v14 =	vmul.f32 $1.131370830e+01, v12  }
0xdd: {  	s21 =	simm.s32 $0x4000;
	s0 =	simm.s32 $0x0;
	v12 =	vld [tilespmem:s24+$0xFFFFFF00];
	[tilespmem:s24+$0x60] =	vst v15;
	v15 =	vadd.f32 v16, v0;
	v16 =	vmul.f32 $1.131370830e+01, v17  }
.LBB2_5:
0xde: {  	v17 =	vld [tilespmem:s21+$0xF0];
	s0 =	sadd.s32 $0x4, s0;
	[tilespmem:s24+$0x70] =	vst v13;
	v13 =	vadd.f32 v14, v6;
	v8 =	vmul.f32 $1.131370830e+01, v8  }
0xdf: {  	v14 =	vld [tilespmem:s21+$0xFFFFFF10];
	p0 =	slt.u32 s0, $0x3C;
	[tilespmem:s24+$0x80] =	vst v15;
	v15 =	vadd.f32 v16, v5;
	v9 =	vmul.f32 $1.131370830e+01, v9  }
0xe0: {  	v16 =	vld [tilespmem:s21+$0xFFFFFF20];
	[tilespmem:s24+$0x90] =	vst v13;
	v8 =	vadd.f32 v8, v4;
	v10 =	vmul.f32 $1.131370830e+01, v10  }
0xe1: {  	v13 =	vld [tilespmem:s21+$0xFFFFFF30];
	[tilespmem:s24+$0xA0] =	vst v15;
	v9 =	vadd.f32 v9, v3;
	v11 =	vmul.f32 $1.131370830e+01, v11  }
0xe2: {  	v15 =	vld [tilespmem:s21+$0xFFFFFF40];
	v12 =	vmul.f32 $1.131370830e+01, v12;
	[tilespmem:s24+$0xB0] =	vst v8;
	v8 =	vadd.f32 v10, v2  }
0xe3: {  	v10 =	vld [tilespmem:s21+$0xFFFFFF50];
	v17 =	vmul.f32 $1.131370830e+01, v17;
	[tilespmem:s24+$0xC0] =	vst v9;
	v9 =	vadd.f32 v11, v1  }
0xe4: {  	v11 =	vmul.f32 $1.131370830e+01, v14;
	v14 =	vld [tilespmem:s21+$0xFFFFFF60];
	v12 =	vadd.f32 v12, v0;
	[tilespmem:s24+$0xD0] =	vst v8  }
0xe5: {  	v8 =	vmul.f32 $1.131370830e+01, v16;
	v16 =	vld [tilespmem:s21+$0xFFFFFF70];
	v17 =	vadd.f32 v17, v7;
	[tilespmem:s24+$0xE0] =	vst v9  }
0xe6: {  	v9 =	vadd.f32 v11, v6;
	v11 =	vmul.f32 $1.131370830e+01, v13;
	v13 =	vld [tilespmem:s21+$0xFFFFFF80];
	[tilespmem:s24+$0xFFFFFF00] =	vst v12;
	s24 =	smov.u32 s21  }
0xe7: {  	v8 =	vadd.f32 v8, v5;
	v12 =	vmul.f32 $1.131370830e+01, v15;
	v15 =	vld [tilespmem:s21+$0xFFFFFF90];
	[tilespmem:s21+$0xF0] =	vst v17  }
0xe8: {  	[tilespmem:s21+$0xFFFFFF10] =	vst v9;
	v9 =	vadd.f32 v11, v4;
	v10 =	vmul.f32 $1.131370830e+01, v10;
	v11 =	vld [tilespmem:s21+$0xFFFFFFA0]  }
0xe9: {  	[tilespmem:s21+$0xFFFFFF20] =	vst v8;
	v8 =	vadd.f32 v12, v3;
	v12 =	vmul.f32 $1.131370830e+01, v14;
	v14 =	vld [tilespmem:s21+$0xFFFFFFB0]  }
0xea: {  	[tilespmem:s21+$0xFFFFFF30] =	vst v9;
	v9 =	vadd.f32 v10, v2;
	v10 =	vmul.f32 $1.131370830e+01, v16;
	v16 =	vld [tilespmem:s21+$0xFFFFFFC0]  }
0xeb: {  	[tilespmem:s21+$0xFFFFFF40] =	vst v8;
	v8 =	vadd.f32 v12, v1;
	v12 =	vmul.f32 $1.131370830e+01, v13;
	v13 =	vld [tilespmem:s21+$0xFFFFFFD0]  }
0xec: {  	[tilespmem:s21+$0xFFFFFF50] =	vst v9;
	v9 =	vadd.f32 v10, v7;
	v10 =	vmul.f32 $1.131370830e+01, v15;
	v15 =	vld [tilespmem:s21+$0xFFFFFFE0]  }
0xed: {  	[tilespmem:s21+$0xFFFFFF60] =	vst v8;
	v8 =	vadd.f32 v12, v0;
	v11 =	vmul.f32 $1.131370830e+01, v11;
	v12 =	vld [tilespmem:s21+$0xFFFFFFF0]  }
0xee: {  	[tilespmem:s21+$0xFFFFFF70] =	vst v9;
	v9 =	vadd.f32 v10, v6;
	v10 =	vmul.f32 $1.131370830e+01, v14;
	v14 =	vld [tilespmem:s21+$0x0]  }
0xef: {  	[tilespmem:s21+$0xFFFFFF80] =	vst v8;
	v8 =	vadd.f32 v11, v5;
	v11 =	vmul.f32 $1.131370830e+01, v16;
	v16 =	vld [tilespmem:s21+$0x10]  }
0xf0: {  	[tilespmem:s21+$0xFFFFFF90] =	vst v9;
	v9 =	vadd.f32 v10, v4;
	v10 =	vmul.f32 $1.131370830e+01, v13;
	v13 =	vld [tilespmem:s21+$0x20]  }
0xf1: {  	[tilespmem:s21+$0xFFFFFFA0] =	vst v8;
	v8 =	vadd.f32 v11, v3;
	v11 =	vmul.f32 $1.131370830e+01, v15;
	v15 =	vld [tilespmem:s21+$0x30]  }
0xf2: {  	[tilespmem:s21+$0xFFFFFFB0] =	vst v9;
	v9 =	vadd.f32 v10, v2;
	v10 =	vmul.f32 $1.131370830e+01, v12;
	v12 =	vld [tilespmem:s21+$0x40]  }
0xf3: {  	[tilespmem:s21+$0xFFFFFFC0] =	vst v8;
	v8 =	vadd.f32 v11, v1;
	v11 =	vmul.f32 $1.131370830e+01, v14;
	v14 =	vld [tilespmem:s21+$0x50]  }
0xf4: {  	[tilespmem:s21+$0xFFFFFFD0] =	vst v9;
	v9 =	vadd.f32 v10, v7;
	v10 =	vmul.f32 $1.131370830e+01, v16;
	v16 =	vld [tilespmem:s21+$0x60]  }
0xf5: {  	[tilespmem:s21+$0xFFFFFFE0] =	vst v8;
	v8 =	vadd.f32 v11, v0;
	v11 =	vmul.f32 $1.131370830e+01, v13;
	v13 =	vld [tilespmem:s21+$0x70]  }
0xf6: {  	[tilespmem:s21+$0xFFFFFFF0] =	vst v9;
	v9 =	vadd.f32 v10, v6;
	v10 =	vmul.f32 $1.131370830e+01, v15;
	v15 =	vld [tilespmem:s21+$0x80]  }
0xf7: {  	[tilespmem:s21+$0x0] =	vst v8;
	v8 =	vadd.f32 v11, v5;
	v11 =	vmul.f32 $1.131370830e+01, v12;
	v12 =	vld [tilespmem:s21+$0x90]  }
0xf8: {  	[tilespmem:s21+$0x10] =	vst v9;
	v9 =	vadd.f32 v10, v4;
	v10 =	vmul.f32 $1.131370830e+01, v14;
	v17 =	vld [tilespmem:s21+$0xA0]  }
.Ltmp3:
0xf9: {  	[tilespmem:s21+$0x20] =	vst v8;
	v11 =	vadd.f32 v11, v3;
	v14 =	vmul.f32 $1.131370830e+01, v16;
	v8 =	vld [tilespmem:s21+$0xB0];
	(pc) =	sbr.rel @p0 .LBB2_5-.Ltmp3, $4  }
0xfa: {  	[tilespmem:s21+$0x30] =	vst v9;
	v16 =	vadd.f32 v10, v2;
	v13 =	vmul.f32 $1.131370830e+01, v13;
	v9 =	vld [tilespmem:s21+$0xC0]  }
0xfb: {  	[tilespmem:s21+$0x40] =	vst v11;
	v18 =	vadd.f32 v14, v1;
	v15 =	vmul.f32 $1.131370830e+01, v15;
	v10 =	vld [tilespmem:s21+$0xD0]  }
0xfc: {  	[tilespmem:s21+$0x50] =	vst v16;
	v13 =	vadd.f32 v13, v7;
	v14 =	vmul.f32 $1.131370830e+01, v12;
	v11 =	vld [tilespmem:s21+$0xE0]  }
0xfd: {  	s21 =	sadd.s32 $0x200, s21;
	v12 =	vld [tilespmem:s24+$0xFFFFFF00];
	[tilespmem:s24+$0x60] =	vst v18;
	v15 =	vadd.f32 v15, v0;
	v16 =	vmul.f32 $1.131370830e+01, v17  }
0xfe: {  	[tilespmem:s24+$0x70] =	vst v13;
	v6 =	vadd.f32 v14, v6;
	v7 =	vmul.f32 $1.131370830e+01, v8  }
0xff: {  	[tilespmem:s24+$0x80] =	vst v15;
	v5 =	vadd.f32 v16, v5;
	v8 =	vmul.f32 $1.131370830e+01, v9  }
0x100: {  	[tilespmem:s24+$0x90] =	vst v6;
	v4 =	vadd.f32 v7, v4;
	v6 =	vmul.f32 $1.131370830e+01, v10  }
0x101: {  	[tilespmem:s24+$0xA0] =	vst v5;
	v3 =	vadd.f32 v8, v3;
	v5 =	vmul.f32 $1.131370830e+01, v11  }
0x102: {  	v7 =	vmul.f32 $1.131370830e+01, v12;
	[tilespmem:s24+$0xB0] =	vst v4;
	v2 =	vadd.f32 v6, v2  }
0x103: {  	[tilespmem:s24+$0xC0] =	vst v3;
	v1 =	vadd.f32 v5, v1  }
0x104: {  	v0 =	vadd.f32 v7, v0;
	[tilespmem:s24+$0xD0] =	vst v2  }
0x105: {  	s0 =	sshll.u32 s19, $0x4;
	[tilespmem:s24+$0xE0] =	vst v1  }
0x106: {  	s10 =	simm.s32 $0x3D00;
	p0 =	seq.s32 s28, $0x9;
	s0 =	sadd.s32 s3, s0;
	[tilespmem:s24+$0xFFFFFF00] =	vst v0  }
0x107: {  	[hbm4b:s0+s4] =	stream.linear.scatter [tilespmem:s10], [sflag:$0xC], $0x2000, $0x38;
	[tilespmem:$0x15D00] =	vst v63  }
0x108: {  	s0 =	simm.s32 @!p0 $0xB  }
0x109: {  	s10 =	smul.u32 @!p0 $0xA00, s28;
	_ =	swait.ge @!p0 [sflag:s0], $0x2000  }
0x10a: {  	s21 =	simm.s32 @!p0 $0x1D00;
	[sflag:s0] =	ssyncset.done @!p0 $0x0  }
0x10b: {  	s19 =	sshra.s32 @!p0 s10, $0x2;
	s10 =	simm.s32 @!p0 $0x40;
	s24 =	rddreg [dreg:$0x8]  }
0x10c: {  	[sflag:s0] =	ssyncadd.s32 @!p0 $0xFFFFE000;
	s0 =	sadd.s32 @!p0 $0x280, s19;
	s24 =	sadd.s32 s1, s24  }
0x10d: {  	[tilespmem:s21], [sflag:$0x1] =	stream.indirect.gather @!p0 [hbm4b:s2+s10], $0x80, s0, s10, $0xb8;
	[tilespmem:$0x15D00] =	vst v63  }
0x10e: {  	s0 =	sshrl.u32 s24, $0xA  }
0x10f: {  	_ =	swait.ge [sflag:s8], $0x2000;
	s0 =	ssub.s32 s0, s6  }
0x110: {  	[sflag:s8] =	ssyncset.done $0x0;
	s0 =	sshll.u32 s0, $0x9  }
0x111: {  	[sflag:s8] =	ssyncadd.s32 $0xFFFFE000;
	s0 =	sshra.s32 s0, $0x2  }
0x112: {  	v0 =	vld [tilespmem:s0+$0x1900]  }
0x113: {  	v6 =	vld [tilespmem:s0+$0x1910]  }
0x114: {  	v5 =	vld [tilespmem:s0+$0x1920]  }
0x115: {  	v4 =	vld [tilespmem:s0+$0x1930]  }
0x116: {  	v3 =	vld [tilespmem:s0+$0x1940]  }
0x117: {  	v2 =	vld [tilespmem:s0+$0x1950]  }
0x118: {  	v1 =	vld [tilespmem:s0+$0x1960]  }
0x119: {  	v7 =	vld [tilespmem:s0+$0x1970];
	s0 =	simm.s32 $0x5E00  }
0x11a: {  	v8 =	vld [tilespmem:s0+$0xF0]  }
0x11b: {  	v9 =	vld [tilespmem:s0+$0xFFFFFF10]  }
0x11c: {  	v10 =	vld [tilespmem:s0+$0xFFFFFF20]  }
0x11d: {  	v11 =	vld [tilespmem:s0+$0xFFFFFF30]  }
0x11e: {  	v12 =	vld [tilespmem:s0+$0xFFFFFF40]  }
0x11f: {  	v13 =	vld [tilespmem:s0+$0xFFFFFF50];
	v8 =	vmul.f32 $1.131370830e+01, v8  }
0x120: {  	v14 =	vld [tilespmem:s0+$0xFFFFFF60];
	v9 =	vmul.f32 $1.131370830e+01, v9  }
0x121: {  	v15 =	vld [tilespmem:s0+$0xFFFFFF70];
	v10 =	vmul.f32 $1.131370830e+01, v10;
	v8 =	vadd.f32 v8, v7  }
0x122: {  	v16 =	vld [tilespmem:s0+$0xFFFFFF80];
	v11 =	vmul.f32 $1.131370830e+01, v11;
	v9 =	vadd.f32 v9, v6  }
0x123: {  	v17 =	vld [tilespmem:s0+$0xFFFFFF90];
	v12 =	vmul.f32 $1.131370830e+01, v12;
	v10 =	vadd.f32 v10, v5;
	[tilespmem:s0+$0xF0] =	vst v8  }
0x124: {  	[tilespmem:s0+$0xFFFFFF10] =	vst v9;
	v8 =	vadd.f32 v11, v4;
	v9 =	vmul.f32 $1.131370830e+01, v13;
	v11 =	vld [tilespmem:s0+$0xFFFFFFA0]  }
0x125: {  	[tilespmem:s0+$0xFFFFFF20] =	vst v10;
	v10 =	vadd.f32 v12, v3;
	v12 =	vmul.f32 $1.131370830e+01, v14;
	v13 =	vld [tilespmem:s0+$0xFFFFFFB0]  }
0x126: {  	v14 =	vld [tilespmem:s0+$0xFFFFFFC0];
	[tilespmem:s0+$0xFFFFFF30] =	vst v8;
	v8 =	vadd.f32 v9, v2;
	v9 =	vmul.f32 $1.131370830e+01, v15  }
0x127: {  	[tilespmem:s0+$0xFFFFFF40] =	vst v10;
	v10 =	vadd.f32 v12, v1;
	v12 =	vmul.f32 $1.131370830e+01, v16;
	v15 =	vld [tilespmem:s0+$0xFFFFFFD0]  }
0x128: {  	v16 =	vld [tilespmem:s0+$0xFFFFFFE0];
	[tilespmem:s0+$0xFFFFFF50] =	vst v8;
	v8 =	vadd.f32 v9, v7;
	v9 =	vmul.f32 $1.131370830e+01, v17  }
0x129: {  	[tilespmem:s0+$0xFFFFFF60] =	vst v10;
	v10 =	vadd.f32 v12, v0;
	v12 =	vld [tilespmem:s0+$0xFFFFFFF0];
	v11 =	vmul.f32 $1.131370830e+01, v11  }
0x12a: {  	[tilespmem:s0+$0xFFFFFF70] =	vst v8;
	v8 =	vadd.f32 v9, v6;
	v9 =	vmul.f32 $1.131370830e+01, v13;
	v13 =	vld [tilespmem:s0+$0x0]  }
0x12b: {  	[tilespmem:s0+$0xFFFFFF80] =	vst v10;
	v10 =	vadd.f32 v11, v5;
	v11 =	vmul.f32 $1.131370830e+01, v14;
	v14 =	vld [tilespmem:s0+$0x10]  }
0x12c: {  	[tilespmem:s0+$0xFFFFFF90] =	vst v8;
	v8 =	vadd.f32 v9, v4;
	v9 =	vmul.f32 $1.131370830e+01, v15;
	v15 =	vld [tilespmem:s0+$0x20]  }
0x12d: {  	[tilespmem:s0+$0xFFFFFFA0] =	vst v10;
	v10 =	vadd.f32 v11, v3;
	v11 =	vmul.f32 $1.131370830e+01, v16;
	v16 =	vld [tilespmem:s0+$0x30]  }
0x12e: {  	[tilespmem:s0+$0xFFFFFFB0] =	vst v8;
	v8 =	vadd.f32 v9, v2;
	v9 =	vmul.f32 $1.131370830e+01, v12;
	v12 =	vld [tilespmem:s0+$0x40]  }
0x12f: {  	[tilespmem:s0+$0xFFFFFFC0] =	vst v10;
	v10 =	vadd.f32 v11, v1;
	v11 =	vmul.f32 $1.131370830e+01, v13;
	v13 =	vld [tilespmem:s0+$0x50]  }
0x130: {  	[tilespmem:s0+$0xFFFFFFD0] =	vst v8;
	v8 =	vadd.f32 v9, v7;
	v9 =	vmul.f32 $1.131370830e+01, v14;
	v14 =	vld [tilespmem:s0+$0x60]  }
0x131: {  	[tilespmem:s0+$0xFFFFFFE0] =	vst v10;
	v10 =	vadd.f32 v11, v0;
	v11 =	vmul.f32 $1.131370830e+01, v15;
	v15 =	vld [tilespmem:s0+$0x70]  }
0x132: {  	[tilespmem:s0+$0xFFFFFFF0] =	vst v8;
	v8 =	vadd.f32 v9, v6;
	v9 =	vmul.f32 $1.131370830e+01, v16;
	v16 =	vld [tilespmem:s0+$0x80]  }
0x133: {  	[tilespmem:s0+$0x0] =	vst v10;
	v10 =	vadd.f32 v11, v5;
	v11 =	vmul.f32 $1.131370830e+01, v12;
	v12 =	vld [tilespmem:s0+$0x90]  }
0x134: {  	v17 =	vld [tilespmem:s0+$0xA0];
	[tilespmem:s0+$0x10] =	vst v8;
	v9 =	vadd.f32 v9, v4;
	v13 =	vmul.f32 $1.131370830e+01, v13  }
0x135: {  	v8 =	vld [tilespmem:s0+$0xB0];
	[tilespmem:s0+$0x20] =	vst v10;
	v10 =	vadd.f32 v11, v3;
	v11 =	vmul.f32 $1.131370830e+01, v14  }
0x136: {  	[tilespmem:s0+$0x30] =	vst v9;
	v13 =	vadd.f32 v13, v2;
	v14 =	vmul.f32 $1.131370830e+01, v15;
	v9 =	vld [tilespmem:s0+$0xC0]  }
0x137: {  	[tilespmem:s0+$0x40] =	vst v10;
	v15 =	vadd.f32 v11, v1;
	v16 =	vmul.f32 $1.131370830e+01, v16;
	v10 =	vld [tilespmem:s0+$0xD0]  }
0x138: {  	v11 =	vld [tilespmem:s0+$0xE0];
	[tilespmem:s0+$0x50] =	vst v13;
	v13 =	vadd.f32 v14, v7;
	v14 =	vmul.f32 $1.131370830e+01, v12  }
0x139: {  	s21 =	simm.s32 $0x0;
	s10 =	simm.s32 $0x6000;
	v12 =	vld [tilespmem:s0+$0xFFFFFF00];
	[tilespmem:s0+$0x60] =	vst v15;
	v15 =	vadd.f32 v16, v0;
	v16 =	vmul.f32 $1.131370830e+01, v17  }
.LBB2_7:
0x13a: {  	v17 =	vld [tilespmem:s10+$0xF0];
	s21 =	sadd.s32 $0x4, s21;
	[tilespmem:s0+$0x70] =	vst v13;
	v13 =	vadd.f32 v14, v6;
	v8 =	vmul.f32 $1.131370830e+01, v8  }
0x13b: {  	v14 =	vld [tilespmem:s10+$0xFFFFFF10];
	p1 =	slt.u32 s21, $0x3C;
	[tilespmem:s0+$0x80] =	vst v15;
	v15 =	vadd.f32 v16, v5;
	v9 =	vmul.f32 $1.131370830e+01, v9  }
0x13c: {  	v16 =	vld [tilespmem:s10+$0xFFFFFF20];
	[tilespmem:s0+$0x90] =	vst v13;
	v8 =	vadd.f32 v8, v4;
	v10 =	vmul.f32 $1.131370830e+01, v10  }
0x13d: {  	v13 =	vld [tilespmem:s10+$0xFFFFFF30];
	[tilespmem:s0+$0xA0] =	vst v15;
	v9 =	vadd.f32 v9, v3;
	v11 =	vmul.f32 $1.131370830e+01, v11  }
0x13e: {  	v15 =	vld [tilespmem:s10+$0xFFFFFF40];
	v12 =	vmul.f32 $1.131370830e+01, v12;
	[tilespmem:s0+$0xB0] =	vst v8;
	v8 =	vadd.f32 v10, v2  }
0x13f: {  	v10 =	vld [tilespmem:s10+$0xFFFFFF50];
	v17 =	vmul.f32 $1.131370830e+01, v17;
	[tilespmem:s0+$0xC0] =	vst v9;
	v9 =	vadd.f32 v11, v1  }
0x140: {  	v11 =	vmul.f32 $1.131370830e+01, v14;
	v14 =	vld [tilespmem:s10+$0xFFFFFF60];
	v12 =	vadd.f32 v12, v0;
	[tilespmem:s0+$0xD0] =	vst v8  }
0x141: {  	v8 =	vmul.f32 $1.131370830e+01, v16;
	v16 =	vld [tilespmem:s10+$0xFFFFFF70];
	v17 =	vadd.f32 v17, v7;
	[tilespmem:s0+$0xE0] =	vst v9  }
0x142: {  	v9 =	vadd.f32 v11, v6;
	v11 =	vmul.f32 $1.131370830e+01, v13;
	v13 =	vld [tilespmem:s10+$0xFFFFFF80];
	[tilespmem:s0+$0xFFFFFF00] =	vst v12;
	s0 =	smov.u32 s10  }
0x143: {  	v8 =	vadd.f32 v8, v5;
	v12 =	vmul.f32 $1.131370830e+01, v15;
	v15 =	vld [tilespmem:s10+$0xFFFFFF90];
	[tilespmem:s10+$0xF0] =	vst v17  }
0x144: {  	[tilespmem:s10+$0xFFFFFF10] =	vst v9;
	v9 =	vadd.f32 v11, v4;
	v10 =	vmul.f32 $1.131370830e+01, v10;
	v11 =	vld [tilespmem:s10+$0xFFFFFFA0]  }
0x145: {  	[tilespmem:s10+$0xFFFFFF20] =	vst v8;
	v8 =	vadd.f32 v12, v3;
	v12 =	vmul.f32 $1.131370830e+01, v14;
	v14 =	vld [tilespmem:s10+$0xFFFFFFB0]  }
0x146: {  	[tilespmem:s10+$0xFFFFFF30] =	vst v9;
	v9 =	vadd.f32 v10, v2;
	v10 =	vmul.f32 $1.131370830e+01, v16;
	v16 =	vld [tilespmem:s10+$0xFFFFFFC0]  }
0x147: {  	[tilespmem:s10+$0xFFFFFF40] =	vst v8;
	v8 =	vadd.f32 v12, v1;
	v12 =	vmul.f32 $1.131370830e+01, v13;
	v13 =	vld [tilespmem:s10+$0xFFFFFFD0]  }
0x148: {  	[tilespmem:s10+$0xFFFFFF50] =	vst v9;
	v9 =	vadd.f32 v10, v7;
	v10 =	vmul.f32 $1.131370830e+01, v15;
	v15 =	vld [tilespmem:s10+$0xFFFFFFE0]  }
0x149: {  	[tilespmem:s10+$0xFFFFFF60] =	vst v8;
	v8 =	vadd.f32 v12, v0;
	v11 =	vmul.f32 $1.131370830e+01, v11;
	v12 =	vld [tilespmem:s10+$0xFFFFFFF0]  }
0x14a: {  	[tilespmem:s10+$0xFFFFFF70] =	vst v9;
	v9 =	vadd.f32 v10, v6;
	v10 =	vmul.f32 $1.131370830e+01, v14;
	v14 =	vld [tilespmem:s10+$0x0]  }
0x14b: {  	[tilespmem:s10+$0xFFFFFF80] =	vst v8;
	v8 =	vadd.f32 v11, v5;
	v11 =	vmul.f32 $1.131370830e+01, v16;
	v16 =	vld [tilespmem:s10+$0x10]  }
0x14c: {  	[tilespmem:s10+$0xFFFFFF90] =	vst v9;
	v9 =	vadd.f32 v10, v4;
	v10 =	vmul.f32 $1.131370830e+01, v13;
	v13 =	vld [tilespmem:s10+$0x20]  }
0x14d: {  	[tilespmem:s10+$0xFFFFFFA0] =	vst v8;
	v8 =	vadd.f32 v11, v3;
	v11 =	vmul.f32 $1.131370830e+01, v15;
	v15 =	vld [tilespmem:s10+$0x30]  }
0x14e: {  	[tilespmem:s10+$0xFFFFFFB0] =	vst v9;
	v9 =	vadd.f32 v10, v2;
	v10 =	vmul.f32 $1.131370830e+01, v12;
	v12 =	vld [tilespmem:s10+$0x40]  }
0x14f: {  	[tilespmem:s10+$0xFFFFFFC0] =	vst v8;
	v8 =	vadd.f32 v11, v1;
	v11 =	vmul.f32 $1.131370830e+01, v14;
	v14 =	vld [tilespmem:s10+$0x50]  }
0x150: {  	[tilespmem:s10+$0xFFFFFFD0] =	vst v9;
	v9 =	vadd.f32 v10, v7;
	v10 =	vmul.f32 $1.131370830e+01, v16;
	v16 =	vld [tilespmem:s10+$0x60]  }
0x151: {  	[tilespmem:s10+$0xFFFFFFE0] =	vst v8;
	v8 =	vadd.f32 v11, v0;
	v11 =	vmul.f32 $1.131370830e+01, v13;
	v13 =	vld [tilespmem:s10+$0x70]  }
0x152: {  	[tilespmem:s10+$0xFFFFFFF0] =	vst v9;
	v9 =	vadd.f32 v10, v6;
	v10 =	vmul.f32 $1.131370830e+01, v15;
	v15 =	vld [tilespmem:s10+$0x80]  }
0x153: {  	[tilespmem:s10+$0x0] =	vst v8;
	v8 =	vadd.f32 v11, v5;
	v11 =	vmul.f32 $1.131370830e+01, v12;
	v12 =	vld [tilespmem:s10+$0x90]  }
0x154: {  	[tilespmem:s10+$0x10] =	vst v9;
	v9 =	vadd.f32 v10, v4;
	v10 =	vmul.f32 $1.131370830e+01, v14;
	v17 =	vld [tilespmem:s10+$0xA0]  }
.Ltmp4:
0x155: {  	[tilespmem:s10+$0x20] =	vst v8;
	v11 =	vadd.f32 v11, v3;
	v14 =	vmul.f32 $1.131370830e+01, v16;
	v8 =	vld [tilespmem:s10+$0xB0];
	(pc) =	sbr.rel @p1 .LBB2_7-.Ltmp4, $4  }
0x156: {  	[tilespmem:s10+$0x30] =	vst v9;
	v16 =	vadd.f32 v10, v2;
	v13 =	vmul.f32 $1.131370830e+01, v13;
	v9 =	vld [tilespmem:s10+$0xC0]  }
0x157: {  	[tilespmem:s10+$0x40] =	vst v11;
	v18 =	vadd.f32 v14, v1;
	v15 =	vmul.f32 $1.131370830e+01, v15;
	v10 =	vld [tilespmem:s10+$0xD0]  }
0x158: {  	[tilespmem:s10+$0x50] =	vst v16;
	v13 =	vadd.f32 v13, v7;
	v14 =	vmul.f32 $1.131370830e+01, v12;
	v11 =	vld [tilespmem:s10+$0xE0]  }
0x159: {  	s10 =	sadd.s32 $0x200, s10;
	v12 =	vld [tilespmem:s0+$0xFFFFFF00];
	[tilespmem:s0+$0x60] =	vst v18;
	v15 =	vadd.f32 v15, v0;
	v16 =	vmul.f32 $1.131370830e+01, v17  }
0x15a: {  	[tilespmem:s0+$0x70] =	vst v13;
	v6 =	vadd.f32 v14, v6;
	v7 =	vmul.f32 $1.131370830e+01, v8  }
0x15b: {  	[tilespmem:s0+$0x80] =	vst v15;
	v5 =	vadd.f32 v16, v5;
	v8 =	vmul.f32 $1.131370830e+01, v9  }
0x15c: {  	[tilespmem:s0+$0x90] =	vst v6;
	v4 =	vadd.f32 v7, v4;
	v6 =	vmul.f32 $1.131370830e+01, v10  }
0x15d: {  	[tilespmem:s0+$0xA0] =	vst v5;
	v3 =	vadd.f32 v8, v3;
	v5 =	vmul.f32 $1.131370830e+01, v11  }
0x15e: {  	v7 =	vmul.f32 $1.131370830e+01, v12;
	[tilespmem:s0+$0xB0] =	vst v4;
	v2 =	vadd.f32 v6, v2  }
0x15f: {  	[tilespmem:s0+$0xC0] =	vst v3;
	v1 =	vadd.f32 v5, v1  }
0x160: {  	v0 =	vadd.f32 v7, v0;
	[tilespmem:s0+$0xD0] =	vst v2  }
0x161: {  	s10 =	sshll.u32 s24, $0x4;
	[tilespmem:s0+$0xE0] =	vst v1  }
0x162: {  	s24 =	simm.s32 $0x5D00;
	s21 =	sadd.s32 s3, s10;
	[tilespmem:s0+$0xFFFFFF00] =	vst v0;
	s0 =	simm.s32 @!p0 $0xC  }
0x163: {  	[hbm4b:s21+s4] =	stream.linear.scatter [tilespmem:s24], [sflag:$0xD], $0x2000, $0x38;
	[tilespmem:$0x15D00] =	vst v63  }
0x164: {  	_ =	swait.ge @!p0 [sflag:s0], $0x2000  }
0x165: {  	s10 =	simm.s32 @!p0 $0x40;
	s21 =	simm.s32 @!p0 $0x3D00;
	[sflag:s0] =	ssyncset.done @!p0 $0x0  }
0x166: {  	s24 =	sadd.s32 s1, s11;
	[sflag:s0] =	ssyncadd.s32 @!p0 $0xFFFFE000;
	s0 =	sadd.s32 @!p0 $0x2C0, s19  }
0x167: {  	[tilespmem:s21], [sflag:$0x2] =	stream.indirect.gather @!p0 [hbm4b:s2+s10], $0x80, s0, s10, $0xb8;
	[tilespmem:$0x15D00] =	vst v63  }
0x168: {  	s21 =	sshrl.u32 s24, $0xA  }
0x169: {  	_ =	swait.ge [sflag:s9], $0x2000;
	s0 =	ssub.s32 s21, s6  }
0x16a: {  	[sflag:s9] =	ssyncset.done $0x0;
	s0 =	sshll.u32 s0, $0x9  }
0x16b: {  	[sflag:s9] =	ssyncadd.s32 $0xFFFFE000;
	s0 =	sshra.s32 s0, $0x2  }
0x16c: {  	v0 =	vld [tilespmem:s0+$0x1900]  }
0x16d: {  	v6 =	vld [tilespmem:s0+$0x1910]  }
0x16e: {  	v5 =	vld [tilespmem:s0+$0x1920]  }
0x16f: {  	v4 =	vld [tilespmem:s0+$0x1930]  }
0x170: {  	v3 =	vld [tilespmem:s0+$0x1940]  }
0x171: {  	v2 =	vld [tilespmem:s0+$0x1950]  }
0x172: {  	v1 =	vld [tilespmem:s0+$0x1960]  }
0x173: {  	v7 =	vld [tilespmem:s0+$0x1970];
	s0 =	simm.s32 $0x7E00  }
0x174: {  	v8 =	vld [tilespmem:s0+$0xF0]  }
0x175: {  	v9 =	vld [tilespmem:s0+$0xFFFFFF10]  }
0x176: {  	v10 =	vld [tilespmem:s0+$0xFFFFFF20]  }
0x177: {  	v11 =	vld [tilespmem:s0+$0xFFFFFF30]  }
0x178: {  	v12 =	vld [tilespmem:s0+$0xFFFFFF40]  }
0x179: {  	v13 =	vld [tilespmem:s0+$0xFFFFFF50];
	v8 =	vmul.f32 $1.131370830e+01, v8  }
0x17a: {  	v14 =	vld [tilespmem:s0+$0xFFFFFF60];
	v9 =	vmul.f32 $1.131370830e+01, v9  }
0x17b: {  	v15 =	vld [tilespmem:s0+$0xFFFFFF70];
	v10 =	vmul.f32 $1.131370830e+01, v10;
	v8 =	vadd.f32 v8, v7  }
0x17c: {  	v16 =	vld [tilespmem:s0+$0xFFFFFF80];
	v11 =	vmul.f32 $1.131370830e+01, v11;
	v9 =	vadd.f32 v9, v6  }
0x17d: {  	v17 =	vld [tilespmem:s0+$0xFFFFFF90];
	v12 =	vmul.f32 $1.131370830e+01, v12;
	v10 =	vadd.f32 v10, v5;
	[tilespmem:s0+$0xF0] =	vst v8  }
0x17e: {  	[tilespmem:s0+$0xFFFFFF10] =	vst v9;
	v8 =	vadd.f32 v11, v4;
	v9 =	vmul.f32 $1.131370830e+01, v13;
	v11 =	vld [tilespmem:s0+$0xFFFFFFA0]  }
0x17f: {  	[tilespmem:s0+$0xFFFFFF20] =	vst v10;
	v10 =	vadd.f32 v12, v3;
	v12 =	vmul.f32 $1.131370830e+01, v14;
	v13 =	vld [tilespmem:s0+$0xFFFFFFB0]  }
0x180: {  	v14 =	vld [tilespmem:s0+$0xFFFFFFC0];
	[tilespmem:s0+$0xFFFFFF30] =	vst v8;
	v8 =	vadd.f32 v9, v2;
	v9 =	vmul.f32 $1.131370830e+01, v15  }
0x181: {  	[tilespmem:s0+$0xFFFFFF40] =	vst v10;
	v10 =	vadd.f32 v12, v1;
	v12 =	vmul.f32 $1.131370830e+01, v16;
	v15 =	vld [tilespmem:s0+$0xFFFFFFD0]  }
0x182: {  	v16 =	vld [tilespmem:s0+$0xFFFFFFE0];
	[tilespmem:s0+$0xFFFFFF50] =	vst v8;
	v8 =	vadd.f32 v9, v7;
	v9 =	vmul.f32 $1.131370830e+01, v17  }
0x183: {  	[tilespmem:s0+$0xFFFFFF60] =	vst v10;
	v10 =	vadd.f32 v12, v0;
	v12 =	vld [tilespmem:s0+$0xFFFFFFF0];
	v11 =	vmul.f32 $1.131370830e+01, v11  }
0x184: {  	[tilespmem:s0+$0xFFFFFF70] =	vst v8;
	v8 =	vadd.f32 v9, v6;
	v9 =	vmul.f32 $1.131370830e+01, v13;
	v13 =	vld [tilespmem:s0+$0x0]  }
0x185: {  	[tilespmem:s0+$0xFFFFFF80] =	vst v10;
	v10 =	vadd.f32 v11, v5;
	v11 =	vmul.f32 $1.131370830e+01, v14;
	v14 =	vld [tilespmem:s0+$0x10]  }
0x186: {  	[tilespmem:s0+$0xFFFFFF90] =	vst v8;
	v8 =	vadd.f32 v9, v4;
	v9 =	vmul.f32 $1.131370830e+01, v15;
	v15 =	vld [tilespmem:s0+$0x20]  }
0x187: {  	[tilespmem:s0+$0xFFFFFFA0] =	vst v10;
	v10 =	vadd.f32 v11, v3;
	v11 =	vmul.f32 $1.131370830e+01, v16;
	v16 =	vld [tilespmem:s0+$0x30]  }
0x188: {  	[tilespmem:s0+$0xFFFFFFB0] =	vst v8;
	v8 =	vadd.f32 v9, v2;
	v9 =	vmul.f32 $1.131370830e+01, v12;
	v12 =	vld [tilespmem:s0+$0x40]  }
0x189: {  	[tilespmem:s0+$0xFFFFFFC0] =	vst v10;
	v10 =	vadd.f32 v11, v1;
	v11 =	vmul.f32 $1.131370830e+01, v13;
	v13 =	vld [tilespmem:s0+$0x50]  }
0x18a: {  	[tilespmem:s0+$0xFFFFFFD0] =	vst v8;
	v8 =	vadd.f32 v9, v7;
	v9 =	vmul.f32 $1.131370830e+01, v14;
	v14 =	vld [tilespmem:s0+$0x60]  }
0x18b: {  	[tilespmem:s0+$0xFFFFFFE0] =	vst v10;
	v10 =	vadd.f32 v11, v0;
	v11 =	vmul.f32 $1.131370830e+01, v15;
	v15 =	vld [tilespmem:s0+$0x70]  }
0x18c: {  	[tilespmem:s0+$0xFFFFFFF0] =	vst v8;
	v8 =	vadd.f32 v9, v6;
	v9 =	vmul.f32 $1.131370830e+01, v16;
	v16 =	vld [tilespmem:s0+$0x80]  }
0x18d: {  	[tilespmem:s0+$0x0] =	vst v10;
	v10 =	vadd.f32 v11, v5;
	v11 =	vmul.f32 $1.131370830e+01, v12;
	v12 =	vld [tilespmem:s0+$0x90]  }
0x18e: {  	v17 =	vld [tilespmem:s0+$0xA0];
	[tilespmem:s0+$0x10] =	vst v8;
	v9 =	vadd.f32 v9, v4;
	v13 =	vmul.f32 $1.131370830e+01, v13  }
0x18f: {  	v8 =	vld [tilespmem:s0+$0xB0];
	[tilespmem:s0+$0x20] =	vst v10;
	v10 =	vadd.f32 v11, v3;
	v11 =	vmul.f32 $1.131370830e+01, v14  }
0x190: {  	[tilespmem:s0+$0x30] =	vst v9;
	v13 =	vadd.f32 v13, v2;
	v14 =	vmul.f32 $1.131370830e+01, v15;
	v9 =	vld [tilespmem:s0+$0xC0]  }
0x191: {  	[tilespmem:s0+$0x40] =	vst v10;
	v15 =	vadd.f32 v11, v1;
	v16 =	vmul.f32 $1.131370830e+01, v16;
	v10 =	vld [tilespmem:s0+$0xD0]  }
0x192: {  	v11 =	vld [tilespmem:s0+$0xE0];
	[tilespmem:s0+$0x50] =	vst v13;
	v13 =	vadd.f32 v14, v7;
	v14 =	vmul.f32 $1.131370830e+01, v12  }
0x193: {  	s10 =	simm.s32 $0x8000;
	s21 =	simm.s32 $0x0;
	v12 =	vld [tilespmem:s0+$0xFFFFFF00];
	[tilespmem:s0+$0x60] =	vst v15;
	v15 =	vadd.f32 v16, v0;
	v16 =	vmul.f32 $1.131370830e+01, v17  }
.LBB2_9:
0x194: {  	v17 =	vld [tilespmem:s10+$0xF0];
	s21 =	sadd.s32 $0x4, s21;
	[tilespmem:s0+$0x70] =	vst v13;
	v13 =	vadd.f32 v14, v6;
	v8 =	vmul.f32 $1.131370830e+01, v8  }
0x195: {  	v14 =	vld [tilespmem:s10+$0xFFFFFF10];
	p1 =	slt.u32 s21, $0x3C;
	[tilespmem:s0+$0x80] =	vst v15;
	v15 =	vadd.f32 v16, v5;
	v9 =	vmul.f32 $1.131370830e+01, v9  }
0x196: {  	v16 =	vld [tilespmem:s10+$0xFFFFFF20];
	[tilespmem:s0+$0x90] =	vst v13;
	v8 =	vadd.f32 v8, v4;
	v10 =	vmul.f32 $1.131370830e+01, v10  }
0x197: {  	v13 =	vld [tilespmem:s10+$0xFFFFFF30];
	[tilespmem:s0+$0xA0] =	vst v15;
	v9 =	vadd.f32 v9, v3;
	v11 =	vmul.f32 $1.131370830e+01, v11  }
0x198: {  	v15 =	vld [tilespmem:s10+$0xFFFFFF40];
	v12 =	vmul.f32 $1.131370830e+01, v12;
	[tilespmem:s0+$0xB0] =	vst v8;
	v8 =	vadd.f32 v10, v2  }
0x199: {  	v10 =	vld [tilespmem:s10+$0xFFFFFF50];
	v17 =	vmul.f32 $1.131370830e+01, v17;
	[tilespmem:s0+$0xC0] =	vst v9;
	v9 =	vadd.f32 v11, v1  }
0x19a: {  	v11 =	vmul.f32 $1.131370830e+01, v14;
	v14 =	vld [tilespmem:s10+$0xFFFFFF60];
	v12 =	vadd.f32 v12, v0;
	[tilespmem:s0+$0xD0] =	vst v8  }
0x19b: {  	v8 =	vmul.f32 $1.131370830e+01, v16;
	v16 =	vld [tilespmem:s10+$0xFFFFFF70];
	v17 =	vadd.f32 v17, v7;
	[tilespmem:s0+$0xE0] =	vst v9  }
0x19c: {  	v9 =	vadd.f32 v11, v6;
	v11 =	vmul.f32 $1.131370830e+01, v13;
	v13 =	vld [tilespmem:s10+$0xFFFFFF80];
	[tilespmem:s0+$0xFFFFFF00] =	vst v12;
	s0 =	smov.u32 s10  }
0x19d: {  	v8 =	vadd.f32 v8, v5;
	v12 =	vmul.f32 $1.131370830e+01, v15;
	v15 =	vld [tilespmem:s10+$0xFFFFFF90];
	[tilespmem:s10+$0xF0] =	vst v17  }
0x19e: {  	[tilespmem:s10+$0xFFFFFF10] =	vst v9;
	v9 =	vadd.f32 v11, v4;
	v10 =	vmul.f32 $1.131370830e+01, v10;
	v11 =	vld [tilespmem:s10+$0xFFFFFFA0]  }
0x19f: {  	[tilespmem:s10+$0xFFFFFF20] =	vst v8;
	v8 =	vadd.f32 v12, v3;
	v12 =	vmul.f32 $1.131370830e+01, v14;
	v14 =	vld [tilespmem:s10+$0xFFFFFFB0]  }
0x1a0: {  	[tilespmem:s10+$0xFFFFFF30] =	vst v9;
	v9 =	vadd.f32 v10, v2;
	v10 =	vmul.f32 $1.131370830e+01, v16;
	v16 =	vld [tilespmem:s10+$0xFFFFFFC0]  }
0x1a1: {  	[tilespmem:s10+$0xFFFFFF40] =	vst v8;
	v8 =	vadd.f32 v12, v1;
	v12 =	vmul.f32 $1.131370830e+01, v13;
	v13 =	vld [tilespmem:s10+$0xFFFFFFD0]  }
0x1a2: {  	[tilespmem:s10+$0xFFFFFF50] =	vst v9;
	v9 =	vadd.f32 v10, v7;
	v10 =	vmul.f32 $1.131370830e+01, v15;
	v15 =	vld [tilespmem:s10+$0xFFFFFFE0]  }
0x1a3: {  	[tilespmem:s10+$0xFFFFFF60] =	vst v8;
	v8 =	vadd.f32 v12, v0;
	v11 =	vmul.f32 $1.131370830e+01, v11;
	v12 =	vld [tilespmem:s10+$0xFFFFFFF0]  }
0x1a4: {  	[tilespmem:s10+$0xFFFFFF70] =	vst v9;
	v9 =	vadd.f32 v10, v6;
	v10 =	vmul.f32 $1.131370830e+01, v14;
	v14 =	vld [tilespmem:s10+$0x0]  }
0x1a5: {  	[tilespmem:s10+$0xFFFFFF80] =	vst v8;
	v8 =	vadd.f32 v11, v5;
	v11 =	vmul.f32 $1.131370830e+01, v16;
	v16 =	vld [tilespmem:s10+$0x10]  }
0x1a6: {  	[tilespmem:s10+$0xFFFFFF90] =	vst v9;
	v9 =	vadd.f32 v10, v4;
	v10 =	vmul.f32 $1.131370830e+01, v13;
	v13 =	vld [tilespmem:s10+$0x20]  }
0x1a7: {  	[tilespmem:s10+$0xFFFFFFA0] =	vst v8;
	v8 =	vadd.f32 v11, v3;
	v11 =	vmul.f32 $1.131370830e+01, v15;
	v15 =	vld [tilespmem:s10+$0x30]  }
0x1a8: {  	[tilespmem:s10+$0xFFFFFFB0] =	vst v9;
	v9 =	vadd.f32 v10, v2;
	v10 =	vmul.f32 $1.131370830e+01, v12;
	v12 =	vld [tilespmem:s10+$0x40]  }
0x1a9: {  	[tilespmem:s10+$0xFFFFFFC0] =	vst v8;
	v8 =	vadd.f32 v11, v1;
	v11 =	vmul.f32 $1.131370830e+01, v14;
	v14 =	vld [tilespmem:s10+$0x50]  }
0x1aa: {  	[tilespmem:s10+$0xFFFFFFD0] =	vst v9;
	v9 =	vadd.f32 v10, v7;
	v10 =	vmul.f32 $1.131370830e+01, v16;
	v16 =	vld [tilespmem:s10+$0x60]  }
0x1ab: {  	[tilespmem:s10+$0xFFFFFFE0] =	vst v8;
	v8 =	vadd.f32 v11, v0;
	v11 =	vmul.f32 $1.131370830e+01, v13;
	v13 =	vld [tilespmem:s10+$0x70]  }
0x1ac: {  	[tilespmem:s10+$0xFFFFFFF0] =	vst v9;
	v9 =	vadd.f32 v10, v6;
	v10 =	vmul.f32 $1.131370830e+01, v15;
	v15 =	vld [tilespmem:s10+$0x80]  }
0x1ad: {  	[tilespmem:s10+$0x0] =	vst v8;
	v8 =	vadd.f32 v11, v5;
	v11 =	vmul.f32 $1.131370830e+01, v12;
	v12 =	vld [tilespmem:s10+$0x90]  }
0x1ae: {  	[tilespmem:s10+$0x10] =	vst v9;
	v9 =	vadd.f32 v10, v4;
	v10 =	vmul.f32 $1.131370830e+01, v14;
	v17 =	vld [tilespmem:s10+$0xA0]  }
.Ltmp5:
0x1af: {  	[tilespmem:s10+$0x20] =	vst v8;
	v11 =	vadd.f32 v11, v3;
	v14 =	vmul.f32 $1.131370830e+01, v16;
	v8 =	vld [tilespmem:s10+$0xB0];
	(pc) =	sbr.rel @p1 .LBB2_9-.Ltmp5, $4  }
0x1b0: {  	[tilespmem:s10+$0x30] =	vst v9;
	v16 =	vadd.f32 v10, v2;
	v13 =	vmul.f32 $1.131370830e+01, v13;
	v9 =	vld [tilespmem:s10+$0xC0]  }
0x1b1: {  	[tilespmem:s10+$0x40] =	vst v11;
	v18 =	vadd.f32 v14, v1;
	v15 =	vmul.f32 $1.131370830e+01, v15;
	v10 =	vld [tilespmem:s10+$0xD0]  }
0x1b2: {  	[tilespmem:s10+$0x50] =	vst v16;
	v13 =	vadd.f32 v13, v7;
	v14 =	vmul.f32 $1.131370830e+01, v12;
	v11 =	vld [tilespmem:s10+$0xE0]  }
0x1b3: {  	s10 =	sadd.s32 $0x200, s10;
	v12 =	vld [tilespmem:s0+$0xFFFFFF00];
	[tilespmem:s0+$0x60] =	vst v18;
	v15 =	vadd.f32 v15, v0;
	v16 =	vmul.f32 $1.131370830e+01, v17  }
0x1b4: {  	[tilespmem:s0+$0x70] =	vst v13;
	v6 =	vadd.f32 v14, v6;
	v7 =	vmul.f32 $1.131370830e+01, v8  }
0x1b5: {  	[tilespmem:s0+$0x80] =	vst v15;
	v5 =	vadd.f32 v16, v5;
	v8 =	vmul.f32 $1.131370830e+01, v9  }
0x1b6: {  	[tilespmem:s0+$0x90] =	vst v6;
	v4 =	vadd.f32 v7, v4;
	v6 =	vmul.f32 $1.131370830e+01, v10  }
0x1b7: {  	[tilespmem:s0+$0xA0] =	vst v5;
	v3 =	vadd.f32 v8, v3;
	v5 =	vmul.f32 $1.131370830e+01, v11  }
0x1b8: {  	v7 =	vmul.f32 $1.131370830e+01, v12;
	[tilespmem:s0+$0xB0] =	vst v4;
	v2 =	vadd.f32 v6, v2  }
0x1b9: {  	[tilespmem:s0+$0xC0] =	vst v3;
	v1 =	vadd.f32 v5, v1  }
0x1ba: {  	v0 =	vadd.f32 v7, v0;
	[tilespmem:s0+$0xD0] =	vst v2  }
0x1bb: {  	s10 =	sshll.u32 s24, $0x4;
	[tilespmem:s0+$0xE0] =	vst v1  }
0x1bc: {  	s24 =	simm.s32 $0x7D00;
	s21 =	sadd.s32 s3, s10;
	[tilespmem:s0+$0xFFFFFF00] =	vst v0;
	s0 =	simm.s32 @!p0 $0xD  }
0x1bd: {  	[hbm4b:s21+s4] =	stream.linear.scatter [tilespmem:s24], [sflag:$0xE], $0x2000, $0x38;
	[tilespmem:$0x15D00] =	vst v63  }
0x1be: {  	_ =	swait.ge @!p0 [sflag:s0], $0x2000  }
0x1bf: {  	s10 =	simm.s32 @!p0 $0x40;
	s21 =	simm.s32 @!p0 $0x5D00;
	[sflag:s0] =	ssyncset.done @!p0 $0x0  }
0x1c0: {  	s24 =	sadd.s32 s1, s12;
	[sflag:s0] =	ssyncadd.s32 @!p0 $0xFFFFE000;
	s0 =	sadd.s32 @!p0 $0x300, s19  }
0x1c1: {  	[tilespmem:s21], [sflag:$0x3] =	stream.indirect.gather @!p0 [hbm4b:s2+s10], $0x80, s0, s10, $0xb8;
	[tilespmem:$0x15D00] =	vst v63  }
0x1c2: {  	s21 =	sshrl.u32 s24, $0xA  }
0x1c3: {  	_ =	swait.ge [sflag:s17], $0x2000;
	s0 =	ssub.s32 s21, s6  }
0x1c4: {  	[sflag:s17] =	ssyncset.done $0x0;
	s0 =	sshll.u32 s0, $0x9  }
0x1c5: {  	[sflag:s17] =	ssyncadd.s32 $0xFFFFE000;
	s0 =	sshra.s32 s0, $0x2  }
0x1c6: {  	v0 =	vld [tilespmem:s0+$0x1900]  }
0x1c7: {  	v6 =	vld [tilespmem:s0+$0x1910]  }
0x1c8: {  	v5 =	vld [tilespmem:s0+$0x1920]  }
0x1c9: {  	v4 =	vld [tilespmem:s0+$0x1930]  }
0x1ca: {  	v3 =	vld [tilespmem:s0+$0x1940]  }
0x1cb: {  	v2 =	vld [tilespmem:s0+$0x1950]  }
0x1cc: {  	v1 =	vld [tilespmem:s0+$0x1960]  }
0x1cd: {  	v7 =	vld [tilespmem:s0+$0x1970];
	s0 =	simm.s32 $0x9E00  }
0x1ce: {  	v8 =	vld [tilespmem:s0+$0xF0]  }
0x1cf: {  	v9 =	vld [tilespmem:s0+$0xFFFFFF10]  }
0x1d0: {  	v10 =	vld [tilespmem:s0+$0xFFFFFF20]  }
0x1d1: {  	v11 =	vld [tilespmem:s0+$0xFFFFFF30]  }
0x1d2: {  	v12 =	vld [tilespmem:s0+$0xFFFFFF40]  }
0x1d3: {  	v13 =	vld [tilespmem:s0+$0xFFFFFF50];
	v8 =	vmul.f32 $1.131370830e+01, v8  }
0x1d4: {  	v14 =	vld [tilespmem:s0+$0xFFFFFF60];
	v9 =	vmul.f32 $1.131370830e+01, v9  }
0x1d5: {  	v15 =	vld [tilespmem:s0+$0xFFFFFF70];
	v10 =	vmul.f32 $1.131370830e+01, v10;
	v8 =	vadd.f32 v8, v7  }
0x1d6: {  	v16 =	vld [tilespmem:s0+$0xFFFFFF80];
	v11 =	vmul.f32 $1.131370830e+01, v11;
	v9 =	vadd.f32 v9, v6  }
0x1d7: {  	v17 =	vld [tilespmem:s0+$0xFFFFFF90];
	v12 =	vmul.f32 $1.131370830e+01, v12;
	v10 =	vadd.f32 v10, v5;
	[tilespmem:s0+$0xF0] =	vst v8  }
0x1d8: {  	[tilespmem:s0+$0xFFFFFF10] =	vst v9;
	v8 =	vadd.f32 v11, v4;
	v9 =	vmul.f32 $1.131370830e+01, v13;
	v11 =	vld [tilespmem:s0+$0xFFFFFFA0]  }
0x1d9: {  	[tilespmem:s0+$0xFFFFFF20] =	vst v10;
	v10 =	vadd.f32 v12, v3;
	v12 =	vmul.f32 $1.131370830e+01, v14;
	v13 =	vld [tilespmem:s0+$0xFFFFFFB0]  }
0x1da: {  	v14 =	vld [tilespmem:s0+$0xFFFFFFC0];
	[tilespmem:s0+$0xFFFFFF30] =	vst v8;
	v8 =	vadd.f32 v9, v2;
	v9 =	vmul.f32 $1.131370830e+01, v15  }
0x1db: {  	[tilespmem:s0+$0xFFFFFF40] =	vst v10;
	v10 =	vadd.f32 v12, v1;
	v12 =	vmul.f32 $1.131370830e+01, v16;
	v15 =	vld [tilespmem:s0+$0xFFFFFFD0]  }
0x1dc: {  	v16 =	vld [tilespmem:s0+$0xFFFFFFE0];
	[tilespmem:s0+$0xFFFFFF50] =	vst v8;
	v8 =	vadd.f32 v9, v7;
	v9 =	vmul.f32 $1.131370830e+01, v17  }
0x1dd: {  	[tilespmem:s0+$0xFFFFFF60] =	vst v10;
	v10 =	vadd.f32 v12, v0;
	v12 =	vld [tilespmem:s0+$0xFFFFFFF0];
	v11 =	vmul.f32 $1.131370830e+01, v11  }
0x1de: {  	[tilespmem:s0+$0xFFFFFF70] =	vst v8;
	v8 =	vadd.f32 v9, v6;
	v9 =	vmul.f32 $1.131370830e+01, v13;
	v13 =	vld [tilespmem:s0+$0x0]  }
0x1df: {  	[tilespmem:s0+$0xFFFFFF80] =	vst v10;
	v10 =	vadd.f32 v11, v5;
	v11 =	vmul.f32 $1.131370830e+01, v14;
	v14 =	vld [tilespmem:s0+$0x10]  }
0x1e0: {  	[tilespmem:s0+$0xFFFFFF90] =	vst v8;
	v8 =	vadd.f32 v9, v4;
	v9 =	vmul.f32 $1.131370830e+01, v15;
	v15 =	vld [tilespmem:s0+$0x20]  }
0x1e1: {  	[tilespmem:s0+$0xFFFFFFA0] =	vst v10;
	v10 =	vadd.f32 v11, v3;
	v11 =	vmul.f32 $1.131370830e+01, v16;
	v16 =	vld [tilespmem:s0+$0x30]  }
0x1e2: {  	[tilespmem:s0+$0xFFFFFFB0] =	vst v8;
	v8 =	vadd.f32 v9, v2;
	v9 =	vmul.f32 $1.131370830e+01, v12;
	v12 =	vld [tilespmem:s0+$0x40]  }
0x1e3: {  	[tilespmem:s0+$0xFFFFFFC0] =	vst v10;
	v10 =	vadd.f32 v11, v1;
	v11 =	vmul.f32 $1.131370830e+01, v13;
	v13 =	vld [tilespmem:s0+$0x50]  }
0x1e4: {  	[tilespmem:s0+$0xFFFFFFD0] =	vst v8;
	v8 =	vadd.f32 v9, v7;
	v9 =	vmul.f32 $1.131370830e+01, v14;
	v14 =	vld [tilespmem:s0+$0x60]  }
0x1e5: {  	[tilespmem:s0+$0xFFFFFFE0] =	vst v10;
	v10 =	vadd.f32 v11, v0;
	v11 =	vmul.f32 $1.131370830e+01, v15;
	v15 =	vld [tilespmem:s0+$0x70]  }
0x1e6: {  	[tilespmem:s0+$0xFFFFFFF0] =	vst v8;
	v8 =	vadd.f32 v9, v6;
	v9 =	vmul.f32 $1.131370830e+01, v16;
	v16 =	vld [tilespmem:s0+$0x80]  }
0x1e7: {  	[tilespmem:s0+$0x0] =	vst v10;
	v10 =	vadd.f32 v11, v5;
	v11 =	vmul.f32 $1.131370830e+01, v12;
	v12 =	vld [tilespmem:s0+$0x90]  }
0x1e8: {  	v17 =	vld [tilespmem:s0+$0xA0];
	[tilespmem:s0+$0x10] =	vst v8;
	v9 =	vadd.f32 v9, v4;
	v13 =	vmul.f32 $1.131370830e+01, v13  }
0x1e9: {  	v8 =	vld [tilespmem:s0+$0xB0];
	[tilespmem:s0+$0x20] =	vst v10;
	v10 =	vadd.f32 v11, v3;
	v11 =	vmul.f32 $1.131370830e+01, v14  }
0x1ea: {  	[tilespmem:s0+$0x30] =	vst v9;
	v13 =	vadd.f32 v13, v2;
	v14 =	vmul.f32 $1.131370830e+01, v15;
	v9 =	vld [tilespmem:s0+$0xC0]  }
0x1eb: {  	[tilespmem:s0+$0x40] =	vst v10;
	v15 =	vadd.f32 v11, v1;
	v16 =	vmul.f32 $1.131370830e+01, v16;
	v10 =	vld [tilespmem:s0+$0xD0]  }
0x1ec: {  	v11 =	vld [tilespmem:s0+$0xE0];
	[tilespmem:s0+$0x50] =	vst v13;
	v13 =	vadd.f32 v14, v7;
	v14 =	vmul.f32 $1.131370830e+01, v12  }
0x1ed: {  	s10 =	simm.s32 $0xA000;
	s21 =	simm.s32 $0x0;
	v12 =	vld [tilespmem:s0+$0xFFFFFF00];
	[tilespmem:s0+$0x60] =	vst v15;
	v15 =	vadd.f32 v16, v0;
	v16 =	vmul.f32 $1.131370830e+01, v17  }
.LBB2_11:
0x1ee: {  	v17 =	vld [tilespmem:s10+$0xF0];
	s21 =	sadd.s32 $0x4, s21;
	[tilespmem:s0+$0x70] =	vst v13;
	v13 =	vadd.f32 v14, v6;
	v8 =	vmul.f32 $1.131370830e+01, v8  }
0x1ef: {  	v14 =	vld [tilespmem:s10+$0xFFFFFF10];
	p1 =	slt.u32 s21, $0x3C;
	[tilespmem:s0+$0x80] =	vst v15;
	v15 =	vadd.f32 v16, v5;
	v9 =	vmul.f32 $1.131370830e+01, v9  }
0x1f0: {  	v16 =	vld [tilespmem:s10+$0xFFFFFF20];
	[tilespmem:s0+$0x90] =	vst v13;
	v8 =	vadd.f32 v8, v4;
	v10 =	vmul.f32 $1.131370830e+01, v10  }
0x1f1: {  	v13 =	vld [tilespmem:s10+$0xFFFFFF30];
	[tilespmem:s0+$0xA0] =	vst v15;
	v9 =	vadd.f32 v9, v3;
	v11 =	vmul.f32 $1.131370830e+01, v11  }
0x1f2: {  	v15 =	vld [tilespmem:s10+$0xFFFFFF40];
	v12 =	vmul.f32 $1.131370830e+01, v12;
	[tilespmem:s0+$0xB0] =	vst v8;
	v8 =	vadd.f32 v10, v2  }
0x1f3: {  	v10 =	vld [tilespmem:s10+$0xFFFFFF50];
	v17 =	vmul.f32 $1.131370830e+01, v17;
	[tilespmem:s0+$0xC0] =	vst v9;
	v9 =	vadd.f32 v11, v1  }
0x1f4: {  	v11 =	vmul.f32 $1.131370830e+01, v14;
	v14 =	vld [tilespmem:s10+$0xFFFFFF60];
	v12 =	vadd.f32 v12, v0;
	[tilespmem:s0+$0xD0] =	vst v8  }
0x1f5: {  	v8 =	vmul.f32 $1.131370830e+01, v16;
	v16 =	vld [tilespmem:s10+$0xFFFFFF70];
	v17 =	vadd.f32 v17, v7;
	[tilespmem:s0+$0xE0] =	vst v9  }
0x1f6: {  	v9 =	vadd.f32 v11, v6;
	v11 =	vmul.f32 $1.131370830e+01, v13;
	v13 =	vld [tilespmem:s10+$0xFFFFFF80];
	[tilespmem:s0+$0xFFFFFF00] =	vst v12;
	s0 =	smov.u32 s10  }
0x1f7: {  	v8 =	vadd.f32 v8, v5;
	v12 =	vmul.f32 $1.131370830e+01, v15;
	v15 =	vld [tilespmem:s10+$0xFFFFFF90];
	[tilespmem:s10+$0xF0] =	vst v17  }
0x1f8: {  	[tilespmem:s10+$0xFFFFFF10] =	vst v9;
	v9 =	vadd.f32 v11, v4;
	v10 =	vmul.f32 $1.131370830e+01, v10;
	v11 =	vld [tilespmem:s10+$0xFFFFFFA0]  }
0x1f9: {  	[tilespmem:s10+$0xFFFFFF20] =	vst v8;
	v8 =	vadd.f32 v12, v3;
	v12 =	vmul.f32 $1.131370830e+01, v14;
	v14 =	vld [tilespmem:s10+$0xFFFFFFB0]  }
0x1fa: {  	[tilespmem:s10+$0xFFFFFF30] =	vst v9;
	v9 =	vadd.f32 v10, v2;
	v10 =	vmul.f32 $1.131370830e+01, v16;
	v16 =	vld [tilespmem:s10+$0xFFFFFFC0]  }
0x1fb: {  	[tilespmem:s10+$0xFFFFFF40] =	vst v8;
	v8 =	vadd.f32 v12, v1;
	v12 =	vmul.f32 $1.131370830e+01, v13;
	v13 =	vld [tilespmem:s10+$0xFFFFFFD0]  }
0x1fc: {  	[tilespmem:s10+$0xFFFFFF50] =	vst v9;
	v9 =	vadd.f32 v10, v7;
	v10 =	vmul.f32 $1.131370830e+01, v15;
	v15 =	vld [tilespmem:s10+$0xFFFFFFE0]  }
0x1fd: {  	[tilespmem:s10+$0xFFFFFF60] =	vst v8;
	v8 =	vadd.f32 v12, v0;
	v11 =	vmul.f32 $1.131370830e+01, v11;
	v12 =	vld [tilespmem:s10+$0xFFFFFFF0]  }
0x1fe: {  	[tilespmem:s10+$0xFFFFFF70] =	vst v9;
	v9 =	vadd.f32 v10, v6;
	v10 =	vmul.f32 $1.131370830e+01, v14;
	v14 =	vld [tilespmem:s10+$0x0]  }
0x1ff: {  	[tilespmem:s10+$0xFFFFFF80] =	vst v8;
	v8 =	vadd.f32 v11, v5;
	v11 =	vmul.f32 $1.131370830e+01, v16;
	v16 =	vld [tilespmem:s10+$0x10]  }
0x200: {  	[tilespmem:s10+$0xFFFFFF90] =	vst v9;
	v9 =	vadd.f32 v10, v4;
	v10 =	vmul.f32 $1.131370830e+01, v13;
	v13 =	vld [tilespmem:s10+$0x20]  }
0x201: {  	[tilespmem:s10+$0xFFFFFFA0] =	vst v8;
	v8 =	vadd.f32 v11, v3;
	v11 =	vmul.f32 $1.131370830e+01, v15;
	v15 =	vld [tilespmem:s10+$0x30]  }
0x202: {  	[tilespmem:s10+$0xFFFFFFB0] =	vst v9;
	v9 =	vadd.f32 v10, v2;
	v10 =	vmul.f32 $1.131370830e+01, v12;
	v12 =	vld [tilespmem:s10+$0x40]  }
0x203: {  	[tilespmem:s10+$0xFFFFFFC0] =	vst v8;
	v8 =	vadd.f32 v11, v1;
	v11 =	vmul.f32 $1.131370830e+01, v14;
	v14 =	vld [tilespmem:s10+$0x50]  }
0x204: {  	[tilespmem:s10+$0xFFFFFFD0] =	vst v9;
	v9 =	vadd.f32 v10, v7;
	v10 =	vmul.f32 $1.131370830e+01, v16;
	v16 =	vld [tilespmem:s10+$0x60]  }
0x205: {  	[tilespmem:s10+$0xFFFFFFE0] =	vst v8;
	v8 =	vadd.f32 v11, v0;
	v11 =	vmul.f32 $1.131370830e+01, v13;
	v13 =	vld [tilespmem:s10+$0x70]  }
0x206: {  	[tilespmem:s10+$0xFFFFFFF0] =	vst v9;
	v9 =	vadd.f32 v10, v6;
	v10 =	vmul.f32 $1.131370830e+01, v15;
	v15 =	vld [tilespmem:s10+$0x80]  }
0x207: {  	[tilespmem:s10+$0x0] =	vst v8;
	v8 =	vadd.f32 v11, v5;
	v11 =	vmul.f32 $1.131370830e+01, v12;
	v12 =	vld [tilespmem:s10+$0x90]  }
0x208: {  	[tilespmem:s10+$0x10] =	vst v9;
	v9 =	vadd.f32 v10, v4;
	v10 =	vmul.f32 $1.131370830e+01, v14;
	v17 =	vld [tilespmem:s10+$0xA0]  }
.Ltmp6:
0x209: {  	[tilespmem:s10+$0x20] =	vst v8;
	v11 =	vadd.f32 v11, v3;
	v14 =	vmul.f32 $1.131370830e+01, v16;
	v8 =	vld [tilespmem:s10+$0xB0];
	(pc) =	sbr.rel @p1 .LBB2_11-.Ltmp6, $4  }
0x20a: {  	[tilespmem:s10+$0x30] =	vst v9;
	v16 =	vadd.f32 v10, v2;
	v13 =	vmul.f32 $1.131370830e+01, v13;
	v9 =	vld [tilespmem:s10+$0xC0]  }
0x20b: {  	[tilespmem:s10+$0x40] =	vst v11;
	v18 =	vadd.f32 v14, v1;
	v15 =	vmul.f32 $1.131370830e+01, v15;
	v10 =	vld [tilespmem:s10+$0xD0]  }
0x20c: {  	[tilespmem:s10+$0x50] =	vst v16;
	v13 =	vadd.f32 v13, v7;
	v14 =	vmul.f32 $1.131370830e+01, v12;
	v11 =	vld [tilespmem:s10+$0xE0]  }
0x20d: {  	s10 =	sadd.s32 $0x200, s10;
	v12 =	vld [tilespmem:s0+$0xFFFFFF00];
	[tilespmem:s0+$0x60] =	vst v18;
	v15 =	vadd.f32 v15, v0;
	v16 =	vmul.f32 $1.131370830e+01, v17  }
0x20e: {  	[tilespmem:s0+$0x70] =	vst v13;
	v6 =	vadd.f32 v14, v6;
	v7 =	vmul.f32 $1.131370830e+01, v8  }
0x20f: {  	[tilespmem:s0+$0x80] =	vst v15;
	v5 =	vadd.f32 v16, v5;
	v8 =	vmul.f32 $1.131370830e+01, v9  }
0x210: {  	[tilespmem:s0+$0x90] =	vst v6;
	v4 =	vadd.f32 v7, v4;
	v6 =	vmul.f32 $1.131370830e+01, v10  }
0x211: {  	[tilespmem:s0+$0xA0] =	vst v5;
	v3 =	vadd.f32 v8, v3;
	v5 =	vmul.f32 $1.131370830e+01, v11  }
0x212: {  	v7 =	vmul.f32 $1.131370830e+01, v12;
	[tilespmem:s0+$0xB0] =	vst v4;
	v2 =	vadd.f32 v6, v2  }
0x213: {  	[tilespmem:s0+$0xC0] =	vst v3;
	v1 =	vadd.f32 v5, v1  }
0x214: {  	v0 =	vadd.f32 v7, v0;
	[tilespmem:s0+$0xD0] =	vst v2  }
0x215: {  	s10 =	sshll.u32 s24, $0x4;
	[tilespmem:s0+$0xE0] =	vst v1  }
0x216: {  	s24 =	simm.s32 $0x9D00;
	s21 =	sadd.s32 s3, s10;
	[tilespmem:s0+$0xFFFFFF00] =	vst v0;
	s0 =	simm.s32 @!p0 $0xE  }
0x217: {  	[hbm4b:s21+s4] =	stream.linear.scatter [tilespmem:s24], [sflag:$0xF], $0x2000, $0x38;
	[tilespmem:$0x15D00] =	vst v63  }
0x218: {  	_ =	swait.ge @!p0 [sflag:s0], $0x2000  }
0x219: {  	s10 =	simm.s32 @!p0 $0x40;
	s21 =	simm.s32 @!p0 $0x7D00;
	[sflag:s0] =	ssyncset.done @!p0 $0x0  }
0x21a: {  	s24 =	sadd.s32 s1, s13;
	[sflag:s0] =	ssyncadd.s32 @!p0 $0xFFFFE000;
	s0 =	sadd.s32 @!p0 $0x340, s19  }
0x21b: {  	[tilespmem:s21], [sflag:$0x4] =	stream.indirect.gather @!p0 [hbm4b:s2+s10], $0x80, s0, s10, $0xb8;
	[tilespmem:$0x15D00] =	vst v63  }
0x21c: {  	s21 =	sshrl.u32 s24, $0xA  }
0x21d: {  	_ =	swait.ge [sflag:s7], $0x2000;
	s0 =	ssub.s32 s21, s6  }
0x21e: {  	[sflag:s7] =	ssyncset.done $0x0;
	s0 =	sshll.u32 s0, $0x9  }
0x21f: {  	[sflag:s7] =	ssyncadd.s32 $0xFFFFE000;
	s0 =	sshra.s32 s0, $0x2  }
0x220: {  	v0 =	vld [tilespmem:s0+$0x1900]  }
0x221: {  	v6 =	vld [tilespmem:s0+$0x1910]  }
0x222: {  	v5 =	vld [tilespmem:s0+$0x1920]  }
0x223: {  	v4 =	vld [tilespmem:s0+$0x1930]  }
0x224: {  	v3 =	vld [tilespmem:s0+$0x1940]  }
0x225: {  	v2 =	vld [tilespmem:s0+$0x1950]  }
0x226: {  	v1 =	vld [tilespmem:s0+$0x1960]  }
0x227: {  	v7 =	vld [tilespmem:s0+$0x1970];
	s0 =	simm.s32 $0xBE00  }
0x228: {  	v8 =	vld [tilespmem:s0+$0xF0]  }
0x229: {  	v9 =	vld [tilespmem:s0+$0xFFFFFF10]  }
0x22a: {  	v10 =	vld [tilespmem:s0+$0xFFFFFF20]  }
0x22b: {  	v11 =	vld [tilespmem:s0+$0xFFFFFF30]  }
0x22c: {  	v12 =	vld [tilespmem:s0+$0xFFFFFF40]  }
0x22d: {  	v13 =	vld [tilespmem:s0+$0xFFFFFF50];
	v8 =	vmul.f32 $1.131370830e+01, v8  }
0x22e: {  	v14 =	vld [tilespmem:s0+$0xFFFFFF60];
	v9 =	vmul.f32 $1.131370830e+01, v9  }
0x22f: {  	v15 =	vld [tilespmem:s0+$0xFFFFFF70];
	v10 =	vmul.f32 $1.131370830e+01, v10;
	v8 =	vadd.f32 v8, v7  }
0x230: {  	v16 =	vld [tilespmem:s0+$0xFFFFFF80];
	v11 =	vmul.f32 $1.131370830e+01, v11;
	v9 =	vadd.f32 v9, v6  }
0x231: {  	v17 =	vld [tilespmem:s0+$0xFFFFFF90];
	v12 =	vmul.f32 $1.131370830e+01, v12;
	v10 =	vadd.f32 v10, v5;
	[tilespmem:s0+$0xF0] =	vst v8  }
0x232: {  	[tilespmem:s0+$0xFFFFFF10] =	vst v9;
	v8 =	vadd.f32 v11, v4;
	v9 =	vmul.f32 $1.131370830e+01, v13;
	v11 =	vld [tilespmem:s0+$0xFFFFFFA0]  }
0x233: {  	[tilespmem:s0+$0xFFFFFF20] =	vst v10;
	v10 =	vadd.f32 v12, v3;
	v12 =	vmul.f32 $1.131370830e+01, v14;
	v13 =	vld [tilespmem:s0+$0xFFFFFFB0]  }
0x234: {  	v14 =	vld [tilespmem:s0+$0xFFFFFFC0];
	[tilespmem:s0+$0xFFFFFF30] =	vst v8;
	v8 =	vadd.f32 v9, v2;
	v9 =	vmul.f32 $1.131370830e+01, v15  }
0x235: {  	[tilespmem:s0+$0xFFFFFF40] =	vst v10;
	v10 =	vadd.f32 v12, v1;
	v12 =	vmul.f32 $1.131370830e+01, v16;
	v15 =	vld [tilespmem:s0+$0xFFFFFFD0]  }
0x236: {  	v16 =	vld [tilespmem:s0+$0xFFFFFFE0];
	[tilespmem:s0+$0xFFFFFF50] =	vst v8;
	v8 =	vadd.f32 v9, v7;
	v9 =	vmul.f32 $1.131370830e+01, v17  }
0x237: {  	[tilespmem:s0+$0xFFFFFF60] =	vst v10;
	v10 =	vadd.f32 v12, v0;
	v12 =	vld [tilespmem:s0+$0xFFFFFFF0];
	v11 =	vmul.f32 $1.131370830e+01, v11  }
0x238: {  	[tilespmem:s0+$0xFFFFFF70] =	vst v8;
	v8 =	vadd.f32 v9, v6;
	v9 =	vmul.f32 $1.131370830e+01, v13;
	v13 =	vld [tilespmem:s0+$0x0]  }
0x239: {  	[tilespmem:s0+$0xFFFFFF80] =	vst v10;
	v10 =	vadd.f32 v11, v5;
	v11 =	vmul.f32 $1.131370830e+01, v14;
	v14 =	vld [tilespmem:s0+$0x10]  }
0x23a: {  	[tilespmem:s0+$0xFFFFFF90] =	vst v8;
	v8 =	vadd.f32 v9, v4;
	v9 =	vmul.f32 $1.131370830e+01, v15;
	v15 =	vld [tilespmem:s0+$0x20]  }
0x23b: {  	[tilespmem:s0+$0xFFFFFFA0] =	vst v10;
	v10 =	vadd.f32 v11, v3;
	v11 =	vmul.f32 $1.131370830e+01, v16;
	v16 =	vld [tilespmem:s0+$0x30]  }
0x23c: {  	[tilespmem:s0+$0xFFFFFFB0] =	vst v8;
	v8 =	vadd.f32 v9, v2;
	v9 =	vmul.f32 $1.131370830e+01, v12;
	v12 =	vld [tilespmem:s0+$0x40]  }
0x23d: {  	[tilespmem:s0+$0xFFFFFFC0] =	vst v10;
	v10 =	vadd.f32 v11, v1;
	v11 =	vmul.f32 $1.131370830e+01, v13;
	v13 =	vld [tilespmem:s0+$0x50]  }
0x23e: {  	[tilespmem:s0+$0xFFFFFFD0] =	vst v8;
	v8 =	vadd.f32 v9, v7;
	v9 =	vmul.f32 $1.131370830e+01, v14;
	v14 =	vld [tilespmem:s0+$0x60]  }
0x23f: {  	[tilespmem:s0+$0xFFFFFFE0] =	vst v10;
	v10 =	vadd.f32 v11, v0;
	v11 =	vmul.f32 $1.131370830e+01, v15;
	v15 =	vld [tilespmem:s0+$0x70]  }
0x240: {  	[tilespmem:s0+$0xFFFFFFF0] =	vst v8;
	v8 =	vadd.f32 v9, v6;
	v9 =	vmul.f32 $1.131370830e+01, v16;
	v16 =	vld [tilespmem:s0+$0x80]  }
0x241: {  	[tilespmem:s0+$0x0] =	vst v10;
	v10 =	vadd.f32 v11, v5;
	v11 =	vmul.f32 $1.131370830e+01, v12;
	v12 =	vld [tilespmem:s0+$0x90]  }
0x242: {  	v17 =	vld [tilespmem:s0+$0xA0];
	[tilespmem:s0+$0x10] =	vst v8;
	v9 =	vadd.f32 v9, v4;
	v13 =	vmul.f32 $1.131370830e+01, v13  }
0x243: {  	v8 =	vld [tilespmem:s0+$0xB0];
	[tilespmem:s0+$0x20] =	vst v10;
	v10 =	vadd.f32 v11, v3;
	v11 =	vmul.f32 $1.131370830e+01, v14  }
0x244: {  	[tilespmem:s0+$0x30] =	vst v9;
	v13 =	vadd.f32 v13, v2;
	v14 =	vmul.f32 $1.131370830e+01, v15;
	v9 =	vld [tilespmem:s0+$0xC0]  }
0x245: {  	[tilespmem:s0+$0x40] =	vst v10;
	v15 =	vadd.f32 v11, v1;
	v16 =	vmul.f32 $1.131370830e+01, v16;
	v10 =	vld [tilespmem:s0+$0xD0]  }
0x246: {  	v11 =	vld [tilespmem:s0+$0xE0];
	[tilespmem:s0+$0x50] =	vst v13;
	v13 =	vadd.f32 v14, v7;
	v14 =	vmul.f32 $1.131370830e+01, v12  }
0x247: {  	s10 =	simm.s32 $0xC000;
	s21 =	simm.s32 $0x0;
	v12 =	vld [tilespmem:s0+$0xFFFFFF00];
	[tilespmem:s0+$0x60] =	vst v15;
	v15 =	vadd.f32 v16, v0;
	v16 =	vmul.f32 $1.131370830e+01, v17  }
.LBB2_13:
0x248: {  	v17 =	vld [tilespmem:s10+$0xF0];
	s21 =	sadd.s32 $0x4, s21;
	[tilespmem:s0+$0x70] =	vst v13;
	v13 =	vadd.f32 v14, v6;
	v8 =	vmul.f32 $1.131370830e+01, v8  }
0x249: {  	v14 =	vld [tilespmem:s10+$0xFFFFFF10];
	p1 =	slt.u32 s21, $0x3C;
	[tilespmem:s0+$0x80] =	vst v15;
	v15 =	vadd.f32 v16, v5;
	v9 =	vmul.f32 $1.131370830e+01, v9  }
0x24a: {  	v16 =	vld [tilespmem:s10+$0xFFFFFF20];
	[tilespmem:s0+$0x90] =	vst v13;
	v8 =	vadd.f32 v8, v4;
	v10 =	vmul.f32 $1.131370830e+01, v10  }
0x24b: {  	v13 =	vld [tilespmem:s10+$0xFFFFFF30];
	[tilespmem:s0+$0xA0] =	vst v15;
	v9 =	vadd.f32 v9, v3;
	v11 =	vmul.f32 $1.131370830e+01, v11  }
0x24c: {  	v15 =	vld [tilespmem:s10+$0xFFFFFF40];
	v12 =	vmul.f32 $1.131370830e+01, v12;
	[tilespmem:s0+$0xB0] =	vst v8;
	v8 =	vadd.f32 v10, v2  }
0x24d: {  	v10 =	vld [tilespmem:s10+$0xFFFFFF50];
	v17 =	vmul.f32 $1.131370830e+01, v17;
	[tilespmem:s0+$0xC0] =	vst v9;
	v9 =	vadd.f32 v11, v1  }
0x24e: {  	v11 =	vmul.f32 $1.131370830e+01, v14;
	v14 =	vld [tilespmem:s10+$0xFFFFFF60];
	v12 =	vadd.f32 v12, v0;
	[tilespmem:s0+$0xD0] =	vst v8  }
0x24f: {  	v8 =	vmul.f32 $1.131370830e+01, v16;
	v16 =	vld [tilespmem:s10+$0xFFFFFF70];
	v17 =	vadd.f32 v17, v7;
	[tilespmem:s0+$0xE0] =	vst v9  }
0x250: {  	v9 =	vadd.f32 v11, v6;
	v11 =	vmul.f32 $1.131370830e+01, v13;
	v13 =	vld [tilespmem:s10+$0xFFFFFF80];
	[tilespmem:s0+$0xFFFFFF00] =	vst v12;
	s0 =	smov.u32 s10  }
0x251: {  	v8 =	vadd.f32 v8, v5;
	v12 =	vmul.f32 $1.131370830e+01, v15;
	v15 =	vld [tilespmem:s10+$0xFFFFFF90];
	[tilespmem:s10+$0xF0] =	vst v17  }
0x252: {  	[tilespmem:s10+$0xFFFFFF10] =	vst v9;
	v9 =	vadd.f32 v11, v4;
	v10 =	vmul.f32 $1.131370830e+01, v10;
	v11 =	vld [tilespmem:s10+$0xFFFFFFA0]  }
0x253: {  	[tilespmem:s10+$0xFFFFFF20] =	vst v8;
	v8 =	vadd.f32 v12, v3;
	v12 =	vmul.f32 $1.131370830e+01, v14;
	v14 =	vld [tilespmem:s10+$0xFFFFFFB0]  }
0x254: {  	[tilespmem:s10+$0xFFFFFF30] =	vst v9;
	v9 =	vadd.f32 v10, v2;
	v10 =	vmul.f32 $1.131370830e+01, v16;
	v16 =	vld [tilespmem:s10+$0xFFFFFFC0]  }
0x255: {  	[tilespmem:s10+$0xFFFFFF40] =	vst v8;
	v8 =	vadd.f32 v12, v1;
	v12 =	vmul.f32 $1.131370830e+01, v13;
	v13 =	vld [tilespmem:s10+$0xFFFFFFD0]  }
0x256: {  	[tilespmem:s10+$0xFFFFFF50] =	vst v9;
	v9 =	vadd.f32 v10, v7;
	v10 =	vmul.f32 $1.131370830e+01, v15;
	v15 =	vld [tilespmem:s10+$0xFFFFFFE0]  }
0x257: {  	[tilespmem:s10+$0xFFFFFF60] =	vst v8;
	v8 =	vadd.f32 v12, v0;
	v11 =	vmul.f32 $1.131370830e+01, v11;
	v12 =	vld [tilespmem:s10+$0xFFFFFFF0]  }
0x258: {  	[tilespmem:s10+$0xFFFFFF70] =	vst v9;
	v9 =	vadd.f32 v10, v6;
	v10 =	vmul.f32 $1.131370830e+01, v14;
	v14 =	vld [tilespmem:s10+$0x0]  }
0x259: {  	[tilespmem:s10+$0xFFFFFF80] =	vst v8;
	v8 =	vadd.f32 v11, v5;
	v11 =	vmul.f32 $1.131370830e+01, v16;
	v16 =	vld [tilespmem:s10+$0x10]  }
0x25a: {  	[tilespmem:s10+$0xFFFFFF90] =	vst v9;
	v9 =	vadd.f32 v10, v4;
	v10 =	vmul.f32 $1.131370830e+01, v13;
	v13 =	vld [tilespmem:s10+$0x20]  }
0x25b: {  	[tilespmem:s10+$0xFFFFFFA0] =	vst v8;
	v8 =	vadd.f32 v11, v3;
	v11 =	vmul.f32 $1.131370830e+01, v15;
	v15 =	vld [tilespmem:s10+$0x30]  }
0x25c: {  	[tilespmem:s10+$0xFFFFFFB0] =	vst v9;
	v9 =	vadd.f32 v10, v2;
	v10 =	vmul.f32 $1.131370830e+01, v12;
	v12 =	vld [tilespmem:s10+$0x40]  }
0x25d: {  	[tilespmem:s10+$0xFFFFFFC0] =	vst v8;
	v8 =	vadd.f32 v11, v1;
	v11 =	vmul.f32 $1.131370830e+01, v14;
	v14 =	vld [tilespmem:s10+$0x50]  }
0x25e: {  	[tilespmem:s10+$0xFFFFFFD0] =	vst v9;
	v9 =	vadd.f32 v10, v7;
	v10 =	vmul.f32 $1.131370830e+01, v16;
	v16 =	vld [tilespmem:s10+$0x60]  }
0x25f: {  	[tilespmem:s10+$0xFFFFFFE0] =	vst v8;
	v8 =	vadd.f32 v11, v0;
	v11 =	vmul.f32 $1.131370830e+01, v13;
	v13 =	vld [tilespmem:s10+$0x70]  }
0x260: {  	[tilespmem:s10+$0xFFFFFFF0] =	vst v9;
	v9 =	vadd.f32 v10, v6;
	v10 =	vmul.f32 $1.131370830e+01, v15;
	v15 =	vld [tilespmem:s10+$0x80]  }
0x261: {  	[tilespmem:s10+$0x0] =	vst v8;
	v8 =	vadd.f32 v11, v5;
	v11 =	vmul.f32 $1.131370830e+01, v12;
	v12 =	vld [tilespmem:s10+$0x90]  }
0x262: {  	[tilespmem:s10+$0x10] =	vst v9;
	v9 =	vadd.f32 v10, v4;
	v10 =	vmul.f32 $1.131370830e+01, v14;
	v17 =	vld [tilespmem:s10+$0xA0]  }
.Ltmp7:
0x263: {  	[tilespmem:s10+$0x20] =	vst v8;
	v11 =	vadd.f32 v11, v3;
	v14 =	vmul.f32 $1.131370830e+01, v16;
	v8 =	vld [tilespmem:s10+$0xB0];
	(pc) =	sbr.rel @p1 .LBB2_13-.Ltmp7, $4  }
0x264: {  	[tilespmem:s10+$0x30] =	vst v9;
	v16 =	vadd.f32 v10, v2;
	v13 =	vmul.f32 $1.131370830e+01, v13;
	v9 =	vld [tilespmem:s10+$0xC0]  }
0x265: {  	[tilespmem:s10+$0x40] =	vst v11;
	v18 =	vadd.f32 v14, v1;
	v15 =	vmul.f32 $1.131370830e+01, v15;
	v10 =	vld [tilespmem:s10+$0xD0]  }
0x266: {  	[tilespmem:s10+$0x50] =	vst v16;
	v13 =	vadd.f32 v13, v7;
	v14 =	vmul.f32 $1.131370830e+01, v12;
	v11 =	vld [tilespmem:s10+$0xE0]  }
0x267: {  	s10 =	sadd.s32 $0x200, s10;
	v12 =	vld [tilespmem:s0+$0xFFFFFF00];
	[tilespmem:s0+$0x60] =	vst v18;
	v15 =	vadd.f32 v15, v0;
	v16 =	vmul.f32 $1.131370830e+01, v17  }
0x268: {  	[tilespmem:s0+$0x70] =	vst v13;
	v6 =	vadd.f32 v14, v6;
	v7 =	vmul.f32 $1.131370830e+01, v8  }
0x269: {  	[tilespmem:s0+$0x80] =	vst v15;
	v5 =	vadd.f32 v16, v5;
	v8 =	vmul.f32 $1.131370830e+01, v9  }
0x26a: {  	[tilespmem:s0+$0x90] =	vst v6;
	v4 =	vadd.f32 v7, v4;
	v6 =	vmul.f32 $1.131370830e+01, v10  }
0x26b: {  	[tilespmem:s0+$0xA0] =	vst v5;
	v3 =	vadd.f32 v8, v3;
	v5 =	vmul.f32 $1.131370830e+01, v11  }
0x26c: {  	v7 =	vmul.f32 $1.131370830e+01, v12;
	[tilespmem:s0+$0xB0] =	vst v4;
	v2 =	vadd.f32 v6, v2  }
0x26d: {  	[tilespmem:s0+$0xC0] =	vst v3;
	v1 =	vadd.f32 v5, v1  }
0x26e: {  	v0 =	vadd.f32 v7, v0;
	[tilespmem:s0+$0xD0] =	vst v2  }
0x26f: {  	s10 =	sshll.u32 s24, $0x4;
	[tilespmem:s0+$0xE0] =	vst v1  }
0x270: {  	s24 =	simm.s32 $0xBD00;
	s21 =	sadd.s32 s3, s10;
	[tilespmem:s0+$0xFFFFFF00] =	vst v0;
	s0 =	simm.s32 @!p0 $0xF  }
0x271: {  	[hbm4b:s21+s4] =	stream.linear.scatter [tilespmem:s24], [sflag:$0x10], $0x2000, $0x38;
	[tilespmem:$0x15D00] =	vst v63  }
0x272: {  	_ =	swait.ge @!p0 [sflag:s0], $0x2000  }
0x273: {  	s10 =	simm.s32 @!p0 $0x40;
	s21 =	simm.s32 @!p0 $0x9D00;
	[sflag:s0] =	ssyncset.done @!p0 $0x0  }
0x274: {  	s24 =	sadd.s32 s1, s14;
	[sflag:s0] =	ssyncadd.s32 @!p0 $0xFFFFE000;
	s0 =	sadd.s32 @!p0 $0x380, s19  }
0x275: {  	[tilespmem:s21], [sflag:$0x5] =	stream.indirect.gather @!p0 [hbm4b:s2+s10], $0x80, s0, s10, $0xb8;
	[tilespmem:$0x15D00] =	vst v63  }
0x276: {  	s21 =	sshrl.u32 s24, $0xA  }
0x277: {  	_ =	swait.ge [sflag:s20], $0x2000;
	s0 =	ssub.s32 s21, s6  }
0x278: {  	[sflag:s20] =	ssyncset.done $0x0;
	s0 =	sshll.u32 s0, $0x9  }
0x279: {  	[sflag:s20] =	ssyncadd.s32 $0xFFFFE000;
	s0 =	sshra.s32 s0, $0x2  }
0x27a: {  	v0 =	vld [tilespmem:s0+$0x1900]  }
0x27b: {  	v6 =	vld [tilespmem:s0+$0x1910]  }
0x27c: {  	v5 =	vld [tilespmem:s0+$0x1920]  }
0x27d: {  	v4 =	vld [tilespmem:s0+$0x1930]  }
0x27e: {  	v3 =	vld [tilespmem:s0+$0x1940]  }
0x27f: {  	v2 =	vld [tilespmem:s0+$0x1950]  }
0x280: {  	v1 =	vld [tilespmem:s0+$0x1960]  }
0x281: {  	v7 =	vld [tilespmem:s0+$0x1970];
	s0 =	simm.s32 $0xDE00  }
0x282: {  	v8 =	vld [tilespmem:s0+$0xF0]  }
0x283: {  	v9 =	vld [tilespmem:s0+$0xFFFFFF10]  }
0x284: {  	v10 =	vld [tilespmem:s0+$0xFFFFFF20]  }
0x285: {  	v11 =	vld [tilespmem:s0+$0xFFFFFF30]  }
0x286: {  	v12 =	vld [tilespmem:s0+$0xFFFFFF40]  }
0x287: {  	v13 =	vld [tilespmem:s0+$0xFFFFFF50];
	v8 =	vmul.f32 $1.131370830e+01, v8  }
0x288: {  	v14 =	vld [tilespmem:s0+$0xFFFFFF60];
	v9 =	vmul.f32 $1.131370830e+01, v9  }
0x289: {  	v15 =	vld [tilespmem:s0+$0xFFFFFF70];
	v10 =	vmul.f32 $1.131370830e+01, v10;
	v8 =	vadd.f32 v8, v7  }
0x28a: {  	v16 =	vld [tilespmem:s0+$0xFFFFFF80];
	v11 =	vmul.f32 $1.131370830e+01, v11;
	v9 =	vadd.f32 v9, v6  }
0x28b: {  	v17 =	vld [tilespmem:s0+$0xFFFFFF90];
	v12 =	vmul.f32 $1.131370830e+01, v12;
	v10 =	vadd.f32 v10, v5;
	[tilespmem:s0+$0xF0] =	vst v8  }
0x28c: {  	[tilespmem:s0+$0xFFFFFF10] =	vst v9;
	v8 =	vadd.f32 v11, v4;
	v9 =	vmul.f32 $1.131370830e+01, v13;
	v11 =	vld [tilespmem:s0+$0xFFFFFFA0]  }
0x28d: {  	[tilespmem:s0+$0xFFFFFF20] =	vst v10;
	v10 =	vadd.f32 v12, v3;
	v12 =	vmul.f32 $1.131370830e+01, v14;
	v13 =	vld [tilespmem:s0+$0xFFFFFFB0]  }
0x28e: {  	v14 =	vld [tilespmem:s0+$0xFFFFFFC0];
	[tilespmem:s0+$0xFFFFFF30] =	vst v8;
	v8 =	vadd.f32 v9, v2;
	v9 =	vmul.f32 $1.131370830e+01, v15  }
0x28f: {  	[tilespmem:s0+$0xFFFFFF40] =	vst v10;
	v10 =	vadd.f32 v12, v1;
	v12 =	vmul.f32 $1.131370830e+01, v16;
	v15 =	vld [tilespmem:s0+$0xFFFFFFD0]  }
0x290: {  	v16 =	vld [tilespmem:s0+$0xFFFFFFE0];
	[tilespmem:s0+$0xFFFFFF50] =	vst v8;
	v8 =	vadd.f32 v9, v7;
	v9 =	vmul.f32 $1.131370830e+01, v17  }
0x291: {  	[tilespmem:s0+$0xFFFFFF60] =	vst v10;
	v10 =	vadd.f32 v12, v0;
	v12 =	vld [tilespmem:s0+$0xFFFFFFF0];
	v11 =	vmul.f32 $1.131370830e+01, v11  }
0x292: {  	[tilespmem:s0+$0xFFFFFF70] =	vst v8;
	v8 =	vadd.f32 v9, v6;
	v9 =	vmul.f32 $1.131370830e+01, v13;
	v13 =	vld [tilespmem:s0+$0x0]  }
0x293: {  	[tilespmem:s0+$0xFFFFFF80] =	vst v10;
	v10 =	vadd.f32 v11, v5;
	v11 =	vmul.f32 $1.131370830e+01, v14;
	v14 =	vld [tilespmem:s0+$0x10]  }
0x294: {  	[tilespmem:s0+$0xFFFFFF90] =	vst v8;
	v8 =	vadd.f32 v9, v4;
	v9 =	vmul.f32 $1.131370830e+01, v15;
	v15 =	vld [tilespmem:s0+$0x20]  }
0x295: {  	[tilespmem:s0+$0xFFFFFFA0] =	vst v10;
	v10 =	vadd.f32 v11, v3;
	v11 =	vmul.f32 $1.131370830e+01, v16;
	v16 =	vld [tilespmem:s0+$0x30]  }
0x296: {  	[tilespmem:s0+$0xFFFFFFB0] =	vst v8;
	v8 =	vadd.f32 v9, v2;
	v9 =	vmul.f32 $1.131370830e+01, v12;
	v12 =	vld [tilespmem:s0+$0x40]  }
0x297: {  	[tilespmem:s0+$0xFFFFFFC0] =	vst v10;
	v10 =	vadd.f32 v11, v1;
	v11 =	vmul.f32 $1.131370830e+01, v13;
	v13 =	vld [tilespmem:s0+$0x50]  }
0x298: {  	[tilespmem:s0+$0xFFFFFFD0] =	vst v8;
	v8 =	vadd.f32 v9, v7;
	v9 =	vmul.f32 $1.131370830e+01, v14;
	v14 =	vld [tilespmem:s0+$0x60]  }
0x299: {  	[tilespmem:s0+$0xFFFFFFE0] =	vst v10;
	v10 =	vadd.f32 v11, v0;
	v11 =	vmul.f32 $1.131370830e+01, v15;
	v15 =	vld [tilespmem:s0+$0x70]  }
0x29a: {  	[tilespmem:s0+$0xFFFFFFF0] =	vst v8;
	v8 =	vadd.f32 v9, v6;
	v9 =	vmul.f32 $1.131370830e+01, v16;
	v16 =	vld [tilespmem:s0+$0x80]  }
0x29b: {  	[tilespmem:s0+$0x0] =	vst v10;
	v10 =	vadd.f32 v11, v5;
	v11 =	vmul.f32 $1.131370830e+01, v12;
	v12 =	vld [tilespmem:s0+$0x90]  }
0x29c: {  	v17 =	vld [tilespmem:s0+$0xA0];
	[tilespmem:s0+$0x10] =	vst v8;
	v9 =	vadd.f32 v9, v4;
	v13 =	vmul.f32 $1.131370830e+01, v13  }
0x29d: {  	v8 =	vld [tilespmem:s0+$0xB0];
	[tilespmem:s0+$0x20] =	vst v10;
	v10 =	vadd.f32 v11, v3;
	v11 =	vmul.f32 $1.131370830e+01, v14  }
0x29e: {  	[tilespmem:s0+$0x30] =	vst v9;
	v13 =	vadd.f32 v13, v2;
	v14 =	vmul.f32 $1.131370830e+01, v15;
	v9 =	vld [tilespmem:s0+$0xC0]  }
0x29f: {  	[tilespmem:s0+$0x40] =	vst v10;
	v15 =	vadd.f32 v11, v1;
	v16 =	vmul.f32 $1.131370830e+01, v16;
	v10 =	vld [tilespmem:s0+$0xD0]  }
0x2a0: {  	v11 =	vld [tilespmem:s0+$0xE0];
	[tilespmem:s0+$0x50] =	vst v13;
	v13 =	vadd.f32 v14, v7;
	v14 =	vmul.f32 $1.131370830e+01, v12  }
0x2a1: {  	s10 =	simm.s32 $0xE000;
	s21 =	simm.s32 $0x0;
	v12 =	vld [tilespmem:s0+$0xFFFFFF00];
	[tilespmem:s0+$0x60] =	vst v15;
	v15 =	vadd.f32 v16, v0;
	v16 =	vmul.f32 $1.131370830e+01, v17  }
.LBB2_15:
0x2a2: {  	v17 =	vld [tilespmem:s10+$0xF0];
	s21 =	sadd.s32 $0x4, s21;
	[tilespmem:s0+$0x70] =	vst v13;
	v13 =	vadd.f32 v14, v6;
	v8 =	vmul.f32 $1.131370830e+01, v8  }
0x2a3: {  	v14 =	vld [tilespmem:s10+$0xFFFFFF10];
	p1 =	slt.u32 s21, $0x3C;
	[tilespmem:s0+$0x80] =	vst v15;
	v15 =	vadd.f32 v16, v5;
	v9 =	vmul.f32 $1.131370830e+01, v9  }
0x2a4: {  	v16 =	vld [tilespmem:s10+$0xFFFFFF20];
	[tilespmem:s0+$0x90] =	vst v13;
	v8 =	vadd.f32 v8, v4;
	v10 =	vmul.f32 $1.131370830e+01, v10  }
0x2a5: {  	v13 =	vld [tilespmem:s10+$0xFFFFFF30];
	[tilespmem:s0+$0xA0] =	vst v15;
	v9 =	vadd.f32 v9, v3;
	v11 =	vmul.f32 $1.131370830e+01, v11  }
0x2a6: {  	v15 =	vld [tilespmem:s10+$0xFFFFFF40];
	v12 =	vmul.f32 $1.131370830e+01, v12;
	[tilespmem:s0+$0xB0] =	vst v8;
	v8 =	vadd.f32 v10, v2  }
0x2a7: {  	v10 =	vld [tilespmem:s10+$0xFFFFFF50];
	v17 =	vmul.f32 $1.131370830e+01, v17;
	[tilespmem:s0+$0xC0] =	vst v9;
	v9 =	vadd.f32 v11, v1  }
0x2a8: {  	v11 =	vmul.f32 $1.131370830e+01, v14;
	v14 =	vld [tilespmem:s10+$0xFFFFFF60];
	v12 =	vadd.f32 v12, v0;
	[tilespmem:s0+$0xD0] =	vst v8  }
0x2a9: {  	v8 =	vmul.f32 $1.131370830e+01, v16;
	v16 =	vld [tilespmem:s10+$0xFFFFFF70];
	v17 =	vadd.f32 v17, v7;
	[tilespmem:s0+$0xE0] =	vst v9  }
0x2aa: {  	v9 =	vadd.f32 v11, v6;
	v11 =	vmul.f32 $1.131370830e+01, v13;
	v13 =	vld [tilespmem:s10+$0xFFFFFF80];
	[tilespmem:s0+$0xFFFFFF00] =	vst v12;
	s0 =	smov.u32 s10  }
0x2ab: {  	v8 =	vadd.f32 v8, v5;
	v12 =	vmul.f32 $1.131370830e+01, v15;
	v15 =	vld [tilespmem:s10+$0xFFFFFF90];
	[tilespmem:s10+$0xF0] =	vst v17  }
0x2ac: {  	[tilespmem:s10+$0xFFFFFF10] =	vst v9;
	v9 =	vadd.f32 v11, v4;
	v10 =	vmul.f32 $1.131370830e+01, v10;
	v11 =	vld [tilespmem:s10+$0xFFFFFFA0]  }
0x2ad: {  	[tilespmem:s10+$0xFFFFFF20] =	vst v8;
	v8 =	vadd.f32 v12, v3;
	v12 =	vmul.f32 $1.131370830e+01, v14;
	v14 =	vld [tilespmem:s10+$0xFFFFFFB0]  }
0x2ae: {  	[tilespmem:s10+$0xFFFFFF30] =	vst v9;
	v9 =	vadd.f32 v10, v2;
	v10 =	vmul.f32 $1.131370830e+01, v16;
	v16 =	vld [tilespmem:s10+$0xFFFFFFC0]  }
0x2af: {  	[tilespmem:s10+$0xFFFFFF40] =	vst v8;
	v8 =	vadd.f32 v12, v1;
	v12 =	vmul.f32 $1.131370830e+01, v13;
	v13 =	vld [tilespmem:s10+$0xFFFFFFD0]  }
0x2b0: {  	[tilespmem:s10+$0xFFFFFF50] =	vst v9;
	v9 =	vadd.f32 v10, v7;
	v10 =	vmul.f32 $1.131370830e+01, v15;
	v15 =	vld [tilespmem:s10+$0xFFFFFFE0]  }
0x2b1: {  	[tilespmem:s10+$0xFFFFFF60] =	vst v8;
	v8 =	vadd.f32 v12, v0;
	v11 =	vmul.f32 $1.131370830e+01, v11;
	v12 =	vld [tilespmem:s10+$0xFFFFFFF0]  }
0x2b2: {  	[tilespmem:s10+$0xFFFFFF70] =	vst v9;
	v9 =	vadd.f32 v10, v6;
	v10 =	vmul.f32 $1.131370830e+01, v14;
	v14 =	vld [tilespmem:s10+$0x0]  }
0x2b3: {  	[tilespmem:s10+$0xFFFFFF80] =	vst v8;
	v8 =	vadd.f32 v11, v5;
	v11 =	vmul.f32 $1.131370830e+01, v16;
	v16 =	vld [tilespmem:s10+$0x10]  }
0x2b4: {  	[tilespmem:s10+$0xFFFFFF90] =	vst v9;
	v9 =	vadd.f32 v10, v4;
	v10 =	vmul.f32 $1.131370830e+01, v13;
	v13 =	vld [tilespmem:s10+$0x20]  }
0x2b5: {  	[tilespmem:s10+$0xFFFFFFA0] =	vst v8;
	v8 =	vadd.f32 v11, v3;
	v11 =	vmul.f32 $1.131370830e+01, v15;
	v15 =	vld [tilespmem:s10+$0x30]  }
0x2b6: {  	[tilespmem:s10+$0xFFFFFFB0] =	vst v9;
	v9 =	vadd.f32 v10, v2;
	v10 =	vmul.f32 $1.131370830e+01, v12;
	v12 =	vld [tilespmem:s10+$0x40]  }
0x2b7: {  	[tilespmem:s10+$0xFFFFFFC0] =	vst v8;
	v8 =	vadd.f32 v11, v1;
	v11 =	vmul.f32 $1.131370830e+01, v14;
	v14 =	vld [tilespmem:s10+$0x50]  }
0x2b8: {  	[tilespmem:s10+$0xFFFFFFD0] =	vst v9;
	v9 =	vadd.f32 v10, v7;
	v10 =	vmul.f32 $1.131370830e+01, v16;
	v16 =	vld [tilespmem:s10+$0x60]  }
0x2b9: {  	[tilespmem:s10+$0xFFFFFFE0] =	vst v8;
	v8 =	vadd.f32 v11, v0;
	v11 =	vmul.f32 $1.131370830e+01, v13;
	v13 =	vld [tilespmem:s10+$0x70]  }
0x2ba: {  	[tilespmem:s10+$0xFFFFFFF0] =	vst v9;
	v9 =	vadd.f32 v10, v6;
	v10 =	vmul.f32 $1.131370830e+01, v15;
	v15 =	vld [tilespmem:s10+$0x80]  }
0x2bb: {  	[tilespmem:s10+$0x0] =	vst v8;
	v8 =	vadd.f32 v11, v5;
	v11 =	vmul.f32 $1.131370830e+01, v12;
	v12 =	vld [tilespmem:s10+$0x90]  }
0x2bc: {  	[tilespmem:s10+$0x10] =	vst v9;
	v9 =	vadd.f32 v10, v4;
	v10 =	vmul.f32 $1.131370830e+01, v14;
	v17 =	vld [tilespmem:s10+$0xA0]  }
.Ltmp8:
0x2bd: {  	[tilespmem:s10+$0x20] =	vst v8;
	v11 =	vadd.f32 v11, v3;
	v14 =	vmul.f32 $1.131370830e+01, v16;
	v8 =	vld [tilespmem:s10+$0xB0];
	(pc) =	sbr.rel @p1 .LBB2_15-.Ltmp8, $4  }
0x2be: {  	[tilespmem:s10+$0x30] =	vst v9;
	v16 =	vadd.f32 v10, v2;
	v13 =	vmul.f32 $1.131370830e+01, v13;
	v9 =	vld [tilespmem:s10+$0xC0]  }
0x2bf: {  	[tilespmem:s10+$0x40] =	vst v11;
	v18 =	vadd.f32 v14, v1;
	v15 =	vmul.f32 $1.131370830e+01, v15;
	v10 =	vld [tilespmem:s10+$0xD0]  }
0x2c0: {  	[tilespmem:s10+$0x50] =	vst v16;
	v13 =	vadd.f32 v13, v7;
	v14 =	vmul.f32 $1.131370830e+01, v12;
	v11 =	vld [tilespmem:s10+$0xE0]  }
0x2c1: {  	s10 =	sadd.s32 $0x200, s10;
	v12 =	vld [tilespmem:s0+$0xFFFFFF00];
	[tilespmem:s0+$0x60] =	vst v18;
	v15 =	vadd.f32 v15, v0;
	v16 =	vmul.f32 $1.131370830e+01, v17  }
0x2c2: {  	[tilespmem:s0+$0x70] =	vst v13;
	v6 =	vadd.f32 v14, v6;
	v7 =	vmul.f32 $1.131370830e+01, v8  }
0x2c3: {  	[tilespmem:s0+$0x80] =	vst v15;
	v5 =	vadd.f32 v16, v5;
	v8 =	vmul.f32 $1.131370830e+01, v9  }
0x2c4: {  	[tilespmem:s0+$0x90] =	vst v6;
	v4 =	vadd.f32 v7, v4;
	v6 =	vmul.f32 $1.131370830e+01, v10  }
0x2c5: {  	[tilespmem:s0+$0xA0] =	vst v5;
	v3 =	vadd.f32 v8, v3;
	v5 =	vmul.f32 $1.131370830e+01, v11  }
0x2c6: {  	v7 =	vmul.f32 $1.131370830e+01, v12;
	[tilespmem:s0+$0xB0] =	vst v4;
	v2 =	vadd.f32 v6, v2  }
0x2c7: {  	[tilespmem:s0+$0xC0] =	vst v3;
	v1 =	vadd.f32 v5, v1  }
0x2c8: {  	v0 =	vadd.f32 v7, v0;
	[tilespmem:s0+$0xD0] =	vst v2  }
0x2c9: {  	s10 =	sshll.u32 s24, $0x4;
	[tilespmem:s0+$0xE0] =	vst v1  }
0x2ca: {  	s24 =	simm.s32 $0xDD00;
	s21 =	sadd.s32 s3, s10;
	[tilespmem:s0+$0xFFFFFF00] =	vst v0;
	s0 =	simm.s32 @!p0 $0x10  }
0x2cb: {  	[hbm4b:s21+s4] =	stream.linear.scatter [tilespmem:s24], [sflag:$0x11], $0x2000, $0x38;
	[tilespmem:$0x15D00] =	vst v63  }
0x2cc: {  	_ =	swait.ge @!p0 [sflag:s0], $0x2000  }
0x2cd: {  	s10 =	simm.s32 @!p0 $0x40;
	s21 =	simm.s32 @!p0 $0xBD00;
	[sflag:s0] =	ssyncset.done @!p0 $0x0  }
0x2ce: {  	s24 =	sadd.s32 s1, s15;
	[sflag:s0] =	ssyncadd.s32 @!p0 $0xFFFFE000;
	s0 =	sadd.s32 @!p0 $0x3C0, s19  }
0x2cf: {  	[tilespmem:s21], [sflag:$0x6] =	stream.indirect.gather @!p0 [hbm4b:s2+s10], $0x80, s0, s10, $0xb8;
	[tilespmem:$0x15D00] =	vst v63  }
0x2d0: {  	s21 =	sshrl.u32 s24, $0xA  }
0x2d1: {  	_ =	swait.ge [sflag:s18], $0x2000;
	s0 =	ssub.s32 s21, s6  }
0x2d2: {  	[sflag:s18] =	ssyncset.done $0x0;
	s0 =	sshll.u32 s0, $0x9  }
0x2d3: {  	[sflag:s18] =	ssyncadd.s32 $0xFFFFE000;
	s0 =	sshra.s32 s0, $0x2  }
0x2d4: {  	v0 =	vld [tilespmem:s0+$0x1900]  }
0x2d5: {  	v6 =	vld [tilespmem:s0+$0x1910]  }
0x2d6: {  	v5 =	vld [tilespmem:s0+$0x1920]  }
0x2d7: {  	v4 =	vld [tilespmem:s0+$0x1930]  }
0x2d8: {  	v3 =	vld [tilespmem:s0+$0x1940]  }
0x2d9: {  	v2 =	vld [tilespmem:s0+$0x1950]  }
0x2da: {  	v1 =	vld [tilespmem:s0+$0x1960]  }
0x2db: {  	v7 =	vld [tilespmem:s0+$0x1970];
	s0 =	simm.s32 $0xFE00  }
0x2dc: {  	v8 =	vld [tilespmem:s0+$0xF0]  }
0x2dd: {  	v9 =	vld [tilespmem:s0+$0xFFFFFF10]  }
0x2de: {  	v10 =	vld [tilespmem:s0+$0xFFFFFF20]  }
0x2df: {  	v11 =	vld [tilespmem:s0+$0xFFFFFF30]  }
0x2e0: {  	v12 =	vld [tilespmem:s0+$0xFFFFFF40]  }
0x2e1: {  	v13 =	vld [tilespmem:s0+$0xFFFFFF50];
	v8 =	vmul.f32 $1.131370830e+01, v8  }
0x2e2: {  	v14 =	vld [tilespmem:s0+$0xFFFFFF60];
	v9 =	vmul.f32 $1.131370830e+01, v9  }
0x2e3: {  	v15 =	vld [tilespmem:s0+$0xFFFFFF70];
	v10 =	vmul.f32 $1.131370830e+01, v10;
	v8 =	vadd.f32 v8, v7  }
0x2e4: {  	v16 =	vld [tilespmem:s0+$0xFFFFFF80];
	v11 =	vmul.f32 $1.131370830e+01, v11;
	v9 =	vadd.f32 v9, v6  }
0x2e5: {  	v17 =	vld [tilespmem:s0+$0xFFFFFF90];
	v12 =	vmul.f32 $1.131370830e+01, v12;
	v10 =	vadd.f32 v10, v5;
	[tilespmem:s0+$0xF0] =	vst v8  }
0x2e6: {  	[tilespmem:s0+$0xFFFFFF10] =	vst v9;
	v8 =	vadd.f32 v11, v4;
	v9 =	vmul.f32 $1.131370830e+01, v13;
	v11 =	vld [tilespmem:s0+$0xFFFFFFA0]  }
0x2e7: {  	[tilespmem:s0+$0xFFFFFF20] =	vst v10;
	v10 =	vadd.f32 v12, v3;
	v12 =	vmul.f32 $1.131370830e+01, v14;
	v13 =	vld [tilespmem:s0+$0xFFFFFFB0]  }
0x2e8: {  	v14 =	vld [tilespmem:s0+$0xFFFFFFC0];
	[tilespmem:s0+$0xFFFFFF30] =	vst v8;
	v8 =	vadd.f32 v9, v2;
	v9 =	vmul.f32 $1.131370830e+01, v15  }
0x2e9: {  	[tilespmem:s0+$0xFFFFFF40] =	vst v10;
	v10 =	vadd.f32 v12, v1;
	v12 =	vmul.f32 $1.131370830e+01, v16;
	v15 =	vld [tilespmem:s0+$0xFFFFFFD0]  }
0x2ea: {  	v16 =	vld [tilespmem:s0+$0xFFFFFFE0];
	[tilespmem:s0+$0xFFFFFF50] =	vst v8;
	v8 =	vadd.f32 v9, v7;
	v9 =	vmul.f32 $1.131370830e+01, v17  }
0x2eb: {  	[tilespmem:s0+$0xFFFFFF60] =	vst v10;
	v10 =	vadd.f32 v12, v0;
	v12 =	vld [tilespmem:s0+$0xFFFFFFF0];
	v11 =	vmul.f32 $1.131370830e+01, v11  }
0x2ec: {  	[tilespmem:s0+$0xFFFFFF70] =	vst v8;
	v8 =	vadd.f32 v9, v6;
	v9 =	vmul.f32 $1.131370830e+01, v13;
	v13 =	vld [tilespmem:s0+$0x0]  }
0x2ed: {  	[tilespmem:s0+$0xFFFFFF80] =	vst v10;
	v10 =	vadd.f32 v11, v5;
	v11 =	vmul.f32 $1.131370830e+01, v14;
	v14 =	vld [tilespmem:s0+$0x10]  }
0x2ee: {  	[tilespmem:s0+$0xFFFFFF90] =	vst v8;
	v8 =	vadd.f32 v9, v4;
	v9 =	vmul.f32 $1.131370830e+01, v15;
	v15 =	vld [tilespmem:s0+$0x20]  }
0x2ef: {  	[tilespmem:s0+$0xFFFFFFA0] =	vst v10;
	v10 =	vadd.f32 v11, v3;
	v11 =	vmul.f32 $1.131370830e+01, v16;
	v16 =	vld [tilespmem:s0+$0x30]  }
0x2f0: {  	[tilespmem:s0+$0xFFFFFFB0] =	vst v8;
	v8 =	vadd.f32 v9, v2;
	v9 =	vmul.f32 $1.131370830e+01, v12;
	v12 =	vld [tilespmem:s0+$0x40]  }
0x2f1: {  	[tilespmem:s0+$0xFFFFFFC0] =	vst v10;
	v10 =	vadd.f32 v11, v1;
	v11 =	vmul.f32 $1.131370830e+01, v13;
	v13 =	vld [tilespmem:s0+$0x50]  }
0x2f2: {  	[tilespmem:s0+$0xFFFFFFD0] =	vst v8;
	v8 =	vadd.f32 v9, v7;
	v9 =	vmul.f32 $1.131370830e+01, v14;
	v14 =	vld [tilespmem:s0+$0x60]  }
0x2f3: {  	[tilespmem:s0+$0xFFFFFFE0] =	vst v10;
	v10 =	vadd.f32 v11, v0;
	v11 =	vmul.f32 $1.131370830e+01, v15;
	v15 =	vld [tilespmem:s0+$0x70]  }
0x2f4: {  	[tilespmem:s0+$0xFFFFFFF0] =	vst v8;
	v8 =	vadd.f32 v9, v6;
	v9 =	vmul.f32 $1.131370830e+01, v16;
	v16 =	vld [tilespmem:s0+$0x80]  }
0x2f5: {  	[tilespmem:s0+$0x0] =	vst v10;
	v10 =	vadd.f32 v11, v5;
	v11 =	vmul.f32 $1.131370830e+01, v12;
	v12 =	vld [tilespmem:s0+$0x90]  }
0x2f6: {  	v17 =	vld [tilespmem:s0+$0xA0];
	[tilespmem:s0+$0x10] =	vst v8;
	v9 =	vadd.f32 v9, v4;
	v13 =	vmul.f32 $1.131370830e+01, v13  }
0x2f7: {  	v8 =	vld [tilespmem:s0+$0xB0];
	[tilespmem:s0+$0x20] =	vst v10;
	v10 =	vadd.f32 v11, v3;
	v11 =	vmul.f32 $1.131370830e+01, v14  }
0x2f8: {  	[tilespmem:s0+$0x30] =	vst v9;
	v13 =	vadd.f32 v13, v2;
	v14 =	vmul.f32 $1.131370830e+01, v15;
	v9 =	vld [tilespmem:s0+$0xC0]  }
0x2f9: {  	[tilespmem:s0+$0x40] =	vst v10;
	v15 =	vadd.f32 v11, v1;
	v16 =	vmul.f32 $1.131370830e+01, v16;
	v10 =	vld [tilespmem:s0+$0xD0]  }
0x2fa: {  	v11 =	vld [tilespmem:s0+$0xE0];
	[tilespmem:s0+$0x50] =	vst v13;
	v13 =	vadd.f32 v14, v7;
	v14 =	vmul.f32 $1.131370830e+01, v12  }
0x2fb: {  	s10 =	simm.s32 $0x10000;
	s21 =	simm.s32 $0x0;
	v12 =	vld [tilespmem:s0+$0xFFFFFF00];
	[tilespmem:s0+$0x60] =	vst v15;
	v15 =	vadd.f32 v16, v0;
	v16 =	vmul.f32 $1.131370830e+01, v17  }
.LBB2_17:
0x2fc: {  	v17 =	vld [tilespmem:s10+$0xF0];
	s21 =	sadd.s32 $0x4, s21;
	[tilespmem:s0+$0x70] =	vst v13;
	v13 =	vadd.f32 v14, v6;
	v8 =	vmul.f32 $1.131370830e+01, v8  }
0x2fd: {  	v14 =	vld [tilespmem:s10+$0xFFFFFF10];
	p1 =	slt.u32 s21, $0x3C;
	[tilespmem:s0+$0x80] =	vst v15;
	v15 =	vadd.f32 v16, v5;
	v9 =	vmul.f32 $1.131370830e+01, v9  }
0x2fe: {  	v16 =	vld [tilespmem:s10+$0xFFFFFF20];
	[tilespmem:s0+$0x90] =	vst v13;
	v8 =	vadd.f32 v8, v4;
	v10 =	vmul.f32 $1.131370830e+01, v10  }
0x2ff: {  	v13 =	vld [tilespmem:s10+$0xFFFFFF30];
	[tilespmem:s0+$0xA0] =	vst v15;
	v9 =	vadd.f32 v9, v3;
	v11 =	vmul.f32 $1.131370830e+01, v11  }
0x300: {  	v15 =	vld [tilespmem:s10+$0xFFFFFF40];
	v12 =	vmul.f32 $1.131370830e+01, v12;
	[tilespmem:s0+$0xB0] =	vst v8;
	v8 =	vadd.f32 v10, v2  }
0x301: {  	v10 =	vld [tilespmem:s10+$0xFFFFFF50];
	v17 =	vmul.f32 $1.131370830e+01, v17;
	[tilespmem:s0+$0xC0] =	vst v9;
	v9 =	vadd.f32 v11, v1  }
0x302: {  	v11 =	vmul.f32 $1.131370830e+01, v14;
	v14 =	vld [tilespmem:s10+$0xFFFFFF60];
	v12 =	vadd.f32 v12, v0;
	[tilespmem:s0+$0xD0] =	vst v8  }
0x303: {  	v8 =	vmul.f32 $1.131370830e+01, v16;
	v16 =	vld [tilespmem:s10+$0xFFFFFF70];
	v17 =	vadd.f32 v17, v7;
	[tilespmem:s0+$0xE0] =	vst v9  }
0x304: {  	v9 =	vadd.f32 v11, v6;
	v11 =	vmul.f32 $1.131370830e+01, v13;
	v13 =	vld [tilespmem:s10+$0xFFFFFF80];
	[tilespmem:s0+$0xFFFFFF00] =	vst v12;
	s0 =	smov.u32 s10  }
0x305: {  	v8 =	vadd.f32 v8, v5;
	v12 =	vmul.f32 $1.131370830e+01, v15;
	v15 =	vld [tilespmem:s10+$0xFFFFFF90];
	[tilespmem:s10+$0xF0] =	vst v17  }
0x306: {  	[tilespmem:s10+$0xFFFFFF10] =	vst v9;
	v9 =	vadd.f32 v11, v4;
	v10 =	vmul.f32 $1.131370830e+01, v10;
	v11 =	vld [tilespmem:s10+$0xFFFFFFA0]  }
0x307: {  	[tilespmem:s10+$0xFFFFFF20] =	vst v8;
	v8 =	vadd.f32 v12, v3;
	v12 =	vmul.f32 $1.131370830e+01, v14;
	v14 =	vld [tilespmem:s10+$0xFFFFFFB0]  }
0x308: {  	[tilespmem:s10+$0xFFFFFF30] =	vst v9;
	v9 =	vadd.f32 v10, v2;
	v10 =	vmul.f32 $1.131370830e+01, v16;
	v16 =	vld [tilespmem:s10+$0xFFFFFFC0]  }
0x309: {  	[tilespmem:s10+$0xFFFFFF40] =	vst v8;
	v8 =	vadd.f32 v12, v1;
	v12 =	vmul.f32 $1.131370830e+01, v13;
	v13 =	vld [tilespmem:s10+$0xFFFFFFD0]  }
0x30a: {  	[tilespmem:s10+$0xFFFFFF50] =	vst v9;
	v9 =	vadd.f32 v10, v7;
	v10 =	vmul.f32 $1.131370830e+01, v15;
	v15 =	vld [tilespmem:s10+$0xFFFFFFE0]  }
0x30b: {  	[tilespmem:s10+$0xFFFFFF60] =	vst v8;
	v8 =	vadd.f32 v12, v0;
	v11 =	vmul.f32 $1.131370830e+01, v11;
	v12 =	vld [tilespmem:s10+$0xFFFFFFF0]  }
0x30c: {  	[tilespmem:s10+$0xFFFFFF70] =	vst v9;
	v9 =	vadd.f32 v10, v6;
	v10 =	vmul.f32 $1.131370830e+01, v14;
	v14 =	vld [tilespmem:s10+$0x0]  }
0x30d: {  	[tilespmem:s10+$0xFFFFFF80] =	vst v8;
	v8 =	vadd.f32 v11, v5;
	v11 =	vmul.f32 $1.131370830e+01, v16;
	v16 =	vld [tilespmem:s10+$0x10]  }
0x30e: {  	[tilespmem:s10+$0xFFFFFF90] =	vst v9;
	v9 =	vadd.f32 v10, v4;
	v10 =	vmul.f32 $1.131370830e+01, v13;
	v13 =	vld [tilespmem:s10+$0x20]  }
0x30f: {  	[tilespmem:s10+$0xFFFFFFA0] =	vst v8;
	v8 =	vadd.f32 v11, v3;
	v11 =	vmul.f32 $1.131370830e+01, v15;
	v15 =	vld [tilespmem:s10+$0x30]  }
0x310: {  	[tilespmem:s10+$0xFFFFFFB0] =	vst v9;
	v9 =	vadd.f32 v10, v2;
	v10 =	vmul.f32 $1.131370830e+01, v12;
	v12 =	vld [tilespmem:s10+$0x40]  }
0x311: {  	[tilespmem:s10+$0xFFFFFFC0] =	vst v8;
	v8 =	vadd.f32 v11, v1;
	v11 =	vmul.f32 $1.131370830e+01, v14;
	v14 =	vld [tilespmem:s10+$0x50]  }
0x312: {  	[tilespmem:s10+$0xFFFFFFD0] =	vst v9;
	v9 =	vadd.f32 v10, v7;
	v10 =	vmul.f32 $1.131370830e+01, v16;
	v16 =	vld [tilespmem:s10+$0x60]  }
0x313: {  	[tilespmem:s10+$0xFFFFFFE0] =	vst v8;
	v8 =	vadd.f32 v11, v0;
	v11 =	vmul.f32 $1.131370830e+01, v13;
	v13 =	vld [tilespmem:s10+$0x70]  }
0x314: {  	[tilespmem:s10+$0xFFFFFFF0] =	vst v9;
	v9 =	vadd.f32 v10, v6;
	v10 =	vmul.f32 $1.131370830e+01, v15;
	v15 =	vld [tilespmem:s10+$0x80]  }
0x315: {  	[tilespmem:s10+$0x0] =	vst v8;
	v8 =	vadd.f32 v11, v5;
	v11 =	vmul.f32 $1.131370830e+01, v12;
	v12 =	vld [tilespmem:s10+$0x90]  }
0x316: {  	[tilespmem:s10+$0x10] =	vst v9;
	v9 =	vadd.f32 v10, v4;
	v10 =	vmul.f32 $1.131370830e+01, v14;
	v17 =	vld [tilespmem:s10+$0xA0]  }
.Ltmp9:
0x317: {  	[tilespmem:s10+$0x20] =	vst v8;
	v11 =	vadd.f32 v11, v3;
	v14 =	vmul.f32 $1.131370830e+01, v16;
	v8 =	vld [tilespmem:s10+$0xB0];
	(pc) =	sbr.rel @p1 .LBB2_17-.Ltmp9, $4  }
0x318: {  	[tilespmem:s10+$0x30] =	vst v9;
	v16 =	vadd.f32 v10, v2;
	v13 =	vmul.f32 $1.131370830e+01, v13;
	v9 =	vld [tilespmem:s10+$0xC0]  }
0x319: {  	[tilespmem:s10+$0x40] =	vst v11;
	v18 =	vadd.f32 v14, v1;
	v15 =	vmul.f32 $1.131370830e+01, v15;
	v10 =	vld [tilespmem:s10+$0xD0]  }
0x31a: {  	[tilespmem:s10+$0x50] =	vst v16;
	v13 =	vadd.f32 v13, v7;
	v14 =	vmul.f32 $1.131370830e+01, v12;
	v11 =	vld [tilespmem:s10+$0xE0]  }
0x31b: {  	s10 =	sadd.s32 $0x200, s10;
	v12 =	vld [tilespmem:s0+$0xFFFFFF00];
	[tilespmem:s0+$0x60] =	vst v18;
	v15 =	vadd.f32 v15, v0;
	v16 =	vmul.f32 $1.131370830e+01, v17  }
0x31c: {  	[tilespmem:s0+$0x70] =	vst v13;
	v6 =	vadd.f32 v14, v6;
	v7 =	vmul.f32 $1.131370830e+01, v8  }
0x31d: {  	[tilespmem:s0+$0x80] =	vst v15;
	v5 =	vadd.f32 v16, v5;
	v8 =	vmul.f32 $1.131370830e+01, v9  }
0x31e: {  	[tilespmem:s0+$0x90] =	vst v6;
	v4 =	vadd.f32 v7, v4;
	v6 =	vmul.f32 $1.131370830e+01, v10  }
0x31f: {  	[tilespmem:s0+$0xA0] =	vst v5;
	v3 =	vadd.f32 v8, v3;
	v5 =	vmul.f32 $1.131370830e+01, v11  }
0x320: {  	v7 =	vmul.f32 $1.131370830e+01, v12;
	[tilespmem:s0+$0xB0] =	vst v4;
	v2 =	vadd.f32 v6, v2  }
0x321: {  	[tilespmem:s0+$0xC0] =	vst v3;
	v1 =	vadd.f32 v5, v1  }
0x322: {  	v0 =	vadd.f32 v7, v0;
	[tilespmem:s0+$0xD0] =	vst v2  }
0x323: {  	s10 =	sshll.u32 s24, $0x4;
	[tilespmem:s0+$0xE0] =	vst v1  }
0x324: {  	s21 =	simm.s32 $0xFD00;
	s10 =	sadd.s32 s3, s10;
	[tilespmem:s0+$0xFFFFFF00] =	vst v0;
	s0 =	simm.s32 @!p0 $0x11  }
0x325: {  	[hbm4b:s10+s4] =	stream.linear.scatter [tilespmem:s21], [sflag:$0x12], $0x2000, $0x38;
	[tilespmem:$0x15D00] =	vst v63  }
0x326: {  	s1 =	sadd.s32 s1, s16;
	_ =	swait.ge @!p0 [sflag:s0], $0x2000  }
0x327: {  	s24 =	sshrl.u32 s1, $0xA;
	s10 =	simm.s32 @!p0 $0x40;
	[sflag:s0] =	ssyncset.done @!p0 $0x0  }
0x328: {  	s21 =	simm.s32 @!p0 $0xDD00;
	[sflag:s0] =	ssyncadd.s32 @!p0 $0xFFFFE000;
	s0 =	sadd.s32 @!p0 $0x400, s19  }
0x329: {  	[tilespmem:s21], [sflag:$0x7] =	stream.indirect.gather @!p0 [hbm4b:s2+s10], $0x80, s0, s10, $0xb8;
	[tilespmem:$0x15D00] =	vst v63  }
0x32a: {  	s0 =	ssub.s32 s24, s6;
	_ =	swait.ge [sflag:s22], $0x2000  }
0x32b: {  	s0 =	sshll.u32 s0, $0x9;
	[sflag:s22] =	ssyncset.done $0x0  }
0x32c: {  	s0 =	sshra.s32 s0, $0x2;
	[sflag:s22] =	ssyncadd.s32 $0xFFFFE000  }
0x32d: {  	v0 =	vld [tilespmem:s0+$0x1900]  }
0x32e: {  	v6 =	vld [tilespmem:s0+$0x1910]  }
0x32f: {  	v5 =	vld [tilespmem:s0+$0x1920]  }
0x330: {  	v4 =	vld [tilespmem:s0+$0x1930]  }
0x331: {  	v3 =	vld [tilespmem:s0+$0x1940]  }
0x332: {  	v2 =	vld [tilespmem:s0+$0x1950]  }
0x333: {  	v1 =	vld [tilespmem:s0+$0x1960]  }
0x334: {  	v7 =	vld [tilespmem:s0+$0x1970];
	s0 =	simm.s32 $0x11E00  }
0x335: {  	v8 =	vld [tilespmem:s0+$0xF0]  }
0x336: {  	v9 =	vld [tilespmem:s0+$0xFFFFFF10]  }
0x337: {  	v10 =	vld [tilespmem:s0+$0xFFFFFF20]  }
0x338: {  	v11 =	vld [tilespmem:s0+$0xFFFFFF30]  }
0x339: {  	v12 =	vld [tilespmem:s0+$0xFFFFFF40]  }
0x33a: {  	v13 =	vld [tilespmem:s0+$0xFFFFFF50];
	v8 =	vmul.f32 $1.131370830e+01, v8  }
0x33b: {  	v14 =	vld [tilespmem:s0+$0xFFFFFF60];
	v9 =	vmul.f32 $1.131370830e+01, v9  }
0x33c: {  	v15 =	vld [tilespmem:s0+$0xFFFFFF70];
	v10 =	vmul.f32 $1.131370830e+01, v10;
	v8 =	vadd.f32 v8, v7  }
0x33d: {  	v16 =	vld [tilespmem:s0+$0xFFFFFF80];
	v11 =	vmul.f32 $1.131370830e+01, v11;
	v9 =	vadd.f32 v9, v6  }
0x33e: {  	v17 =	vld [tilespmem:s0+$0xFFFFFF90];
	v12 =	vmul.f32 $1.131370830e+01, v12;
	v10 =	vadd.f32 v10, v5;
	[tilespmem:s0+$0xF0] =	vst v8  }
0x33f: {  	[tilespmem:s0+$0xFFFFFF10] =	vst v9;
	v8 =	vadd.f32 v11, v4;
	v9 =	vmul.f32 $1.131370830e+01, v13;
	v11 =	vld [tilespmem:s0+$0xFFFFFFA0]  }
0x340: {  	[tilespmem:s0+$0xFFFFFF20] =	vst v10;
	v10 =	vadd.f32 v12, v3;
	v12 =	vmul.f32 $1.131370830e+01, v14;
	v13 =	vld [tilespmem:s0+$0xFFFFFFB0]  }
0x341: {  	v14 =	vld [tilespmem:s0+$0xFFFFFFC0];
	[tilespmem:s0+$0xFFFFFF30] =	vst v8;
	v8 =	vadd.f32 v9, v2;
	v9 =	vmul.f32 $1.131370830e+01, v15  }
0x342: {  	[tilespmem:s0+$0xFFFFFF40] =	vst v10;
	v10 =	vadd.f32 v12, v1;
	v12 =	vmul.f32 $1.131370830e+01, v16;
	v15 =	vld [tilespmem:s0+$0xFFFFFFD0]  }
0x343: {  	v16 =	vld [tilespmem:s0+$0xFFFFFFE0];
	[tilespmem:s0+$0xFFFFFF50] =	vst v8;
	v8 =	vadd.f32 v9, v7;
	v9 =	vmul.f32 $1.131370830e+01, v17  }
0x344: {  	[tilespmem:s0+$0xFFFFFF60] =	vst v10;
	v10 =	vadd.f32 v12, v0;
	v12 =	vld [tilespmem:s0+$0xFFFFFFF0];
	v11 =	vmul.f32 $1.131370830e+01, v11  }
0x345: {  	[tilespmem:s0+$0xFFFFFF70] =	vst v8;
	v8 =	vadd.f32 v9, v6;
	v9 =	vmul.f32 $1.131370830e+01, v13;
	v13 =	vld [tilespmem:s0+$0x0]  }
0x346: {  	[tilespmem:s0+$0xFFFFFF80] =	vst v10;
	v10 =	vadd.f32 v11, v5;
	v11 =	vmul.f32 $1.131370830e+01, v14;
	v14 =	vld [tilespmem:s0+$0x10]  }
0x347: {  	[tilespmem:s0+$0xFFFFFF90] =	vst v8;
	v8 =	vadd.f32 v9, v4;
	v9 =	vmul.f32 $1.131370830e+01, v15;
	v15 =	vld [tilespmem:s0+$0x20]  }
0x348: {  	[tilespmem:s0+$0xFFFFFFA0] =	vst v10;
	v10 =	vadd.f32 v11, v3;
	v11 =	vmul.f32 $1.131370830e+01, v16;
	v16 =	vld [tilespmem:s0+$0x30]  }
0x349: {  	[tilespmem:s0+$0xFFFFFFB0] =	vst v8;
	v8 =	vadd.f32 v9, v2;
	v9 =	vmul.f32 $1.131370830e+01, v12;
	v12 =	vld [tilespmem:s0+$0x40]  }
0x34a: {  	[tilespmem:s0+$0xFFFFFFC0] =	vst v10;
	v10 =	vadd.f32 v11, v1;
	v11 =	vmul.f32 $1.131370830e+01, v13;
	v13 =	vld [tilespmem:s0+$0x50]  }
0x34b: {  	[tilespmem:s0+$0xFFFFFFD0] =	vst v8;
	v8 =	vadd.f32 v9, v7;
	v9 =	vmul.f32 $1.131370830e+01, v14;
	v14 =	vld [tilespmem:s0+$0x60]  }
0x34c: {  	[tilespmem:s0+$0xFFFFFFE0] =	vst v10;
	v10 =	vadd.f32 v11, v0;
	v11 =	vmul.f32 $1.131370830e+01, v15;
	v15 =	vld [tilespmem:s0+$0x70]  }
0x34d: {  	[tilespmem:s0+$0xFFFFFFF0] =	vst v8;
	v8 =	vadd.f32 v9, v6;
	v9 =	vmul.f32 $1.131370830e+01, v16;
	v16 =	vld [tilespmem:s0+$0x80]  }
0x34e: {  	[tilespmem:s0+$0x0] =	vst v10;
	v10 =	vadd.f32 v11, v5;
	v11 =	vmul.f32 $1.131370830e+01, v12;
	v12 =	vld [tilespmem:s0+$0x90]  }
0x34f: {  	v17 =	vld [tilespmem:s0+$0xA0];
	[tilespmem:s0+$0x10] =	vst v8;
	v9 =	vadd.f32 v9, v4;
	v13 =	vmul.f32 $1.131370830e+01, v13  }
0x350: {  	v8 =	vld [tilespmem:s0+$0xB0];
	[tilespmem:s0+$0x20] =	vst v10;
	v10 =	vadd.f32 v11, v3;
	v11 =	vmul.f32 $1.131370830e+01, v14  }
0x351: {  	[tilespmem:s0+$0x30] =	vst v9;
	v13 =	vadd.f32 v13, v2;
	v14 =	vmul.f32 $1.131370830e+01, v15;
	v9 =	vld [tilespmem:s0+$0xC0]  }
0x352: {  	[tilespmem:s0+$0x40] =	vst v10;
	v15 =	vadd.f32 v11, v1;
	v16 =	vmul.f32 $1.131370830e+01, v16;
	v10 =	vld [tilespmem:s0+$0xD0]  }
0x353: {  	v11 =	vld [tilespmem:s0+$0xE0];
	[tilespmem:s0+$0x50] =	vst v13;
	v13 =	vadd.f32 v14, v7;
	v14 =	vmul.f32 $1.131370830e+01, v12  }
0x354: {  	s21 =	simm.s32 $0x0;
	s10 =	simm.s32 $0x12000;
	v12 =	vld [tilespmem:s0+$0xFFFFFF00];
	[tilespmem:s0+$0x60] =	vst v15;
	v15 =	vadd.f32 v16, v0;
	v16 =	vmul.f32 $1.131370830e+01, v17  }
.LBB2_19:
0x355: {  	v17 =	vld [tilespmem:s10+$0xF0];
	s21 =	sadd.s32 $0x4, s21;
	[tilespmem:s0+$0x70] =	vst v13;
	v13 =	vadd.f32 v14, v6;
	v8 =	vmul.f32 $1.131370830e+01, v8  }
0x356: {  	v14 =	vld [tilespmem:s10+$0xFFFFFF10];
	p1 =	slt.u32 s21, $0x3C;
	[tilespmem:s0+$0x80] =	vst v15;
	v15 =	vadd.f32 v16, v5;
	v9 =	vmul.f32 $1.131370830e+01, v9  }
0x357: {  	v16 =	vld [tilespmem:s10+$0xFFFFFF20];
	[tilespmem:s0+$0x90] =	vst v13;
	v8 =	vadd.f32 v8, v4;
	v10 =	vmul.f32 $1.131370830e+01, v10  }
0x358: {  	v13 =	vld [tilespmem:s10+$0xFFFFFF30];
	[tilespmem:s0+$0xA0] =	vst v15;
	v9 =	vadd.f32 v9, v3;
	v11 =	vmul.f32 $1.131370830e+01, v11  }
0x359: {  	v15 =	vld [tilespmem:s10+$0xFFFFFF40];
	v12 =	vmul.f32 $1.131370830e+01, v12;
	[tilespmem:s0+$0xB0] =	vst v8;
	v8 =	vadd.f32 v10, v2  }
0x35a: {  	v10 =	vld [tilespmem:s10+$0xFFFFFF50];
	v17 =	vmul.f32 $1.131370830e+01, v17;
	[tilespmem:s0+$0xC0] =	vst v9;
	v9 =	vadd.f32 v11, v1  }
0x35b: {  	v11 =	vmul.f32 $1.131370830e+01, v14;
	v14 =	vld [tilespmem:s10+$0xFFFFFF60];
	v12 =	vadd.f32 v12, v0;
	[tilespmem:s0+$0xD0] =	vst v8  }
0x35c: {  	v8 =	vmul.f32 $1.131370830e+01, v16;
	v16 =	vld [tilespmem:s10+$0xFFFFFF70];
	v17 =	vadd.f32 v17, v7;
	[tilespmem:s0+$0xE0] =	vst v9  }
0x35d: {  	v9 =	vadd.f32 v11, v6;
	v11 =	vmul.f32 $1.131370830e+01, v13;
	v13 =	vld [tilespmem:s10+$0xFFFFFF80];
	[tilespmem:s0+$0xFFFFFF00] =	vst v12;
	s0 =	smov.u32 s10  }
0x35e: {  	v8 =	vadd.f32 v8, v5;
	v12 =	vmul.f32 $1.131370830e+01, v15;
	v15 =	vld [tilespmem:s10+$0xFFFFFF90];
	[tilespmem:s10+$0xF0] =	vst v17  }
0x35f: {  	[tilespmem:s10+$0xFFFFFF10] =	vst v9;
	v9 =	vadd.f32 v11, v4;
	v10 =	vmul.f32 $1.131370830e+01, v10;
	v11 =	vld [tilespmem:s10+$0xFFFFFFA0]  }
0x360: {  	[tilespmem:s10+$0xFFFFFF20] =	vst v8;
	v8 =	vadd.f32 v12, v3;
	v12 =	vmul.f32 $1.131370830e+01, v14;
	v14 =	vld [tilespmem:s10+$0xFFFFFFB0]  }
0x361: {  	[tilespmem:s10+$0xFFFFFF30] =	vst v9;
	v9 =	vadd.f32 v10, v2;
	v10 =	vmul.f32 $1.131370830e+01, v16;
	v16 =	vld [tilespmem:s10+$0xFFFFFFC0]  }
0x362: {  	[tilespmem:s10+$0xFFFFFF40] =	vst v8;
	v8 =	vadd.f32 v12, v1;
	v12 =	vmul.f32 $1.131370830e+01, v13;
	v13 =	vld [tilespmem:s10+$0xFFFFFFD0]  }
0x363: {  	[tilespmem:s10+$0xFFFFFF50] =	vst v9;
	v9 =	vadd.f32 v10, v7;
	v10 =	vmul.f32 $1.131370830e+01, v15;
	v15 =	vld [tilespmem:s10+$0xFFFFFFE0]  }
0x364: {  	[tilespmem:s10+$0xFFFFFF60] =	vst v8;
	v8 =	vadd.f32 v12, v0;
	v11 =	vmul.f32 $1.131370830e+01, v11;
	v12 =	vld [tilespmem:s10+$0xFFFFFFF0]  }
0x365: {  	[tilespmem:s10+$0xFFFFFF70] =	vst v9;
	v9 =	vadd.f32 v10, v6;
	v10 =	vmul.f32 $1.131370830e+01, v14;
	v14 =	vld [tilespmem:s10+$0x0]  }
0x366: {  	[tilespmem:s10+$0xFFFFFF80] =	vst v8;
	v8 =	vadd.f32 v11, v5;
	v11 =	vmul.f32 $1.131370830e+01, v16;
	v16 =	vld [tilespmem:s10+$0x10]  }
0x367: {  	[tilespmem:s10+$0xFFFFFF90] =	vst v9;
	v9 =	vadd.f32 v10, v4;
	v10 =	vmul.f32 $1.131370830e+01, v13;
	v13 =	vld [tilespmem:s10+$0x20]  }
0x368: {  	[tilespmem:s10+$0xFFFFFFA0] =	vst v8;
	v8 =	vadd.f32 v11, v3;
	v11 =	vmul.f32 $1.131370830e+01, v15;
	v15 =	vld [tilespmem:s10+$0x30]  }
0x369: {  	[tilespmem:s10+$0xFFFFFFB0] =	vst v9;
	v9 =	vadd.f32 v10, v2;
	v10 =	vmul.f32 $1.131370830e+01, v12;
	v12 =	vld [tilespmem:s10+$0x40]  }
0x36a: {  	[tilespmem:s10+$0xFFFFFFC0] =	vst v8;
	v8 =	vadd.f32 v11, v1;
	v11 =	vmul.f32 $1.131370830e+01, v14;
	v14 =	vld [tilespmem:s10+$0x50]  }
0x36b: {  	[tilespmem:s10+$0xFFFFFFD0] =	vst v9;
	v9 =	vadd.f32 v10, v7;
	v10 =	vmul.f32 $1.131370830e+01, v16;
	v16 =	vld [tilespmem:s10+$0x60]  }
0x36c: {  	[tilespmem:s10+$0xFFFFFFE0] =	vst v8;
	v8 =	vadd.f32 v11, v0;
	v11 =	vmul.f32 $1.131370830e+01, v13;
	v13 =	vld [tilespmem:s10+$0x70]  }
0x36d: {  	[tilespmem:s10+$0xFFFFFFF0] =	vst v9;
	v9 =	vadd.f32 v10, v6;
	v10 =	vmul.f32 $1.131370830e+01, v15;
	v15 =	vld [tilespmem:s10+$0x80]  }
0x36e: {  	[tilespmem:s10+$0x0] =	vst v8;
	v8 =	vadd.f32 v11, v5;
	v11 =	vmul.f32 $1.131370830e+01, v12;
	v12 =	vld [tilespmem:s10+$0x90]  }
0x36f: {  	[tilespmem:s10+$0x10] =	vst v9;
	v9 =	vadd.f32 v10, v4;
	v10 =	vmul.f32 $1.131370830e+01, v14;
	v17 =	vld [tilespmem:s10+$0xA0]  }
.Ltmp10:
0x370: {  	[tilespmem:s10+$0x20] =	vst v8;
	v11 =	vadd.f32 v11, v3;
	v14 =	vmul.f32 $1.131370830e+01, v16;
	v8 =	vld [tilespmem:s10+$0xB0];
	(pc) =	sbr.rel @p1 .LBB2_19-.Ltmp10, $4  }
0x371: {  	[tilespmem:s10+$0x30] =	vst v9;
	v16 =	vadd.f32 v10, v2;
	v13 =	vmul.f32 $1.131370830e+01, v13;
	v9 =	vld [tilespmem:s10+$0xC0]  }
0x372: {  	[tilespmem:s10+$0x40] =	vst v11;
	v18 =	vadd.f32 v14, v1;
	v15 =	vmul.f32 $1.131370830e+01, v15;
	v10 =	vld [tilespmem:s10+$0xD0]  }
0x373: {  	[tilespmem:s10+$0x50] =	vst v16;
	v13 =	vadd.f32 v13, v7;
	v14 =	vmul.f32 $1.131370830e+01, v12;
	v11 =	vld [tilespmem:s10+$0xE0]  }
0x374: {  	s10 =	sadd.s32 $0x200, s10;
	v12 =	vld [tilespmem:s0+$0xFFFFFF00];
	[tilespmem:s0+$0x60] =	vst v18;
	v15 =	vadd.f32 v15, v0;
	v16 =	vmul.f32 $1.131370830e+01, v17  }
0x375: {  	[tilespmem:s0+$0x70] =	vst v13;
	v6 =	vadd.f32 v14, v6;
	v7 =	vmul.f32 $1.131370830e+01, v8  }
0x376: {  	[tilespmem:s0+$0x80] =	vst v15;
	v5 =	vadd.f32 v16, v5;
	v8 =	vmul.f32 $1.131370830e+01, v9  }
0x377: {  	[tilespmem:s0+$0x90] =	vst v6;
	v4 =	vadd.f32 v7, v4;
	v6 =	vmul.f32 $1.131370830e+01, v10  }
0x378: {  	[tilespmem:s0+$0xA0] =	vst v5;
	v3 =	vadd.f32 v8, v3;
	v5 =	vmul.f32 $1.131370830e+01, v11  }
0x379: {  	v7 =	vmul.f32 $1.131370830e+01, v12;
	[tilespmem:s0+$0xB0] =	vst v4;
	v2 =	vadd.f32 v6, v2  }
0x37a: {  	[tilespmem:s0+$0xC0] =	vst v3;
	v1 =	vadd.f32 v5, v1  }
0x37b: {  	v0 =	vadd.f32 v7, v0;
	[tilespmem:s0+$0xD0] =	vst v2  }
0x37c: {  	s1 =	sshll.u32 s1, $0x4;
	[tilespmem:s0+$0xE0] =	vst v1  }
0x37d: {  	s24 =	sadd.s32 s3, s1;
	[tilespmem:s0+$0xFFFFFF00] =	vst v0;
	s0 =	simm.s32 @!p0 $0x12  }
0x37e: {  	[hbm4b:s24+s4] =	stream.linear.scatter [tilespmem:s29], [sflag:$0x13], $0x2000, $0x38;
	[tilespmem:$0x15D00] =	vst v63  }
0x37f: {  	_ =	swait.ge @!p0 [sflag:s0], $0x2000  }
0x380: {  	s10 =	simm.s32 @!p0 $0xFD00;
	s30 =	sshll.u32 s30, $0x6;
	[sflag:s0] =	ssyncset.done @!p0 $0x0  }
0x381: {  	s1 =	simm.s32 @!p0 $0x40;
	[sflag:s0] =	ssyncadd.s32 @!p0 $0xFFFFE000;
	s0 =	sadd.s32 @!p0 $0x440, s19  }
0x382: {  	[tilespmem:s10], [sflag:$0x8] =	stream.indirect.gather @!p0 [hbm4b:s2+s1], $0x80, s0, s1, $0xb8;
	[tilespmem:$0x15D00] =	vst v63  }
0x383: {  	s1 =	sadd.s32 s5, s30  }
0x384: {  	s0 =	sshrl.u32 s1, $0xA  }
0x385: {  	_ =	swait.ge [sflag:s23], $0x2000;
	s0 =	ssub.s32 s0, s6  }
0x386: {  	[sflag:s23] =	ssyncset.done $0x0;
	s0 =	sshll.u32 s0, $0x9  }
0x387: {  	[sflag:s23] =	ssyncadd.s32 $0xFFFFE000;
	s0 =	sshra.s32 s0, $0x2  }
0x388: {  	v0 =	vld [tilespmem:s0+$0x1900]  }
0x389: {  	v6 =	vld [tilespmem:s0+$0x1910]  }
0x38a: {  	v5 =	vld [tilespmem:s0+$0x1920]  }
0x38b: {  	v4 =	vld [tilespmem:s0+$0x1930]  }
0x38c: {  	v3 =	vld [tilespmem:s0+$0x1940]  }
0x38d: {  	v2 =	vld [tilespmem:s0+$0x1950]  }
0x38e: {  	v1 =	vld [tilespmem:s0+$0x1960]  }
0x38f: {  	v7 =	vld [tilespmem:s0+$0x1970];
	s0 =	simm.s32 $0x13E00  }
0x390: {  	v8 =	vld [tilespmem:s0+$0xF0]  }
0x391: {  	v9 =	vld [tilespmem:s0+$0xFFFFFF10]  }
0x392: {  	v10 =	vld [tilespmem:s0+$0xFFFFFF20]  }
0x393: {  	v11 =	vld [tilespmem:s0+$0xFFFFFF30]  }
0x394: {  	v12 =	vld [tilespmem:s0+$0xFFFFFF40]  }
0x395: {  	v13 =	vld [tilespmem:s0+$0xFFFFFF50];
	v8 =	vmul.f32 $1.131370830e+01, v8  }
0x396: {  	v14 =	vld [tilespmem:s0+$0xFFFFFF60];
	v9 =	vmul.f32 $1.131370830e+01, v9  }
0x397: {  	v15 =	vld [tilespmem:s0+$0xFFFFFF70];
	v10 =	vmul.f32 $1.131370830e+01, v10;
	v8 =	vadd.f32 v8, v7  }
0x398: {  	v16 =	vld [tilespmem:s0+$0xFFFFFF80];
	v11 =	vmul.f32 $1.131370830e+01, v11;
	v9 =	vadd.f32 v9, v6  }
0x399: {  	v17 =	vld [tilespmem:s0+$0xFFFFFF90];
	v12 =	vmul.f32 $1.131370830e+01, v12;
	v10 =	vadd.f32 v10, v5;
	[tilespmem:s0+$0xF0] =	vst v8  }
0x39a: {  	[tilespmem:s0+$0xFFFFFF10] =	vst v9;
	v8 =	vadd.f32 v11, v4;
	v9 =	vmul.f32 $1.131370830e+01, v13;
	v11 =	vld [tilespmem:s0+$0xFFFFFFA0]  }
0x39b: {  	[tilespmem:s0+$0xFFFFFF20] =	vst v10;
	v10 =	vadd.f32 v12, v3;
	v12 =	vmul.f32 $1.131370830e+01, v14;
	v13 =	vld [tilespmem:s0+$0xFFFFFFB0]  }
0x39c: {  	v14 =	vld [tilespmem:s0+$0xFFFFFFC0];
	[tilespmem:s0+$0xFFFFFF30] =	vst v8;
	v8 =	vadd.f32 v9, v2;
	v9 =	vmul.f32 $1.131370830e+01, v15  }
0x39d: {  	[tilespmem:s0+$0xFFFFFF40] =	vst v10;
	v10 =	vadd.f32 v12, v1;
	v12 =	vmul.f32 $1.131370830e+01, v16;
	v15 =	vld [tilespmem:s0+$0xFFFFFFD0]  }
0x39e: {  	v16 =	vld [tilespmem:s0+$0xFFFFFFE0];
	[tilespmem:s0+$0xFFFFFF50] =	vst v8;
	v8 =	vadd.f32 v9, v7;
	v9 =	vmul.f32 $1.131370830e+01, v17  }
0x39f: {  	[tilespmem:s0+$0xFFFFFF60] =	vst v10;
	v10 =	vadd.f32 v12, v0;
	v12 =	vld [tilespmem:s0+$0xFFFFFFF0];
	v11 =	vmul.f32 $1.131370830e+01, v11  }
0x3a0: {  	[tilespmem:s0+$0xFFFFFF70] =	vst v8;
	v8 =	vadd.f32 v9, v6;
	v9 =	vmul.f32 $1.131370830e+01, v13;
	v13 =	vld [tilespmem:s0+$0x0]  }
0x3a1: {  	[tilespmem:s0+$0xFFFFFF80] =	vst v10;
	v10 =	vadd.f32 v11, v5;
	v11 =	vmul.f32 $1.131370830e+01, v14;
	v14 =	vld [tilespmem:s0+$0x10]  }
0x3a2: {  	[tilespmem:s0+$0xFFFFFF90] =	vst v8;
	v8 =	vadd.f32 v9, v4;
	v9 =	vmul.f32 $1.131370830e+01, v15;
	v15 =	vld [tilespmem:s0+$0x20]  }
0x3a3: {  	[tilespmem:s0+$0xFFFFFFA0] =	vst v10;
	v10 =	vadd.f32 v11, v3;
	v11 =	vmul.f32 $1.131370830e+01, v16;
	v16 =	vld [tilespmem:s0+$0x30]  }
0x3a4: {  	[tilespmem:s0+$0xFFFFFFB0] =	vst v8;
	v8 =	vadd.f32 v9, v2;
	v9 =	vmul.f32 $1.131370830e+01, v12;
	v12 =	vld [tilespmem:s0+$0x40]  }
0x3a5: {  	[tilespmem:s0+$0xFFFFFFC0] =	vst v10;
	v10 =	vadd.f32 v11, v1;
	v11 =	vmul.f32 $1.131370830e+01, v13;
	v13 =	vld [tilespmem:s0+$0x50]  }
0x3a6: {  	[tilespmem:s0+$0xFFFFFFD0] =	vst v8;
	v8 =	vadd.f32 v9, v7;
	v9 =	vmul.f32 $1.131370830e+01, v14;
	v14 =	vld [tilespmem:s0+$0x60]  }
0x3a7: {  	[tilespmem:s0+$0xFFFFFFE0] =	vst v10;
	v10 =	vadd.f32 v11, v0;
	v11 =	vmul.f32 $1.131370830e+01, v15;
	v15 =	vld [tilespmem:s0+$0x70]  }
0x3a8: {  	[tilespmem:s0+$0xFFFFFFF0] =	vst v8;
	v8 =	vadd.f32 v9, v6;
	v9 =	vmul.f32 $1.131370830e+01, v16;
	v16 =	vld [tilespmem:s0+$0x80]  }
0x3a9: {  	[tilespmem:s0+$0x0] =	vst v10;
	v10 =	vadd.f32 v11, v5;
	v11 =	vmul.f32 $1.131370830e+01, v12;
	v12 =	vld [tilespmem:s0+$0x90]  }
0x3aa: {  	v17 =	vld [tilespmem:s0+$0xA0];
	[tilespmem:s0+$0x10] =	vst v8;
	v9 =	vadd.f32 v9, v4;
	v13 =	vmul.f32 $1.131370830e+01, v13  }
0x3ab: {  	v8 =	vld [tilespmem:s0+$0xB0];
	[tilespmem:s0+$0x20] =	vst v10;
	v10 =	vadd.f32 v11, v3;
	v11 =	vmul.f32 $1.131370830e+01, v14  }
0x3ac: {  	[tilespmem:s0+$0x30] =	vst v9;
	v13 =	vadd.f32 v13, v2;
	v14 =	vmul.f32 $1.131370830e+01, v15;
	v9 =	vld [tilespmem:s0+$0xC0]  }
0x3ad: {  	[tilespmem:s0+$0x40] =	vst v10;
	v15 =	vadd.f32 v11, v1;
	v16 =	vmul.f32 $1.131370830e+01, v16;
	v10 =	vld [tilespmem:s0+$0xD0]  }
0x3ae: {  	v11 =	vld [tilespmem:s0+$0xE0];
	[tilespmem:s0+$0x50] =	vst v13;
	v13 =	vadd.f32 v14, v7;
	v14 =	vmul.f32 $1.131370830e+01, v12  }
0x3af: {  	s19 =	simm.s32 $0x0;
	s10 =	simm.s32 $0x14000;
	v12 =	vld [tilespmem:s0+$0xFFFFFF00];
	[tilespmem:s0+$0x60] =	vst v15;
	v15 =	vadd.f32 v16, v0;
	v16 =	vmul.f32 $1.131370830e+01, v17  }
.LBB2_21:
0x3b0: {  	v17 =	vld [tilespmem:s10+$0xF0];
	s19 =	sadd.s32 $0x4, s19;
	[tilespmem:s0+$0x70] =	vst v13;
	v13 =	vadd.f32 v14, v6;
	v8 =	vmul.f32 $1.131370830e+01, v8  }
0x3b1: {  	v14 =	vld [tilespmem:s10+$0xFFFFFF10];
	p1 =	slt.u32 s19, $0x3C;
	[tilespmem:s0+$0x80] =	vst v15;
	v15 =	vadd.f32 v16, v5;
	v9 =	vmul.f32 $1.131370830e+01, v9  }
0x3b2: {  	v16 =	vld [tilespmem:s10+$0xFFFFFF20];
	[tilespmem:s0+$0x90] =	vst v13;
	v8 =	vadd.f32 v8, v4;
	v10 =	vmul.f32 $1.131370830e+01, v10  }
0x3b3: {  	v13 =	vld [tilespmem:s10+$0xFFFFFF30];
	[tilespmem:s0+$0xA0] =	vst v15;
	v9 =	vadd.f32 v9, v3;
	v11 =	vmul.f32 $1.131370830e+01, v11  }
0x3b4: {  	v15 =	vld [tilespmem:s10+$0xFFFFFF40];
	v12 =	vmul.f32 $1.131370830e+01, v12;
	[tilespmem:s0+$0xB0] =	vst v8;
	v8 =	vadd.f32 v10, v2  }
0x3b5: {  	v10 =	vld [tilespmem:s10+$0xFFFFFF50];
	v17 =	vmul.f32 $1.131370830e+01, v17;
	[tilespmem:s0+$0xC0] =	vst v9;
	v9 =	vadd.f32 v11, v1  }
0x3b6: {  	v11 =	vmul.f32 $1.131370830e+01, v14;
	v14 =	vld [tilespmem:s10+$0xFFFFFF60];
	v12 =	vadd.f32 v12, v0;
	[tilespmem:s0+$0xD0] =	vst v8  }
0x3b7: {  	v8 =	vmul.f32 $1.131370830e+01, v16;
	v16 =	vld [tilespmem:s10+$0xFFFFFF70];
	v17 =	vadd.f32 v17, v7;
	[tilespmem:s0+$0xE0] =	vst v9  }
0x3b8: {  	v9 =	vadd.f32 v11, v6;
	v11 =	vmul.f32 $1.131370830e+01, v13;
	v13 =	vld [tilespmem:s10+$0xFFFFFF80];
	[tilespmem:s0+$0xFFFFFF00] =	vst v12;
	s0 =	smov.u32 s10  }
0x3b9: {  	v8 =	vadd.f32 v8, v5;
	v12 =	vmul.f32 $1.131370830e+01, v15;
	v15 =	vld [tilespmem:s10+$0xFFFFFF90];
	[tilespmem:s10+$0xF0] =	vst v17  }
0x3ba: {  	[tilespmem:s10+$0xFFFFFF10] =	vst v9;
	v9 =	vadd.f32 v11, v4;
	v10 =	vmul.f32 $1.131370830e+01, v10;
	v11 =	vld [tilespmem:s10+$0xFFFFFFA0]  }
0x3bb: {  	[tilespmem:s10+$0xFFFFFF20] =	vst v8;
	v8 =	vadd.f32 v12, v3;
	v12 =	vmul.f32 $1.131370830e+01, v14;
	v14 =	vld [tilespmem:s10+$0xFFFFFFB0]  }
0x3bc: {  	[tilespmem:s10+$0xFFFFFF30] =	vst v9;
	v9 =	vadd.f32 v10, v2;
	v10 =	vmul.f32 $1.131370830e+01, v16;
	v16 =	vld [tilespmem:s10+$0xFFFFFFC0]  }
0x3bd: {  	[tilespmem:s10+$0xFFFFFF40] =	vst v8;
	v8 =	vadd.f32 v12, v1;
	v12 =	vmul.f32 $1.131370830e+01, v13;
	v13 =	vld [tilespmem:s10+$0xFFFFFFD0]  }
0x3be: {  	[tilespmem:s10+$0xFFFFFF50] =	vst v9;
	v9 =	vadd.f32 v10, v7;
	v10 =	vmul.f32 $1.131370830e+01, v15;
	v15 =	vld [tilespmem:s10+$0xFFFFFFE0]  }
0x3bf: {  	[tilespmem:s10+$0xFFFFFF60] =	vst v8;
	v8 =	vadd.f32 v12, v0;
	v11 =	vmul.f32 $1.131370830e+01, v11;
	v12 =	vld [tilespmem:s10+$0xFFFFFFF0]  }
0x3c0: {  	[tilespmem:s10+$0xFFFFFF70] =	vst v9;
	v9 =	vadd.f32 v10, v6;
	v10 =	vmul.f32 $1.131370830e+01, v14;
	v14 =	vld [tilespmem:s10+$0x0]  }
0x3c1: {  	[tilespmem:s10+$0xFFFFFF80] =	vst v8;
	v8 =	vadd.f32 v11, v5;
	v11 =	vmul.f32 $1.131370830e+01, v16;
	v16 =	vld [tilespmem:s10+$0x10]  }
0x3c2: {  	[tilespmem:s10+$0xFFFFFF90] =	vst v9;
	v9 =	vadd.f32 v10, v4;
	v10 =	vmul.f32 $1.131370830e+01, v13;
	v13 =	vld [tilespmem:s10+$0x20]  }
0x3c3: {  	[tilespmem:s10+$0xFFFFFFA0] =	vst v8;
	v8 =	vadd.f32 v11, v3;
	v11 =	vmul.f32 $1.131370830e+01, v15;
	v15 =	vld [tilespmem:s10+$0x30]  }
0x3c4: {  	[tilespmem:s10+$0xFFFFFFB0] =	vst v9;
	v9 =	vadd.f32 v10, v2;
	v10 =	vmul.f32 $1.131370830e+01, v12;
	v12 =	vld [tilespmem:s10+$0x40]  }
0x3c5: {  	[tilespmem:s10+$0xFFFFFFC0] =	vst v8;
	v8 =	vadd.f32 v11, v1;
	v11 =	vmul.f32 $1.131370830e+01, v14;
	v14 =	vld [tilespmem:s10+$0x50]  }
0x3c6: {  	[tilespmem:s10+$0xFFFFFFD0] =	vst v9;
	v9 =	vadd.f32 v10, v7;
	v10 =	vmul.f32 $1.131370830e+01, v16;
	v16 =	vld [tilespmem:s10+$0x60]  }
0x3c7: {  	[tilespmem:s10+$0xFFFFFFE0] =	vst v8;
	v8 =	vadd.f32 v11, v0;
	v11 =	vmul.f32 $1.131370830e+01, v13;
	v13 =	vld [tilespmem:s10+$0x70]  }
0x3c8: {  	[tilespmem:s10+$0xFFFFFFF0] =	vst v9;
	v9 =	vadd.f32 v10, v6;
	v10 =	vmul.f32 $1.131370830e+01, v15;
	v15 =	vld [tilespmem:s10+$0x80]  }
0x3c9: {  	[tilespmem:s10+$0x0] =	vst v8;
	v8 =	vadd.f32 v11, v5;
	v11 =	vmul.f32 $1.131370830e+01, v12;
	v12 =	vld [tilespmem:s10+$0x90]  }
0x3ca: {  	[tilespmem:s10+$0x10] =	vst v9;
	v9 =	vadd.f32 v10, v4;
	v10 =	vmul.f32 $1.131370830e+01, v14;
	v17 =	vld [tilespmem:s10+$0xA0]  }
.Ltmp11:
0x3cb: {  	[tilespmem:s10+$0x20] =	vst v8;
	v11 =	vadd.f32 v11, v3;
	v14 =	vmul.f32 $1.131370830e+01, v16;
	v8 =	vld [tilespmem:s10+$0xB0];
	(pc) =	sbr.rel @p1 .LBB2_21-.Ltmp11, $4  }
0x3cc: {  	[tilespmem:s10+$0x30] =	vst v9;
	v16 =	vadd.f32 v10, v2;
	v13 =	vmul.f32 $1.131370830e+01, v13;
	v9 =	vld [tilespmem:s10+$0xC0]  }
0x3cd: {  	[tilespmem:s10+$0x40] =	vst v11;
	v18 =	vadd.f32 v14, v1;
	v15 =	vmul.f32 $1.131370830e+01, v15;
	v10 =	vld [tilespmem:s10+$0xD0]  }
0x3ce: {  	[tilespmem:s10+$0x50] =	vst v16;
	v13 =	vadd.f32 v13, v7;
	v14 =	vmul.f32 $1.131370830e+01, v12;
	v11 =	vld [tilespmem:s10+$0xE0]  }
0x3cf: {  	s10 =	sadd.s32 $0x200, s10;
	v12 =	vld [tilespmem:s0+$0xFFFFFF00];
	[tilespmem:s0+$0x60] =	vst v18;
	v15 =	vadd.f32 v15, v0;
	v16 =	vmul.f32 $1.131370830e+01, v17  }
0x3d0: {  	[tilespmem:s0+$0x70] =	vst v13;
	v6 =	vadd.f32 v14, v6;
	v7 =	vmul.f32 $1.131370830e+01, v8  }
0x3d1: {  	[tilespmem:s0+$0x80] =	vst v15;
	v5 =	vadd.f32 v16, v5;
	v60 =	vmul.f32 $1.131370830e+01, v9  }
0x3d2: {  	[tilespmem:s0+$0x90] =	vst v6;
	v4 =	vadd.f32 v7, v4;
	v61 =	vmul.f32 $1.131370830e+01, v10  }
0x3d3: {  	[tilespmem:s0+$0xA0] =	vst v5;
	v3 =	vadd.f32 v60, v3;
	v62 =	vmul.f32 $1.131370830e+01, v11  }
0x3d4: {  	v63 =	vmul.f32 $1.131370830e+01, v12;
	[tilespmem:s0+$0xB0] =	vst v4;
	v2 =	vadd.f32 v61, v2  }
.Ltmp12:
0x3d5: {  	[tilespmem:s0+$0xC0] =	vst v3;
	v1 =	vadd.f32 v62, v1;
	(pc) =	sbr.rel @p0 .LBB2_24-.Ltmp12, $4  }
0x3d6: {  	v0 =	vadd.f32 v63, v0;
	[tilespmem:s0+$0xD0] =	vst v2  }
0x3d7: {  	s1 =	sshll.u32 s1, $0x4;
	[tilespmem:s0+$0xE0] =	vst v1  }
0x3d8: {  	s30 =	simm.s32 $0x13D00;
	s24 =	sadd.s32 s3, s1;
	[tilespmem:s0+$0xFFFFFF00] =	vst v0  }
0x3d9: {  	[hbm4b:s24+s4] =	stream.linear.scatter [tilespmem:s30], [sflag:$0x14], $0x2000, $0x38;
	[tilespmem:$0x15D00] =	vst v63  }
0x3da: {  	s0 =	smul.u32 $0xA00, s28  }
.Ltmp13:
0x3db: {  	_ = 	snop;
	(pc) =	sbr.rel .LBB2_2-.Ltmp13, $4  }
0x3dc: {  	_ =	swait.ge [sflag:s25], $0x2000  }
0x3dd: {  	s1 =	simm.s32 $0x40;
	[sflag:s25] =	ssyncset.done $0x0;
	s0 =	sshra.s32 s0, $0x2  }
0x3de: {  	s28 =	sadd.s32 $0x1, s28;
	[sflag:s25] =	ssyncadd.s32 $0xFFFFE000;
	s0 =	sadd.s32 $0x480, s0  }
0x3df: {  	[tilespmem:s29], [sflag:$0x9] =	stream.indirect.gather [hbm4b:s2+s1], $0x80, s0, s1, $0xb8;
	[tilespmem:$0x15D00] =	vst v63  }
.LBB2_25:
0x3e0: {  	_ =	sfence.sel $0x180000  }
0x3e1: {  	[bflag:$0x0] =	sbarrier.arrive $0xFFFF  }
0x3e2: {  	_ =	strace $0x90000047  }
0x3e3: {  	s0 =	stileid.u32;
	[bflag:$0x2] =	sbarrier.arrive $0xFFFF  }
0x3e4: {  	p0 =	sne.s32 s0, $0x0;
	s0 =	rddreg [dreg:$0x4]  }
0x3e5: {  	s0 =	sadd.s32 @!p0 $0x100000, s0  }
0x3e6: {  	[sflag:s0] =	ssyncadd.tile.s32 @!p0 $0x1;
	_ =	shalt  }
.Lfunc_end2:
_tile_overlayer_lowered:
.L_overlay_start_2:
0x3e7: {  	(tag) =	ssettag $0x2  }
0x3e8: {  	s0 =	rddreg [dreg:$0x0];
	s2 =	stileid.u32  }
0x3e9: {  	s1 =	rddreg [dreg:$0x1];
	p0 =	sne.s32 s2, $0x0  }
0x3ea: {  	s3 =	rddreg [dreg:$0x2];
	[bflag:$0x3] =	sbarrier.arrive $0xFFFF;
	s2 =	simm.s32 @!p0 $0x1C16  }
0x3eb: {  	[timem:s3], [sflag:s2] =	dma.local @!p0 [hbm:s0], s1  }
0x3ec: {  	s0 =	simm.s32 @!p0 $0x16  }
0x3ed: {  	_ =	swait.ge @!p0 [sflag:s0], s1  }
0x3ee: {  	s1 =	ssub.s32 @!p0 $0x0, s1;
	[sflag:s0] =	ssyncset.done @!p0 $0x0  }
0x3ef: {  	[sflag:s0] =	ssyncadd.s32 @!p0 s1  }
0x3f0: {  	[bflag:$0x3] =	sbarrier.arrive $0xFFFF  }
0x3f1: {  	_ =	shalt  }

</sc_bundles>
